<compile_context>
chip_gen: v7x
topology: tpu7x:2x2x1
jax: 0.10.2.dev20260603
libtpu: 0.0.44.dev20260713+nightly
codegen_flags: <defaults>
</compile_context>

<pallas_src>
import functools

import jax
import jax.numpy as jnp
from jax import lax
from jax.experimental import pallas as pl
from jax.experimental.pallas import tpu as pltpu
from jax.experimental.pallas import tpu_sc as plsc

EMBED = 64
BATCH = 16384
L = 16
NC, NS = 2, 16
NW = NC * NS
BPW = BATCH // NW
VOCAB_BLOCKS = 125000
NHALF = 8

_mesh = plsc.VectorSubcoreMesh(core_axis_name="c", subcore_axis_name="s")


@functools.partial(
    pl.kernel,
    out_type=jax.ShapeDtypeStruct((BATCH,), jnp.float32),
    mesh=_mesh,
    compiler_params=pltpu.CompilerParams(
        use_tc_tiling_on_sc=True, needs_layout_passes=False
    ),
    scratch_types=[
        pltpu.VMEM((BPW,), jnp.int32),
        pltpu.VMEM((BPW,), jnp.int32),
        pltpu.VMEM((NHALF, EMBED), jnp.float32),
        pltpu.VMEM((NHALF, EMBED), jnp.float32),
        pltpu.VMEM((BPW,), jnp.float32),
    ]
    + [pltpu.SemaphoreType.DMA] * NHALF
    + [pltpu.SemaphoreType.DMA] * NHALF,
)
def _skipgram_sc(cw_hbm, tw_hbm, ct_hbm, tt_hbm, out_hbm,
                 cidx, tidx, cr, tr, outv, *sems):
    csems = sems[:NHALF]
    tsems = sems[NHALF:]
    wid = lax.axis_index("s") * NC + lax.axis_index("c")
    base = wid * BPW

    pltpu.sync_copy(cw_hbm.at[pl.ds(base, BPW)], cidx)
    pltpu.sync_copy(tw_hbm.at[pl.ds(base, BPW)], tidx)

    def fire(c_row, t_row, slot, k):
        pltpu.async_copy(ct_hbm.at[c_row >> 3, c_row & 7],
                         cr.at[slot], csems[k])
        pltpu.async_copy(tt_hbm.at[t_row >> 3, t_row & 7],
                         tr.at[slot], tsems[k])

    def drain(slot, k):
        pltpu.make_async_copy(ct_hbm.at[0, 0], cr.at[slot], csems[k]).wait()
        pltpu.make_async_copy(tt_hbm.at[0, 0], tr.at[slot], tsems[k]).wait()

    lane = lax.iota(jnp.int32, L)

    civ0 = cidx[pl.ds(0, L)]
    tiv0 = tidx[pl.ds(0, L)]
    for k in range(NHALF):
        fire(civ0[k], tiv0[k], k, k)

    def compute(b, bi, acc):
        p = jnp.zeros((L,), jnp.float32)
        for c in range(EMBED // L):
            p = p + cr[b, pl.ds(c * L, L)] * tr[b, pl.ds(c * L, L)]
        dot = jnp.sum(p)
        return jnp.where(lane == bi, dot, acc)

    def block_steps(g, civ, tiv, nciv, ntiv, last):
        acc = jnp.zeros((L,), jnp.float32)
        for b in range(NHALF):
            drain(b, b)
            acc = compute(b, b, acc)
            fire(civ[b + NHALF], tiv[b + NHALF], b, b)
        for b in range(NHALF, L):
            drain(b - NHALF, b - NHALF)
            acc = compute(b - NHALF, b, acc)
            if not last:
                fire(nciv[b - NHALF], ntiv[b - NHALF], b - NHALF, b - NHALF)
        outv[pl.ds(g * L, L)] = acc

    def block_body(g, carry):
        civ = cidx[pl.ds(g * L, L)]
        tiv = tidx[pl.ds(g * L, L)]
        nciv = cidx[pl.ds((g + 1) * L, L)]
        ntiv = tidx[pl.ds((g + 1) * L, L)]
        block_steps(g, civ, tiv, nciv, ntiv, last=False)
        return carry

    n_blocks = BPW // L
    lax.fori_loop(0, n_blocks - 1, block_body, 0)

    g_last = n_blocks - 1
    civ = cidx[pl.ds(g_last * L, L)]
    tiv = tidx[pl.ds(g_last * L, L)]
    block_steps(g_last, civ, tiv, civ, tiv, last=True)

    pltpu.sync_copy(outv, out_hbm.at[pl.ds(base, BPW)])


def kernel(center_words, target_words, center_table, target_table):
    return _skipgram_sc(
        center_words.astype(jnp.int32),
        target_words.astype(jnp.int32),
        center_table.reshape(VOCAB_BLOCKS, 8, EMBED),
        target_table.reshape(VOCAB_BLOCKS, 8, EMBED),
    )

# --- scband reference (transcript-rebuilt; emitter-appended) ---
"""Pipeline reference for scband-skip-gram-model-71768903516379 (READ-ONLY COPY).

The authoritative reference and input builder live on the scoring server;
editing this copy changes nothing except your own understanding.
"""

import jax, jax.numpy as jnp
import numpy as np

VOCAB = 1000000
EMBED = 64
BATCH = 16384


def setup_inputs(seed: int = 0) -> dict:
    key = jax.random.key(seed)
    k1, k2, k3, k4 = jax.random.split(key, 4)
    center_words = jax.random.randint(k1, (BATCH,), 0, VOCAB, dtype=jnp.int64) if jax.config.read('jax_enable_x64') else jax.random.randint(k1, (BATCH,), 0, VOCAB, dtype=jnp.int32)
    target_words = jax.random.randint(k2, (BATCH,), 0, VOCAB, dtype=center_words.dtype)
    center_table = jax.random.normal(k3, (VOCAB, EMBED), dtype=jnp.float32)
    target_table = jax.random.normal(k4, (VOCAB, EMBED), dtype=jnp.float32)
    return {
        'center_words': center_words,
        'target_words': target_words,
        'center_table': center_table,
        'target_table': target_table,
    }


def reference(center_words, target_words, center_table, target_table):
    # xc = center_embedding(center_words).unsqueeze(1)  -> [B, 1, E]
    # xt = target_embedding(target_words).unsqueeze(2)  -> [B, E, 1]
    # bmm -> [B, 1, 1]; squeeze -> [B]
    xc = jnp.take(center_table, center_words, axis=0)  # [B, E]
    xt = jnp.take(target_table, target_words, axis=0)  # [B, E]
    out = jnp.sum(xc * xt, axis=-1)  # batched dot product, [B]
    return out

if __name__ == "__main__":
    import jax
    _d = setup_inputs()
    print(jax.jit(kernel)(*tuple(_d.values())))

</pallas_src>

<mosaic_0001>
#map = affine_map<(d0, d1) -> (0)>
#map1 = affine_map<(d0, d1) -> (0, 0, 0)>
module attributes {stable_mosaic.version = 14 : i64} {
  func.func @_skipgram_sc(%arg0: i32, %arg1: i32, %arg2: memref<16384xi32, #tpu.memory_space<hbm>>, %arg3: memref<16384xi32, #tpu.memory_space<hbm>>, %arg4: memref<125000x8x64xf32, #tpu.memory_space<hbm>>, %arg5: memref<125000x8x64xf32, #tpu.memory_space<hbm>>, %arg6: memref<16384xf32, #tpu.memory_space<hbm>>, %arg7: memref<512xi32, #tpu.memory_space<vmem>>, %arg8: memref<512xi32, #tpu.memory_space<vmem>>, %arg9: memref<8x64xf32, #tpu.memory_space<vmem>>, %arg10: memref<8x64xf32, #tpu.memory_space<vmem>>, %arg11: memref<512xf32, #tpu.memory_space<vmem>>, %arg12: memref<!tpu.dma_semaphore, #tpu.memory_space<semaphore_mem>>, %arg13: memref<!tpu.dma_semaphore, #tpu.memory_space<semaphore_mem>>, %arg14: memref<!tpu.dma_semaphore, #tpu.memory_space<semaphore_mem>>, %arg15: memref<!tpu.dma_semaphore, #tpu.memory_space<semaphore_mem>>, %arg16: memref<!tpu.dma_semaphore, #tpu.memory_space<semaphore_mem>>, %arg17: memref<!tpu.dma_semaphore, #tpu.memory_space<semaphore_mem>>, %arg18: memref<!tpu.dma_semaphore, #tpu.memory_space<semaphore_mem>>, %arg19: memref<!tpu.dma_semaphore, #tpu.memory_space<semaphore_mem>>, %arg20: memref<!tpu.dma_semaphore, #tpu.memory_space<semaphore_mem>>, %arg21: memref<!tpu.dma_semaphore, #tpu.memory_space<semaphore_mem>>, %arg22: memref<!tpu.dma_semaphore, #tpu.memory_space<semaphore_mem>>, %arg23: memref<!tpu.dma_semaphore, #tpu.memory_space<semaphore_mem>>, %arg24: memref<!tpu.dma_semaphore, #tpu.memory_space<semaphore_mem>>, %arg25: memref<!tpu.dma_semaphore, #tpu.memory_space<semaphore_mem>>, %arg26: memref<!tpu.dma_semaphore, #tpu.memory_space<semaphore_mem>>, %arg27: memref<!tpu.dma_semaphore, #tpu.memory_space<semaphore_mem>>) attributes {dimension_semantics = [#tpu.dimension_semantics<core_parallel>, #tpu.dimension_semantics<subcore_parallel>], iteration_bounds = array<i64: 2, 16>, scalar_prefetch = 0 : i64, scratch_operands = 21 : i64, tpu.core_type = #tpu.core_type<sc_vector_subcore>, window_params = [{transform_indices = #map}, {transform_indices = #map}, {transform_indices = #map1}, {transform_indices = #map1}, {transform_indices = #map}]} {
    %mul3A = arith.constant 2 : i32
    %mul3A_0 = arith.muli %arg1, %mul3A : i32
    %add3A = arith.addi %mul3A_0, %arg0 : i32
    %mul3A_1 = arith.constant 512 : i32
    %mul3A_2 = arith.muli %add3A, %mul3A_1 : i32
    "tpu.region"() ({
      %run_scoped3A = tpu.sem_alloc : memref<!tpu.dma_semaphore, #tpu.memory_space<semaphore_mem>>
      %dma_start3A_1912 = tpu.memref_slice %arg2[%mul3A_2] : memref<16384xi32, #tpu.memory_space<hbm>> -> memref<512xi32, #tpu.memory_space<hbm>>
      %dma_start3A_1913 = tpu.memref_slice %arg2[%mul3A_2] : memref<16384xi32, #tpu.memory_space<hbm>> -> memref<512xi32, #tpu.memory_space<hbm>>
      tpu.enqueue_dma source(%dma_start3A_1913 : memref<512xi32, #tpu.memory_space<hbm>>) target(%arg7 : memref<512xi32, #tpu.memory_space<vmem>>) target_semaphore(%run_scoped3A : memref<!tpu.dma_semaphore, #tpu.memory_space<semaphore_mem>>)
      %dma_wait3A_1914 = tpu.memref_slice %arg2[%mul3A_2] : memref<16384xi32, #tpu.memory_space<hbm>> -> memref<512xi32, #tpu.memory_space<hbm>>
      %dma_wait3A_1915 = tpu.memref_slice %arg2[%mul3A_2] : memref<16384xi32, #tpu.memory_space<hbm>> -> memref<512xi32, #tpu.memory_space<hbm>>
      tpu.wait_dma2 semaphore(%run_scoped3A : memref<!tpu.dma_semaphore, #tpu.memory_space<semaphore_mem>>) src(%dma_wait3A_1915 : memref<512xi32, #tpu.memory_space<hbm>>) dst(%arg7 : memref<512xi32, #tpu.memory_space<vmem>>)
      tpu.yield
    }) : () -> ()
    "tpu.region"() ({
      %run_scoped3A = tpu.sem_alloc : memref<!tpu.dma_semaphore, #tpu.memory_space<semaphore_mem>>
      %dma_start3A_1912 = tpu.memref_slice %arg3[%mul3A_2] : memref<16384xi32, #tpu.memory_space<hbm>> -> memref<512xi32, #tpu.memory_space<hbm>>
      %dma_start3A_1913 = tpu.memref_slice %arg3[%mul3A_2] : memref<16384xi32, #tpu.memory_space<hbm>> -> memref<512xi32, #tpu.memory_space<hbm>>
      tpu.enqueue_dma source(%dma_start3A_1913 : memref<512xi32, #tpu.memory_space<hbm>>) target(%arg8 : memref<512xi32, #tpu.memory_space<vmem>>) target_semaphore(%run_scoped3A : memref<!tpu.dma_semaphore, #tpu.memory_space<semaphore_mem>>)
      %dma_wait3A_1914 = tpu.memref_slice %arg3[%mul3A_2] : memref<16384xi32, #tpu.memory_space<hbm>> -> memref<512xi32, #tpu.memory_space<hbm>>
      %dma_wait3A_1915 = tpu.memref_slice %arg3[%mul3A_2] : memref<16384xi32, #tpu.memory_space<hbm>> -> memref<512xi32, #tpu.memory_space<hbm>>
      tpu.wait_dma2 semaphore(%run_scoped3A : memref<!tpu.dma_semaphore, #tpu.memory_space<semaphore_mem>>) src(%dma_wait3A_1915 : memref<512xi32, #tpu.memory_space<hbm>>) dst(%arg8 : memref<512xi32, #tpu.memory_space<vmem>>)
      tpu.yield
    }) : () -> ()
    %iota3A = tpu.iota {dimensions = array<i32: 0>} : vector<16xi32>
    %get3A = arith.constant 0 : index
    %get3A_3 = tpu.vector_load %arg7[%get3A] {strides = array<i32>} : memref<512xi32, #tpu.memory_space<vmem>>, vector<16xi32>,
    %get3A_4 = arith.constant 0 : index
    %get3A_5 = tpu.vector_load %arg8[%get3A_4] {strides = array<i32>} : memref<512xi32, #tpu.memory_space<vmem>>, vector<16xi32>,
    %slice3A = vector.extract_strided_slice %get3A_3 {offsets = [0], sizes = [1], strides = [1]} : vector<16xi32> to vector<1xi32>
    %squeeze3A = vector.extract %slice3A[0] : i32 from vector<1xi32>
    %slice3A_6 = vector.extract_strided_slice %get3A_5 {offsets = [0], sizes = [1], strides = [1]} : vector<16xi32> to vector<1xi32>
    %squeeze3A_7 = vector.extract %slice3A_6[0] : i32 from vector<1xi32>
    %shift_right_arithmetic3A = arith.constant 3 : i32
    %shift_right_arithmetic3A_8 = arith.shrsi %squeeze3A, %shift_right_arithmetic3A : i32
    %and3A = arith.constant 7 : i32
    %and3A_9 = arith.andi %squeeze3A, %and3A : i32
    %dma_start3A = arith.constant 0 : i32
    %dma_start3A_10 = arith.constant 0 : i32
    %dma_start3A_11 = tpu.memref_slice %arg9[%dma_start3A, %dma_start3A_10] : memref<8x64xf32, #tpu.memory_space<vmem>> -> memref<1x64xf32, #tpu.memory_space<vmem>>
    %dma_start3A_12 = tpu.memref_squeeze %dma_start3A_11 : memref<1x64xf32, #tpu.memory_space<vmem>> -> memref<64xf32, #tpu.memory_space<vmem>>
    %dma_start3A_13 = arith.constant 0 : i32
    %dma_start3A_14 = tpu.memref_slice %arg4[%shift_right_arithmetic3A_8, %and3A_9, %dma_start3A_13] : memref<125000x8x64xf32, #tpu.memory_space<hbm>> -> memref<1x1x64xf32, #tpu.memory_space<hbm>>
    %dma_start3A_15 = tpu.memref_squeeze %dma_start3A_14 : memref<1x1x64xf32, #tpu.memory_space<hbm>> -> memref<64xf32, #tpu.memory_space<hbm>>
    %dma_start3A_16 = arith.constant 0 : i32
    %dma_start3A_17 = tpu.memref_slice %arg9[%dma_start3A, %dma_start3A_16] : memref<8x64xf32, #tpu.memory_space<vmem>> -> memref<1x64xf32, #tpu.memory_space<vmem>>
    %dma_start3A_18 = tpu.memref_squeeze %dma_start3A_17 : memref<1x64xf32, #tpu.memory_space<vmem>> -> memref<64xf32, #tpu.memory_space<vmem>>
    %dma_start3A_19 = arith.constant 0 : i32
    %dma_start3A_20 = tpu.memref_slice %arg4[%shift_right_arithmetic3A_8, %and3A_9, %dma_start3A_19] : memref<125000x8x64xf32, #tpu.memory_space<hbm>> -> memref<1x1x64xf32, #tpu.memory_space<hbm>>
    %dma_start3A_21 = tpu.memref_squeeze %dma_start3A_20 : memref<1x1x64xf32, #tpu.memory_space<hbm>> -> memref<64xf32, #tpu.memory_space<hbm>>
    tpu.enqueue_dma source(%dma_start3A_21 : memref<64xf32, #tpu.memory_space<hbm>>) target(%dma_start3A_18 : memref<64xf32, #tpu.memory_space<vmem>>) target_semaphore(%arg12 : memref<!tpu.dma_semaphore, #tpu.memory_space<semaphore_mem>>)
    %shift_right_arithmetic3A_22 = arith.constant 3 : i32
    %shift_right_arithmetic3A_23 = arith.shrsi %squeeze3A_7, %shift_right_arithmetic3A_22 : i32
    %and3A_24 = arith.constant 7 : i32
    %and3A_25 = arith.andi %squeeze3A_7, %and3A_24 : i32
    %dma_start3A_26 = arith.constant 0 : i32
    %dma_start3A_27 = arith.constant 0 : i32
    %dma_start3A_28 = tpu.memref_slice %arg10[%dma_start3A_26, %dma_start3A_27] : memref<8x64xf32, #tpu.memory_space<vmem>> -> memref<1x64xf32, #tpu.memory_space<vmem>>
    %dma_start3A_29 = tpu.memref_squeeze %dma_start3A_28 : memref<1x64xf32, #tpu.memory_space<vmem>> -> memref<64xf32, #tpu.memory_space<vmem>>
    %dma_start3A_30 = arith.constant 0 : i32
    %dma_start3A_31 = tpu.memref_slice %arg5[%shift_right_arithmetic3A_23, %and3A_25, %dma_start3A_30] : memref<125000x8x64xf32, #tpu.memory_space<hbm>> -> memref<1x1x64xf32, #tpu.memory_space<hbm>>
    %dma_start3A_32 = tpu.memref_squeeze %dma_start3A_31 : memref<1x1x64xf32, #tpu.memory_space<hbm>> -> memref<64xf32, #tpu.memory_space<hbm>>
    %dma_start3A_33 = arith.constant 0 : i32
    %dma_start3A_34 = tpu.memref_slice %arg10[%dma_start3A_26, %dma_start3A_33] : memref<8x64xf32, #tpu.memory_space<vmem>> -> memref<1x64xf32, #tpu.memory_space<vmem>>
    %dma_start3A_35 = tpu.memref_squeeze %dma_start3A_34 : memref<1x64xf32, #tpu.memory_space<vmem>> -> memref<64xf32, #tpu.memory_space<vmem>>
    %dma_start3A_36 = arith.constant 0 : i32
    %dma_start3A_37 = tpu.memref_slice %arg5[%shift_right_arithmetic3A_23, %and3A_25, %dma_start3A_36] : memref<125000x8x64xf32, #tpu.memory_space<hbm>> -> memref<1x1x64xf32, #tpu.memory_space<hbm>>
    %dma_start3A_38 = tpu.memref_squeeze %dma_start3A_37 : memref<1x1x64xf32, #tpu.memory_space<hbm>> -> memref<64xf32, #tpu.memory_space<hbm>>
    tpu.enqueue_dma source(%dma_start3A_38 : memref<64xf32, #tpu.memory_space<hbm>>) target(%dma_start3A_35 : memref<64xf32, #tpu.memory_space<vmem>>) target_semaphore(%arg20 : memref<!tpu.dma_semaphore, #tpu.memory_space<semaphore_mem>>)
    %slice3A_39 = vector.extract_strided_slice %get3A_3 {offsets = [1], sizes = [1], strides = [1]} : vector<16xi32> to vector<1xi32>
    %squeeze3A_40 = vector.extract %slice3A_39[0] : i32 from vector<1xi32>
    %slice3A_41 = vector.extract_strided_slice %get3A_5 {offsets = [1], sizes = [1], strides = [1]} : vector<16xi32> to vector<1xi32>
    %squeeze3A_42 = vector.extract %slice3A_41[0] : i32 from vector<1xi32>
    %shift_right_arithmetic3A_43 = arith.constant 3 : i32
    %shift_right_arithmetic3A_44 = arith.shrsi %squeeze3A_40, %shift_right_arithmetic3A_43 : i32
    %and3A_45 = arith.constant 7 : i32
    %and3A_46 = arith.andi %squeeze3A_40, %and3A_45 : i32
    %dma_start3A_47 = arith.constant 1 : i32
    %dma_start3A_48 = arith.constant 0 : i32
    %dma_start3A_49 = tpu.memref_slice %arg9[%dma_start3A_47, %dma_start3A_48] : memref<8x64xf32, #tpu.memory_space<vmem>> -> memref<1x64xf32, #tpu.memory_space<vmem>>
    %dma_start3A_50 = tpu.memref_squeeze %dma_start3A_49 : memref<1x64xf32, #tpu.memory_space<vmem>> -> memref<64xf32, #tpu.memory_space<vmem>>
    %dma_start3A_51 = arith.constant 0 : i32
    %dma_start3A_52 = tpu.memref_slice %arg4[%shift_right_arithmetic3A_44, %and3A_46, %dma_start3A_51] : memref<125000x8x64xf32, #tpu.memory_space<hbm>> -> memref<1x1x64xf32, #tpu.memory_space<hbm>>
    %dma_start3A_53 = tpu.memref_squeeze %dma_start3A_52 : memref<1x1x64xf32, #tpu.memory_space<hbm>> -> memref<64xf32, #tpu.memory_space<hbm>>
    %dma_start3A_54 = arith.constant 0 : i32
    %dma_start3A_55 = tpu.memref_slice %arg9[%dma_start3A_47, %dma_start3A_54] : memref<8x64xf32, #tpu.memory_space<vmem>> -> memref<1x64xf32, #tpu.memory_space<vmem>>
    %dma_start3A_56 = tpu.memref_squeeze %dma_start3A_55 : memref<1x64xf32, #tpu.memory_space<vmem>> -> memref<64xf32, #tpu.memory_space<vmem>>
    %dma_start3A_57 = arith.constant 0 : i32
    %dma_start3A_58 = tpu.memref_slice %arg4[%shift_right_arithmetic3A_44, %and3A_46, %dma_start3A_57] : memref<125000x8x64xf32, #tpu.memory_space<hbm>> -> memref<1x1x64xf32, #tpu.memory_space<hbm>>
    %dma_start3A_59 = tpu.memref_squeeze %dma_start3A_58 : memref<1x1x64xf32, #tpu.memory_space<hbm>> -> memref<64xf32, #tpu.memory_space<hbm>>
    tpu.enqueue_dma source(%dma_start3A_59 : memref<64xf32, #tpu.memory_space<hbm>>) target(%dma_start3A_56 : memref<64xf32, #tpu.memory_space<vmem>>) target_semaphore(%arg13 : memref<!tpu.dma_semaphore, #tpu.memory_space<semaphore_mem>>)
    %shift_right_arithmetic3A_60 = arith.constant 3 : i32
    %shift_right_arithmetic3A_61 = arith.shrsi %squeeze3A_42, %shift_right_arithmetic3A_60 : i32
    %and3A_62 = arith.constant 7 : i32
    %and3A_63 = arith.andi %squeeze3A_42, %and3A_62 : i32
    %dma_start3A_64 = arith.constant 1 : i32
    %dma_start3A_65 = arith.constant 0 : i32
    %dma_start3A_66 = tpu.memref_slice %arg10[%dma_start3A_64, %dma_start3A_65] : memref<8x64xf32, #tpu.memory_space<vmem>> -> memref<1x64xf32, #tpu.memory_space<vmem>>
    %dma_start3A_67 = tpu.memref_squeeze %dma_start3A_66 : memref<1x64xf32, #tpu.memory_space<vmem>> -> memref<64xf32, #tpu.memory_space<vmem>>
    %dma_start3A_68 = arith.constant 0 : i32
    %dma_start3A_69 = tpu.memref_slice %arg5[%shift_right_arithmetic3A_61, %and3A_63, %dma_start3A_68] : memref<125000x8x64xf32, #tpu.memory_space<hbm>> -> memref<1x1x64xf32, #tpu.memory_space<hbm>>
    %dma_start3A_70 = tpu.memref_squeeze %dma_start3A_69 : memref<1x1x64xf32, #tpu.memory_space<hbm>> -> memref<64xf32, #tpu.memory_space<hbm>>
    %dma_start3A_71 = arith.constant 0 : i32
    %dma_start3A_72 = tpu.memref_slice %arg10[%dma_start3A_64, %dma_start3A_71] : memref<8x64xf32, #tpu.memory_space<vmem>> -> memref<1x64xf32, #tpu.memory_space<vmem>>
    %dma_start3A_73 = tpu.memref_squeeze %dma_start3A_72 : memref<1x64xf32, #tpu.memory_space<vmem>> -> memref<64xf32, #tpu.memory_space<vmem>>
    %dma_start3A_74 = arith.constant 0 : i32
    %dma_start3A_75 = tpu.memref_slice %arg5[%shift_right_arithmetic3A_61, %and3A_63, %dma_start3A_74] : memref<125000x8x64xf32, #tpu.memory_space<hbm>> -> memref<1x1x64xf32, #tpu.memory_space<hbm>>
    %dma_start3A_76 = tpu.memref_squeeze %dma_start3A_75 : memref<1x1x64xf32, #tpu.memory_space<hbm>> -> memref<64xf32, #tpu.memory_space<hbm>>
    tpu.enqueue_dma source(%dma_start3A_76 : memref<64xf32, #tpu.memory_space<hbm>>) target(%dma_start3A_73 : memref<64xf32, #tpu.memory_space<vmem>>) target_semaphore(%arg21 : memref<!tpu.dma_semaphore, #tpu.memory_space<semaphore_mem>>)
    %slice3A_77 = vector.extract_strided_slice %get3A_3 {offsets = [2], sizes = [1], strides = [1]} : vector<16xi32> to vector<1xi32>
    %squeeze3A_78 = vector.extract %slice3A_77[0] : i32 from vector<1xi32>
    %slice3A_79 = vector.extract_strided_slice %get3A_5 {offsets = [2], sizes = [1], strides = [1]} : vector<16xi32> to vector<1xi32>
    %squeeze3A_80 = vector.extract %slice3A_79[0] : i32 from vector<1xi32>
    %shift_right_arithmetic3A_81 = arith.constant 3 : i32
    %shift_right_arithmetic3A_82 = arith.shrsi %squeeze3A_78, %shift_right_arithmetic3A_81 : i32
    %and3A_83 = arith.constant 7 : i32
    %and3A_84 = arith.andi %squeeze3A_78, %and3A_83 : i32
    %dma_start3A_85 = arith.constant 2 : i32
    %dma_start3A_86 = arith.constant 0 : i32
    %dma_start3A_87 = tpu.memref_slice %arg9[%dma_start3A_85, %dma_start3A_86] : memref<8x64xf32, #tpu.memory_space<vmem>> -> memref<1x64xf32, #tpu.memory_space<vmem>>
    %dma_start3A_88 = tpu.memref_squeeze %dma_start3A_87 : memref<1x64xf32, #tpu.memory_space<vmem>> -> memref<64xf32, #tpu.memory_space<vmem>>
    %dma_start3A_89 = arith.constant 0 : i32
    %dma_start3A_90 = tpu.memref_slice %arg4[%shift_right_arithmetic3A_82, %and3A_84, %dma_start3A_89] : memref<125000x8x64xf32, #tpu.memory_space<hbm>> -> memref<1x1x64xf32, #tpu.memory_space<hbm>>
    %dma_start3A_91 = tpu.memref_squeeze %dma_start3A_90 : memref<1x1x64xf32, #tpu.memory_space<hbm>> -> memref<64xf32, #tpu.memory_space<hbm>>
    %dma_start3A_92 = arith.constant 0 : i32
    %dma_start3A_93 = tpu.memref_slice %arg9[%dma_start3A_85, %dma_start3A_92] : memref<8x64xf32, #tpu.memory_space<vmem>> -> memref<1x64xf32, #tpu.memory_space<vmem>>
    %dma_start3A_94 = tpu.memref_squeeze %dma_start3A_93 : memref<1x64xf32, #tpu.memory_space<vmem>> -> memref<64xf32, #tpu.memory_space<vmem>>
    %dma_start3A_95 = arith.constant 0 : i32
    %dma_start3A_96 = tpu.memref_slice %arg4[%shift_right_arithmetic3A_82, %and3A_84, %dma_start3A_95] : memref<125000x8x64xf32, #tpu.memory_space<hbm>> -> memref<1x1x64xf32, #tpu.memory_space<hbm>>
    %dma_start3A_97 = tpu.memref_squeeze %dma_start3A_96 : memref<1x1x64xf32, #tpu.memory_space<hbm>> -> memref<64xf32, #tpu.memory_space<hbm>>
    tpu.enqueue_dma source(%dma_start3A_97 : memref<64xf32, #tpu.memory_space<hbm>>) target(%dma_start3A_94 : memref<64xf32, #tpu.memory_space<vmem>>) target_semaphore(%arg14 : memref<!tpu.dma_semaphore, #tpu.memory_space<semaphore_mem>>)
    %shift_right_arithmetic3A_98 = arith.constant 3 : i32
    %shift_right_arithmetic3A_99 = arith.shrsi %squeeze3A_80, %shift_right_arithmetic3A_98 : i32
    %and3A_100 = arith.constant 7 : i32
    %and3A_101 = arith.andi %squeeze3A_80, %and3A_100 : i32
    %dma_start3A_102 = arith.constant 2 : i32
    %dma_start3A_103 = arith.constant 0 : i32
    %dma_start3A_104 = tpu.memref_slice %arg10[%dma_start3A_102, %dma_start3A_103] : memref<8x64xf32, #tpu.memory_space<vmem>> -> memref<1x64xf32, #tpu.memory_space<vmem>>
    %dma_start3A_105 = tpu.memref_squeeze %dma_start3A_104 : memref<1x64xf32, #tpu.memory_space<vmem>> -> memref<64xf32, #tpu.memory_space<vmem>>
    %dma_start3A_106 = arith.constant 0 : i32
    %dma_start3A_107 = tpu.memref_slice %arg5[%shift_right_arithmetic3A_99, %and3A_101, %dma_start3A_106] : memref<125000x8x64xf32, #tpu.memory_space<hbm>> -> memref<1x1x64xf32, #tpu.memory_space<hbm>>
    %dma_start3A_108 = tpu.memref_squeeze %dma_start3A_107 : memref<1x1x64xf32, #tpu.memory_space<hbm>> -> memref<64xf32, #tpu.memory_space<hbm>>
    %dma_start3A_109 = arith.constant 0 : i32
    %dma_start3A_110 = tpu.memref_slice %arg10[%dma_start3A_102, %dma_start3A_109] : memref<8x64xf32, #tpu.memory_space<vmem>> -> memref<1x64xf32, #tpu.memory_space<vmem>>
    %dma_start3A_111 = tpu.memref_squeeze %dma_start3A_110 : memref<1x64xf32, #tpu.memory_space<vmem>> -> memref<64xf32, #tpu.memory_space<vmem>>
    %dma_start3A_112 = arith.constant 0 : i32
    %dma_start3A_113 = tpu.memref_slice %arg5[%shift_right_arithmetic3A_99, %and3A_101, %dma_start3A_112] : memref<125000x8x64xf32, #tpu.memory_space<hbm>> -> memref<1x1x64xf32, #tpu.memory_space<hbm>>
    %dma_start3A_114 = tpu.memref_squeeze %dma_start3A_113 : memref<1x1x64xf32, #tpu.memory_space<hbm>> -> memref<64xf32, #tpu.memory_space<hbm>>
    tpu.enqueue_dma source(%dma_start3A_114 : memref<64xf32, #tpu.memory_space<hbm>>) target(%dma_start3A_111 : memref<64xf32, #tpu.memory_space<vmem>>) target_semaphore(%arg22 : memref<!tpu.dma_semaphore, #tpu.memory_space<semaphore_mem>>)
    %slice3A_115 = vector.extract_strided_slice %get3A_3 {offsets = [3], sizes = [1], strides = [1]} : vector<16xi32> to vector<1xi32>
    %squeeze3A_116 = vector.extract %slice3A_115[0] : i32 from vector<1xi32>
    %slice3A_117 = vector.extract_strided_slice %get3A_5 {offsets = [3], sizes = [1], strides = [1]} : vector<16xi32> to vector<1xi32>
    %squeeze3A_118 = vector.extract %slice3A_117[0] : i32 from vector<1xi32>
    %shift_right_arithmetic3A_119 = arith.constant 3 : i32
    %shift_right_arithmetic3A_120 = arith.shrsi %squeeze3A_116, %shift_right_arithmetic3A_119 : i32
    %and3A_121 = arith.constant 7 : i32
    %and3A_122 = arith.andi %squeeze3A_116, %and3A_121 : i32
    %dma_start3A_123 = arith.constant 3 : i32
    %dma_start3A_124 = arith.constant 0 : i32
    %dma_start3A_125 = tpu.memref_slice %arg9[%dma_start3A_123, %dma_start3A_124] : memref<8x64xf32, #tpu.memory_space<vmem>> -> memref<1x64xf32, #tpu.memory_space<vmem>>
    %dma_start3A_126 = tpu.memref_squeeze %dma_start3A_125 : memref<1x64xf32, #tpu.memory_space<vmem>> -> memref<64xf32, #tpu.memory_space<vmem>>
    %dma_start3A_127 = arith.constant 0 : i32
    %dma_start3A_128 = tpu.memref_slice %arg4[%shift_right_arithmetic3A_120, %and3A_122, %dma_start3A_127] : memref<125000x8x64xf32, #tpu.memory_space<hbm>> -> memref<1x1x64xf32, #tpu.memory_space<hbm>>
    %dma_start3A_129 = tpu.memref_squeeze %dma_start3A_128 : memref<1x1x64xf32, #tpu.memory_space<hbm>> -> memref<64xf32, #tpu.memory_space<hbm>>
    %dma_start3A_130 = arith.constant 0 : i32
    %dma_start3A_131 = tpu.memref_slice %arg9[%dma_start3A_123, %dma_start3A_130] : memref<8x64xf32, #tpu.memory_space<vmem>> -> memref<1x64xf32, #tpu.memory_space<vmem>>
    %dma_start3A_132 = tpu.memref_squeeze %dma_start3A_131 : memref<1x64xf32, #tpu.memory_space<vmem>> -> memref<64xf32, #tpu.memory_space<vmem>>
    %dma_start3A_133 = arith.constant 0 : i32
    %dma_start3A_134 = tpu.memref_slice %arg4[%shift_right_arithmetic3A_120, %and3A_122, %dma_start3A_133] : memref<125000x8x64xf32, #tpu.memory_space<hbm>> -> memref<1x1x64xf32, #tpu.memory_space<hbm>>
    %dma_start3A_135 = tpu.memref_squeeze %dma_start3A_134 : memref<1x1x64xf32, #tpu.memory_space<hbm>> -> memref<64xf32, #tpu.memory_space<hbm>>
    tpu.enqueue_dma source(%dma_start3A_135 : memref<64xf32, #tpu.memory_space<hbm>>) target(%dma_start3A_132 : memref<64xf32, #tpu.memory_space<vmem>>) target_semaphore(%arg15 : memref<!tpu.dma_semaphore, #tpu.memory_space<semaphore_mem>>)
    %shift_right_arithmetic3A_136 = arith.constant 3 : i32
    %shift_right_arithmetic3A_137 = arith.shrsi %squeeze3A_118, %shift_right_arithmetic3A_136 : i32
    %and3A_138 = arith.constant 7 : i32
    %and3A_139 = arith.andi %squeeze3A_118, %and3A_138 : i32
    %dma_start3A_140 = arith.constant 3 : i32
    %dma_start3A_141 = arith.constant 0 : i32
    %dma_start3A_142 = tpu.memref_slice %arg10[%dma_start3A_140, %dma_start3A_141] : memref<8x64xf32, #tpu.memory_space<vmem>> -> memref<1x64xf32, #tpu.memory_space<vmem>>
    %dma_start3A_143 = tpu.memref_squeeze %dma_start3A_142 : memref<1x64xf32, #tpu.memory_space<vmem>> -> memref<64xf32, #tpu.memory_space<vmem>>
    %dma_start3A_144 = arith.constant 0 : i32
    %dma_start3A_145 = tpu.memref_slice %arg5[%shift_right_arithmetic3A_137, %and3A_139, %dma_start3A_144] : memref<125000x8x64xf32, #tpu.memory_space<hbm>> -> memref<1x1x64xf32, #tpu.memory_space<hbm>>
    %dma_start3A_146 = tpu.memref_squeeze %dma_start3A_145 : memref<1x1x64xf32, #tpu.memory_space<hbm>> -> memref<64xf32, #tpu.memory_space<hbm>>
    %dma_start3A_147 = arith.constant 0 : i32
    %dma_start3A_148 = tpu.memref_slice %arg10[%dma_start3A_140, %dma_start3A_147] : memref<8x64xf32, #tpu.memory_space<vmem>> -> memref<1x64xf32, #tpu.memory_space<vmem>>
    %dma_start3A_149 = tpu.memref_squeeze %dma_start3A_148 : memref<1x64xf32, #tpu.memory_space<vmem>> -> memref<64xf32, #tpu.memory_space<vmem>>
    %dma_start3A_150 = arith.constant 0 : i32
    %dma_start3A_151 = tpu.memref_slice %arg5[%shift_right_arithmetic3A_137, %and3A_139, %dma_start3A_150] : memref<125000x8x64xf32, #tpu.memory_space<hbm>> -> memref<1x1x64xf32, #tpu.memory_space<hbm>>
    %dma_start3A_152 = tpu.memref_squeeze %dma_start3A_151 : memref<1x1x64xf32, #tpu.memory_space<hbm>> -> memref<64xf32, #tpu.memory_space<hbm>>
    tpu.enqueue_dma source(%dma_start3A_152 : memref<64xf32, #tpu.memory_space<hbm>>) target(%dma_start3A_149 : memref<64xf32, #tpu.memory_space<vmem>>) target_semaphore(%arg23 : memref<!tpu.dma_semaphore, #tpu.memory_space<semaphore_mem>>)
    %slice3A_153 = vector.extract_strided_slice %get3A_3 {offsets = [4], sizes = [1], strides = [1]} : vector<16xi32> to vector<1xi32>
    %squeeze3A_154 = vector.extract %slice3A_153[0] : i32 from vector<1xi32>
    %slice3A_155 = vector.extract_strided_slice %get3A_5 {offsets = [4], sizes = [1], strides = [1]} : vector<16xi32> to vector<1xi32>
    %squeeze3A_156 = vector.extract %slice3A_155[0] : i32 from vector<1xi32>
    %shift_right_arithmetic3A_157 = arith.constant 3 : i32
    %shift_right_arithmetic3A_158 = arith.shrsi %squeeze3A_154, %shift_right_arithmetic3A_157 : i32
    %and3A_159 = arith.constant 7 : i32
    %and3A_160 = arith.andi %squeeze3A_154, %and3A_159 : i32
    %dma_start3A_161 = arith.constant 4 : i32
    %dma_start3A_162 = arith.constant 0 : i32
    %dma_start3A_163 = tpu.memref_slice %arg9[%dma_start3A_161, %dma_start3A_162] : memref<8x64xf32, #tpu.memory_space<vmem>> -> memref<1x64xf32, #tpu.memory_space<vmem>>
    %dma_start3A_164 = tpu.memref_squeeze %dma_start3A_163 : memref<1x64xf32, #tpu.memory_space<vmem>> -> memref<64xf32, #tpu.memory_space<vmem>>
    %dma_start3A_165 = arith.constant 0 : i32
    %dma_start3A_166 = tpu.memref_slice %arg4[%shift_right_arithmetic3A_158, %and3A_160, %dma_start3A_165] : memref<125000x8x64xf32, #tpu.memory_space<hbm>> -> memref<1x1x64xf32, #tpu.memory_space<hbm>>
    %dma_start3A_167 = tpu.memref_squeeze %dma_start3A_166 : memref<1x1x64xf32, #tpu.memory_space<hbm>> -> memref<64xf32, #tpu.memory_space<hbm>>
    %dma_start3A_168 = arith.constant 0 : i32
    %dma_start3A_169 = tpu.memref_slice %arg9[%dma_start3A_161, %dma_start3A_168] : memref<8x64xf32, #tpu.memory_space<vmem>> -> memref<1x64xf32, #tpu.memory_space<vmem>>
    %dma_start3A_170 = tpu.memref_squeeze %dma_start3A_169 : memref<1x64xf32, #tpu.memory_space<vmem>> -> memref<64xf32, #tpu.memory_space<vmem>>
    %dma_start3A_171 = arith.constant 0 : i32
    %dma_start3A_172 = tpu.memref_slice %arg4[%shift_right_arithmetic3A_158, %and3A_160, %dma_start3A_171] : memref<125000x8x64xf32, #tpu.memory_space<hbm>> -> memref<1x1x64xf32, #tpu.memory_space<hbm>>
    %dma_start3A_173 = tpu.memref_squeeze %dma_start3A_172 : memref<1x1x64xf32, #tpu.memory_space<hbm>> -> memref<64xf32, #tpu.memory_space<hbm>>
    tpu.enqueue_dma source(%dma_start3A_173 : memref<64xf32, #tpu.memory_space<hbm>>) target(%dma_start3A_170 : memref<64xf32, #tpu.memory_space<vmem>>) target_semaphore(%arg16 : memref<!tpu.dma_semaphore, #tpu.memory_space<semaphore_mem>>)
    %shift_right_arithmetic3A_174 = arith.constant 3 : i32
    %shift_right_arithmetic3A_175 = arith.shrsi %squeeze3A_156, %shift_right_arithmetic3A_174 : i32
    %and3A_176 = arith.constant 7 : i32
    %and3A_177 = arith.andi %squeeze3A_156, %and3A_176 : i32
    %dma_start3A_178 = arith.constant 4 : i32
    %dma_start3A_179 = arith.constant 0 : i32
    %dma_start3A_180 = tpu.memref_slice %arg10[%dma_start3A_178, %dma_start3A_179] : memref<8x64xf32, #tpu.memory_space<vmem>> -> memref<1x64xf32, #tpu.memory_space<vmem>>
    %dma_start3A_181 = tpu.memref_squeeze %dma_start3A_180 : memref<1x64xf32, #tpu.memory_space<vmem>> -> memref<64xf32, #tpu.memory_space<vmem>>
    %dma_start3A_182 = arith.constant 0 : i32
    %dma_start3A_183 = tpu.memref_slice %arg5[%shift_right_arithmetic3A_175, %and3A_177, %dma_start3A_182] : memref<125000x8x64xf32, #tpu.memory_space<hbm>> -> memref<1x1x64xf32, #tpu.memory_space<hbm>>
    %dma_start3A_184 = tpu.memref_squeeze %dma_start3A_183 : memref<1x1x64xf32, #tpu.memory_space<hbm>> -> memref<64xf32, #tpu.memory_space<hbm>>
    %dma_start3A_185 = arith.constant 0 : i32
    %dma_start3A_186 = tpu.memref_slice %arg10[%dma_start3A_178, %dma_start3A_185] : memref<8x64xf32, #tpu.memory_space<vmem>> -> memref<1x64xf32, #tpu.memory_space<vmem>>
    %dma_start3A_187 = tpu.memref_squeeze %dma_start3A_186 : memref<1x64xf32, #tpu.memory_space<vmem>> -> memref<64xf32, #tpu.memory_space<vmem>>
    %dma_start3A_188 = arith.constant 0 : i32
    %dma_start3A_189 = tpu.memref_slice %arg5[%shift_right_arithmetic3A_175, %and3A_177, %dma_start3A_188] : memref<125000x8x64xf32, #tpu.memory_space<hbm>> -> memref<1x1x64xf32, #tpu.memory_space<hbm>>
    %dma_start3A_190 = tpu.memref_squeeze %dma_start3A_189 : memref<1x1x64xf32, #tpu.memory_space<hbm>> -> memref<64xf32, #tpu.memory_space<hbm>>
    tpu.enqueue_dma source(%dma_start3A_190 : memref<64xf32, #tpu.memory_space<hbm>>) target(%dma_start3A_187 : memref<64xf32, #tpu.memory_space<vmem>>) target_semaphore(%arg24 : memref<!tpu.dma_semaphore, #tpu.memory_space<semaphore_mem>>)
    %slice3A_191 = vector.extract_strided_slice %get3A_3 {offsets = [5], sizes = [1], strides = [1]} : vector<16xi32> to vector<1xi32>
    %squeeze3A_192 = vector.extract %slice3A_191[0] : i32 from vector<1xi32>
    %slice3A_193 = vector.extract_strided_slice %get3A_5 {offsets = [5], sizes = [1], strides = [1]} : vector<16xi32> to vector<1xi32>
    %squeeze3A_194 = vector.extract %slice3A_193[0] : i32 from vector<1xi32>
    %shift_right_arithmetic3A_195 = arith.constant 3 : i32
    %shift_right_arithmetic3A_196 = arith.shrsi %squeeze3A_192, %shift_right_arithmetic3A_195 : i32
    %and3A_197 = arith.constant 7 : i32
    %and3A_198 = arith.andi %squeeze3A_192, %and3A_197 : i32
    %dma_start3A_199 = arith.constant 5 : i32
    %dma_start3A_200 = arith.constant 0 : i32
    %dma_start3A_201 = tpu.memref_slice %arg9[%dma_start3A_199, %dma_start3A_200] : memref<8x64xf32, #tpu.memory_space<vmem>> -> memref<1x64xf32, #tpu.memory_space<vmem>>
    %dma_start3A_202 = tpu.memref_squeeze %dma_start3A_201 : memref<1x64xf32, #tpu.memory_space<vmem>> -> memref<64xf32, #tpu.memory_space<vmem>>
    %dma_start3A_203 = arith.constant 0 : i32
    %dma_start3A_204 = tpu.memref_slice %arg4[%shift_right_arithmetic3A_196, %and3A_198, %dma_start3A_203] : memref<125000x8x64xf32, #tpu.memory_space<hbm>> -> memref<1x1x64xf32, #tpu.memory_space<hbm>>
    %dma_start3A_205 = tpu.memref_squeeze %dma_start3A_204 : memref<1x1x64xf32, #tpu.memory_space<hbm>> -> memref<64xf32, #tpu.memory_space<hbm>>
    %dma_start3A_206 = arith.constant 0 : i32
    %dma_start3A_207 = tpu.memref_slice %arg9[%dma_start3A_199, %dma_start3A_206] : memref<8x64xf32, #tpu.memory_space<vmem>> -> memref<1x64xf32, #tpu.memory_space<vmem>>
    %dma_start3A_208 = tpu.memref_squeeze %dma_start3A_207 : memref<1x64xf32, #tpu.memory_space<vmem>> -> memref<64xf32, #tpu.memory_space<vmem>>
    %dma_start3A_209 = arith.constant 0 : i32
    %dma_start3A_210 = tpu.memref_slice %arg4[%shift_right_arithmetic3A_196, %and3A_198, %dma_start3A_209] : memref<125000x8x64xf32, #tpu.memory_space<hbm>> -> memref<1x1x64xf32, #tpu.memory_space<hbm>>
    %dma_start3A_211 = tpu.memref_squeeze %dma_start3A_210 : memref<1x1x64xf32, #tpu.memory_space<hbm>> -> memref<64xf32, #tpu.memory_space<hbm>>
    tpu.enqueue_dma source(%dma_start3A_211 : memref<64xf32, #tpu.memory_space<hbm>>) target(%dma_start3A_208 : memref<64xf32, #tpu.memory_space<vmem>>) target_semaphore(%arg17 : memref<!tpu.dma_semaphore, #tpu.memory_space<semaphore_mem>>)
    %shift_right_arithmetic3A_212 = arith.constant 3 : i32
    %shift_right_arithmetic3A_213 = arith.shrsi %squeeze3A_194, %shift_right_arithmetic3A_212 : i32
    %and3A_214 = arith.constant 7 : i32
    %and3A_215 = arith.andi %squeeze3A_194, %and3A_214 : i32
    %dma_start3A_216 = arith.constant 5 : i32
    %dma_start3A_217 = arith.constant 0 : i32
    %dma_start3A_218 = tpu.memref_slice %arg10[%dma_start3A_216, %dma_start3A_217] : memref<8x64xf32, #tpu.memory_space<vmem>> -> memref<1x64xf32, #tpu.memory_space<vmem>>
    %dma_start3A_219 = tpu.memref_squeeze %dma_start3A_218 : memref<1x64xf32, #tpu.memory_space<vmem>> -> memref<64xf32, #tpu.memory_space<vmem>>
    %dma_start3A_220 = arith.constant 0 : i32
    %dma_start3A_221 = tpu.memref_slice %arg5[%shift_right_arithmetic3A_213, %and3A_215, %dma_start3A_220] : memref<125000x8x64xf32, #tpu.memory_space<hbm>> -> memref<1x1x64xf32, #tpu.memory_space<hbm>>
    %dma_start3A_222 = tpu.memref_squeeze %dma_start3A_221 : memref<1x1x64xf32, #tpu.memory_space<hbm>> -> memref<64xf32, #tpu.memory_space<hbm>>
    %dma_start3A_223 = arith.constant 0 : i32
    %dma_start3A_224 = tpu.memref_slice %arg10[%dma_start3A_216, %dma_start3A_223] : memref<8x64xf32, #tpu.memory_space<vmem>> -> memref<1x64xf32, #tpu.memory_space<vmem>>
    %dma_start3A_225 = tpu.memref_squeeze %dma_start3A_224 : memref<1x64xf32, #tpu.memory_space<vmem>> -> memref<64xf32, #tpu.memory_space<vmem>>
    %dma_start3A_226 = arith.constant 0 : i32
    %dma_start3A_227 = tpu.memref_slice %arg5[%shift_right_arithmetic3A_213, %and3A_215, %dma_start3A_226] : memref<125000x8x64xf32, #tpu.memory_space<hbm>> -> memref<1x1x64xf32, #tpu.memory_space<hbm>>
    %dma_start3A_228 = tpu.memref_squeeze %dma_start3A_227 : memref<1x1x64xf32, #tpu.memory_space<hbm>> -> memref<64xf32, #tpu.memory_space<hbm>>
    tpu.enqueue_dma source(%dma_start3A_228 : memref<64xf32, #tpu.memory_space<hbm>>) target(%dma_start3A_225 : memref<64xf32, #tpu.memory_space<vmem>>) target_semaphore(%arg25 : memref<!tpu.dma_semaphore, #tpu.memory_space<semaphore_mem>>)
    %slice3A_229 = vector.extract_strided_slice %get3A_3 {offsets = [6], sizes = [1], strides = [1]} : vector<16xi32> to vector<1xi32>
    %squeeze3A_230 = vector.extract %slice3A_229[0] : i32 from vector<1xi32>
    %slice3A_231 = vector.extract_strided_slice %get3A_5 {offsets = [6], sizes = [1], strides = [1]} : vector<16xi32> to vector<1xi32>
    %squeeze3A_232 = vector.extract %slice3A_231[0] : i32 from vector<1xi32>
    %shift_right_arithmetic3A_233 = arith.constant 3 : i32
    %shift_right_arithmetic3A_234 = arith.shrsi %squeeze3A_230, %shift_right_arithmetic3A_233 : i32
    %and3A_235 = arith.constant 7 : i32
    %and3A_236 = arith.andi %squeeze3A_230, %and3A_235 : i32
    %dma_start3A_237 = arith.constant 6 : i32
    %dma_start3A_238 = arith.constant 0 : i32
    %dma_start3A_239 = tpu.memref_slice %arg9[%dma_start3A_237, %dma_start3A_238] : memref<8x64xf32, #tpu.memory_space<vmem>> -> memref<1x64xf32, #tpu.memory_space<vmem>>
    %dma_start3A_240 = tpu.memref_squeeze %dma_start3A_239 : memref<1x64xf32, #tpu.memory_space<vmem>> -> memref<64xf32, #tpu.memory_space<vmem>>
    %dma_start3A_241 = arith.constant 0 : i32
    %dma_start3A_242 = tpu.memref_slice %arg4[%shift_right_arithmetic3A_234, %and3A_236, %dma_start3A_241] : memref<125000x8x64xf32, #tpu.memory_space<hbm>> -> memref<1x1x64xf32, #tpu.memory_space<hbm>>
    %dma_start3A_243 = tpu.memref_squeeze %dma_start3A_242 : memref<1x1x64xf32, #tpu.memory_space<hbm>> -> memref<64xf32, #tpu.memory_space<hbm>>
    %dma_start3A_244 = arith.constant 0 : i32
    %dma_start3A_245 = tpu.memref_slice %arg9[%dma_start3A_237, %dma_start3A_244] : memref<8x64xf32, #tpu.memory_space<vmem>> -> memref<1x64xf32, #tpu.memory_space<vmem>>
    %dma_start3A_246 = tpu.memref_squeeze %dma_start3A_245 : memref<1x64xf32, #tpu.memory_space<vmem>> -> memref<64xf32, #tpu.memory_space<vmem>>
    %dma_start3A_247 = arith.constant 0 : i32
    %dma_start3A_248 = tpu.memref_slice %arg4[%shift_right_arithmetic3A_234, %and3A_236, %dma_start3A_247] : memref<125000x8x64xf32, #tpu.memory_space<hbm>> -> memref<1x1x64xf32, #tpu.memory_space<hbm>>
    %dma_start3A_249 = tpu.memref_squeeze %dma_start3A_248 : memref<1x1x64xf32, #tpu.memory_space<hbm>> -> memref<64xf32, #tpu.memory_space<hbm>>
    tpu.enqueue_dma source(%dma_start3A_249 : memref<64xf32, #tpu.memory_space<hbm>>) target(%dma_start3A_246 : memref<64xf32, #tpu.memory_space<vmem>>) target_semaphore(%arg18 : memref<!tpu.dma_semaphore, #tpu.memory_space<semaphore_mem>>)
    %shift_right_arithmetic3A_250 = arith.constant 3 : i32
    %shift_right_arithmetic3A_251 = arith.shrsi %squeeze3A_232, %shift_right_arithmetic3A_250 : i32
    %and3A_252 = arith.constant 7 : i32
    %and3A_253 = arith.andi %squeeze3A_232, %and3A_252 : i32
    %dma_start3A_254 = arith.constant 6 : i32
    %dma_start3A_255 = arith.constant 0 : i32
    %dma_start3A_256 = tpu.memref_slice %arg10[%dma_start3A_254, %dma_start3A_255] : memref<8x64xf32, #tpu.memory_space<vmem>> -> memref<1x64xf32, #tpu.memory_space<vmem>>
    %dma_start3A_257 = tpu.memref_squeeze %dma_start3A_256 : memref<1x64xf32, #tpu.memory_space<vmem>> -> memref<64xf32, #tpu.memory_space<vmem>>
    %dma_start3A_258 = arith.constant 0 : i32
    %dma_start3A_259 = tpu.memref_slice %arg5[%shift_right_arithmetic3A_251, %and3A_253, %dma_start3A_258] : memref<125000x8x64xf32, #tpu.memory_space<hbm>> -> memref<1x1x64xf32, #tpu.memory_space<hbm>>
    %dma_start3A_260 = tpu.memref_squeeze %dma_start3A_259 : memref<1x1x64xf32, #tpu.memory_space<hbm>> -> memref<64xf32, #tpu.memory_space<hbm>>
    %dma_start3A_261 = arith.constant 0 : i32
    %dma_start3A_262 = tpu.memref_slice %arg10[%dma_start3A_254, %dma_start3A_261] : memref<8x64xf32, #tpu.memory_space<vmem>> -> memref<1x64xf32, #tpu.memory_space<vmem>>
    %dma_start3A_263 = tpu.memref_squeeze %dma_start3A_262 : memref<1x64xf32, #tpu.memory_space<vmem>> -> memref<64xf32, #tpu.memory_space<vmem>>
    %dma_start3A_264 = arith.constant 0 : i32
    %dma_start3A_265 = tpu.memref_slice %arg5[%shift_right_arithmetic3A_251, %and3A_253, %dma_start3A_264] : memref<125000x8x64xf32, #tpu.memory_space<hbm>> -> memref<1x1x64xf32, #tpu.memory_space<hbm>>
    %dma_start3A_266 = tpu.memref_squeeze %dma_start3A_265 : memref<1x1x64xf32, #tpu.memory_space<hbm>> -> memref<64xf32, #tpu.memory_space<hbm>>
    tpu.enqueue_dma source(%dma_start3A_266 : memref<64xf32, #tpu.memory_space<hbm>>) target(%dma_start3A_263 : memref<64xf32, #tpu.memory_space<vmem>>) target_semaphore(%arg26 : memref<!tpu.dma_semaphore, #tpu.memory_space<semaphore_mem>>)
    %slice3A_267 = vector.extract_strided_slice %get3A_3 {offsets = [7], sizes = [1], strides = [1]} : vector<16xi32> to vector<1xi32>
    %squeeze3A_268 = vector.extract %slice3A_267[0] : i32 from vector<1xi32>
    %slice3A_269 = vector.extract_strided_slice %get3A_5 {offsets = [7], sizes = [1], strides = [1]} : vector<16xi32> to vector<1xi32>
    %squeeze3A_270 = vector.extract %slice3A_269[0] : i32 from vector<1xi32>
    %shift_right_arithmetic3A_271 = arith.constant 3 : i32
    %shift_right_arithmetic3A_272 = arith.shrsi %squeeze3A_268, %shift_right_arithmetic3A_271 : i32
    %and3A_273 = arith.constant 7 : i32
    %and3A_274 = arith.andi %squeeze3A_268, %and3A_273 : i32
    %dma_start3A_275 = arith.constant 7 : i32
    %dma_start3A_276 = arith.constant 0 : i32
    %dma_start3A_277 = tpu.memref_slice %arg9[%dma_start3A_275, %dma_start3A_276] : memref<8x64xf32, #tpu.memory_space<vmem>> -> memref<1x64xf32, #tpu.memory_space<vmem>>
    %dma_start3A_278 = tpu.memref_squeeze %dma_start3A_277 : memref<1x64xf32, #tpu.memory_space<vmem>> -> memref<64xf32, #tpu.memory_space<vmem>>
    %dma_start3A_279 = arith.constant 0 : i32
    %dma_start3A_280 = tpu.memref_slice %arg4[%shift_right_arithmetic3A_272, %and3A_274, %dma_start3A_279] : memref<125000x8x64xf32, #tpu.memory_space<hbm>> -> memref<1x1x64xf32, #tpu.memory_space<hbm>>
    %dma_start3A_281 = tpu.memref_squeeze %dma_start3A_280 : memref<1x1x64xf32, #tpu.memory_space<hbm>> -> memref<64xf32, #tpu.memory_space<hbm>>
    %dma_start3A_282 = arith.constant 0 : i32
    %dma_start3A_283 = tpu.memref_slice %arg9[%dma_start3A_275, %dma_start3A_282] : memref<8x64xf32, #tpu.memory_space<vmem>> -> memref<1x64xf32, #tpu.memory_space<vmem>>
    %dma_start3A_284 = tpu.memref_squeeze %dma_start3A_283 : memref<1x64xf32, #tpu.memory_space<vmem>> -> memref<64xf32, #tpu.memory_space<vmem>>
    %dma_start3A_285 = arith.constant 0 : i32
    %dma_start3A_286 = tpu.memref_slice %arg4[%shift_right_arithmetic3A_272, %and3A_274, %dma_start3A_285] : memref<125000x8x64xf32, #tpu.memory_space<hbm>> -> memref<1x1x64xf32, #tpu.memory_space<hbm>>
    %dma_start3A_287 = tpu.memref_squeeze %dma_start3A_286 : memref<1x1x64xf32, #tpu.memory_space<hbm>> -> memref<64xf32, #tpu.memory_space<hbm>>
    tpu.enqueue_dma source(%dma_start3A_287 : memref<64xf32, #tpu.memory_space<hbm>>) target(%dma_start3A_284 : memref<64xf32, #tpu.memory_space<vmem>>) target_semaphore(%arg19 : memref<!tpu.dma_semaphore, #tpu.memory_space<semaphore_mem>>)
    %shift_right_arithmetic3A_288 = arith.constant 3 : i32
    %shift_right_arithmetic3A_289 = arith.shrsi %squeeze3A_270, %shift_right_arithmetic3A_288 : i32
    %and3A_290 = arith.constant 7 : i32
    %and3A_291 = arith.andi %squeeze3A_270, %and3A_290 : i32
    %dma_start3A_292 = arith.constant 7 : i32
    %dma_start3A_293 = arith.constant 0 : i32
    %dma_start3A_294 = tpu.memref_slice %arg10[%dma_start3A_292, %dma_start3A_293] : memref<8x64xf32, #tpu.memory_space<vmem>> -> memref<1x64xf32, #tpu.memory_space<vmem>>
    %dma_start3A_295 = tpu.memref_squeeze %dma_start3A_294 : memref<1x64xf32, #tpu.memory_space<vmem>> -> memref<64xf32, #tpu.memory_space<vmem>>
    %dma_start3A_296 = arith.constant 0 : i32
    %dma_start3A_297 = tpu.memref_slice %arg5[%shift_right_arithmetic3A_289, %and3A_291, %dma_start3A_296] : memref<125000x8x64xf32, #tpu.memory_space<hbm>> -> memref<1x1x64xf32, #tpu.memory_space<hbm>>
    %dma_start3A_298 = tpu.memref_squeeze %dma_start3A_297 : memref<1x1x64xf32, #tpu.memory_space<hbm>> -> memref<64xf32, #tpu.memory_space<hbm>>
    %dma_start3A_299 = arith.constant 0 : i32
    %dma_start3A_300 = tpu.memref_slice %arg10[%dma_start3A_292, %dma_start3A_299] : memref<8x64xf32, #tpu.memory_space<vmem>> -> memref<1x64xf32, #tpu.memory_space<vmem>>
    %dma_start3A_301 = tpu.memref_squeeze %dma_start3A_300 : memref<1x64xf32, #tpu.memory_space<vmem>> -> memref<64xf32, #tpu.memory_space<vmem>>
    %dma_start3A_302 = arith.constant 0 : i32
    %dma_start3A_303 = tpu.memref_slice %arg5[%shift_right_arithmetic3A_289, %and3A_291, %dma_start3A_302] : memref<125000x8x64xf32, #tpu.memory_space<hbm>> -> memref<1x1x64xf32, #tpu.memory_space<hbm>>
    %dma_start3A_304 = tpu.memref_squeeze %dma_start3A_303 : memref<1x1x64xf32, #tpu.memory_space<hbm>> -> memref<64xf32, #tpu.memory_space<hbm>>
    tpu.enqueue_dma source(%dma_start3A_304 : memref<64xf32, #tpu.memory_space<hbm>>) target(%dma_start3A_301 : memref<64xf32, #tpu.memory_space<vmem>>) target_semaphore(%arg27 : memref<!tpu.dma_semaphore, #tpu.memory_space<semaphore_mem>>)
    %scan3A = arith.constant 0 : i32
    %scan3A_305 = arith.constant 0 : i32
    %scan3A_306 = arith.constant 31 : i32
    %scan3A_307 = arith.addi %scan3A_305, %scan3A_306 : i32
    %scan3A_308 = arith.constant 1 : i32
    scf.for %scan3A_1912 = %scan3A_305 to %scan3A_307 step %scan3A_308  : i32 {
      %mul3A_1913 = arith.constant 16 : i32
      %mul3A_1914 = arith.muli %scan3A_1912, %mul3A_1913 : i32
      %get3A_1915 = arith.index_cast %mul3A_1914 : i32 to index
      %get3A_1916 = tpu.vector_load %arg7[%get3A_1915] {strides = array<i32>} : memref<512xi32, #tpu.memory_space<vmem>>, vector<16xi32>,
      %mul3A_1917 = arith.constant 16 : i32
      %mul3A_1918 = arith.muli %scan3A_1912, %mul3A_1917 : i32
      %get3A_1919 = arith.index_cast %mul3A_1918 : i32 to index
      %get3A_1920 = tpu.vector_load %arg8[%get3A_1919] {strides = array<i32>} : memref<512xi32, #tpu.memory_space<vmem>>, vector<16xi32>,
      %add3A_1921 = arith.constant 1 : i32
      %add3A_1922 = arith.addi %scan3A_1912, %add3A_1921 : i32
      %mul3A_1923 = arith.constant 16 : i32
      %mul3A_1924 = arith.muli %add3A_1922, %mul3A_1923 : i32
      %get3A_1925 = arith.index_cast %mul3A_1924 : i32 to index
      %get3A_1926 = tpu.vector_load %arg7[%get3A_1925] {strides = array<i32>} : memref<512xi32, #tpu.memory_space<vmem>>, vector<16xi32>,
      %add3A_1927 = arith.constant 1 : i32
      %add3A_1928 = arith.addi %scan3A_1912, %add3A_1927 : i32
      %mul3A_1929 = arith.constant 16 : i32
      %mul3A_1930 = arith.muli %add3A_1928, %mul3A_1929 : i32
      %get3A_1931 = arith.index_cast %mul3A_1930 : i32 to index
      %get3A_1932 = tpu.vector_load %arg8[%get3A_1931] {strides = array<i32>} : memref<512xi32, #tpu.memory_space<vmem>>, vector<16xi32>,
      %broadcast_in_dim3A_1933 = arith.constant 0.000000e+00 : f32
      %broadcast_in_dim3A_1934 = vector.broadcast %broadcast_in_dim3A_1933 : f32 to vector<16xf32>
      %dma_wait3A_1935 = arith.constant 0 : i32
      %dma_wait3A_1936 = arith.constant 0 : i32
      %dma_wait3A_1937 = arith.constant 0 : i32
      %dma_wait3A_1938 = arith.constant 0 : i32
      %dma_wait3A_1939 = tpu.memref_slice %arg9[%dma_wait3A_1937, %dma_wait3A_1938] : memref<8x64xf32, #tpu.memory_space<vmem>> -> memref<1x64xf32, #tpu.memory_space<vmem>>
      %dma_wait3A_1940 = tpu.memref_squeeze %dma_wait3A_1939 : memref<1x64xf32, #tpu.memory_space<vmem>> -> memref<64xf32, #tpu.memory_space<vmem>>
      %dma_wait3A_1941 = arith.constant 0 : i32
      %dma_wait3A_1942 = tpu.memref_slice %arg4[%dma_wait3A_1935, %dma_wait3A_1936, %dma_wait3A_1941] : memref<125000x8x64xf32, #tpu.memory_space<hbm>> -> memref<1x1x64xf32, #tpu.memory_space<hbm>>
      %dma_wait3A_1943 = tpu.memref_squeeze %dma_wait3A_1942 : memref<1x1x64xf32, #tpu.memory_space<hbm>> -> memref<64xf32, #tpu.memory_space<hbm>>
      %dma_wait3A_1944 = arith.constant 0 : i32
      %dma_wait3A_1945 = tpu.memref_slice %arg9[%dma_wait3A_1937, %dma_wait3A_1944] : memref<8x64xf32, #tpu.memory_space<vmem>> -> memref<1x64xf32, #tpu.memory_space<vmem>>
      %dma_wait3A_1946 = tpu.memref_squeeze %dma_wait3A_1945 : memref<1x64xf32, #tpu.memory_space<vmem>> -> memref<64xf32, #tpu.memory_space<vmem>>
      %dma_wait3A_1947 = arith.constant 0 : i32
      %dma_wait3A_1948 = tpu.memref_slice %arg4[%dma_wait3A_1935, %dma_wait3A_1936, %dma_wait3A_1947] : memref<125000x8x64xf32, #tpu.memory_space<hbm>> -> memref<1x1x64xf32, #tpu.memory_space<hbm>>
      %dma_wait3A_1949 = tpu.memref_squeeze %dma_wait3A_1948 : memref<1x1x64xf32, #tpu.memory_space<hbm>> -> memref<64xf32, #tpu.memory_space<hbm>>
      tpu.wait_dma2 semaphore(%arg12 : memref<!tpu.dma_semaphore, #tpu.memory_space<semaphore_mem>>) src(%dma_wait3A_1949 : memref<64xf32, #tpu.memory_space<hbm>>) dst(%dma_wait3A_1946 : memref<64xf32, #tpu.memory_space<vmem>>)
      %dma_wait3A_1950 = arith.constant 0 : i32
      %dma_wait3A_1951 = arith.constant 0 : i32
      %dma_wait3A_1952 = arith.constant 0 : i32
      %dma_wait3A_1953 = arith.constant 0 : i32
      %dma_wait3A_1954 = tpu.memref_slice %arg10[%dma_wait3A_1952, %dma_wait3A_1953] : memref<8x64xf32, #tpu.memory_space<vmem>> -> memref<1x64xf32, #tpu.memory_space<vmem>>
      %dma_wait3A_1955 = tpu.memref_squeeze %dma_wait3A_1954 : memref<1x64xf32, #tpu.memory_space<vmem>> -> memref<64xf32, #tpu.memory_space<vmem>>
      %dma_wait3A_1956 = arith.constant 0 : i32
      %dma_wait3A_1957 = tpu.memref_slice %arg5[%dma_wait3A_1950, %dma_wait3A_1951, %dma_wait3A_1956] : memref<125000x8x64xf32, #tpu.memory_space<hbm>> -> memref<1x1x64xf32, #tpu.memory_space<hbm>>
      %dma_wait3A_1958 = tpu.memref_squeeze %dma_wait3A_1957 : memref<1x1x64xf32, #tpu.memory_space<hbm>> -> memref<64xf32, #tpu.memory_space<hbm>>
      %dma_wait3A_1959 = arith.constant 0 : i32
      %dma_wait3A_1960 = tpu.memref_slice %arg10[%dma_wait3A_1952, %dma_wait3A_1959] : memref<8x64xf32, #tpu.memory_space<vmem>> -> memref<1x64xf32, #tpu.memory_space<vmem>>
      %dma_wait3A_1961 = tpu.memref_squeeze %dma_wait3A_1960 : memref<1x64xf32, #tpu.memory_space<vmem>> -> memref<64xf32, #tpu.memory_space<vmem>>
      %dma_wait3A_1962 = arith.constant 0 : i32
      %dma_wait3A_1963 = tpu.memref_slice %arg5[%dma_wait3A_1950, %dma_wait3A_1951, %dma_wait3A_1962] : memref<125000x8x64xf32, #tpu.memory_space<hbm>> -> memref<1x1x64xf32, #tpu.memory_space<hbm>>
      %dma_wait3A_1964 = tpu.memref_squeeze %dma_wait3A_1963 : memref<1x1x64xf32, #tpu.memory_space<hbm>> -> memref<64xf32, #tpu.memory_space<hbm>>
      tpu.wait_dma2 semaphore(%arg20 : memref<!tpu.dma_semaphore, #tpu.memory_space<semaphore_mem>>) src(%dma_wait3A_1964 : memref<64xf32, #tpu.memory_space<hbm>>) dst(%dma_wait3A_1961 : memref<64xf32, #tpu.memory_space<vmem>>)
      %broadcast_in_dim3A_1965 = arith.constant 0.000000e+00 : f32
      %broadcast_in_dim3A_1966 = vector.broadcast %broadcast_in_dim3A_1965 : f32 to vector<16xf32>
      %get3A_1967 = arith.constant 0 : i32
      %get3A_1968 = arith.index_cast %get3A_1967 : i32 to index
      %get3A_1969 = arith.constant 0 : index
      %get3A_1970 = tpu.vector_load %arg9[%get3A_1968, %get3A_1969] {strides = array<i32>} : memref<8x64xf32, #tpu.memory_space<vmem>>, vector<16xf32>,
      %get3A_1971 = arith.constant 0 : i32
      %get3A_1972 = arith.index_cast %get3A_1971 : i32 to index
      %get3A_1973 = arith.constant 0 : index
      %get3A_1974 = tpu.vector_load %arg10[%get3A_1972, %get3A_1973] {strides = array<i32>} : memref<8x64xf32, #tpu.memory_space<vmem>>, vector<16xf32>,
      %mul3A_1975 = arith.mulf %get3A_1970, %get3A_1974 : vector<16xf32>
      %add3A_1976 = arith.addf %broadcast_in_dim3A_1966, %mul3A_1975 : vector<16xf32>
      %get3A_1977 = arith.constant 0 : i32
      %get3A_1978 = arith.index_cast %get3A_1977 : i32 to index
      %get3A_1979 = arith.constant 16 : index
      %get3A_1980 = tpu.vector_load %arg9[%get3A_1978, %get3A_1979] {strides = array<i32>} : memref<8x64xf32, #tpu.memory_space<vmem>>, vector<16xf32>,
      %get3A_1981 = arith.constant 0 : i32
      %get3A_1982 = arith.index_cast %get3A_1981 : i32 to index
      %get3A_1983 = arith.constant 16 : index
      %get3A_1984 = tpu.vector_load %arg10[%get3A_1982, %get3A_1983] {strides = array<i32>} : memref<8x64xf32, #tpu.memory_space<vmem>>, vector<16xf32>,
      %mul3A_1985 = arith.mulf %get3A_1980, %get3A_1984 : vector<16xf32>
      %add3A_1986 = arith.addf %add3A_1976, %mul3A_1985 : vector<16xf32>
      %get3A_1987 = arith.constant 0 : i32
      %get3A_1988 = arith.index_cast %get3A_1987 : i32 to index
      %get3A_1989 = arith.constant 32 : index
      %get3A_1990 = tpu.vector_load %arg9[%get3A_1988, %get3A_1989] {strides = array<i32>} : memref<8x64xf32, #tpu.memory_space<vmem>>, vector<16xf32>,
      %get3A_1991 = arith.constant 0 : i32
      %get3A_1992 = arith.index_cast %get3A_1991 : i32 to index
      %get3A_1993 = arith.constant 32 : index
      %get3A_1994 = tpu.vector_load %arg10[%get3A_1992, %get3A_1993] {strides = array<i32>} : memref<8x64xf32, #tpu.memory_space<vmem>>, vector<16xf32>,
      %mul3A_1995 = arith.mulf %get3A_1990, %get3A_1994 : vector<16xf32>
      %add3A_1996 = arith.addf %add3A_1986, %mul3A_1995 : vector<16xf32>
      %get3A_1997 = arith.constant 0 : i32
      %get3A_1998 = arith.index_cast %get3A_1997 : i32 to index
      %get3A_1999 = arith.constant 48 : index
      %get3A_2000 = tpu.vector_load %arg9[%get3A_1998, %get3A_1999] {strides = array<i32>} : memref<8x64xf32, #tpu.memory_space<vmem>>, vector<16xf32>,
      %get3A_2001 = arith.constant 0 : i32
      %get3A_2002 = arith.index_cast %get3A_2001 : i32 to index
      %get3A_2003 = arith.constant 48 : index
      %get3A_2004 = tpu.vector_load %arg10[%get3A_2002, %get3A_2003] {strides = array<i32>} : memref<8x64xf32, #tpu.memory_space<vmem>>, vector<16xf32>,
      %mul3A_2005 = arith.mulf %get3A_2000, %get3A_2004 : vector<16xf32>
      %add3A_2006 = arith.addf %add3A_1996, %mul3A_2005 : vector<16xf32>
      %reduce_sum3A_2007 = arith.constant true
      %reduce_sum3A_2008 = vector.broadcast %reduce_sum3A_2007 : i1 to vector<16xi1>
      %reduce_sum3A_2009 = tpu.scan <sum>, %add3A_2006 masked %reduce_sum3A_2008 : vector<16xf32>, vector<16xi1> -> vector<16xf32>
      %reduce_sum3A_2010 = vector.extract %reduce_sum3A_2009[15] : f32 from vector<16xf32>
      %eq3A_2011 = arith.constant 0 : i32
      %eq3A_2012 = vector.broadcast %eq3A_2011 : i32 to vector<16xi32>
      %eq3A_2013 = arith.cmpi eq, %iota3A, %eq3A_2012 : vector<16xi32>
      %broadcast_in_dim3A_2014 = vector.broadcast %reduce_sum3A_2010 : f32 to vector<16xf32>
      %select_n3A_2015 = arith.select %eq3A_2013, %broadcast_in_dim3A_2014, %broadcast_in_dim3A_1934 : vector<16xi1>, vector<16xf32>
      %slice3A_2016 = vector.extract_strided_slice %get3A_1916 {offsets = [8], sizes = [1], strides = [1]} : vector<16xi32> to vector<1xi32>
      %squeeze3A_2017 = vector.extract %slice3A_2016[0] : i32 from vector<1xi32>
      %slice3A_2018 = vector.extract_strided_slice %get3A_1920 {offsets = [8], sizes = [1], strides = [1]} : vector<16xi32> to vector<1xi32>
      %squeeze3A_2019 = vector.extract %slice3A_2018[0] : i32 from vector<1xi32>
      %shift_right_arithmetic3A_2020 = arith.constant 3 : i32
      %shift_right_arithmetic3A_2021 = arith.shrsi %squeeze3A_2017, %shift_right_arithmetic3A_2020 : i32
      %and3A_2022 = arith.constant 7 : i32
      %and3A_2023 = arith.andi %squeeze3A_2017, %and3A_2022 : i32
      %dma_start3A_2024 = arith.constant 0 : i32
      %dma_start3A_2025 = arith.constant 0 : i32
      %dma_start3A_2026 = tpu.memref_slice %arg9[%dma_start3A_2024, %dma_start3A_2025] : memref<8x64xf32, #tpu.memory_space<vmem>> -> memref<1x64xf32, #tpu.memory_space<vmem>>
      %dma_start3A_2027 = tpu.memref_squeeze %dma_start3A_2026 : memref<1x64xf32, #tpu.memory_space<vmem>> -> memref<64xf32, #tpu.memory_space<vmem>>
      %dma_start3A_2028 = arith.constant 0 : i32
      %dma_start3A_2029 = tpu.memref_slice %arg4[%shift_right_arithmetic3A_2021, %and3A_2023, %dma_start3A_2028] : memref<125000x8x64xf32, #tpu.memory_space<hbm>> -> memref<1x1x64xf32, #tpu.memory_space<hbm>>
      %dma_start3A_2030 = tpu.memref_squeeze %dma_start3A_2029 : memref<1x1x64xf32, #tpu.memory_space<hbm>> -> memref<64xf32, #tpu.memory_space<hbm>>
      %dma_start3A_2031 = arith.constant 0 : i32
      %dma_start3A_2032 = tpu.memref_slice %arg9[%dma_start3A_2024, %dma_start3A_2031] : memref<8x64xf32, #tpu.memory_space<vmem>> -> memref<1x64xf32, #tpu.memory_space<vmem>>
      %dma_start3A_2033 = tpu.memref_squeeze %dma_start3A_2032 : memref<1x64xf32, #tpu.memory_space<vmem>> -> memref<64xf32, #tpu.memory_space<vmem>>
      %dma_start3A_2034 = arith.constant 0 : i32
      %dma_start3A_2035 = tpu.memref_slice %arg4[%shift_right_arithmetic3A_2021, %and3A_2023, %dma_start3A_2034] : memref<125000x8x64xf32, #tpu.memory_space<hbm>> -> memref<1x1x64xf32, #tpu.memory_space<hbm>>
      %dma_start3A_2036 = tpu.memref_squeeze %dma_start3A_2035 : memref<1x1x64xf32, #tpu.memory_space<hbm>> -> memref<64xf32, #tpu.memory_space<hbm>>
      tpu.enqueue_dma source(%dma_start3A_2036 : memref<64xf32, #tpu.memory_space<hbm>>) target(%dma_start3A_2033 : memref<64xf32, #tpu.memory_space<vmem>>) target_semaphore(%arg12 : memref<!tpu.dma_semaphore, #tpu.memory_space<semaphore_mem>>)
      %shift_right_arithmetic3A_2037 = arith.constant 3 : i32
      %shift_right_arithmetic3A_2038 = arith.shrsi %squeeze3A_2019, %shift_right_arithmetic3A_2037 : i32
      %and3A_2039 = arith.constant 7 : i32
      %and3A_2040 = arith.andi %squeeze3A_2019, %and3A_2039 : i32
      %dma_start3A_2041 = arith.constant 0 : i32
      %dma_start3A_2042 = arith.constant 0 : i32
      %dma_start3A_2043 = tpu.memref_slice %arg10[%dma_start3A_2041, %dma_start3A_2042] : memref<8x64xf32, #tpu.memory_space<vmem>> -> memref<1x64xf32, #tpu.memory_space<vmem>>
      %dma_start3A_2044 = tpu.memref_squeeze %dma_start3A_2043 : memref<1x64xf32, #tpu.memory_space<vmem>> -> memref<64xf32, #tpu.memory_space<vmem>>
      %dma_start3A_2045 = arith.constant 0 : i32
      %dma_start3A_2046 = tpu.memref_slice %arg5[%shift_right_arithmetic3A_2038, %and3A_2040, %dma_start3A_2045] : memref<125000x8x64xf32, #tpu.memory_space<hbm>> -> memref<1x1x64xf32, #tpu.memory_space<hbm>>
      %dma_start3A_2047 = tpu.memref_squeeze %dma_start3A_2046 : memref<1x1x64xf32, #tpu.memory_space<hbm>> -> memref<64xf32, #tpu.memory_space<hbm>>
      %dma_start3A_2048 = arith.constant 0 : i32
      %dma_start3A_2049 = tpu.memref_slice %arg10[%dma_start3A_2041, %dma_start3A_2048] : memref<8x64xf32, #tpu.memory_space<vmem>> -> memref<1x64xf32, #tpu.memory_space<vmem>>
      %dma_start3A_2050 = tpu.memref_squeeze %dma_start3A_2049 : memref<1x64xf32, #tpu.memory_space<vmem>> -> memref<64xf32, #tpu.memory_space<vmem>>
      %dma_start3A_2051 = arith.constant 0 : i32
      %dma_start3A_2052 = tpu.memref_slice %arg5[%shift_right_arithmetic3A_2038, %and3A_2040, %dma_start3A_2051] : memref<125000x8x64xf32, #tpu.memory_space<hbm>> -> memref<1x1x64xf32, #tpu.memory_space<hbm>>
      %dma_start3A_2053 = tpu.memref_squeeze %dma_start3A_2052 : memref<1x1x64xf32, #tpu.memory_space<hbm>> -> memref<64xf32, #tpu.memory_space<hbm>>
      tpu.enqueue_dma source(%dma_start3A_2053 : memref<64xf32, #tpu.memory_space<hbm>>) target(%dma_start3A_2050 : memref<64xf32, #tpu.memory_space<vmem>>) target_semaphore(%arg20 : memref<!tpu.dma_semaphore, #tpu.memory_space<semaphore_mem>>)
      %dma_wait3A_2054 = arith.constant 0 : i32
      %dma_wait3A_2055 = arith.constant 0 : i32
      %dma_wait3A_2056 = arith.constant 1 : i32
      %dma_wait3A_2057 = arith.constant 0 : i32
      %dma_wait3A_2058 = tpu.memref_slice %arg9[%dma_wait3A_2056, %dma_wait3A_2057] : memref<8x64xf32, #tpu.memory_space<vmem>> -> memref<1x64xf32, #tpu.memory_space<vmem>>
      %dma_wait3A_2059 = tpu.memref_squeeze %dma_wait3A_2058 : memref<1x64xf32, #tpu.memory_space<vmem>> -> memref<64xf32, #tpu.memory_space<vmem>>
      %dma_wait3A_2060 = arith.constant 0 : i32
      %dma_wait3A_2061 = tpu.memref_slice %arg4[%dma_wait3A_2054, %dma_wait3A_2055, %dma_wait3A_2060] : memref<125000x8x64xf32, #tpu.memory_space<hbm>> -> memref<1x1x64xf32, #tpu.memory_space<hbm>>
      %dma_wait3A_2062 = tpu.memref_squeeze %dma_wait3A_2061 : memref<1x1x64xf32, #tpu.memory_space<hbm>> -> memref<64xf32, #tpu.memory_space<hbm>>
      %dma_wait3A_2063 = arith.constant 0 : i32
      %dma_wait3A_2064 = tpu.memref_slice %arg9[%dma_wait3A_2056, %dma_wait3A_2063] : memref<8x64xf32, #tpu.memory_space<vmem>> -> memref<1x64xf32, #tpu.memory_space<vmem>>
      %dma_wait3A_2065 = tpu.memref_squeeze %dma_wait3A_2064 : memref<1x64xf32, #tpu.memory_space<vmem>> -> memref<64xf32, #tpu.memory_space<vmem>>
      %dma_wait3A_2066 = arith.constant 0 : i32
      %dma_wait3A_2067 = tpu.memref_slice %arg4[%dma_wait3A_2054, %dma_wait3A_2055, %dma_wait3A_2066] : memref<125000x8x64xf32, #tpu.memory_space<hbm>> -> memref<1x1x64xf32, #tpu.memory_space<hbm>>
      %dma_wait3A_2068 = tpu.memref_squeeze %dma_wait3A_2067 : memref<1x1x64xf32, #tpu.memory_space<hbm>> -> memref<64xf32, #tpu.memory_space<hbm>>
      tpu.wait_dma2 semaphore(%arg13 : memref<!tpu.dma_semaphore, #tpu.memory_space<semaphore_mem>>) src(%dma_wait3A_2068 : memref<64xf32, #tpu.memory_space<hbm>>) dst(%dma_wait3A_2065 : memref<64xf32, #tpu.memory_space<vmem>>)
      %dma_wait3A_2069 = arith.constant 0 : i32
      %dma_wait3A_2070 = arith.constant 0 : i32
      %dma_wait3A_2071 = arith.constant 1 : i32
      %dma_wait3A_2072 = arith.constant 0 : i32
      %dma_wait3A_2073 = tpu.memref_slice %arg10[%dma_wait3A_2071, %dma_wait3A_2072] : memref<8x64xf32, #tpu.memory_space<vmem>> -> memref<1x64xf32, #tpu.memory_space<vmem>>
      %dma_wait3A_2074 = tpu.memref_squeeze %dma_wait3A_2073 : memref<1x64xf32, #tpu.memory_space<vmem>> -> memref<64xf32, #tpu.memory_space<vmem>>
      %dma_wait3A_2075 = arith.constant 0 : i32
      %dma_wait3A_2076 = tpu.memref_slice %arg5[%dma_wait3A_2069, %dma_wait3A_2070, %dma_wait3A_2075] : memref<125000x8x64xf32, #tpu.memory_space<hbm>> -> memref<1x1x64xf32, #tpu.memory_space<hbm>>
      %dma_wait3A_2077 = tpu.memref_squeeze %dma_wait3A_2076 : memref<1x1x64xf32, #tpu.memory_space<hbm>> -> memref<64xf32, #tpu.memory_space<hbm>>
      %dma_wait3A_2078 = arith.constant 0 : i32
      %dma_wait3A_2079 = tpu.memref_slice %arg10[%dma_wait3A_2071, %dma_wait3A_2078] : memref<8x64xf32, #tpu.memory_space<vmem>> -> memref<1x64xf32, #tpu.memory_space<vmem>>
      %dma_wait3A_2080 = tpu.memref_squeeze %dma_wait3A_2079 : memref<1x64xf32, #tpu.memory_space<vmem>> -> memref<64xf32, #tpu.memory_space<vmem>>
      %dma_wait3A_2081 = arith.constant 0 : i32
      %dma_wait3A_2082 = tpu.memref_slice %arg5[%dma_wait3A_2069, %dma_wait3A_2070, %dma_wait3A_2081] : memref<125000x8x64xf32, #tpu.memory_space<hbm>> -> memref<1x1x64xf32, #tpu.memory_space<hbm>>
      %dma_wait3A_2083 = tpu.memref_squeeze %dma_wait3A_2082 : memref<1x1x64xf32, #tpu.memory_space<hbm>> -> memref<64xf32, #tpu.memory_space<hbm>>
      tpu.wait_dma2 semaphore(%arg21 : memref<!tpu.dma_semaphore, #tpu.memory_space<semaphore_mem>>) src(%dma_wait3A_2083 : memref<64xf32, #tpu.memory_space<hbm>>) dst(%dma_wait3A_2080 : memref<64xf32, #tpu.memory_space<vmem>>)
      %broadcast_in_dim3A_2084 = arith.constant 0.000000e+00 : f32
      %broadcast_in_dim3A_2085 = vector.broadcast %broadcast_in_dim3A_2084 : f32 to vector<16xf32>
      %get3A_2086 = arith.constant 1 : i32
      %get3A_2087 = arith.index_cast %get3A_2086 : i32 to index
      %get3A_2088 = arith.constant 0 : index
      %get3A_2089 = tpu.vector_load %arg9[%get3A_2087, %get3A_2088] {strides = array<i32>} : memref<8x64xf32, #tpu.memory_space<vmem>>, vector<16xf32>,
      %get3A_2090 = arith.constant 1 : i32
      %get3A_2091 = arith.index_cast %get3A_2090 : i32 to index
      %get3A_2092 = arith.constant 0 : index
      %get3A_2093 = tpu.vector_load %arg10[%get3A_2091, %get3A_2092] {strides = array<i32>} : memref<8x64xf32, #tpu.memory_space<vmem>>, vector<16xf32>,
      %mul3A_2094 = arith.mulf %get3A_2089, %get3A_2093 : vector<16xf32>
      %add3A_2095 = arith.addf %broadcast_in_dim3A_2085, %mul3A_2094 : vector<16xf32>
      %get3A_2096 = arith.constant 1 : i32
      %get3A_2097 = arith.index_cast %get3A_2096 : i32 to index
      %get3A_2098 = arith.constant 16 : index
      %get3A_2099 = tpu.vector_load %arg9[%get3A_2097, %get3A_2098] {strides = array<i32>} : memref<8x64xf32, #tpu.memory_space<vmem>>, vector<16xf32>,
      %get3A_2100 = arith.constant 1 : i32
      %get3A_2101 = arith.index_cast %get3A_2100 : i32 to index
      %get3A_2102 = arith.constant 16 : index
      %get3A_2103 = tpu.vector_load %arg10[%get3A_2101, %get3A_2102] {strides = array<i32>} : memref<8x64xf32, #tpu.memory_space<vmem>>, vector<16xf32>,
      %mul3A_2104 = arith.mulf %get3A_2099, %get3A_2103 : vector<16xf32>
      %add3A_2105 = arith.addf %add3A_2095, %mul3A_2104 : vector<16xf32>
      %get3A_2106 = arith.constant 1 : i32
      %get3A_2107 = arith.index_cast %get3A_2106 : i32 to index
      %get3A_2108 = arith.constant 32 : index
      %get3A_2109 = tpu.vector_load %arg9[%get3A_2107, %get3A_2108] {strides = array<i32>} : memref<8x64xf32, #tpu.memory_space<vmem>>, vector<16xf32>,
      %get3A_2110 = arith.constant 1 : i32
      %get3A_2111 = arith.index_cast %get3A_2110 : i32 to index
      %get3A_2112 = arith.constant 32 : index
      %get3A_2113 = tpu.vector_load %arg10[%get3A_2111, %get3A_2112] {strides = array<i32>} : memref<8x64xf32, #tpu.memory_space<vmem>>, vector<16xf32>,
      %mul3A_2114 = arith.mulf %get3A_2109, %get3A_2113 : vector<16xf32>
      %add3A_2115 = arith.addf %add3A_2105, %mul3A_2114 : vector<16xf32>
      %get3A_2116 = arith.constant 1 : i32
      %get3A_2117 = arith.index_cast %get3A_2116 : i32 to index
      %get3A_2118 = arith.constant 48 : index
      %get3A_2119 = tpu.vector_load %arg9[%get3A_2117, %get3A_2118] {strides = array<i32>} : memref<8x64xf32, #tpu.memory_space<vmem>>, vector<16xf32>,
      %get3A_2120 = arith.constant 1 : i32
      %get3A_2121 = arith.index_cast %get3A_2120 : i32 to index
      %get3A_2122 = arith.constant 48 : index
      %get3A_2123 = tpu.vector_load %arg10[%get3A_2121, %get3A_2122] {strides = array<i32>} : memref<8x64xf32, #tpu.memory_space<vmem>>, vector<16xf32>,
      %mul3A_2124 = arith.mulf %get3A_2119, %get3A_2123 : vector<16xf32>
      %add3A_2125 = arith.addf %add3A_2115, %mul3A_2124 : vector<16xf32>
      %reduce_sum3A_2126 = arith.constant true
      %reduce_sum3A_2127 = vector.broadcast %reduce_sum3A_2126 : i1 to vector<16xi1>
      %reduce_sum3A_2128 = tpu.scan <sum>, %add3A_2125 masked %reduce_sum3A_2127 : vector<16xf32>, vector<16xi1> -> vector<16xf32>
      %reduce_sum3A_2129 = vector.extract %reduce_sum3A_2128[15] : f32 from vector<16xf32>
      %eq3A_2130 = arith.constant 1 : i32
      %eq3A_2131 = vector.broadcast %eq3A_2130 : i32 to vector<16xi32>
      %eq3A_2132 = arith.cmpi eq, %iota3A, %eq3A_2131 : vector<16xi32>
      %broadcast_in_dim3A_2133 = vector.broadcast %reduce_sum3A_2129 : f32 to vector<16xf32>
      %select_n3A_2134 = arith.select %eq3A_2132, %broadcast_in_dim3A_2133, %select_n3A_2015 : vector<16xi1>, vector<16xf32>
      %slice3A_2135 = vector.extract_strided_slice %get3A_1916 {offsets = [9], sizes = [1], strides = [1]} : vector<16xi32> to vector<1xi32>
      %squeeze3A_2136 = vector.extract %slice3A_2135[0] : i32 from vector<1xi32>
      %slice3A_2137 = vector.extract_strided_slice %get3A_1920 {offsets = [9], sizes = [1], strides = [1]} : vector<16xi32> to vector<1xi32>
      %squeeze3A_2138 = vector.extract %slice3A_2137[0] : i32 from vector<1xi32>
      %shift_right_arithmetic3A_2139 = arith.constant 3 : i32
      %shift_right_arithmetic3A_2140 = arith.shrsi %squeeze3A_2136, %shift_right_arithmetic3A_2139 : i32
      %and3A_2141 = arith.constant 7 : i32
      %and3A_2142 = arith.andi %squeeze3A_2136, %and3A_2141 : i32
      %dma_start3A_2143 = arith.constant 1 : i32
      %dma_start3A_2144 = arith.constant 0 : i32
      %dma_start3A_2145 = tpu.memref_slice %arg9[%dma_start3A_2143, %dma_start3A_2144] : memref<8x64xf32, #tpu.memory_space<vmem>> -> memref<1x64xf32, #tpu.memory_space<vmem>>
      %dma_start3A_2146 = tpu.memref_squeeze %dma_start3A_2145 : memref<1x64xf32, #tpu.memory_space<vmem>> -> memref<64xf32, #tpu.memory_space<vmem>>
      %dma_start3A_2147 = arith.constant 0 : i32
      %dma_start3A_2148 = tpu.memref_slice %arg4[%shift_right_arithmetic3A_2140, %and3A_2142, %dma_start3A_2147] : memref<125000x8x64xf32, #tpu.memory_space<hbm>> -> memref<1x1x64xf32, #tpu.memory_space<hbm>>
      %dma_start3A_2149 = tpu.memref_squeeze %dma_start3A_2148 : memref<1x1x64xf32, #tpu.memory_space<hbm>> -> memref<64xf32, #tpu.memory_space<hbm>>
      %dma_start3A_2150 = arith.constant 0 : i32
      %dma_start3A_2151 = tpu.memref_slice %arg9[%dma_start3A_2143, %dma_start3A_2150] : memref<8x64xf32, #tpu.memory_space<vmem>> -> memref<1x64xf32, #tpu.memory_space<vmem>>
      %dma_start3A_2152 = tpu.memref_squeeze %dma_start3A_2151 : memref<1x64xf32, #tpu.memory_space<vmem>> -> memref<64xf32, #tpu.memory_space<vmem>>
      %dma_start3A_2153 = arith.constant 0 : i32
      %dma_start3A_2154 = tpu.memref_slice %arg4[%shift_right_arithmetic3A_2140, %and3A_2142, %dma_start3A_2153] : memref<125000x8x64xf32, #tpu.memory_space<hbm>> -> memref<1x1x64xf32, #tpu.memory_space<hbm>>
      %dma_start3A_2155 = tpu.memref_squeeze %dma_start3A_2154 : memref<1x1x64xf32, #tpu.memory_space<hbm>> -> memref<64xf32, #tpu.memory_space<hbm>>
      tpu.enqueue_dma source(%dma_start3A_2155 : memref<64xf32, #tpu.memory_space<hbm>>) target(%dma_start3A_2152 : memref<64xf32, #tpu.memory_space<vmem>>) target_semaphore(%arg13 : memref<!tpu.dma_semaphore, #tpu.memory_space<semaphore_mem>>)
      %shift_right_arithmetic3A_2156 = arith.constant 3 : i32
      %shift_right_arithmetic3A_2157 = arith.shrsi %squeeze3A_2138, %shift_right_arithmetic3A_2156 : i32
      %and3A_2158 = arith.constant 7 : i32
      %and3A_2159 = arith.andi %squeeze3A_2138, %and3A_2158 : i32
      %dma_start3A_2160 = arith.constant 1 : i32
      %dma_start3A_2161 = arith.constant 0 : i32
      %dma_start3A_2162 = tpu.memref_slice %arg10[%dma_start3A_2160, %dma_start3A_2161] : memref<8x64xf32, #tpu.memory_space<vmem>> -> memref<1x64xf32, #tpu.memory_space<vmem>>
      %dma_start3A_2163 = tpu.memref_squeeze %dma_start3A_2162 : memref<1x64xf32, #tpu.memory_space<vmem>> -> memref<64xf32, #tpu.memory_space<vmem>>
      %dma_start3A_2164 = arith.constant 0 : i32
      %dma_start3A_2165 = tpu.memref_slice %arg5[%shift_right_arithmetic3A_2157, %and3A_2159, %dma_start3A_2164] : memref<125000x8x64xf32, #tpu.memory_space<hbm>> -> memref<1x1x64xf32, #tpu.memory_space<hbm>>
      %dma_start3A_2166 = tpu.memref_squeeze %dma_start3A_2165 : memref<1x1x64xf32, #tpu.memory_space<hbm>> -> memref<64xf32, #tpu.memory_space<hbm>>
      %dma_start3A_2167 = arith.constant 0 : i32
      %dma_start3A_2168 = tpu.memref_slice %arg10[%dma_start3A_2160, %dma_start3A_2167] : memref<8x64xf32, #tpu.memory_space<vmem>> -> memref<1x64xf32, #tpu.memory_space<vmem>>
      %dma_start3A_2169 = tpu.memref_squeeze %dma_start3A_2168 : memref<1x64xf32, #tpu.memory_space<vmem>> -> memref<64xf32, #tpu.memory_space<vmem>>
      %dma_start3A_2170 = arith.constant 0 : i32
      %dma_start3A_2171 = tpu.memref_slice %arg5[%shift_right_arithmetic3A_2157, %and3A_2159, %dma_start3A_2170] : memref<125000x8x64xf32, #tpu.memory_space<hbm>> -> memref<1x1x64xf32, #tpu.memory_space<hbm>>
      %dma_start3A_2172 = tpu.memref_squeeze %dma_start3A_2171 : memref<1x1x64xf32, #tpu.memory_space<hbm>> -> memref<64xf32, #tpu.memory_space<hbm>>
      tpu.enqueue_dma source(%dma_start3A_2172 : memref<64xf32, #tpu.memory_space<hbm>>) target(%dma_start3A_2169 : memref<64xf32, #tpu.memory_space<vmem>>) target_semaphore(%arg21 : memref<!tpu.dma_semaphore, #tpu.memory_space<semaphore_mem>>)
      %dma_wait3A_2173 = arith.constant 0 : i32
      %dma_wait3A_2174 = arith.constant 0 : i32
      %dma_wait3A_2175 = arith.constant 2 : i32
      %dma_wait3A_2176 = arith.constant 0 : i32
      %dma_wait3A_2177 = tpu.memref_slice %arg9[%dma_wait3A_2175, %dma_wait3A_2176] : memref<8x64xf32, #tpu.memory_space<vmem>> -> memref<1x64xf32, #tpu.memory_space<vmem>>
      %dma_wait3A_2178 = tpu.memref_squeeze %dma_wait3A_2177 : memref<1x64xf32, #tpu.memory_space<vmem>> -> memref<64xf32, #tpu.memory_space<vmem>>
      %dma_wait3A_2179 = arith.constant 0 : i32
      %dma_wait3A_2180 = tpu.memref_slice %arg4[%dma_wait3A_2173, %dma_wait3A_2174, %dma_wait3A_2179] : memref<125000x8x64xf32, #tpu.memory_space<hbm>> -> memref<1x1x64xf32, #tpu.memory_space<hbm>>
      %dma_wait3A_2181 = tpu.memref_squeeze %dma_wait3A_2180 : memref<1x1x64xf32, #tpu.memory_space<hbm>> -> memref<64xf32, #tpu.memory_space<hbm>>
      %dma_wait3A_2182 = arith.constant 0 : i32
      %dma_wait3A_2183 = tpu.memref_slice %arg9[%dma_wait3A_2175, %dma_wait3A_2182] : memref<8x64xf32, #tpu.memory_space<vmem>> -> memref<1x64xf32, #tpu.memory_space<vmem>>
      %dma_wait3A_2184 = tpu.memref_squeeze %dma_wait3A_2183 : memref<1x64xf32, #tpu.memory_space<vmem>> -> memref<64xf32, #tpu.memory_space<vmem>>
      %dma_wait3A_2185 = arith.constant 0 : i32
      %dma_wait3A_2186 = tpu.memref_slice %arg4[%dma_wait3A_2173, %dma_wait3A_2174, %dma_wait3A_2185] : memref<125000x8x64xf32, #tpu.memory_space<hbm>> -> memref<1x1x64xf32, #tpu.memory_space<hbm>>
      %dma_wait3A_2187 = tpu.memref_squeeze %dma_wait3A_2186 : memref<1x1x64xf32, #tpu.memory_space<hbm>> -> memref<64xf32, #tpu.memory_space<hbm>>
      tpu.wait_dma2 semaphore(%arg14 : memref<!tpu.dma_semaphore, #tpu.memory_space<semaphore_mem>>) src(%dma_wait3A_2187 : memref<64xf32, #tpu.memory_space<hbm>>) dst(%dma_wait3A_2184 : memref<64xf32, #tpu.memory_space<vmem>>)
      %dma_wait3A_2188 = arith.constant 0 : i32
      %dma_wait3A_2189 = arith.constant 0 : i32
      %dma_wait3A_2190 = arith.constant 2 : i32
      %dma_wait3A_2191 = arith.constant 0 : i32
      %dma_wait3A_2192 = tpu.memref_slice %arg10[%dma_wait3A_2190, %dma_wait3A_2191] : memref<8x64xf32, #tpu.memory_space<vmem>> -> memref<1x64xf32, #tpu.memory_space<vmem>>
      %dma_wait3A_2193 = tpu.memref_squeeze %dma_wait3A_2192 : memref<1x64xf32, #tpu.memory_space<vmem>> -> memref<64xf32, #tpu.memory_space<vmem>>
      %dma_wait3A_2194 = arith.constant 0 : i32
      %dma_wait3A_2195 = tpu.memref_slice %arg5[%dma_wait3A_2188, %dma_wait3A_2189, %dma_wait3A_2194] : memref<125000x8x64xf32, #tpu.memory_space<hbm>> -> memref<1x1x64xf32, #tpu.memory_space<hbm>>
      %dma_wait3A_2196 = tpu.memref_squeeze %dma_wait3A_2195 : memref<1x1x64xf32, #tpu.memory_space<hbm>> -> memref<64xf32, #tpu.memory_space<hbm>>
      %dma_wait3A_2197 = arith.constant 0 : i32
      %dma_wait3A_2198 = tpu.memref_slice %arg10[%dma_wait3A_2190, %dma_wait3A_2197] : memref<8x64xf32, #tpu.memory_space<vmem>> -> memref<1x64xf32, #tpu.memory_space<vmem>>
      %dma_wait3A_2199 = tpu.memref_squeeze %dma_wait3A_2198 : memref<1x64xf32, #tpu.memory_space<vmem>> -> memref<64xf32, #tpu.memory_space<vmem>>
      %dma_wait3A_2200 = arith.constant 0 : i32
      %dma_wait3A_2201 = tpu.memref_slice %arg5[%dma_wait3A_2188, %dma_wait3A_2189, %dma_wait3A_2200] : memref<125000x8x64xf32, #tpu.memory_space<hbm>> -> memref<1x1x64xf32, #tpu.memory_space<hbm>>
      %dma_wait3A_2202 = tpu.memref_squeeze %dma_wait3A_2201 : memref<1x1x64xf32, #tpu.memory_space<hbm>> -> memref<64xf32, #tpu.memory_space<hbm>>
      tpu.wait_dma2 semaphore(%arg22 : memref<!tpu.dma_semaphore, #tpu.memory_space<semaphore_mem>>) src(%dma_wait3A_2202 : memref<64xf32, #tpu.memory_space<hbm>>) dst(%dma_wait3A_2199 : memref<64xf32, #tpu.memory_space<vmem>>)
      %broadcast_in_dim3A_2203 = arith.constant 0.000000e+00 : f32
      %broadcast_in_dim3A_2204 = vector.broadcast %broadcast_in_dim3A_2203 : f32 to vector<16xf32>
      %get3A_2205 = arith.constant 2 : i32
      %get3A_2206 = arith.index_cast %get3A_2205 : i32 to index
      %get3A_2207 = arith.constant 0 : index
      %get3A_2208 = tpu.vector_load %arg9[%get3A_2206, %get3A_2207] {strides = array<i32>} : memref<8x64xf32, #tpu.memory_space<vmem>>, vector<16xf32>,
      %get3A_2209 = arith.constant 2 : i32
      %get3A_2210 = arith.index_cast %get3A_2209 : i32 to index
      %get3A_2211 = arith.constant 0 : index
      %get3A_2212 = tpu.vector_load %arg10[%get3A_2210, %get3A_2211] {strides = array<i32>} : memref<8x64xf32, #tpu.memory_space<vmem>>, vector<16xf32>,
      %mul3A_2213 = arith.mulf %get3A_2208, %get3A_2212 : vector<16xf32>
      %add3A_2214 = arith.addf %broadcast_in_dim3A_2204, %mul3A_2213 : vector<16xf32>
      %get3A_2215 = arith.constant 2 : i32
      %get3A_2216 = arith.index_cast %get3A_2215 : i32 to index
      %get3A_2217 = arith.constant 16 : index
      %get3A_2218 = tpu.vector_load %arg9[%get3A_2216, %get3A_2217] {strides = array<i32>} : memref<8x64xf32, #tpu.memory_space<vmem>>, vector<16xf32>,
      %get3A_2219 = arith.constant 2 : i32
      %get3A_2220 = arith.index_cast %get3A_2219 : i32 to index
      %get3A_2221 = arith.constant 16 : index
      %get3A_2222 = tpu.vector_load %arg10[%get3A_2220, %get3A_2221] {strides = array<i32>} : memref<8x64xf32, #tpu.memory_space<vmem>>, vector<16xf32>,
      %mul3A_2223 = arith.mulf %get3A_2218, %get3A_2222 : vector<16xf32>
      %add3A_2224 = arith.addf %add3A_2214, %mul3A_2223 : vector<16xf32>
      %get3A_2225 = arith.constant 2 : i32
      %get3A_2226 = arith.index_cast %get3A_2225 : i32 to index
      %get3A_2227 = arith.constant 32 : index
      %get3A_2228 = tpu.vector_load %arg9[%get3A_2226, %get3A_2227] {strides = array<i32>} : memref<8x64xf32, #tpu.memory_space<vmem>>, vector<16xf32>,
      %get3A_2229 = arith.constant 2 : i32
      %get3A_2230 = arith.index_cast %get3A_2229 : i32 to index
      %get3A_2231 = arith.constant 32 : index
      %get3A_2232 = tpu.vector_load %arg10[%get3A_2230, %get3A_2231] {strides = array<i32>} : memref<8x64xf32, #tpu.memory_space<vmem>>, vector<16xf32>,
      %mul3A_2233 = arith.mulf %get3A_2228, %get3A_2232 : vector<16xf32>
      %add3A_2234 = arith.addf %add3A_2224, %mul3A_2233 : vector<16xf32>
      %get3A_2235 = arith.constant 2 : i32
      %get3A_2236 = arith.index_cast %get3A_2235 : i32 to index
      %get3A_2237 = arith.constant 48 : index
      %get3A_2238 = tpu.vector_load %arg9[%get3A_2236, %get3A_2237] {strides = array<i32>} : memref<8x64xf32, #tpu.memory_space<vmem>>, vector<16xf32>,
      %get3A_2239 = arith.constant 2 : i32
      %get3A_2240 = arith.index_cast %get3A_2239 : i32 to index
      %get3A_2241 = arith.constant 48 : index
      %get3A_2242 = tpu.vector_load %arg10[%get3A_2240, %get3A_2241] {strides = array<i32>} : memref<8x64xf32, #tpu.memory_space<vmem>>, vector<16xf32>,
      %mul3A_2243 = arith.mulf %get3A_2238, %get3A_2242 : vector<16xf32>
      %add3A_2244 = arith.addf %add3A_2234, %mul3A_2243 : vector<16xf32>
      %reduce_sum3A_2245 = arith.constant true
      %reduce_sum3A_2246 = vector.broadcast %reduce_sum3A_2245 : i1 to vector<16xi1>
      %reduce_sum3A_2247 = tpu.scan <sum>, %add3A_2244 masked %reduce_sum3A_2246 : vector<16xf32>, vector<16xi1> -> vector<16xf32>
      %reduce_sum3A_2248 = vector.extract %reduce_sum3A_2247[15] : f32 from vector<16xf32>
      %eq3A_2249 = arith.constant 2 : i32
      %eq3A_2250 = vector.broadcast %eq3A_2249 : i32 to vector<16xi32>
      %eq3A_2251 = arith.cmpi eq, %iota3A, %eq3A_2250 : vector<16xi32>
      %broadcast_in_dim3A_2252 = vector.broadcast %reduce_sum3A_2248 : f32 to vector<16xf32>
      %select_n3A_2253 = arith.select %eq3A_2251, %broadcast_in_dim3A_2252, %select_n3A_2134 : vector<16xi1>, vector<16xf32>
      %slice3A_2254 = vector.extract_strided_slice %get3A_1916 {offsets = [10], sizes = [1], strides = [1]} : vector<16xi32> to vector<1xi32>
      %squeeze3A_2255 = vector.extract %slice3A_2254[0] : i32 from vector<1xi32>
      %slice3A_2256 = vector.extract_strided_slice %get3A_1920 {offsets = [10], sizes = [1], strides = [1]} : vector<16xi32> to vector<1xi32>
      %squeeze3A_2257 = vector.extract %slice3A_2256[0] : i32 from vector<1xi32>
      %shift_right_arithmetic3A_2258 = arith.constant 3 : i32
      %shift_right_arithmetic3A_2259 = arith.shrsi %squeeze3A_2255, %shift_right_arithmetic3A_2258 : i32
      %and3A_2260 = arith.constant 7 : i32
      %and3A_2261 = arith.andi %squeeze3A_2255, %and3A_2260 : i32
      %dma_start3A_2262 = arith.constant 2 : i32
      %dma_start3A_2263 = arith.constant 0 : i32
      %dma_start3A_2264 = tpu.memref_slice %arg9[%dma_start3A_2262, %dma_start3A_2263] : memref<8x64xf32, #tpu.memory_space<vmem>> -> memref<1x64xf32, #tpu.memory_space<vmem>>
      %dma_start3A_2265 = tpu.memref_squeeze %dma_start3A_2264 : memref<1x64xf32, #tpu.memory_space<vmem>> -> memref<64xf32, #tpu.memory_space<vmem>>
      %dma_start3A_2266 = arith.constant 0 : i32
      %dma_start3A_2267 = tpu.memref_slice %arg4[%shift_right_arithmetic3A_2259, %and3A_2261, %dma_start3A_2266] : memref<125000x8x64xf32, #tpu.memory_space<hbm>> -> memref<1x1x64xf32, #tpu.memory_space<hbm>>
      %dma_start3A_2268 = tpu.memref_squeeze %dma_start3A_2267 : memref<1x1x64xf32, #tpu.memory_space<hbm>> -> memref<64xf32, #tpu.memory_space<hbm>>
      %dma_start3A_2269 = arith.constant 0 : i32
      %dma_start3A_2270 = tpu.memref_slice %arg9[%dma_start3A_2262, %dma_start3A_2269] : memref<8x64xf32, #tpu.memory_space<vmem>> -> memref<1x64xf32, #tpu.memory_space<vmem>>
      %dma_start3A_2271 = tpu.memref_squeeze %dma_start3A_2270 : memref<1x64xf32, #tpu.memory_space<vmem>> -> memref<64xf32, #tpu.memory_space<vmem>>
      %dma_start3A_2272 = arith.constant 0 : i32
      %dma_start3A_2273 = tpu.memref_slice %arg4[%shift_right_arithmetic3A_2259, %and3A_2261, %dma_start3A_2272] : memref<125000x8x64xf32, #tpu.memory_space<hbm>> -> memref<1x1x64xf32, #tpu.memory_space<hbm>>
      %dma_start3A_2274 = tpu.memref_squeeze %dma_start3A_2273 : memref<1x1x64xf32, #tpu.memory_space<hbm>> -> memref<64xf32, #tpu.memory_space<hbm>>
      tpu.enqueue_dma source(%dma_start3A_2274 : memref<64xf32, #tpu.memory_space<hbm>>) target(%dma_start3A_2271 : memref<64xf32, #tpu.memory_space<vmem>>) target_semaphore(%arg14 : memref<!tpu.dma_semaphore, #tpu.memory_space<semaphore_mem>>)
      %shift_right_arithmetic3A_2275 = arith.constant 3 : i32
      %shift_right_arithmetic3A_2276 = arith.shrsi %squeeze3A_2257, %shift_right_arithmetic3A_2275 : i32
      %and3A_2277 = arith.constant 7 : i32
      %and3A_2278 = arith.andi %squeeze3A_2257, %and3A_2277 : i32
      %dma_start3A_2279 = arith.constant 2 : i32
      %dma_start3A_2280 = arith.constant 0 : i32
      %dma_start3A_2281 = tpu.memref_slice %arg10[%dma_start3A_2279, %dma_start3A_2280] : memref<8x64xf32, #tpu.memory_space<vmem>> -> memref<1x64xf32, #tpu.memory_space<vmem>>
      %dma_start3A_2282 = tpu.memref_squeeze %dma_start3A_2281 : memref<1x64xf32, #tpu.memory_space<vmem>> -> memref<64xf32, #tpu.memory_space<vmem>>
      %dma_start3A_2283 = arith.constant 0 : i32
      %dma_start3A_2284 = tpu.memref_slice %arg5[%shift_right_arithmetic3A_2276, %and3A_2278, %dma_start3A_2283] : memref<125000x8x64xf32, #tpu.memory_space<hbm>> -> memref<1x1x64xf32, #tpu.memory_space<hbm>>
      %dma_start3A_2285 = tpu.memref_squeeze %dma_start3A_2284 : memref<1x1x64xf32, #tpu.memory_space<hbm>> -> memref<64xf32, #tpu.memory_space<hbm>>
      %dma_start3A_2286 = arith.constant 0 : i32
      %dma_start3A_2287 = tpu.memref_slice %arg10[%dma_start3A_2279, %dma_start3A_2286] : memref<8x64xf32, #tpu.memory_space<vmem>> -> memref<1x64xf32, #tpu.memory_space<vmem>>
      %dma_start3A_2288 = tpu.memref_squeeze %dma_start3A_2287 : memref<1x64xf32, #tpu.memory_space<vmem>> -> memref<64xf32, #tpu.memory_space<vmem>>
      %dma_start3A_2289 = arith.constant 0 : i32
      %dma_start3A_2290 = tpu.memref_slice %arg5[%shift_right_arithmetic3A_2276, %and3A_2278, %dma_start3A_2289] : memref<125000x8x64xf32, #tpu.memory_space<hbm>> -> memref<1x1x64xf32, #tpu.memory_space<hbm>>
      %dma_start3A_2291 = tpu.memref_squeeze %dma_start3A_2290 : memref<1x1x64xf32, #tpu.memory_space<hbm>> -> memref<64xf32, #tpu.memory_space<hbm>>
      tpu.enqueue_dma source(%dma_start3A_2291 : memref<64xf32, #tpu.memory_space<hbm>>) target(%dma_start3A_2288 : memref<64xf32, #tpu.memory_space<vmem>>) target_semaphore(%arg22 : memref<!tpu.dma_semaphore, #tpu.memory_space<semaphore_mem>>)
      %dma_wait3A_2292 = arith.constant 0 : i32
      %dma_wait3A_2293 = arith.constant 0 : i32
      %dma_wait3A_2294 = arith.constant 3 : i32
      %dma_wait3A_2295 = arith.constant 0 : i32
      %dma_wait3A_2296 = tpu.memref_slice %arg9[%dma_wait3A_2294, %dma_wait3A_2295] : memref<8x64xf32, #tpu.memory_space<vmem>> -> memref<1x64xf32, #tpu.memory_space<vmem>>
      %dma_wait3A_2297 = tpu.memref_squeeze %dma_wait3A_2296 : memref<1x64xf32, #tpu.memory_space<vmem>> -> memref<64xf32, #tpu.memory_space<vmem>>
      %dma_wait3A_2298 = arith.constant 0 : i32
      %dma_wait3A_2299 = tpu.memref_slice %arg4[%dma_wait3A_2292, %dma_wait3A_2293, %dma_wait3A_2298] : memref<125000x8x64xf32, #tpu.memory_space<hbm>> -> memref<1x1x64xf32, #tpu.memory_space<hbm>>
      %dma_wait3A_2300 = tpu.memref_squeeze %dma_wait3A_2299 : memref<1x1x64xf32, #tpu.memory_space<hbm>> -> memref<64xf32, #tpu.memory_space<hbm>>
      %dma_wait3A_2301 = arith.constant 0 : i32
      %dma_wait3A_2302 = tpu.memref_slice %arg9[%dma_wait3A_2294, %dma_wait3A_2301] : memref<8x64xf32, #tpu.memory_space<vmem>> -> memref<1x64xf32, #tpu.memory_space<vmem>>
      %dma_wait3A_2303 = tpu.memref_squeeze %dma_wait3A_2302 : memref<1x64xf32, #tpu.memory_space<vmem>> -> memref<64xf32, #tpu.memory_space<vmem>>
      %dma_wait3A_2304 = arith.constant 0 : i32
      %dma_wait3A_2305 = tpu.memref_slice %arg4[%dma_wait3A_2292, %dma_wait3A_2293, %dma_wait3A_2304] : memref<125000x8x64xf32, #tpu.memory_space<hbm>> -> memref<1x1x64xf32, #tpu.memory_space<hbm>>
      %dma_wait3A_2306 = tpu.memref_squeeze %dma_wait3A_2305 : memref<1x1x64xf32, #tpu.memory_space<hbm>> -> memref<64xf32, #tpu.memory_space<hbm>>
      tpu.wait_dma2 semaphore(%arg15 : memref<!tpu.dma_semaphore, #tpu.memory_space<semaphore_mem>>) src(%dma_wait3A_2306 : memref<64xf32, #tpu.memory_space<hbm>>) dst(%dma_wait3A_2303 : memref<64xf32, #tpu.memory_space<vmem>>)
      %dma_wait3A_2307 = arith.constant 0 : i32
      %dma_wait3A_2308 = arith.constant 0 : i32
      %dma_wait3A_2309 = arith.constant 3 : i32
      %dma_wait3A_2310 = arith.constant 0 : i32
      %dma_wait3A_2311 = tpu.memref_slice %arg10[%dma_wait3A_2309, %dma_wait3A_2310] : memref<8x64xf32, #tpu.memory_space<vmem>> -> memref<1x64xf32, #tpu.memory_space<vmem>>
      %dma_wait3A_2312 = tpu.memref_squeeze %dma_wait3A_2311 : memref<1x64xf32, #tpu.memory_space<vmem>> -> memref<64xf32, #tpu.memory_space<vmem>>
      %dma_wait3A_2313 = arith.constant 0 : i32
      %dma_wait3A_2314 = tpu.memref_slice %arg5[%dma_wait3A_2307, %dma_wait3A_2308, %dma_wait3A_2313] : memref<125000x8x64xf32, #tpu.memory_space<hbm>> -> memref<1x1x64xf32, #tpu.memory_space<hbm>>
      %dma_wait3A_2315 = tpu.memref_squeeze %dma_wait3A_2314 : memref<1x1x64xf32, #tpu.memory_space<hbm>> -> memref<64xf32, #tpu.memory_space<hbm>>
      %dma_wait3A_2316 = arith.constant 0 : i32
      %dma_wait3A_2317 = tpu.memref_slice %arg10[%dma_wait3A_2309, %dma_wait3A_2316] : memref<8x64xf32, #tpu.memory_space<vmem>> -> memref<1x64xf32, #tpu.memory_space<vmem>>
      %dma_wait3A_2318 = tpu.memref_squeeze %dma_wait3A_2317 : memref<1x64xf32, #tpu.memory_space<vmem>> -> memref<64xf32, #tpu.memory_space<vmem>>
      %dma_wait3A_2319 = arith.constant 0 : i32
      %dma_wait3A_2320 = tpu.memref_slice %arg5[%dma_wait3A_2307, %dma_wait3A_2308, %dma_wait3A_2319] : memref<125000x8x64xf32, #tpu.memory_space<hbm>> -> memref<1x1x64xf32, #tpu.memory_space<hbm>>
      %dma_wait3A_2321 = tpu.memref_squeeze %dma_wait3A_2320 : memref<1x1x64xf32, #tpu.memory_space<hbm>> -> memref<64xf32, #tpu.memory_space<hbm>>
      tpu.wait_dma2 semaphore(%arg23 : memref<!tpu.dma_semaphore, #tpu.memory_space<semaphore_mem>>) src(%dma_wait3A_2321 : memref<64xf32, #tpu.memory_space<hbm>>) dst(%dma_wait3A_2318 : memref<64xf32, #tpu.memory_space<vmem>>)
      %broadcast_in_dim3A_2322 = arith.constant 0.000000e+00 : f32
      %broadcast_in_dim3A_2323 = vector.broadcast %broadcast_in_dim3A_2322 : f32 to vector<16xf32>
      %get3A_2324 = arith.constant 3 : i32
      %get3A_2325 = arith.index_cast %get3A_2324 : i32 to index
      %get3A_2326 = arith.constant 0 : index
      %get3A_2327 = tpu.vector_load %arg9[%get3A_2325, %get3A_2326] {strides = array<i32>} : memref<8x64xf32, #tpu.memory_space<vmem>>, vector<16xf32>,
      %get3A_2328 = arith.constant 3 : i32
      %get3A_2329 = arith.index_cast %get3A_2328 : i32 to index
      %get3A_2330 = arith.constant 0 : index
      %get3A_2331 = tpu.vector_load %arg10[%get3A_2329, %get3A_2330] {strides = array<i32>} : memref<8x64xf32, #tpu.memory_space<vmem>>, vector<16xf32>,
      %mul3A_2332 = arith.mulf %get3A_2327, %get3A_2331 : vector<16xf32>
      %add3A_2333 = arith.addf %broadcast_in_dim3A_2323, %mul3A_2332 : vector<16xf32>
      %get3A_2334 = arith.constant 3 : i32
      %get3A_2335 = arith.index_cast %get3A_2334 : i32 to index
      %get3A_2336 = arith.constant 16 : index
      %get3A_2337 = tpu.vector_load %arg9[%get3A_2335, %get3A_2336] {strides = array<i32>} : memref<8x64xf32, #tpu.memory_space<vmem>>, vector<16xf32>,
      %get3A_2338 = arith.constant 3 : i32
      %get3A_2339 = arith.index_cast %get3A_2338 : i32 to index
      %get3A_2340 = arith.constant 16 : index
      %get3A_2341 = tpu.vector_load %arg10[%get3A_2339, %get3A_2340] {strides = array<i32>} : memref<8x64xf32, #tpu.memory_space<vmem>>, vector<16xf32>,
      %mul3A_2342 = arith.mulf %get3A_2337, %get3A_2341 : vector<16xf32>
      %add3A_2343 = arith.addf %add3A_2333, %mul3A_2342 : vector<16xf32>
      %get3A_2344 = arith.constant 3 : i32
      %get3A_2345 = arith.index_cast %get3A_2344 : i32 to index
      %get3A_2346 = arith.constant 32 : index
      %get3A_2347 = tpu.vector_load %arg9[%get3A_2345, %get3A_2346] {strides = array<i32>} : memref<8x64xf32, #tpu.memory_space<vmem>>, vector<16xf32>,
      %get3A_2348 = arith.constant 3 : i32
      %get3A_2349 = arith.index_cast %get3A_2348 : i32 to index
      %get3A_2350 = arith.constant 32 : index
      %get3A_2351 = tpu.vector_load %arg10[%get3A_2349, %get3A_2350] {strides = array<i32>} : memref<8x64xf32, #tpu.memory_space<vmem>>, vector<16xf32>,
      %mul3A_2352 = arith.mulf %get3A_2347, %get3A_2351 : vector<16xf32>
      %add3A_2353 = arith.addf %add3A_2343, %mul3A_2352 : vector<16xf32>
      %get3A_2354 = arith.constant 3 : i32
      %get3A_2355 = arith.index_cast %get3A_2354 : i32 to index
      %get3A_2356 = arith.constant 48 : index
      %get3A_2357 = tpu.vector_load %arg9[%get3A_2355, %get3A_2356] {strides = array<i32>} : memref<8x64xf32, #tpu.memory_space<vmem>>, vector<16xf32>,
      %get3A_2358 = arith.constant 3 : i32
      %get3A_2359 = arith.index_cast %get3A_2358 : i32 to index
      %get3A_2360 = arith.constant 48 : index
      %get3A_2361 = tpu.vector_load %arg10[%get3A_2359, %get3A_2360] {strides = array<i32>} : memref<8x64xf32, #tpu.memory_space<vmem>>, vector<16xf32>,
      %mul3A_2362 = arith.mulf %get3A_2357, %get3A_2361 : vector<16xf32>
      %add3A_2363 = arith.addf %add3A_2353, %mul3A_2362 : vector<16xf32>
      %reduce_sum3A_2364 = arith.constant true
      %reduce_sum3A_2365 = vector.broadcast %reduce_sum3A_2364 : i1 to vector<16xi1>
      %reduce_sum3A_2366 = tpu.scan <sum>, %add3A_2363 masked %reduce_sum3A_2365 : vector<16xf32>, vector<16xi1> -> vector<16xf32>
      %reduce_sum3A_2367 = vector.extract %reduce_sum3A_2366[15] : f32 from vector<16xf32>
      %eq3A_2368 = arith.constant 3 : i32
      %eq3A_2369 = vector.broadcast %eq3A_2368 : i32 to vector<16xi32>
      %eq3A_2370 = arith.cmpi eq, %iota3A, %eq3A_2369 : vector<16xi32>
      %broadcast_in_dim3A_2371 = vector.broadcast %reduce_sum3A_2367 : f32 to vector<16xf32>
      %select_n3A_2372 = arith.select %eq3A_2370, %broadcast_in_dim3A_2371, %select_n3A_2253 : vector<16xi1>, vector<16xf32>
      %slice3A_2373 = vector.extract_strided_slice %get3A_1916 {offsets = [11], sizes = [1], strides = [1]} : vector<16xi32> to vector<1xi32>
      %squeeze3A_2374 = vector.extract %slice3A_2373[0] : i32 from vector<1xi32>
      %slice3A_2375 = vector.extract_strided_slice %get3A_1920 {offsets = [11], sizes = [1], strides = [1]} : vector<16xi32> to vector<1xi32>
      %squeeze3A_2376 = vector.extract %slice3A_2375[0] : i32 from vector<1xi32>
      %shift_right_arithmetic3A_2377 = arith.constant 3 : i32
      %shift_right_arithmetic3A_2378 = arith.shrsi %squeeze3A_2374, %shift_right_arithmetic3A_2377 : i32
      %and3A_2379 = arith.constant 7 : i32
      %and3A_2380 = arith.andi %squeeze3A_2374, %and3A_2379 : i32
      %dma_start3A_2381 = arith.constant 3 : i32
      %dma_start3A_2382 = arith.constant 0 : i32
      %dma_start3A_2383 = tpu.memref_slice %arg9[%dma_start3A_2381, %dma_start3A_2382] : memref<8x64xf32, #tpu.memory_space<vmem>> -> memref<1x64xf32, #tpu.memory_space<vmem>>
      %dma_start3A_2384 = tpu.memref_squeeze %dma_start3A_2383 : memref<1x64xf32, #tpu.memory_space<vmem>> -> memref<64xf32, #tpu.memory_space<vmem>>
      %dma_start3A_2385 = arith.constant 0 : i32
      %dma_start3A_2386 = tpu.memref_slice %arg4[%shift_right_arithmetic3A_2378, %and3A_2380, %dma_start3A_2385] : memref<125000x8x64xf32, #tpu.memory_space<hbm>> -> memref<1x1x64xf32, #tpu.memory_space<hbm>>
      %dma_start3A_2387 = tpu.memref_squeeze %dma_start3A_2386 : memref<1x1x64xf32, #tpu.memory_space<hbm>> -> memref<64xf32, #tpu.memory_space<hbm>>
      %dma_start3A_2388 = arith.constant 0 : i32
      %dma_start3A_2389 = tpu.memref_slice %arg9[%dma_start3A_2381, %dma_start3A_2388] : memref<8x64xf32, #tpu.memory_space<vmem>> -> memref<1x64xf32, #tpu.memory_space<vmem>>
      %dma_start3A_2390 = tpu.memref_squeeze %dma_start3A_2389 : memref<1x64xf32, #tpu.memory_space<vmem>> -> memref<64xf32, #tpu.memory_space<vmem>>
      %dma_start3A_2391 = arith.constant 0 : i32
      %dma_start3A_2392 = tpu.memref_slice %arg4[%shift_right_arithmetic3A_2378, %and3A_2380, %dma_start3A_2391] : memref<125000x8x64xf32, #tpu.memory_space<hbm>> -> memref<1x1x64xf32, #tpu.memory_space<hbm>>
      %dma_start3A_2393 = tpu.memref_squeeze %dma_start3A_2392 : memref<1x1x64xf32, #tpu.memory_space<hbm>> -> memref<64xf32, #tpu.memory_space<hbm>>
      tpu.enqueue_dma source(%dma_start3A_2393 : memref<64xf32, #tpu.memory_space<hbm>>) target(%dma_start3A_2390 : memref<64xf32, #tpu.memory_space<vmem>>) target_semaphore(%arg15 : memref<!tpu.dma_semaphore, #tpu.memory_space<semaphore_mem>>)
      %shift_right_arithmetic3A_2394 = arith.constant 3 : i32
      %shift_right_arithmetic3A_2395 = arith.shrsi %squeeze3A_2376, %shift_right_arithmetic3A_2394 : i32
      %and3A_2396 = arith.constant 7 : i32
      %and3A_2397 = arith.andi %squeeze3A_2376, %and3A_2396 : i32
      %dma_start3A_2398 = arith.constant 3 : i32
      %dma_start3A_2399 = arith.constant 0 : i32
      %dma_start3A_2400 = tpu.memref_slice %arg10[%dma_start3A_2398, %dma_start3A_2399] : memref<8x64xf32, #tpu.memory_space<vmem>> -> memref<1x64xf32, #tpu.memory_space<vmem>>
      %dma_start3A_2401 = tpu.memref_squeeze %dma_start3A_2400 : memref<1x64xf32, #tpu.memory_space<vmem>> -> memref<64xf32, #tpu.memory_space<vmem>>
      %dma_start3A_2402 = arith.constant 0 : i32
      %dma_start3A_2403 = tpu.memref_slice %arg5[%shift_right_arithmetic3A_2395, %and3A_2397, %dma_start3A_2402] : memref<125000x8x64xf32, #tpu.memory_space<hbm>> -> memref<1x1x64xf32, #tpu.memory_space<hbm>>
      %dma_start3A_2404 = tpu.memref_squeeze %dma_start3A_2403 : memref<1x1x64xf32, #tpu.memory_space<hbm>> -> memref<64xf32, #tpu.memory_space<hbm>>
      %dma_start3A_2405 = arith.constant 0 : i32
      %dma_start3A_2406 = tpu.memref_slice %arg10[%dma_start3A_2398, %dma_start3A_2405] : memref<8x64xf32, #tpu.memory_space<vmem>> -> memref<1x64xf32, #tpu.memory_space<vmem>>
      %dma_start3A_2407 = tpu.memref_squeeze %dma_start3A_2406 : memref<1x64xf32, #tpu.memory_space<vmem>> -> memref<64xf32, #tpu.memory_space<vmem>>
      %dma_start3A_2408 = arith.constant 0 : i32
      %dma_start3A_2409 = tpu.memref_slice %arg5[%shift_right_arithmetic3A_2395, %and3A_2397, %dma_start3A_2408] : memref<125000x8x64xf32, #tpu.memory_space<hbm>> -> memref<1x1x64xf32, #tpu.memory_space<hbm>>
      %dma_start3A_2410 = tpu.memref_squeeze %dma_start3A_2409 : memref<1x1x64xf32, #tpu.memory_space<hbm>> -> memref<64xf32, #tpu.memory_space<hbm>>
      tpu.enqueue_dma source(%dma_start3A_2410 : memref<64xf32, #tpu.memory_space<hbm>>) target(%dma_start3A_2407 : memref<64xf32, #tpu.memory_space<vmem>>) target_semaphore(%arg23 : memref<!tpu.dma_semaphore, #tpu.memory_space<semaphore_mem>>)
      %dma_wait3A_2411 = arith.constant 0 : i32
      %dma_wait3A_2412 = arith.constant 0 : i32
      %dma_wait3A_2413 = arith.constant 4 : i32
      %dma_wait3A_2414 = arith.constant 0 : i32
      %dma_wait3A_2415 = tpu.memref_slice %arg9[%dma_wait3A_2413, %dma_wait3A_2414] : memref<8x64xf32, #tpu.memory_space<vmem>> -> memref<1x64xf32, #tpu.memory_space<vmem>>
      %dma_wait3A_2416 = tpu.memref_squeeze %dma_wait3A_2415 : memref<1x64xf32, #tpu.memory_space<vmem>> -> memref<64xf32, #tpu.memory_space<vmem>>
      %dma_wait3A_2417 = arith.constant 0 : i32
      %dma_wait3A_2418 = tpu.memref_slice %arg4[%dma_wait3A_2411, %dma_wait3A_2412, %dma_wait3A_2417] : memref<125000x8x64xf32, #tpu.memory_space<hbm>> -> memref<1x1x64xf32, #tpu.memory_space<hbm>>
      %dma_wait3A_2419 = tpu.memref_squeeze %dma_wait3A_2418 : memref<1x1x64xf32, #tpu.memory_space<hbm>> -> memref<64xf32, #tpu.memory_space<hbm>>
      %dma_wait3A_2420 = arith.constant 0 : i32
      %dma_wait3A_2421 = tpu.memref_slice %arg9[%dma_wait3A_2413, %dma_wait3A_2420] : memref<8x64xf32, #tpu.memory_space<vmem>> -> memref<1x64xf32, #tpu.memory_space<vmem>>
      %dma_wait3A_2422 = tpu.memref_squeeze %dma_wait3A_2421 : memref<1x64xf32, #tpu.memory_space<vmem>> -> memref<64xf32, #tpu.memory_space<vmem>>
      %dma_wait3A_2423 = arith.constant 0 : i32
      %dma_wait3A_2424 = tpu.memref_slice %arg4[%dma_wait3A_2411, %dma_wait3A_2412, %dma_wait3A_2423] : memref<125000x8x64xf32, #tpu.memory_space<hbm>> -> memref<1x1x64xf32, #tpu.memory_space<hbm>>
      %dma_wait3A_2425 = tpu.memref_squeeze %dma_wait3A_2424 : memref<1x1x64xf32, #tpu.memory_space<hbm>> -> memref<64xf32, #tpu.memory_space<hbm>>
      tpu.wait_dma2 semaphore(%arg16 : memref<!tpu.dma_semaphore, #tpu.memory_space<semaphore_mem>>) src(%dma_wait3A_2425 : memref<64xf32, #tpu.memory_space<hbm>>) dst(%dma_wait3A_2422 : memref<64xf32, #tpu.memory_space<vmem>>)
      %dma_wait3A_2426 = arith.constant 0 : i32
      %dma_wait3A_2427 = arith.constant 0 : i32
      %dma_wait3A_2428 = arith.constant 4 : i32
      %dma_wait3A_2429 = arith.constant 0 : i32
      %dma_wait3A_2430 = tpu.memref_slice %arg10[%dma_wait3A_2428, %dma_wait3A_2429] : memref<8x64xf32, #tpu.memory_space<vmem>> -> memref<1x64xf32, #tpu.memory_space<vmem>>
      %dma_wait3A_2431 = tpu.memref_squeeze %dma_wait3A_2430 : memref<1x64xf32, #tpu.memory_space<vmem>> -> memref<64xf32, #tpu.memory_space<vmem>>
      %dma_wait3A_2432 = arith.constant 0 : i32
      %dma_wait3A_2433 = tpu.memref_slice %arg5[%dma_wait3A_2426, %dma_wait3A_2427, %dma_wait3A_2432] : memref<125000x8x64xf32, #tpu.memory_space<hbm>> -> memref<1x1x64xf32, #tpu.memory_space<hbm>>
      %dma_wait3A_2434 = tpu.memref_squeeze %dma_wait3A_2433 : memref<1x1x64xf32, #tpu.memory_space<hbm>> -> memref<64xf32, #tpu.memory_space<hbm>>
      %dma_wait3A_2435 = arith.constant 0 : i32
      %dma_wait3A_2436 = tpu.memref_slice %arg10[%dma_wait3A_2428, %dma_wait3A_2435] : memref<8x64xf32, #tpu.memory_space<vmem>> -> memref<1x64xf32, #tpu.memory_space<vmem>>
      %dma_wait3A_2437 = tpu.memref_squeeze %dma_wait3A_2436 : memref<1x64xf32, #tpu.memory_space<vmem>> -> memref<64xf32, #tpu.memory_space<vmem>>
      %dma_wait3A_2438 = arith.constant 0 : i32
      %dma_wait3A_2439 = tpu.memref_slice %arg5[%dma_wait3A_2426, %dma_wait3A_2427, %dma_wait3A_2438] : memref<125000x8x64xf32, #tpu.memory_space<hbm>> -> memref<1x1x64xf32, #tpu.memory_space<hbm>>
      %dma_wait3A_2440 = tpu.memref_squeeze %dma_wait3A_2439 : memref<1x1x64xf32, #tpu.memory_space<hbm>> -> memref<64xf32, #tpu.memory_space<hbm>>
      tpu.wait_dma2 semaphore(%arg24 : memref<!tpu.dma_semaphore, #tpu.memory_space<semaphore_mem>>) src(%dma_wait3A_2440 : memref<64xf32, #tpu.memory_space<hbm>>) dst(%dma_wait3A_2437 : memref<64xf32, #tpu.memory_space<vmem>>)
      %broadcast_in_dim3A_2441 = arith.constant 0.000000e+00 : f32
      %broadcast_in_dim3A_2442 = vector.broadcast %broadcast_in_dim3A_2441 : f32 to vector<16xf32>
      %get3A_2443 = arith.constant 4 : i32
      %get3A_2444 = arith.index_cast %get3A_2443 : i32 to index
      %get3A_2445 = arith.constant 0 : index
      %get3A_2446 = tpu.vector_load %arg9[%get3A_2444, %get3A_2445] {strides = array<i32>} : memref<8x64xf32, #tpu.memory_space<vmem>>, vector<16xf32>,
      %get3A_2447 = arith.constant 4 : i32
      %get3A_2448 = arith.index_cast %get3A_2447 : i32 to index
      %get3A_2449 = arith.constant 0 : index
      %get3A_2450 = tpu.vector_load %arg10[%get3A_2448, %get3A_2449] {strides = array<i32>} : memref<8x64xf32, #tpu.memory_space<vmem>>, vector<16xf32>,
      %mul3A_2451 = arith.mulf %get3A_2446, %get3A_2450 : vector<16xf32>
      %add3A_2452 = arith.addf %broadcast_in_dim3A_2442, %mul3A_2451 : vector<16xf32>
      %get3A_2453 = arith.constant 4 : i32
      %get3A_2454 = arith.index_cast %get3A_2453 : i32 to index
      %get3A_2455 = arith.constant 16 : index
      %get3A_2456 = tpu.vector_load %arg9[%get3A_2454, %get3A_2455] {strides = array<i32>} : memref<8x64xf32, #tpu.memory_space<vmem>>, vector<16xf32>,
      %get3A_2457 = arith.constant 4 : i32
      %get3A_2458 = arith.index_cast %get3A_2457 : i32 to index
      %get3A_2459 = arith.constant 16 : index
      %get3A_2460 = tpu.vector_load %arg10[%get3A_2458, %get3A_2459] {strides = array<i32>} : memref<8x64xf32, #tpu.memory_space<vmem>>, vector<16xf32>,
      %mul3A_2461 = arith.mulf %get3A_2456, %get3A_2460 : vector<16xf32>
      %add3A_2462 = arith.addf %add3A_2452, %mul3A_2461 : vector<16xf32>
      %get3A_2463 = arith.constant 4 : i32
      %get3A_2464 = arith.index_cast %get3A_2463 : i32 to index
      %get3A_2465 = arith.constant 32 : index
      %get3A_2466 = tpu.vector_load %arg9[%get3A_2464, %get3A_2465] {strides = array<i32>} : memref<8x64xf32, #tpu.memory_space<vmem>>, vector<16xf32>,
      %get3A_2467 = arith.constant 4 : i32
      %get3A_2468 = arith.index_cast %get3A_2467 : i32 to index
      %get3A_2469 = arith.constant 32 : index
      %get3A_2470 = tpu.vector_load %arg10[%get3A_2468, %get3A_2469] {strides = array<i32>} : memref<8x64xf32, #tpu.memory_space<vmem>>, vector<16xf32>,
      %mul3A_2471 = arith.mulf %get3A_2466, %get3A_2470 : vector<16xf32>
      %add3A_2472 = arith.addf %add3A_2462, %mul3A_2471 : vector<16xf32>
      %get3A_2473 = arith.constant 4 : i32
      %get3A_2474 = arith.index_cast %get3A_2473 : i32 to index
      %get3A_2475 = arith.constant 48 : index
      %get3A_2476 = tpu.vector_load %arg9[%get3A_2474, %get3A_2475] {strides = array<i32>} : memref<8x64xf32, #tpu.memory_space<vmem>>, vector<16xf32>,
      %get3A_2477 = arith.constant 4 : i32
      %get3A_2478 = arith.index_cast %get3A_2477 : i32 to index
      %get3A_2479 = arith.constant 48 : index
      %get3A_2480 = tpu.vector_load %arg10[%get3A_2478, %get3A_2479] {strides = array<i32>} : memref<8x64xf32, #tpu.memory_space<vmem>>, vector<16xf32>,
      %mul3A_2481 = arith.mulf %get3A_2476, %get3A_2480 : vector<16xf32>
      %add3A_2482 = arith.addf %add3A_2472, %mul3A_2481 : vector<16xf32>
      %reduce_sum3A_2483 = arith.constant true
      %reduce_sum3A_2484 = vector.broadcast %reduce_sum3A_2483 : i1 to vector<16xi1>
      %reduce_sum3A_2485 = tpu.scan <sum>, %add3A_2482 masked %reduce_sum3A_2484 : vector<16xf32>, vector<16xi1> -> vector<16xf32>
      %reduce_sum3A_2486 = vector.extract %reduce_sum3A_2485[15] : f32 from vector<16xf32>
      %eq3A_2487 = arith.constant 4 : i32
      %eq3A_2488 = vector.broadcast %eq3A_2487 : i32 to vector<16xi32>
      %eq3A_2489 = arith.cmpi eq, %iota3A, %eq3A_2488 : vector<16xi32>
      %broadcast_in_dim3A_2490 = vector.broadcast %reduce_sum3A_2486 : f32 to vector<16xf32>
      %select_n3A_2491 = arith.select %eq3A_2489, %broadcast_in_dim3A_2490, %select_n3A_2372 : vector<16xi1>, vector<16xf32>
      %slice3A_2492 = vector.extract_strided_slice %get3A_1916 {offsets = [12], sizes = [1], strides = [1]} : vector<16xi32> to vector<1xi32>
      %squeeze3A_2493 = vector.extract %slice3A_2492[0] : i32 from vector<1xi32>
      %slice3A_2494 = vector.extract_strided_slice %get3A_1920 {offsets = [12], sizes = [1], strides = [1]} : vector<16xi32> to vector<1xi32>
      %squeeze3A_2495 = vector.extract %slice3A_2494[0] : i32 from vector<1xi32>
      %shift_right_arithmetic3A_2496 = arith.constant 3 : i32
      %shift_right_arithmetic3A_2497 = arith.shrsi %squeeze3A_2493, %shift_right_arithmetic3A_2496 : i32
      %and3A_2498 = arith.constant 7 : i32
      %and3A_2499 = arith.andi %squeeze3A_2493, %and3A_2498 : i32
      %dma_start3A_2500 = arith.constant 4 : i32
      %dma_start3A_2501 = arith.constant 0 : i32
      %dma_start3A_2502 = tpu.memref_slice %arg9[%dma_start3A_2500, %dma_start3A_2501] : memref<8x64xf32, #tpu.memory_space<vmem>> -> memref<1x64xf32, #tpu.memory_space<vmem>>
      %dma_start3A_2503 = tpu.memref_squeeze %dma_start3A_2502 : memref<1x64xf32, #tpu.memory_space<vmem>> -> memref<64xf32, #tpu.memory_space<vmem>>
      %dma_start3A_2504 = arith.constant 0 : i32
      %dma_start3A_2505 = tpu.memref_slice %arg4[%shift_right_arithmetic3A_2497, %and3A_2499, %dma_start3A_2504] : memref<125000x8x64xf32, #tpu.memory_space<hbm>> -> memref<1x1x64xf32, #tpu.memory_space<hbm>>
      %dma_start3A_2506 = tpu.memref_squeeze %dma_start3A_2505 : memref<1x1x64xf32, #tpu.memory_space<hbm>> -> memref<64xf32, #tpu.memory_space<hbm>>
      %dma_start3A_2507 = arith.constant 0 : i32
      %dma_start3A_2508 = tpu.memref_slice %arg9[%dma_start3A_2500, %dma_start3A_2507] : memref<8x64xf32, #tpu.memory_space<vmem>> -> memref<1x64xf32, #tpu.memory_space<vmem>>
      %dma_start3A_2509 = tpu.memref_squeeze %dma_start3A_2508 : memref<1x64xf32, #tpu.memory_space<vmem>> -> memref<64xf32, #tpu.memory_space<vmem>>
      %dma_start3A_2510 = arith.constant 0 : i32
      %dma_start3A_2511 = tpu.memref_slice %arg4[%shift_right_arithmetic3A_2497, %and3A_2499, %dma_start3A_2510] : memref<125000x8x64xf32, #tpu.memory_space<hbm>> -> memref<1x1x64xf32, #tpu.memory_space<hbm>>
      %dma_start3A_2512 = tpu.memref_squeeze %dma_start3A_2511 : memref<1x1x64xf32, #tpu.memory_space<hbm>> -> memref<64xf32, #tpu.memory_space<hbm>>
      tpu.enqueue_dma source(%dma_start3A_2512 : memref<64xf32, #tpu.memory_space<hbm>>) target(%dma_start3A_2509 : memref<64xf32, #tpu.memory_space<vmem>>) target_semaphore(%arg16 : memref<!tpu.dma_semaphore, #tpu.memory_space<semaphore_mem>>)
      %shift_right_arithmetic3A_2513 = arith.constant 3 : i32
      %shift_right_arithmetic3A_2514 = arith.shrsi %squeeze3A_2495, %shift_right_arithmetic3A_2513 : i32
      %and3A_2515 = arith.constant 7 : i32
      %and3A_2516 = arith.andi %squeeze3A_2495, %and3A_2515 : i32
      %dma_start3A_2517 = arith.constant 4 : i32
      %dma_start3A_2518 = arith.constant 0 : i32
      %dma_start3A_2519 = tpu.memref_slice %arg10[%dma_start3A_2517, %dma_start3A_2518] : memref<8x64xf32, #tpu.memory_space<vmem>> -> memref<1x64xf32, #tpu.memory_space<vmem>>
      %dma_start3A_2520 = tpu.memref_squeeze %dma_start3A_2519 : memref<1x64xf32, #tpu.memory_space<vmem>> -> memref<64xf32, #tpu.memory_space<vmem>>
      %dma_start3A_2521 = arith.constant 0 : i32
      %dma_start3A_2522 = tpu.memref_slice %arg5[%shift_right_arithmetic3A_2514, %and3A_2516, %dma_start3A_2521] : memref<125000x8x64xf32, #tpu.memory_space<hbm>> -> memref<1x1x64xf32, #tpu.memory_space<hbm>>
      %dma_start3A_2523 = tpu.memref_squeeze %dma_start3A_2522 : memref<1x1x64xf32, #tpu.memory_space<hbm>> -> memref<64xf32, #tpu.memory_space<hbm>>
      %dma_start3A_2524 = arith.constant 0 : i32
      %dma_start3A_2525 = tpu.memref_slice %arg10[%dma_start3A_2517, %dma_start3A_2524] : memref<8x64xf32, #tpu.memory_space<vmem>> -> memref<1x64xf32, #tpu.memory_space<vmem>>
      %dma_start3A_2526 = tpu.memref_squeeze %dma_start3A_2525 : memref<1x64xf32, #tpu.memory_space<vmem>> -> memref<64xf32, #tpu.memory_space<vmem>>
      %dma_start3A_2527 = arith.constant 0 : i32
      %dma_start3A_2528 = tpu.memref_slice %arg5[%shift_right_arithmetic3A_2514, %and3A_2516, %dma_start3A_2527] : memref<125000x8x64xf32, #tpu.memory_space<hbm>> -> memref<1x1x64xf32, #tpu.memory_space<hbm>>
      %dma_start3A_2529 = tpu.memref_squeeze %dma_start3A_2528 : memref<1x1x64xf32, #tpu.memory_space<hbm>> -> memref<64xf32, #tpu.memory_space<hbm>>
      tpu.enqueue_dma source(%dma_start3A_2529 : memref<64xf32, #tpu.memory_space<hbm>>) target(%dma_start3A_2526 : memref<64xf32, #tpu.memory_space<vmem>>) target_semaphore(%arg24 : memref<!tpu.dma_semaphore, #tpu.memory_space<semaphore_mem>>)
      %dma_wait3A_2530 = arith.constant 0 : i32
      %dma_wait3A_2531 = arith.constant 0 : i32
      %dma_wait3A_2532 = arith.constant 5 : i32
      %dma_wait3A_2533 = arith.constant 0 : i32
      %dma_wait3A_2534 = tpu.memref_slice %arg9[%dma_wait3A_2532, %dma_wait3A_2533] : memref<8x64xf32, #tpu.memory_space<vmem>> -> memref<1x64xf32, #tpu.memory_space<vmem>>
      %dma_wait3A_2535 = tpu.memref_squeeze %dma_wait3A_2534 : memref<1x64xf32, #tpu.memory_space<vmem>> -> memref<64xf32, #tpu.memory_space<vmem>>
      %dma_wait3A_2536 = arith.constant 0 : i32
      %dma_wait3A_2537 = tpu.memref_slice %arg4[%dma_wait3A_2530, %dma_wait3A_2531, %dma_wait3A_2536] : memref<125000x8x64xf32, #tpu.memory_space<hbm>> -> memref<1x1x64xf32, #tpu.memory_space<hbm>>
      %dma_wait3A_2538 = tpu.memref_squeeze %dma_wait3A_2537 : memref<1x1x64xf32, #tpu.memory_space<hbm>> -> memref<64xf32, #tpu.memory_space<hbm>>
      %dma_wait3A_2539 = arith.constant 0 : i32
      %dma_wait3A_2540 = tpu.memref_slice %arg9[%dma_wait3A_2532, %dma_wait3A_2539] : memref<8x64xf32, #tpu.memory_space<vmem>> -> memref<1x64xf32, #tpu.memory_space<vmem>>
      %dma_wait3A_2541 = tpu.memref_squeeze %dma_wait3A_2540 : memref<1x64xf32, #tpu.memory_space<vmem>> -> memref<64xf32, #tpu.memory_space<vmem>>
      %dma_wait3A_2542 = arith.constant 0 : i32
      %dma_wait3A_2543 = tpu.memref_slice %arg4[%dma_wait3A_2530, %dma_wait3A_2531, %dma_wait3A_2542] : memref<125000x8x64xf32, #tpu.memory_space<hbm>> -> memref<1x1x64xf32, #tpu.memory_space<hbm>>
      %dma_wait3A_2544 = tpu.memref_squeeze %dma_wait3A_2543 : memref<1x1x64xf32, #tpu.memory_space<hbm>> -> memref<64xf32, #tpu.memory_space<hbm>>
      tpu.wait_dma2 semaphore(%arg17 : memref<!tpu.dma_semaphore, #tpu.memory_space<semaphore_mem>>) src(%dma_wait3A_2544 : memref<64xf32, #tpu.memory_space<hbm>>) dst(%dma_wait3A_2541 : memref<64xf32, #tpu.memory_space<vmem>>)
      %dma_wait3A_2545 = arith.constant 0 : i32
      %dma_wait3A_2546 = arith.constant 0 : i32
      %dma_wait3A_2547 = arith.constant 5 : i32
      %dma_wait3A_2548 = arith.constant 0 : i32
      %dma_wait3A_2549 = tpu.memref_slice %arg10[%dma_wait3A_2547, %dma_wait3A_2548] : memref<8x64xf32, #tpu.memory_space<vmem>> -> memref<1x64xf32, #tpu.memory_space<vmem>>
      %dma_wait3A_2550 = tpu.memref_squeeze %dma_wait3A_2549 : memref<1x64xf32, #tpu.memory_space<vmem>> -> memref<64xf32, #tpu.memory_space<vmem>>
      %dma_wait3A_2551 = arith.constant 0 : i32
      %dma_wait3A_2552 = tpu.memref_slice %arg5[%dma_wait3A_2545, %dma_wait3A_2546, %dma_wait3A_2551] : memref<125000x8x64xf32, #tpu.memory_space<hbm>> -> memref<1x1x64xf32, #tpu.memory_space<hbm>>
      %dma_wait3A_2553 = tpu.memref_squeeze %dma_wait3A_2552 : memref<1x1x64xf32, #tpu.memory_space<hbm>> -> memref<64xf32, #tpu.memory_space<hbm>>
      %dma_wait3A_2554 = arith.constant 0 : i32
      %dma_wait3A_2555 = tpu.memref_slice %arg10[%dma_wait3A_2547, %dma_wait3A_2554] : memref<8x64xf32, #tpu.memory_space<vmem>> -> memref<1x64xf32, #tpu.memory_space<vmem>>
      %dma_wait3A_2556 = tpu.memref_squeeze %dma_wait3A_2555 : memref<1x64xf32, #tpu.memory_space<vmem>> -> memref<64xf32, #tpu.memory_space<vmem>>
      %dma_wait3A_2557 = arith.constant 0 : i32
      %dma_wait3A_2558 = tpu.memref_slice %arg5[%dma_wait3A_2545, %dma_wait3A_2546, %dma_wait3A_2557] : memref<125000x8x64xf32, #tpu.memory_space<hbm>> -> memref<1x1x64xf32, #tpu.memory_space<hbm>>
      %dma_wait3A_2559 = tpu.memref_squeeze %dma_wait3A_2558 : memref<1x1x64xf32, #tpu.memory_space<hbm>> -> memref<64xf32, #tpu.memory_space<hbm>>
      tpu.wait_dma2 semaphore(%arg25 : memref<!tpu.dma_semaphore, #tpu.memory_space<semaphore_mem>>) src(%dma_wait3A_2559 : memref<64xf32, #tpu.memory_space<hbm>>) dst(%dma_wait3A_2556 : memref<64xf32, #tpu.memory_space<vmem>>)
      %broadcast_in_dim3A_2560 = arith.constant 0.000000e+00 : f32
      %broadcast_in_dim3A_2561 = vector.broadcast %broadcast_in_dim3A_2560 : f32 to vector<16xf32>
      %get3A_2562 = arith.constant 5 : i32
      %get3A_2563 = arith.index_cast %get3A_2562 : i32 to index
      %get3A_2564 = arith.constant 0 : index
      %get3A_2565 = tpu.vector_load %arg9[%get3A_2563, %get3A_2564] {strides = array<i32>} : memref<8x64xf32, #tpu.memory_space<vmem>>, vector<16xf32>,
      %get3A_2566 = arith.constant 5 : i32
      %get3A_2567 = arith.index_cast %get3A_2566 : i32 to index
      %get3A_2568 = arith.constant 0 : index
      %get3A_2569 = tpu.vector_load %arg10[%get3A_2567, %get3A_2568] {strides = array<i32>} : memref<8x64xf32, #tpu.memory_space<vmem>>, vector<16xf32>,
      %mul3A_2570 = arith.mulf %get3A_2565, %get3A_2569 : vector<16xf32>
      %add3A_2571 = arith.addf %broadcast_in_dim3A_2561, %mul3A_2570 : vector<16xf32>
      %get3A_2572 = arith.constant 5 : i32
      %get3A_2573 = arith.index_cast %get3A_2572 : i32 to index
      %get3A_2574 = arith.constant 16 : index
      %get3A_2575 = tpu.vector_load %arg9[%get3A_2573, %get3A_2574] {strides = array<i32>} : memref<8x64xf32, #tpu.memory_space<vmem>>, vector<16xf32>,
      %get3A_2576 = arith.constant 5 : i32
      %get3A_2577 = arith.index_cast %get3A_2576 : i32 to index
      %get3A_2578 = arith.constant 16 : index
      %get3A_2579 = tpu.vector_load %arg10[%get3A_2577, %get3A_2578] {strides = array<i32>} : memref<8x64xf32, #tpu.memory_space<vmem>>, vector<16xf32>,
      %mul3A_2580 = arith.mulf %get3A_2575, %get3A_2579 : vector<16xf32>
      %add3A_2581 = arith.addf %add3A_2571, %mul3A_2580 : vector<16xf32>
      %get3A_2582 = arith.constant 5 : i32
      %get3A_2583 = arith.index_cast %get3A_2582 : i32 to index
      %get3A_2584 = arith.constant 32 : index
      %get3A_2585 = tpu.vector_load %arg9[%get3A_2583, %get3A_2584] {strides = array<i32>} : memref<8x64xf32, #tpu.memory_space<vmem>>, vector<16xf32>,
      %get3A_2586 = arith.constant 5 : i32
      %get3A_2587 = arith.index_cast %get3A_2586 : i32 to index
      %get3A_2588 = arith.constant 32 : index
      %get3A_2589 = tpu.vector_load %arg10[%get3A_2587, %get3A_2588] {strides = array<i32>} : memref<8x64xf32, #tpu.memory_space<vmem>>, vector<16xf32>,
      %mul3A_2590 = arith.mulf %get3A_2585, %get3A_2589 : vector<16xf32>
      %add3A_2591 = arith.addf %add3A_2581, %mul3A_2590 : vector<16xf32>
      %get3A_2592 = arith.constant 5 : i32
      %get3A_2593 = arith.index_cast %get3A_2592 : i32 to index
      %get3A_2594 = arith.constant 48 : index
      %get3A_2595 = tpu.vector_load %arg9[%get3A_2593, %get3A_2594] {strides = array<i32>} : memref<8x64xf32, #tpu.memory_space<vmem>>, vector<16xf32>,
      %get3A_2596 = arith.constant 5 : i32
      %get3A_2597 = arith.index_cast %get3A_2596 : i32 to index
      %get3A_2598 = arith.constant 48 : index
      %get3A_2599 = tpu.vector_load %arg10[%get3A_2597, %get3A_2598] {strides = array<i32>} : memref<8x64xf32, #tpu.memory_space<vmem>>, vector<16xf32>,
      %mul3A_2600 = arith.mulf %get3A_2595, %get3A_2599 : vector<16xf32>
      %add3A_2601 = arith.addf %add3A_2591, %mul3A_2600 : vector<16xf32>
      %reduce_sum3A_2602 = arith.constant true
      %reduce_sum3A_2603 = vector.broadcast %reduce_sum3A_2602 : i1 to vector<16xi1>
      %reduce_sum3A_2604 = tpu.scan <sum>, %add3A_2601 masked %reduce_sum3A_2603 : vector<16xf32>, vector<16xi1> -> vector<16xf32>
      %reduce_sum3A_2605 = vector.extract %reduce_sum3A_2604[15] : f32 from vector<16xf32>
      %eq3A_2606 = arith.constant 5 : i32
      %eq3A_2607 = vector.broadcast %eq3A_2606 : i32 to vector<16xi32>
      %eq3A_2608 = arith.cmpi eq, %iota3A, %eq3A_2607 : vector<16xi32>
      %broadcast_in_dim3A_2609 = vector.broadcast %reduce_sum3A_2605 : f32 to vector<16xf32>
      %select_n3A_2610 = arith.select %eq3A_2608, %broadcast_in_dim3A_2609, %select_n3A_2491 : vector<16xi1>, vector<16xf32>
      %slice3A_2611 = vector.extract_strided_slice %get3A_1916 {offsets = [13], sizes = [1], strides = [1]} : vector<16xi32> to vector<1xi32>
      %squeeze3A_2612 = vector.extract %slice3A_2611[0] : i32 from vector<1xi32>
      %slice3A_2613 = vector.extract_strided_slice %get3A_1920 {offsets = [13], sizes = [1], strides = [1]} : vector<16xi32> to vector<1xi32>
      %squeeze3A_2614 = vector.extract %slice3A_2613[0] : i32 from vector<1xi32>
      %shift_right_arithmetic3A_2615 = arith.constant 3 : i32
      %shift_right_arithmetic3A_2616 = arith.shrsi %squeeze3A_2612, %shift_right_arithmetic3A_2615 : i32
      %and3A_2617 = arith.constant 7 : i32
      %and3A_2618 = arith.andi %squeeze3A_2612, %and3A_2617 : i32
      %dma_start3A_2619 = arith.constant 5 : i32
      %dma_start3A_2620 = arith.constant 0 : i32
      %dma_start3A_2621 = tpu.memref_slice %arg9[%dma_start3A_2619, %dma_start3A_2620] : memref<8x64xf32, #tpu.memory_space<vmem>> -> memref<1x64xf32, #tpu.memory_space<vmem>>
      %dma_start3A_2622 = tpu.memref_squeeze %dma_start3A_2621 : memref<1x64xf32, #tpu.memory_space<vmem>> -> memref<64xf32, #tpu.memory_space<vmem>>
      %dma_start3A_2623 = arith.constant 0 : i32
      %dma_start3A_2624 = tpu.memref_slice %arg4[%shift_right_arithmetic3A_2616, %and3A_2618, %dma_start3A_2623] : memref<125000x8x64xf32, #tpu.memory_space<hbm>> -> memref<1x1x64xf32, #tpu.memory_space<hbm>>
      %dma_start3A_2625 = tpu.memref_squeeze %dma_start3A_2624 : memref<1x1x64xf32, #tpu.memory_space<hbm>> -> memref<64xf32, #tpu.memory_space<hbm>>
      %dma_start3A_2626 = arith.constant 0 : i32
      %dma_start3A_2627 = tpu.memref_slice %arg9[%dma_start3A_2619, %dma_start3A_2626] : memref<8x64xf32, #tpu.memory_space<vmem>> -> memref<1x64xf32, #tpu.memory_space<vmem>>
      %dma_start3A_2628 = tpu.memref_squeeze %dma_start3A_2627 : memref<1x64xf32, #tpu.memory_space<vmem>> -> memref<64xf32, #tpu.memory_space<vmem>>
      %dma_start3A_2629 = arith.constant 0 : i32
      %dma_start3A_2630 = tpu.memref_slice %arg4[%shift_right_arithmetic3A_2616, %and3A_2618, %dma_start3A_2629] : memref<125000x8x64xf32, #tpu.memory_space<hbm>> -> memref<1x1x64xf32, #tpu.memory_space<hbm>>
      %dma_start3A_2631 = tpu.memref_squeeze %dma_start3A_2630 : memref<1x1x64xf32, #tpu.memory_space<hbm>> -> memref<64xf32, #tpu.memory_space<hbm>>
      tpu.enqueue_dma source(%dma_start3A_2631 : memref<64xf32, #tpu.memory_space<hbm>>) target(%dma_start3A_2628 : memref<64xf32, #tpu.memory_space<vmem>>) target_semaphore(%arg17 : memref<!tpu.dma_semaphore, #tpu.memory_space<semaphore_mem>>)
      %shift_right_arithmetic3A_2632 = arith.constant 3 : i32
      %shift_right_arithmetic3A_2633 = arith.shrsi %squeeze3A_2614, %shift_right_arithmetic3A_2632 : i32
      %and3A_2634 = arith.constant 7 : i32
      %and3A_2635 = arith.andi %squeeze3A_2614, %and3A_2634 : i32
      %dma_start3A_2636 = arith.constant 5 : i32
      %dma_start3A_2637 = arith.constant 0 : i32
      %dma_start3A_2638 = tpu.memref_slice %arg10[%dma_start3A_2636, %dma_start3A_2637] : memref<8x64xf32, #tpu.memory_space<vmem>> -> memref<1x64xf32, #tpu.memory_space<vmem>>
      %dma_start3A_2639 = tpu.memref_squeeze %dma_start3A_2638 : memref<1x64xf32, #tpu.memory_space<vmem>> -> memref<64xf32, #tpu.memory_space<vmem>>
      %dma_start3A_2640 = arith.constant 0 : i32
      %dma_start3A_2641 = tpu.memref_slice %arg5[%shift_right_arithmetic3A_2633, %and3A_2635, %dma_start3A_2640] : memref<125000x8x64xf32, #tpu.memory_space<hbm>> -> memref<1x1x64xf32, #tpu.memory_space<hbm>>
      %dma_start3A_2642 = tpu.memref_squeeze %dma_start3A_2641 : memref<1x1x64xf32, #tpu.memory_space<hbm>> -> memref<64xf32, #tpu.memory_space<hbm>>
      %dma_start3A_2643 = arith.constant 0 : i32
      %dma_start3A_2644 = tpu.memref_slice %arg10[%dma_start3A_2636, %dma_start3A_2643] : memref<8x64xf32, #tpu.memory_space<vmem>> -> memref<1x64xf32, #tpu.memory_space<vmem>>
      %dma_start3A_2645 = tpu.memref_squeeze %dma_start3A_2644 : memref<1x64xf32, #tpu.memory_space<vmem>> -> memref<64xf32, #tpu.memory_space<vmem>>
      %dma_start3A_2646 = arith.constant 0 : i32
      %dma_start3A_2647 = tpu.memref_slice %arg5[%shift_right_arithmetic3A_2633, %and3A_2635, %dma_start3A_2646] : memref<125000x8x64xf32, #tpu.memory_space<hbm>> -> memref<1x1x64xf32, #tpu.memory_space<hbm>>
      %dma_start3A_2648 = tpu.memref_squeeze %dma_start3A_2647 : memref<1x1x64xf32, #tpu.memory_space<hbm>> -> memref<64xf32, #tpu.memory_space<hbm>>
      tpu.enqueue_dma source(%dma_start3A_2648 : memref<64xf32, #tpu.memory_space<hbm>>) target(%dma_start3A_2645 : memref<64xf32, #tpu.memory_space<vmem>>) target_semaphore(%arg25 : memref<!tpu.dma_semaphore, #tpu.memory_space<semaphore_mem>>)
      %dma_wait3A_2649 = arith.constant 0 : i32
      %dma_wait3A_2650 = arith.constant 0 : i32
      %dma_wait3A_2651 = arith.constant 6 : i32
      %dma_wait3A_2652 = arith.constant 0 : i32
      %dma_wait3A_2653 = tpu.memref_slice %arg9[%dma_wait3A_2651, %dma_wait3A_2652] : memref<8x64xf32, #tpu.memory_space<vmem>> -> memref<1x64xf32, #tpu.memory_space<vmem>>
      %dma_wait3A_2654 = tpu.memref_squeeze %dma_wait3A_2653 : memref<1x64xf32, #tpu.memory_space<vmem>> -> memref<64xf32, #tpu.memory_space<vmem>>
      %dma_wait3A_2655 = arith.constant 0 : i32
      %dma_wait3A_2656 = tpu.memref_slice %arg4[%dma_wait3A_2649, %dma_wait3A_2650, %dma_wait3A_2655] : memref<125000x8x64xf32, #tpu.memory_space<hbm>> -> memref<1x1x64xf32, #tpu.memory_space<hbm>>
      %dma_wait3A_2657 = tpu.memref_squeeze %dma_wait3A_2656 : memref<1x1x64xf32, #tpu.memory_space<hbm>> -> memref<64xf32, #tpu.memory_space<hbm>>
      %dma_wait3A_2658 = arith.constant 0 : i32
      %dma_wait3A_2659 = tpu.memref_slice %arg9[%dma_wait3A_2651, %dma_wait3A_2658] : memref<8x64xf32, #tpu.memory_space<vmem>> -> memref<1x64xf32, #tpu.memory_space<vmem>>
      %dma_wait3A_2660 = tpu.memref_squeeze %dma_wait3A_2659 : memref<1x64xf32, #tpu.memory_space<vmem>> -> memref<64xf32, #tpu.memory_space<vmem>>
      %dma_wait3A_2661 = arith.constant 0 : i32
      %dma_wait3A_2662 = tpu.memref_slice %arg4[%dma_wait3A_2649, %dma_wait3A_2650, %dma_wait3A_2661] : memref<125000x8x64xf32, #tpu.memory_space<hbm>> -> memref<1x1x64xf32, #tpu.memory_space<hbm>>
      %dma_wait3A_2663 = tpu.memref_squeeze %dma_wait3A_2662 : memref<1x1x64xf32, #tpu.memory_space<hbm>> -> memref<64xf32, #tpu.memory_space<hbm>>
      tpu.wait_dma2 semaphore(%arg18 : memref<!tpu.dma_semaphore, #tpu.memory_space<semaphore_mem>>) src(%dma_wait3A_2663 : memref<64xf32, #tpu.memory_space<hbm>>) dst(%dma_wait3A_2660 : memref<64xf32, #tpu.memory_space<vmem>>)
      %dma_wait3A_2664 = arith.constant 0 : i32
      %dma_wait3A_2665 = arith.constant 0 : i32
      %dma_wait3A_2666 = arith.constant 6 : i32
      %dma_wait3A_2667 = arith.constant 0 : i32
      %dma_wait3A_2668 = tpu.memref_slice %arg10[%dma_wait3A_2666, %dma_wait3A_2667] : memref<8x64xf32, #tpu.memory_space<vmem>> -> memref<1x64xf32, #tpu.memory_space<vmem>>
      %dma_wait3A_2669 = tpu.memref_squeeze %dma_wait3A_2668 : memref<1x64xf32, #tpu.memory_space<vmem>> -> memref<64xf32, #tpu.memory_space<vmem>>
      %dma_wait3A_2670 = arith.constant 0 : i32
      %dma_wait3A_2671 = tpu.memref_slice %arg5[%dma_wait3A_2664, %dma_wait3A_2665, %dma_wait3A_2670] : memref<125000x8x64xf32, #tpu.memory_space<hbm>> -> memref<1x1x64xf32, #tpu.memory_space<hbm>>
      %dma_wait3A_2672 = tpu.memref_squeeze %dma_wait3A_2671 : memref<1x1x64xf32, #tpu.memory_space<hbm>> -> memref<64xf32, #tpu.memory_space<hbm>>
      %dma_wait3A_2673 = arith.constant 0 : i32
      %dma_wait3A_2674 = tpu.memref_slice %arg10[%dma_wait3A_2666, %dma_wait3A_2673] : memref<8x64xf32, #tpu.memory_space<vmem>> -> memref<1x64xf32, #tpu.memory_space<vmem>>
      %dma_wait3A_2675 = tpu.memref_squeeze %dma_wait3A_2674 : memref<1x64xf32, #tpu.memory_space<vmem>> -> memref<64xf32, #tpu.memory_space<vmem>>
      %dma_wait3A_2676 = arith.constant 0 : i32
      %dma_wait3A_2677 = tpu.memref_slice %arg5[%dma_wait3A_2664, %dma_wait3A_2665, %dma_wait3A_2676] : memref<125000x8x64xf32, #tpu.memory_space<hbm>> -> memref<1x1x64xf32, #tpu.memory_space<hbm>>
      %dma_wait3A_2678 = tpu.memref_squeeze %dma_wait3A_2677 : memref<1x1x64xf32, #tpu.memory_space<hbm>> -> memref<64xf32, #tpu.memory_space<hbm>>
      tpu.wait_dma2 semaphore(%arg26 : memref<!tpu.dma_semaphore, #tpu.memory_space<semaphore_mem>>) src(%dma_wait3A_2678 : memref<64xf32, #tpu.memory_space<hbm>>) dst(%dma_wait3A_2675 : memref<64xf32, #tpu.memory_space<vmem>>)
      %broadcast_in_dim3A_2679 = arith.constant 0.000000e+00 : f32
      %broadcast_in_dim3A_2680 = vector.broadcast %broadcast_in_dim3A_2679 : f32 to vector<16xf32>
      %get3A_2681 = arith.constant 6 : i32
      %get3A_2682 = arith.index_cast %get3A_2681 : i32 to index
      %get3A_2683 = arith.constant 0 : index
      %get3A_2684 = tpu.vector_load %arg9[%get3A_2682, %get3A_2683] {strides = array<i32>} : memref<8x64xf32, #tpu.memory_space<vmem>>, vector<16xf32>,
      %get3A_2685 = arith.constant 6 : i32
      %get3A_2686 = arith.index_cast %get3A_2685 : i32 to index
      %get3A_2687 = arith.constant 0 : index
      %get3A_2688 = tpu.vector_load %arg10[%get3A_2686, %get3A_2687] {strides = array<i32>} : memref<8x64xf32, #tpu.memory_space<vmem>>, vector<16xf32>,
      %mul3A_2689 = arith.mulf %get3A_2684, %get3A_2688 : vector<16xf32>
      %add3A_2690 = arith.addf %broadcast_in_dim3A_2680, %mul3A_2689 : vector<16xf32>
      %get3A_2691 = arith.constant 6 : i32
      %get3A_2692 = arith.index_cast %get3A_2691 : i32 to index
      %get3A_2693 = arith.constant 16 : index
      %get3A_2694 = tpu.vector_load %arg9[%get3A_2692, %get3A_2693] {strides = array<i32>} : memref<8x64xf32, #tpu.memory_space<vmem>>, vector<16xf32>,
      %get3A_2695 = arith.constant 6 : i32
      %get3A_2696 = arith.index_cast %get3A_2695 : i32 to index
      %get3A_2697 = arith.constant 16 : index
      %get3A_2698 = tpu.vector_load %arg10[%get3A_2696, %get3A_2697] {strides = array<i32>} : memref<8x64xf32, #tpu.memory_space<vmem>>, vector<16xf32>,
      %mul3A_2699 = arith.mulf %get3A_2694, %get3A_2698 : vector<16xf32>
      %add3A_2700 = arith.addf %add3A_2690, %mul3A_2699 : vector<16xf32>
      %get3A_2701 = arith.constant 6 : i32
      %get3A_2702 = arith.index_cast %get3A_2701 : i32 to index
      %get3A_2703 = arith.constant 32 : index
      %get3A_2704 = tpu.vector_load %arg9[%get3A_2702, %get3A_2703] {strides = array<i32>} : memref<8x64xf32, #tpu.memory_space<vmem>>, vector<16xf32>,
      %get3A_2705 = arith.constant 6 : i32
      %get3A_2706 = arith.index_cast %get3A_2705 : i32 to index
      %get3A_2707 = arith.constant 32 : index
      %get3A_2708 = tpu.vector_load %arg10[%get3A_2706, %get3A_2707] {strides = array<i32>} : memref<8x64xf32, #tpu.memory_space<vmem>>, vector<16xf32>,
      %mul3A_2709 = arith.mulf %get3A_2704, %get3A_2708 : vector<16xf32>
      %add3A_2710 = arith.addf %add3A_2700, %mul3A_2709 : vector<16xf32>
      %get3A_2711 = arith.constant 6 : i32
      %get3A_2712 = arith.index_cast %get3A_2711 : i32 to index
      %get3A_2713 = arith.constant 48 : index
      %get3A_2714 = tpu.vector_load %arg9[%get3A_2712, %get3A_2713] {strides = array<i32>} : memref<8x64xf32, #tpu.memory_space<vmem>>, vector<16xf32>,
      %get3A_2715 = arith.constant 6 : i32
      %get3A_2716 = arith.index_cast %get3A_2715 : i32 to index
      %get3A_2717 = arith.constant 48 : index
      %get3A_2718 = tpu.vector_load %arg10[%get3A_2716, %get3A_2717] {strides = array<i32>} : memref<8x64xf32, #tpu.memory_space<vmem>>, vector<16xf32>,
      %mul3A_2719 = arith.mulf %get3A_2714, %get3A_2718 : vector<16xf32>
      %add3A_2720 = arith.addf %add3A_2710, %mul3A_2719 : vector<16xf32>
      %reduce_sum3A_2721 = arith.constant true
      %reduce_sum3A_2722 = vector.broadcast %reduce_sum3A_2721 : i1 to vector<16xi1>
      %reduce_sum3A_2723 = tpu.scan <sum>, %add3A_2720 masked %reduce_sum3A_2722 : vector<16xf32>, vector<16xi1> -> vector<16xf32>
      %reduce_sum3A_2724 = vector.extract %reduce_sum3A_2723[15] : f32 from vector<16xf32>
      %eq3A_2725 = arith.constant 6 : i32
      %eq3A_2726 = vector.broadcast %eq3A_2725 : i32 to vector<16xi32>
      %eq3A_2727 = arith.cmpi eq, %iota3A, %eq3A_2726 : vector<16xi32>
      %broadcast_in_dim3A_2728 = vector.broadcast %reduce_sum3A_2724 : f32 to vector<16xf32>
      %select_n3A_2729 = arith.select %eq3A_2727, %broadcast_in_dim3A_2728, %select_n3A_2610 : vector<16xi1>, vector<16xf32>
      %slice3A_2730 = vector.extract_strided_slice %get3A_1916 {offsets = [14], sizes = [1], strides = [1]} : vector<16xi32> to vector<1xi32>
      %squeeze3A_2731 = vector.extract %slice3A_2730[0] : i32 from vector<1xi32>
      %slice3A_2732 = vector.extract_strided_slice %get3A_1920 {offsets = [14], sizes = [1], strides = [1]} : vector<16xi32> to vector<1xi32>
      %squeeze3A_2733 = vector.extract %slice3A_2732[0] : i32 from vector<1xi32>
      %shift_right_arithmetic3A_2734 = arith.constant 3 : i32
      %shift_right_arithmetic3A_2735 = arith.shrsi %squeeze3A_2731, %shift_right_arithmetic3A_2734 : i32
      %and3A_2736 = arith.constant 7 : i32
      %and3A_2737 = arith.andi %squeeze3A_2731, %and3A_2736 : i32
      %dma_start3A_2738 = arith.constant 6 : i32
      %dma_start3A_2739 = arith.constant 0 : i32
      %dma_start3A_2740 = tpu.memref_slice %arg9[%dma_start3A_2738, %dma_start3A_2739] : memref<8x64xf32, #tpu.memory_space<vmem>> -> memref<1x64xf32, #tpu.memory_space<vmem>>
      %dma_start3A_2741 = tpu.memref_squeeze %dma_start3A_2740 : memref<1x64xf32, #tpu.memory_space<vmem>> -> memref<64xf32, #tpu.memory_space<vmem>>
      %dma_start3A_2742 = arith.constant 0 : i32
      %dma_start3A_2743 = tpu.memref_slice %arg4[%shift_right_arithmetic3A_2735, %and3A_2737, %dma_start3A_2742] : memref<125000x8x64xf32, #tpu.memory_space<hbm>> -> memref<1x1x64xf32, #tpu.memory_space<hbm>>
      %dma_start3A_2744 = tpu.memref_squeeze %dma_start3A_2743 : memref<1x1x64xf32, #tpu.memory_space<hbm>> -> memref<64xf32, #tpu.memory_space<hbm>>
      %dma_start3A_2745 = arith.constant 0 : i32
      %dma_start3A_2746 = tpu.memref_slice %arg9[%dma_start3A_2738, %dma_start3A_2745] : memref<8x64xf32, #tpu.memory_space<vmem>> -> memref<1x64xf32, #tpu.memory_space<vmem>>
      %dma_start3A_2747 = tpu.memref_squeeze %dma_start3A_2746 : memref<1x64xf32, #tpu.memory_space<vmem>> -> memref<64xf32, #tpu.memory_space<vmem>>
      %dma_start3A_2748 = arith.constant 0 : i32
      %dma_start3A_2749 = tpu.memref_slice %arg4[%shift_right_arithmetic3A_2735, %and3A_2737, %dma_start3A_2748] : memref<125000x8x64xf32, #tpu.memory_space<hbm>> -> memref<1x1x64xf32, #tpu.memory_space<hbm>>
      %dma_start3A_2750 = tpu.memref_squeeze %dma_start3A_2749 : memref<1x1x64xf32, #tpu.memory_space<hbm>> -> memref<64xf32, #tpu.memory_space<hbm>>
      tpu.enqueue_dma source(%dma_start3A_2750 : memref<64xf32, #tpu.memory_space<hbm>>) target(%dma_start3A_2747 : memref<64xf32, #tpu.memory_space<vmem>>) target_semaphore(%arg18 : memref<!tpu.dma_semaphore, #tpu.memory_space<semaphore_mem>>)
      %shift_right_arithmetic3A_2751 = arith.constant 3 : i32
      %shift_right_arithmetic3A_2752 = arith.shrsi %squeeze3A_2733, %shift_right_arithmetic3A_2751 : i32
      %and3A_2753 = arith.constant 7 : i32
      %and3A_2754 = arith.andi %squeeze3A_2733, %and3A_2753 : i32
      %dma_start3A_2755 = arith.constant 6 : i32
      %dma_start3A_2756 = arith.constant 0 : i32
      %dma_start3A_2757 = tpu.memref_slice %arg10[%dma_start3A_2755, %dma_start3A_2756] : memref<8x64xf32, #tpu.memory_space<vmem>> -> memref<1x64xf32, #tpu.memory_space<vmem>>
      %dma_start3A_2758 = tpu.memref_squeeze %dma_start3A_2757 : memref<1x64xf32, #tpu.memory_space<vmem>> -> memref<64xf32, #tpu.memory_space<vmem>>
      %dma_start3A_2759 = arith.constant 0 : i32
      %dma_start3A_2760 = tpu.memref_slice %arg5[%shift_right_arithmetic3A_2752, %and3A_2754, %dma_start3A_2759] : memref<125000x8x64xf32, #tpu.memory_space<hbm>> -> memref<1x1x64xf32, #tpu.memory_space<hbm>>
      %dma_start3A_2761 = tpu.memref_squeeze %dma_start3A_2760 : memref<1x1x64xf32, #tpu.memory_space<hbm>> -> memref<64xf32, #tpu.memory_space<hbm>>
      %dma_start3A_2762 = arith.constant 0 : i32
      %dma_start3A_2763 = tpu.memref_slice %arg10[%dma_start3A_2755, %dma_start3A_2762] : memref<8x64xf32, #tpu.memory_space<vmem>> -> memref<1x64xf32, #tpu.memory_space<vmem>>
      %dma_start3A_2764 = tpu.memref_squeeze %dma_start3A_2763 : memref<1x64xf32, #tpu.memory_space<vmem>> -> memref<64xf32, #tpu.memory_space<vmem>>
      %dma_start3A_2765 = arith.constant 0 : i32
      %dma_start3A_2766 = tpu.memref_slice %arg5[%shift_right_arithmetic3A_2752, %and3A_2754, %dma_start3A_2765] : memref<125000x8x64xf32, #tpu.memory_space<hbm>> -> memref<1x1x64xf32, #tpu.memory_space<hbm>>
      %dma_start3A_2767 = tpu.memref_squeeze %dma_start3A_2766 : memref<1x1x64xf32, #tpu.memory_space<hbm>> -> memref<64xf32, #tpu.memory_space<hbm>>
      tpu.enqueue_dma source(%dma_start3A_2767 : memref<64xf32, #tpu.memory_space<hbm>>) target(%dma_start3A_2764 : memref<64xf32, #tpu.memory_space<vmem>>) target_semaphore(%arg26 : memref<!tpu.dma_semaphore, #tpu.memory_space<semaphore_mem>>)
      %dma_wait3A_2768 = arith.constant 0 : i32
      %dma_wait3A_2769 = arith.constant 0 : i32
      %dma_wait3A_2770 = arith.constant 7 : i32
      %dma_wait3A_2771 = arith.constant 0 : i32
      %dma_wait3A_2772 = tpu.memref_slice %arg9[%dma_wait3A_2770, %dma_wait3A_2771] : memref<8x64xf32, #tpu.memory_space<vmem>> -> memref<1x64xf32, #tpu.memory_space<vmem>>
      %dma_wait3A_2773 = tpu.memref_squeeze %dma_wait3A_2772 : memref<1x64xf32, #tpu.memory_space<vmem>> -> memref<64xf32, #tpu.memory_space<vmem>>
      %dma_wait3A_2774 = arith.constant 0 : i32
      %dma_wait3A_2775 = tpu.memref_slice %arg4[%dma_wait3A_2768, %dma_wait3A_2769, %dma_wait3A_2774] : memref<125000x8x64xf32, #tpu.memory_space<hbm>> -> memref<1x1x64xf32, #tpu.memory_space<hbm>>
      %dma_wait3A_2776 = tpu.memref_squeeze %dma_wait3A_2775 : memref<1x1x64xf32, #tpu.memory_space<hbm>> -> memref<64xf32, #tpu.memory_space<hbm>>
      %dma_wait3A_2777 = arith.constant 0 : i32
      %dma_wait3A_2778 = tpu.memref_slice %arg9[%dma_wait3A_2770, %dma_wait3A_2777] : memref<8x64xf32, #tpu.memory_space<vmem>> -> memref<1x64xf32, #tpu.memory_space<vmem>>
      %dma_wait3A_2779 = tpu.memref_squeeze %dma_wait3A_2778 : memref<1x64xf32, #tpu.memory_space<vmem>> -> memref<64xf32, #tpu.memory_space<vmem>>
      %dma_wait3A_2780 = arith.constant 0 : i32
      %dma_wait3A_2781 = tpu.memref_slice %arg4[%dma_wait3A_2768, %dma_wait3A_2769, %dma_wait3A_2780] : memref<125000x8x64xf32, #tpu.memory_space<hbm>> -> memref<1x1x64xf32, #tpu.memory_space<hbm>>
      %dma_wait3A_2782 = tpu.memref_squeeze %dma_wait3A_2781 : memref<1x1x64xf32, #tpu.memory_space<hbm>> -> memref<64xf32, #tpu.memory_space<hbm>>
      tpu.wait_dma2 semaphore(%arg19 : memref<!tpu.dma_semaphore, #tpu.memory_space<semaphore_mem>>) src(%dma_wait3A_2782 : memref<64xf32, #tpu.memory_space<hbm>>) dst(%dma_wait3A_2779 : memref<64xf32, #tpu.memory_space<vmem>>)
      %dma_wait3A_2783 = arith.constant 0 : i32
      %dma_wait3A_2784 = arith.constant 0 : i32
      %dma_wait3A_2785 = arith.constant 7 : i32
      %dma_wait3A_2786 = arith.constant 0 : i32
      %dma_wait3A_2787 = tpu.memref_slice %arg10[%dma_wait3A_2785, %dma_wait3A_2786] : memref<8x64xf32, #tpu.memory_space<vmem>> -> memref<1x64xf32, #tpu.memory_space<vmem>>
      %dma_wait3A_2788 = tpu.memref_squeeze %dma_wait3A_2787 : memref<1x64xf32, #tpu.memory_space<vmem>> -> memref<64xf32, #tpu.memory_space<vmem>>
      %dma_wait3A_2789 = arith.constant 0 : i32
      %dma_wait3A_2790 = tpu.memref_slice %arg5[%dma_wait3A_2783, %dma_wait3A_2784, %dma_wait3A_2789] : memref<125000x8x64xf32, #tpu.memory_space<hbm>> -> memref<1x1x64xf32, #tpu.memory_space<hbm>>
      %dma_wait3A_2791 = tpu.memref_squeeze %dma_wait3A_2790 : memref<1x1x64xf32, #tpu.memory_space<hbm>> -> memref<64xf32, #tpu.memory_space<hbm>>
      %dma_wait3A_2792 = arith.constant 0 : i32
      %dma_wait3A_2793 = tpu.memref_slice %arg10[%dma_wait3A_2785, %dma_wait3A_2792] : memref<8x64xf32, #tpu.memory_space<vmem>> -> memref<1x64xf32, #tpu.memory_space<vmem>>
      %dma_wait3A_2794 = tpu.memref_squeeze %dma_wait3A_2793 : memref<1x64xf32, #tpu.memory_space<vmem>> -> memref<64xf32, #tpu.memory_space<vmem>>
      %dma_wait3A_2795 = arith.constant 0 : i32
      %dma_wait3A_2796 = tpu.memref_slice %arg5[%dma_wait3A_2783, %dma_wait3A_2784, %dma_wait3A_2795] : memref<125000x8x64xf32, #tpu.memory_space<hbm>> -> memref<1x1x64xf32, #tpu.memory_space<hbm>>
      %dma_wait3A_2797 = tpu.memref_squeeze %dma_wait3A_2796 : memref<1x1x64xf32, #tpu.memory_space<hbm>> -> memref<64xf32, #tpu.memory_space<hbm>>
      tpu.wait_dma2 semaphore(%arg27 : memref<!tpu.dma_semaphore, #tpu.memory_space<semaphore_mem>>) src(%dma_wait3A_2797 : memref<64xf32, #tpu.memory_space<hbm>>) dst(%dma_wait3A_2794 : memref<64xf32, #tpu.memory_space<vmem>>)
      %broadcast_in_dim3A_2798 = arith.constant 0.000000e+00 : f32
      %broadcast_in_dim3A_2799 = vector.broadcast %broadcast_in_dim3A_2798 : f32 to vector<16xf32>
      %get3A_2800 = arith.constant 7 : i32
      %get3A_2801 = arith.index_cast %get3A_2800 : i32 to index
      %get3A_2802 = arith.constant 0 : index
      %get3A_2803 = tpu.vector_load %arg9[%get3A_2801, %get3A_2802] {strides = array<i32>} : memref<8x64xf32, #tpu.memory_space<vmem>>, vector<16xf32>,
      %get3A_2804 = arith.constant 7 : i32
      %get3A_2805 = arith.index_cast %get3A_2804 : i32 to index
      %get3A_2806 = arith.constant 0 : index
      %get3A_2807 = tpu.vector_load %arg10[%get3A_2805, %get3A_2806] {strides = array<i32>} : memref<8x64xf32, #tpu.memory_space<vmem>>, vector<16xf32>,
      %mul3A_2808 = arith.mulf %get3A_2803, %get3A_2807 : vector<16xf32>
      %add3A_2809 = arith.addf %broadcast_in_dim3A_2799, %mul3A_2808 : vector<16xf32>
      %get3A_2810 = arith.constant 7 : i32
      %get3A_2811 = arith.index_cast %get3A_2810 : i32 to index
      %get3A_2812 = arith.constant 16 : index
      %get3A_2813 = tpu.vector_load %arg9[%get3A_2811, %get3A_2812] {strides = array<i32>} : memref<8x64xf32, #tpu.memory_space<vmem>>, vector<16xf32>,
      %get3A_2814 = arith.constant 7 : i32
      %get3A_2815 = arith.index_cast %get3A_2814 : i32 to index
      %get3A_2816 = arith.constant 16 : index
      %get3A_2817 = tpu.vector_load %arg10[%get3A_2815, %get3A_2816] {strides = array<i32>} : memref<8x64xf32, #tpu.memory_space<vmem>>, vector<16xf32>,
      %mul3A_2818 = arith.mulf %get3A_2813, %get3A_2817 : vector<16xf32>
      %add3A_2819 = arith.addf %add3A_2809, %mul3A_2818 : vector<16xf32>
      %get3A_2820 = arith.constant 7 : i32
      %get3A_2821 = arith.index_cast %get3A_2820 : i32 to index
      %get3A_2822 = arith.constant 32 : index
      %get3A_2823 = tpu.vector_load %arg9[%get3A_2821, %get3A_2822] {strides = array<i32>} : memref<8x64xf32, #tpu.memory_space<vmem>>, vector<16xf32>,
      %get3A_2824 = arith.constant 7 : i32
      %get3A_2825 = arith.index_cast %get3A_2824 : i32 to index
      %get3A_2826 = arith.constant 32 : index
      %get3A_2827 = tpu.vector_load %arg10[%get3A_2825, %get3A_2826] {strides = array<i32>} : memref<8x64xf32, #tpu.memory_space<vmem>>, vector<16xf32>,
      %mul3A_2828 = arith.mulf %get3A_2823, %get3A_2827 : vector<16xf32>
      %add3A_2829 = arith.addf %add3A_2819, %mul3A_2828 : vector<16xf32>
      %get3A_2830 = arith.constant 7 : i32
      %get3A_2831 = arith.index_cast %get3A_2830 : i32 to index
      %get3A_2832 = arith.constant 48 : index
      %get3A_2833 = tpu.vector_load %arg9[%get3A_2831, %get3A_2832] {strides = array<i32>} : memref<8x64xf32, #tpu.memory_space<vmem>>, vector<16xf32>,
      %get3A_2834 = arith.constant 7 : i32
      %get3A_2835 = arith.index_cast %get3A_2834 : i32 to index
      %get3A_2836 = arith.constant 48 : index
      %get3A_2837 = tpu.vector_load %arg10[%get3A_2835, %get3A_2836] {strides = array<i32>} : memref<8x64xf32, #tpu.memory_space<vmem>>, vector<16xf32>,
      %mul3A_2838 = arith.mulf %get3A_2833, %get3A_2837 : vector<16xf32>
      %add3A_2839 = arith.addf %add3A_2829, %mul3A_2838 : vector<16xf32>
      %reduce_sum3A_2840 = arith.constant true
      %reduce_sum3A_2841 = vector.broadcast %reduce_sum3A_2840 : i1 to vector<16xi1>
      %reduce_sum3A_2842 = tpu.scan <sum>, %add3A_2839 masked %reduce_sum3A_2841 : vector<16xf32>, vector<16xi1> -> vector<16xf32>
      %reduce_sum3A_2843 = vector.extract %reduce_sum3A_2842[15] : f32 from vector<16xf32>
      %eq3A_2844 = arith.constant 7 : i32
      %eq3A_2845 = vector.broadcast %eq3A_2844 : i32 to vector<16xi32>
      %eq3A_2846 = arith.cmpi eq, %iota3A, %eq3A_2845 : vector<16xi32>
      %broadcast_in_dim3A_2847 = vector.broadcast %reduce_sum3A_2843 : f32 to vector<16xf32>
      %select_n3A_2848 = arith.select %eq3A_2846, %broadcast_in_dim3A_2847, %select_n3A_2729 : vector<16xi1>, vector<16xf32>
      %slice3A_2849 = vector.extract_strided_slice %get3A_1916 {offsets = [15], sizes = [1], strides = [1]} : vector<16xi32> to vector<1xi32>
      %squeeze3A_2850 = vector.extract %slice3A_2849[0] : i32 from vector<1xi32>
      %slice3A_2851 = vector.extract_strided_slice %get3A_1920 {offsets = [15], sizes = [1], strides = [1]} : vector<16xi32> to vector<1xi32>
      %squeeze3A_2852 = vector.extract %slice3A_2851[0] : i32 from vector<1xi32>
      %shift_right_arithmetic3A_2853 = arith.constant 3 : i32
      %shift_right_arithmetic3A_2854 = arith.shrsi %squeeze3A_2850, %shift_right_arithmetic3A_2853 : i32
      %and3A_2855 = arith.constant 7 : i32
      %and3A_2856 = arith.andi %squeeze3A_2850, %and3A_2855 : i32
      %dma_start3A_2857 = arith.constant 7 : i32
      %dma_start3A_2858 = arith.constant 0 : i32
      %dma_start3A_2859 = tpu.memref_slice %arg9[%dma_start3A_2857, %dma_start3A_2858] : memref<8x64xf32, #tpu.memory_space<vmem>> -> memref<1x64xf32, #tpu.memory_space<vmem>>
      %dma_start3A_2860 = tpu.memref_squeeze %dma_start3A_2859 : memref<1x64xf32, #tpu.memory_space<vmem>> -> memref<64xf32, #tpu.memory_space<vmem>>
      %dma_start3A_2861 = arith.constant 0 : i32
      %dma_start3A_2862 = tpu.memref_slice %arg4[%shift_right_arithmetic3A_2854, %and3A_2856, %dma_start3A_2861] : memref<125000x8x64xf32, #tpu.memory_space<hbm>> -> memref<1x1x64xf32, #tpu.memory_space<hbm>>
      %dma_start3A_2863 = tpu.memref_squeeze %dma_start3A_2862 : memref<1x1x64xf32, #tpu.memory_space<hbm>> -> memref<64xf32, #tpu.memory_space<hbm>>
      %dma_start3A_2864 = arith.constant 0 : i32
      %dma_start3A_2865 = tpu.memref_slice %arg9[%dma_start3A_2857, %dma_start3A_2864] : memref<8x64xf32, #tpu.memory_space<vmem>> -> memref<1x64xf32, #tpu.memory_space<vmem>>
      %dma_start3A_2866 = tpu.memref_squeeze %dma_start3A_2865 : memref<1x64xf32, #tpu.memory_space<vmem>> -> memref<64xf32, #tpu.memory_space<vmem>>
      %dma_start3A_2867 = arith.constant 0 : i32
      %dma_start3A_2868 = tpu.memref_slice %arg4[%shift_right_arithmetic3A_2854, %and3A_2856, %dma_start3A_2867] : memref<125000x8x64xf32, #tpu.memory_space<hbm>> -> memref<1x1x64xf32, #tpu.memory_space<hbm>>
      %dma_start3A_2869 = tpu.memref_squeeze %dma_start3A_2868 : memref<1x1x64xf32, #tpu.memory_space<hbm>> -> memref<64xf32, #tpu.memory_space<hbm>>
      tpu.enqueue_dma source(%dma_start3A_2869 : memref<64xf32, #tpu.memory_space<hbm>>) target(%dma_start3A_2866 : memref<64xf32, #tpu.memory_space<vmem>>) target_semaphore(%arg19 : memref<!tpu.dma_semaphore, #tpu.memory_space<semaphore_mem>>)
      %shift_right_arithmetic3A_2870 = arith.constant 3 : i32
      %shift_right_arithmetic3A_2871 = arith.shrsi %squeeze3A_2852, %shift_right_arithmetic3A_2870 : i32
      %and3A_2872 = arith.constant 7 : i32
      %and3A_2873 = arith.andi %squeeze3A_2852, %and3A_2872 : i32
      %dma_start3A_2874 = arith.constant 7 : i32
      %dma_start3A_2875 = arith.constant 0 : i32
      %dma_start3A_2876 = tpu.memref_slice %arg10[%dma_start3A_2874, %dma_start3A_2875] : memref<8x64xf32, #tpu.memory_space<vmem>> -> memref<1x64xf32, #tpu.memory_space<vmem>>
      %dma_start3A_2877 = tpu.memref_squeeze %dma_start3A_2876 : memref<1x64xf32, #tpu.memory_space<vmem>> -> memref<64xf32, #tpu.memory_space<vmem>>
      %dma_start3A_2878 = arith.constant 0 : i32
      %dma_start3A_2879 = tpu.memref_slice %arg5[%shift_right_arithmetic3A_2871, %and3A_2873, %dma_start3A_2878] : memref<125000x8x64xf32, #tpu.memory_space<hbm>> -> memref<1x1x64xf32, #tpu.memory_space<hbm>>
      %dma_start3A_2880 = tpu.memref_squeeze %dma_start3A_2879 : memref<1x1x64xf32, #tpu.memory_space<hbm>> -> memref<64xf32, #tpu.memory_space<hbm>>
      %dma_start3A_2881 = arith.constant 0 : i32
      %dma_start3A_2882 = tpu.memref_slice %arg10[%dma_start3A_2874, %dma_start3A_2881] : memref<8x64xf32, #tpu.memory_space<vmem>> -> memref<1x64xf32, #tpu.memory_space<vmem>>
      %dma_start3A_2883 = tpu.memref_squeeze %dma_start3A_2882 : memref<1x64xf32, #tpu.memory_space<vmem>> -> memref<64xf32, #tpu.memory_space<vmem>>
      %dma_start3A_2884 = arith.constant 0 : i32
      %dma_start3A_2885 = tpu.memref_slice %arg5[%shift_right_arithmetic3A_2871, %and3A_2873, %dma_start3A_2884] : memref<125000x8x64xf32, #tpu.memory_space<hbm>> -> memref<1x1x64xf32, #tpu.memory_space<hbm>>
      %dma_start3A_2886 = tpu.memref_squeeze %dma_start3A_2885 : memref<1x1x64xf32, #tpu.memory_space<hbm>> -> memref<64xf32, #tpu.memory_space<hbm>>
      tpu.enqueue_dma source(%dma_start3A_2886 : memref<64xf32, #tpu.memory_space<hbm>>) target(%dma_start3A_2883 : memref<64xf32, #tpu.memory_space<vmem>>) target_semaphore(%arg27 : memref<!tpu.dma_semaphore, #tpu.memory_space<semaphore_mem>>)
      %dma_wait3A_2887 = arith.constant 0 : i32
      %dma_wait3A_2888 = arith.constant 0 : i32
      %dma_wait3A_2889 = arith.constant 0 : i32
      %dma_wait3A_2890 = arith.constant 0 : i32
      %dma_wait3A_2891 = tpu.memref_slice %arg9[%dma_wait3A_2889, %dma_wait3A_2890] : memref<8x64xf32, #tpu.memory_space<vmem>> -> memref<1x64xf32, #tpu.memory_space<vmem>>
      %dma_wait3A_2892 = tpu.memref_squeeze %dma_wait3A_2891 : memref<1x64xf32, #tpu.memory_space<vmem>> -> memref<64xf32, #tpu.memory_space<vmem>>
      %dma_wait3A_2893 = arith.constant 0 : i32
      %dma_wait3A_2894 = tpu.memref_slice %arg4[%dma_wait3A_2887, %dma_wait3A_2888, %dma_wait3A_2893] : memref<125000x8x64xf32, #tpu.memory_space<hbm>> -> memref<1x1x64xf32, #tpu.memory_space<hbm>>
      %dma_wait3A_2895 = tpu.memref_squeeze %dma_wait3A_2894 : memref<1x1x64xf32, #tpu.memory_space<hbm>> -> memref<64xf32, #tpu.memory_space<hbm>>
      %dma_wait3A_2896 = arith.constant 0 : i32
      %dma_wait3A_2897 = tpu.memref_slice %arg9[%dma_wait3A_2889, %dma_wait3A_2896] : memref<8x64xf32, #tpu.memory_space<vmem>> -> memref<1x64xf32, #tpu.memory_space<vmem>>
      %dma_wait3A_2898 = tpu.memref_squeeze %dma_wait3A_2897 : memref<1x64xf32, #tpu.memory_space<vmem>> -> memref<64xf32, #tpu.memory_space<vmem>>
      %dma_wait3A_2899 = arith.constant 0 : i32
      %dma_wait3A_2900 = tpu.memref_slice %arg4[%dma_wait3A_2887, %dma_wait3A_2888, %dma_wait3A_2899] : memref<125000x8x64xf32, #tpu.memory_space<hbm>> -> memref<1x1x64xf32, #tpu.memory_space<hbm>>
      %dma_wait3A_2901 = tpu.memref_squeeze %dma_wait3A_2900 : memref<1x1x64xf32, #tpu.memory_space<hbm>> -> memref<64xf32, #tpu.memory_space<hbm>>
      tpu.wait_dma2 semaphore(%arg12 : memref<!tpu.dma_semaphore, #tpu.memory_space<semaphore_mem>>) src(%dma_wait3A_2901 : memref<64xf32, #tpu.memory_space<hbm>>) dst(%dma_wait3A_2898 : memref<64xf32, #tpu.memory_space<vmem>>)
      %dma_wait3A_2902 = arith.constant 0 : i32
      %dma_wait3A_2903 = arith.constant 0 : i32
      %dma_wait3A_2904 = arith.constant 0 : i32
      %dma_wait3A_2905 = arith.constant 0 : i32
      %dma_wait3A_2906 = tpu.memref_slice %arg10[%dma_wait3A_2904, %dma_wait3A_2905] : memref<8x64xf32, #tpu.memory_space<vmem>> -> memref<1x64xf32, #tpu.memory_space<vmem>>
      %dma_wait3A_2907 = tpu.memref_squeeze %dma_wait3A_2906 : memref<1x64xf32, #tpu.memory_space<vmem>> -> memref<64xf32, #tpu.memory_space<vmem>>
      %dma_wait3A_2908 = arith.constant 0 : i32
      %dma_wait3A_2909 = tpu.memref_slice %arg5[%dma_wait3A_2902, %dma_wait3A_2903, %dma_wait3A_2908] : memref<125000x8x64xf32, #tpu.memory_space<hbm>> -> memref<1x1x64xf32, #tpu.memory_space<hbm>>
      %dma_wait3A_2910 = tpu.memref_squeeze %dma_wait3A_2909 : memref<1x1x64xf32, #tpu.memory_space<hbm>> -> memref<64xf32, #tpu.memory_space<hbm>>
      %dma_wait3A_2911 = arith.constant 0 : i32
      %dma_wait3A_2912 = tpu.memref_slice %arg10[%dma_wait3A_2904, %dma_wait3A_2911] : memref<8x64xf32, #tpu.memory_space<vmem>> -> memref<1x64xf32, #tpu.memory_space<vmem>>
      %dma_wait3A_2913 = tpu.memref_squeeze %dma_wait3A_2912 : memref<1x64xf32, #tpu.memory_space<vmem>> -> memref<64xf32, #tpu.memory_space<vmem>>
      %dma_wait3A_2914 = arith.constant 0 : i32
      %dma_wait3A_2915 = tpu.memref_slice %arg5[%dma_wait3A_2902, %dma_wait3A_2903, %dma_wait3A_2914] : memref<125000x8x64xf32, #tpu.memory_space<hbm>> -> memref<1x1x64xf32, #tpu.memory_space<hbm>>
      %dma_wait3A_2916 = tpu.memref_squeeze %dma_wait3A_2915 : memref<1x1x64xf32, #tpu.memory_space<hbm>> -> memref<64xf32, #tpu.memory_space<hbm>>
      tpu.wait_dma2 semaphore(%arg20 : memref<!tpu.dma_semaphore, #tpu.memory_space<semaphore_mem>>) src(%dma_wait3A_2916 : memref<64xf32, #tpu.memory_space<hbm>>) dst(%dma_wait3A_2913 : memref<64xf32, #tpu.memory_space<vmem>>)
      %broadcast_in_dim3A_2917 = arith.constant 0.000000e+00 : f32
      %broadcast_in_dim3A_2918 = vector.broadcast %broadcast_in_dim3A_2917 : f32 to vector<16xf32>
      %get3A_2919 = arith.constant 0 : i32
      %get3A_2920 = arith.index_cast %get3A_2919 : i32 to index
      %get3A_2921 = arith.constant 0 : index
      %get3A_2922 = tpu.vector_load %arg9[%get3A_2920, %get3A_2921] {strides = array<i32>} : memref<8x64xf32, #tpu.memory_space<vmem>>, vector<16xf32>,
      %get3A_2923 = arith.constant 0 : i32
      %get3A_2924 = arith.index_cast %get3A_2923 : i32 to index
      %get3A_2925 = arith.constant 0 : index
      %get3A_2926 = tpu.vector_load %arg10[%get3A_2924, %get3A_2925] {strides = array<i32>} : memref<8x64xf32, #tpu.memory_space<vmem>>, vector<16xf32>,
      %mul3A_2927 = arith.mulf %get3A_2922, %get3A_2926 : vector<16xf32>
      %add3A_2928 = arith.addf %broadcast_in_dim3A_2918, %mul3A_2927 : vector<16xf32>
      %get3A_2929 = arith.constant 0 : i32
      %get3A_2930 = arith.index_cast %get3A_2929 : i32 to index
      %get3A_2931 = arith.constant 16 : index
      %get3A_2932 = tpu.vector_load %arg9[%get3A_2930, %get3A_2931] {strides = array<i32>} : memref<8x64xf32, #tpu.memory_space<vmem>>, vector<16xf32>,
      %get3A_2933 = arith.constant 0 : i32
      %get3A_2934 = arith.index_cast %get3A_2933 : i32 to index
      %get3A_2935 = arith.constant 16 : index
      %get3A_2936 = tpu.vector_load %arg10[%get3A_2934, %get3A_2935] {strides = array<i32>} : memref<8x64xf32, #tpu.memory_space<vmem>>, vector<16xf32>,
      %mul3A_2937 = arith.mulf %get3A_2932, %get3A_2936 : vector<16xf32>
      %add3A_2938 = arith.addf %add3A_2928, %mul3A_2937 : vector<16xf32>
      %get3A_2939 = arith.constant 0 : i32
      %get3A_2940 = arith.index_cast %get3A_2939 : i32 to index
      %get3A_2941 = arith.constant 32 : index
      %get3A_2942 = tpu.vector_load %arg9[%get3A_2940, %get3A_2941] {strides = array<i32>} : memref<8x64xf32, #tpu.memory_space<vmem>>, vector<16xf32>,
      %get3A_2943 = arith.constant 0 : i32
      %get3A_2944 = arith.index_cast %get3A_2943 : i32 to index
      %get3A_2945 = arith.constant 32 : index
      %get3A_2946 = tpu.vector_load %arg10[%get3A_2944, %get3A_2945] {strides = array<i32>} : memref<8x64xf32, #tpu.memory_space<vmem>>, vector<16xf32>,
      %mul3A_2947 = arith.mulf %get3A_2942, %get3A_2946 : vector<16xf32>
      %add3A_2948 = arith.addf %add3A_2938, %mul3A_2947 : vector<16xf32>
      %get3A_2949 = arith.constant 0 : i32
      %get3A_2950 = arith.index_cast %get3A_2949 : i32 to index
      %get3A_2951 = arith.constant 48 : index
      %get3A_2952 = tpu.vector_load %arg9[%get3A_2950, %get3A_2951] {strides = array<i32>} : memref<8x64xf32, #tpu.memory_space<vmem>>, vector<16xf32>,
      %get3A_2953 = arith.constant 0 : i32
      %get3A_2954 = arith.index_cast %get3A_2953 : i32 to index
      %get3A_2955 = arith.constant 48 : index
      %get3A_2956 = tpu.vector_load %arg10[%get3A_2954, %get3A_2955] {strides = array<i32>} : memref<8x64xf32, #tpu.memory_space<vmem>>, vector<16xf32>,
      %mul3A_2957 = arith.mulf %get3A_2952, %get3A_2956 : vector<16xf32>
      %add3A_2958 = arith.addf %add3A_2948, %mul3A_2957 : vector<16xf32>
      %reduce_sum3A_2959 = arith.constant true
      %reduce_sum3A_2960 = vector.broadcast %reduce_sum3A_2959 : i1 to vector<16xi1>
      %reduce_sum3A_2961 = tpu.scan <sum>, %add3A_2958 masked %reduce_sum3A_2960 : vector<16xf32>, vector<16xi1> -> vector<16xf32>
      %reduce_sum3A_2962 = vector.extract %reduce_sum3A_2961[15] : f32 from vector<16xf32>
      %eq3A_2963 = arith.constant 8 : i32
      %eq3A_2964 = vector.broadcast %eq3A_2963 : i32 to vector<16xi32>
      %eq3A_2965 = arith.cmpi eq, %iota3A, %eq3A_2964 : vector<16xi32>
      %broadcast_in_dim3A_2966 = vector.broadcast %reduce_sum3A_2962 : f32 to vector<16xf32>
      %select_n3A_2967 = arith.select %eq3A_2965, %broadcast_in_dim3A_2966, %select_n3A_2848 : vector<16xi1>, vector<16xf32>
      %slice3A_2968 = vector.extract_strided_slice %get3A_1926 {offsets = [0], sizes = [1], strides = [1]} : vector<16xi32> to vector<1xi32>
      %squeeze3A_2969 = vector.extract %slice3A_2968[0] : i32 from vector<1xi32>
      %slice3A_2970 = vector.extract_strided_slice %get3A_1932 {offsets = [0], sizes = [1], strides = [1]} : vector<16xi32> to vector<1xi32>
      %squeeze3A_2971 = vector.extract %slice3A_2970[0] : i32 from vector<1xi32>
      %shift_right_arithmetic3A_2972 = arith.constant 3 : i32
      %shift_right_arithmetic3A_2973 = arith.shrsi %squeeze3A_2969, %shift_right_arithmetic3A_2972 : i32
      %and3A_2974 = arith.constant 7 : i32
      %and3A_2975 = arith.andi %squeeze3A_2969, %and3A_2974 : i32
      %dma_start3A_2976 = arith.constant 0 : i32
      %dma_start3A_2977 = arith.constant 0 : i32
      %dma_start3A_2978 = tpu.memref_slice %arg9[%dma_start3A_2976, %dma_start3A_2977] : memref<8x64xf32, #tpu.memory_space<vmem>> -> memref<1x64xf32, #tpu.memory_space<vmem>>
      %dma_start3A_2979 = tpu.memref_squeeze %dma_start3A_2978 : memref<1x64xf32, #tpu.memory_space<vmem>> -> memref<64xf32, #tpu.memory_space<vmem>>
      %dma_start3A_2980 = arith.constant 0 : i32
      %dma_start3A_2981 = tpu.memref_slice %arg4[%shift_right_arithmetic3A_2973, %and3A_2975, %dma_start3A_2980] : memref<125000x8x64xf32, #tpu.memory_space<hbm>> -> memref<1x1x64xf32, #tpu.memory_space<hbm>>
      %dma_start3A_2982 = tpu.memref_squeeze %dma_start3A_2981 : memref<1x1x64xf32, #tpu.memory_space<hbm>> -> memref<64xf32, #tpu.memory_space<hbm>>
      %dma_start3A_2983 = arith.constant 0 : i32
      %dma_start3A_2984 = tpu.memref_slice %arg9[%dma_start3A_2976, %dma_start3A_2983] : memref<8x64xf32, #tpu.memory_space<vmem>> -> memref<1x64xf32, #tpu.memory_space<vmem>>
      %dma_start3A_2985 = tpu.memref_squeeze %dma_start3A_2984 : memref<1x64xf32, #tpu.memory_space<vmem>> -> memref<64xf32, #tpu.memory_space<vmem>>
      %dma_start3A_2986 = arith.constant 0 : i32
      %dma_start3A_2987 = tpu.memref_slice %arg4[%shift_right_arithmetic3A_2973, %and3A_2975, %dma_start3A_2986] : memref<125000x8x64xf32, #tpu.memory_space<hbm>> -> memref<1x1x64xf32, #tpu.memory_space<hbm>>
      %dma_start3A_2988 = tpu.memref_squeeze %dma_start3A_2987 : memref<1x1x64xf32, #tpu.memory_space<hbm>> -> memref<64xf32, #tpu.memory_space<hbm>>
      tpu.enqueue_dma source(%dma_start3A_2988 : memref<64xf32, #tpu.memory_space<hbm>>) target(%dma_start3A_2985 : memref<64xf32, #tpu.memory_space<vmem>>) target_semaphore(%arg12 : memref<!tpu.dma_semaphore, #tpu.memory_space<semaphore_mem>>)
      %shift_right_arithmetic3A_2989 = arith.constant 3 : i32
      %shift_right_arithmetic3A_2990 = arith.shrsi %squeeze3A_2971, %shift_right_arithmetic3A_2989 : i32
      %and3A_2991 = arith.constant 7 : i32
      %and3A_2992 = arith.andi %squeeze3A_2971, %and3A_2991 : i32
      %dma_start3A_2993 = arith.constant 0 : i32
      %dma_start3A_2994 = arith.constant 0 : i32
      %dma_start3A_2995 = tpu.memref_slice %arg10[%dma_start3A_2993, %dma_start3A_2994] : memref<8x64xf32, #tpu.memory_space<vmem>> -> memref<1x64xf32, #tpu.memory_space<vmem>>
      %dma_start3A_2996 = tpu.memref_squeeze %dma_start3A_2995 : memref<1x64xf32, #tpu.memory_space<vmem>> -> memref<64xf32, #tpu.memory_space<vmem>>
      %dma_start3A_2997 = arith.constant 0 : i32
      %dma_start3A_2998 = tpu.memref_slice %arg5[%shift_right_arithmetic3A_2990, %and3A_2992, %dma_start3A_2997] : memref<125000x8x64xf32, #tpu.memory_space<hbm>> -> memref<1x1x64xf32, #tpu.memory_space<hbm>>
      %dma_start3A_2999 = tpu.memref_squeeze %dma_start3A_2998 : memref<1x1x64xf32, #tpu.memory_space<hbm>> -> memref<64xf32, #tpu.memory_space<hbm>>
      %dma_start3A_3000 = arith.constant 0 : i32
      %dma_start3A_3001 = tpu.memref_slice %arg10[%dma_start3A_2993, %dma_start3A_3000] : memref<8x64xf32, #tpu.memory_space<vmem>> -> memref<1x64xf32, #tpu.memory_space<vmem>>
      %dma_start3A_3002 = tpu.memref_squeeze %dma_start3A_3001 : memref<1x64xf32, #tpu.memory_space<vmem>> -> memref<64xf32, #tpu.memory_space<vmem>>
      %dma_start3A_3003 = arith.constant 0 : i32
      %dma_start3A_3004 = tpu.memref_slice %arg5[%shift_right_arithmetic3A_2990, %and3A_2992, %dma_start3A_3003] : memref<125000x8x64xf32, #tpu.memory_space<hbm>> -> memref<1x1x64xf32, #tpu.memory_space<hbm>>
      %dma_start3A_3005 = tpu.memref_squeeze %dma_start3A_3004 : memref<1x1x64xf32, #tpu.memory_space<hbm>> -> memref<64xf32, #tpu.memory_space<hbm>>
      tpu.enqueue_dma source(%dma_start3A_3005 : memref<64xf32, #tpu.memory_space<hbm>>) target(%dma_start3A_3002 : memref<64xf32, #tpu.memory_space<vmem>>) target_semaphore(%arg20 : memref<!tpu.dma_semaphore, #tpu.memory_space<semaphore_mem>>)
      %dma_wait3A_3006 = arith.constant 0 : i32
      %dma_wait3A_3007 = arith.constant 0 : i32
      %dma_wait3A_3008 = arith.constant 1 : i32
      %dma_wait3A_3009 = arith.constant 0 : i32
      %dma_wait3A_3010 = tpu.memref_slice %arg9[%dma_wait3A_3008, %dma_wait3A_3009] : memref<8x64xf32, #tpu.memory_space<vmem>> -> memref<1x64xf32, #tpu.memory_space<vmem>>
      %dma_wait3A_3011 = tpu.memref_squeeze %dma_wait3A_3010 : memref<1x64xf32, #tpu.memory_space<vmem>> -> memref<64xf32, #tpu.memory_space<vmem>>
      %dma_wait3A_3012 = arith.constant 0 : i32
      %dma_wait3A_3013 = tpu.memref_slice %arg4[%dma_wait3A_3006, %dma_wait3A_3007, %dma_wait3A_3012] : memref<125000x8x64xf32, #tpu.memory_space<hbm>> -> memref<1x1x64xf32, #tpu.memory_space<hbm>>
      %dma_wait3A_3014 = tpu.memref_squeeze %dma_wait3A_3013 : memref<1x1x64xf32, #tpu.memory_space<hbm>> -> memref<64xf32, #tpu.memory_space<hbm>>
      %dma_wait3A_3015 = arith.constant 0 : i32
      %dma_wait3A_3016 = tpu.memref_slice %arg9[%dma_wait3A_3008, %dma_wait3A_3015] : memref<8x64xf32, #tpu.memory_space<vmem>> -> memref<1x64xf32, #tpu.memory_space<vmem>>
      %dma_wait3A_3017 = tpu.memref_squeeze %dma_wait3A_3016 : memref<1x64xf32, #tpu.memory_space<vmem>> -> memref<64xf32, #tpu.memory_space<vmem>>
      %dma_wait3A_3018 = arith.constant 0 : i32
      %dma_wait3A_3019 = tpu.memref_slice %arg4[%dma_wait3A_3006, %dma_wait3A_3007, %dma_wait3A_3018] : memref<125000x8x64xf32, #tpu.memory_space<hbm>> -> memref<1x1x64xf32, #tpu.memory_space<hbm>>
      %dma_wait3A_3020 = tpu.memref_squeeze %dma_wait3A_3019 : memref<1x1x64xf32, #tpu.memory_space<hbm>> -> memref<64xf32, #tpu.memory_space<hbm>>
      tpu.wait_dma2 semaphore(%arg13 : memref<!tpu.dma_semaphore, #tpu.memory_space<semaphore_mem>>) src(%dma_wait3A_3020 : memref<64xf32, #tpu.memory_space<hbm>>) dst(%dma_wait3A_3017 : memref<64xf32, #tpu.memory_space<vmem>>)
      %dma_wait3A_3021 = arith.constant 0 : i32
      %dma_wait3A_3022 = arith.constant 0 : i32
      %dma_wait3A_3023 = arith.constant 1 : i32
      %dma_wait3A_3024 = arith.constant 0 : i32
      %dma_wait3A_3025 = tpu.memref_slice %arg10[%dma_wait3A_3023, %dma_wait3A_3024] : memref<8x64xf32, #tpu.memory_space<vmem>> -> memref<1x64xf32, #tpu.memory_space<vmem>>
      %dma_wait3A_3026 = tpu.memref_squeeze %dma_wait3A_3025 : memref<1x64xf32, #tpu.memory_space<vmem>> -> memref<64xf32, #tpu.memory_space<vmem>>
      %dma_wait3A_3027 = arith.constant 0 : i32
      %dma_wait3A_3028 = tpu.memref_slice %arg5[%dma_wait3A_3021, %dma_wait3A_3022, %dma_wait3A_3027] : memref<125000x8x64xf32, #tpu.memory_space<hbm>> -> memref<1x1x64xf32, #tpu.memory_space<hbm>>
      %dma_wait3A_3029 = tpu.memref_squeeze %dma_wait3A_3028 : memref<1x1x64xf32, #tpu.memory_space<hbm>> -> memref<64xf32, #tpu.memory_space<hbm>>
      %dma_wait3A_3030 = arith.constant 0 : i32
      %dma_wait3A_3031 = tpu.memref_slice %arg10[%dma_wait3A_3023, %dma_wait3A_3030] : memref<8x64xf32, #tpu.memory_space<vmem>> -> memref<1x64xf32, #tpu.memory_space<vmem>>
      %dma_wait3A_3032 = tpu.memref_squeeze %dma_wait3A_3031 : memref<1x64xf32, #tpu.memory_space<vmem>> -> memref<64xf32, #tpu.memory_space<vmem>>
      %dma_wait3A_3033 = arith.constant 0 : i32
      %dma_wait3A_3034 = tpu.memref_slice %arg5[%dma_wait3A_3021, %dma_wait3A_3022, %dma_wait3A_3033] : memref<125000x8x64xf32, #tpu.memory_space<hbm>> -> memref<1x1x64xf32, #tpu.memory_space<hbm>>
      %dma_wait3A_3035 = tpu.memref_squeeze %dma_wait3A_3034 : memref<1x1x64xf32, #tpu.memory_space<hbm>> -> memref<64xf32, #tpu.memory_space<hbm>>
      tpu.wait_dma2 semaphore(%arg21 : memref<!tpu.dma_semaphore, #tpu.memory_space<semaphore_mem>>) src(%dma_wait3A_3035 : memref<64xf32, #tpu.memory_space<hbm>>) dst(%dma_wait3A_3032 : memref<64xf32, #tpu.memory_space<vmem>>)
      %broadcast_in_dim3A_3036 = arith.constant 0.000000e+00 : f32
      %broadcast_in_dim3A_3037 = vector.broadcast %broadcast_in_dim3A_3036 : f32 to vector<16xf32>
      %get3A_3038 = arith.constant 1 : i32
      %get3A_3039 = arith.index_cast %get3A_3038 : i32 to index
      %get3A_3040 = arith.constant 0 : index
      %get3A_3041 = tpu.vector_load %arg9[%get3A_3039, %get3A_3040] {strides = array<i32>} : memref<8x64xf32, #tpu.memory_space<vmem>>, vector<16xf32>,
      %get3A_3042 = arith.constant 1 : i32
      %get3A_3043 = arith.index_cast %get3A_3042 : i32 to index
      %get3A_3044 = arith.constant 0 : index
      %get3A_3045 = tpu.vector_load %arg10[%get3A_3043, %get3A_3044] {strides = array<i32>} : memref<8x64xf32, #tpu.memory_space<vmem>>, vector<16xf32>,
      %mul3A_3046 = arith.mulf %get3A_3041, %get3A_3045 : vector<16xf32>
      %add3A_3047 = arith.addf %broadcast_in_dim3A_3037, %mul3A_3046 : vector<16xf32>
      %get3A_3048 = arith.constant 1 : i32
      %get3A_3049 = arith.index_cast %get3A_3048 : i32 to index
      %get3A_3050 = arith.constant 16 : index
      %get3A_3051 = tpu.vector_load %arg9[%get3A_3049, %get3A_3050] {strides = array<i32>} : memref<8x64xf32, #tpu.memory_space<vmem>>, vector<16xf32>,
      %get3A_3052 = arith.constant 1 : i32
      %get3A_3053 = arith.index_cast %get3A_3052 : i32 to index
      %get3A_3054 = arith.constant 16 : index
      %get3A_3055 = tpu.vector_load %arg10[%get3A_3053, %get3A_3054] {strides = array<i32>} : memref<8x64xf32, #tpu.memory_space<vmem>>, vector<16xf32>,
      %mul3A_3056 = arith.mulf %get3A_3051, %get3A_3055 : vector<16xf32>
      %add3A_3057 = arith.addf %add3A_3047, %mul3A_3056 : vector<16xf32>
      %get3A_3058 = arith.constant 1 : i32
      %get3A_3059 = arith.index_cast %get3A_3058 : i32 to index
      %get3A_3060 = arith.constant 32 : index
      %get3A_3061 = tpu.vector_load %arg9[%get3A_3059, %get3A_3060] {strides = array<i32>} : memref<8x64xf32, #tpu.memory_space<vmem>>, vector<16xf32>,
      %get3A_3062 = arith.constant 1 : i32
      %get3A_3063 = arith.index_cast %get3A_3062 : i32 to index
      %get3A_3064 = arith.constant 32 : index
      %get3A_3065 = tpu.vector_load %arg10[%get3A_3063, %get3A_3064] {strides = array<i32>} : memref<8x64xf32, #tpu.memory_space<vmem>>, vector<16xf32>,
      %mul3A_3066 = arith.mulf %get3A_3061, %get3A_3065 : vector<16xf32>
      %add3A_3067 = arith.addf %add3A_3057, %mul3A_3066 : vector<16xf32>
      %get3A_3068 = arith.constant 1 : i32
      %get3A_3069 = arith.index_cast %get3A_3068 : i32 to index
      %get3A_3070 = arith.constant 48 : index
      %get3A_3071 = tpu.vector_load %arg9[%get3A_3069, %get3A_3070] {strides = array<i32>} : memref<8x64xf32, #tpu.memory_space<vmem>>, vector<16xf32>,
      %get3A_3072 = arith.constant 1 : i32
      %get3A_3073 = arith.index_cast %get3A_3072 : i32 to index
      %get3A_3074 = arith.constant 48 : index
      %get3A_3075 = tpu.vector_load %arg10[%get3A_3073, %get3A_3074] {strides = array<i32>} : memref<8x64xf32, #tpu.memory_space<vmem>>, vector<16xf32>,
      %mul3A_3076 = arith.mulf %get3A_3071, %get3A_3075 : vector<16xf32>
      %add3A_3077 = arith.addf %add3A_3067, %mul3A_3076 : vector<16xf32>
      %reduce_sum3A_3078 = arith.constant true
      %reduce_sum3A_3079 = vector.broadcast %reduce_sum3A_3078 : i1 to vector<16xi1>
      %reduce_sum3A_3080 = tpu.scan <sum>, %add3A_3077 masked %reduce_sum3A_3079 : vector<16xf32>, vector<16xi1> -> vector<16xf32>
      %reduce_sum3A_3081 = vector.extract %reduce_sum3A_3080[15] : f32 from vector<16xf32>
      %eq3A_3082 = arith.constant 9 : i32
      %eq3A_3083 = vector.broadcast %eq3A_3082 : i32 to vector<16xi32>
      %eq3A_3084 = arith.cmpi eq, %iota3A, %eq3A_3083 : vector<16xi32>
      %broadcast_in_dim3A_3085 = vector.broadcast %reduce_sum3A_3081 : f32 to vector<16xf32>
      %select_n3A_3086 = arith.select %eq3A_3084, %broadcast_in_dim3A_3085, %select_n3A_2967 : vector<16xi1>, vector<16xf32>
      %slice3A_3087 = vector.extract_strided_slice %get3A_1926 {offsets = [1], sizes = [1], strides = [1]} : vector<16xi32> to vector<1xi32>
      %squeeze3A_3088 = vector.extract %slice3A_3087[0] : i32 from vector<1xi32>
      %slice3A_3089 = vector.extract_strided_slice %get3A_1932 {offsets = [1], sizes = [1], strides = [1]} : vector<16xi32> to vector<1xi32>
      %squeeze3A_3090 = vector.extract %slice3A_3089[0] : i32 from vector<1xi32>
      %shift_right_arithmetic3A_3091 = arith.constant 3 : i32
      %shift_right_arithmetic3A_3092 = arith.shrsi %squeeze3A_3088, %shift_right_arithmetic3A_3091 : i32
      %and3A_3093 = arith.constant 7 : i32
      %and3A_3094 = arith.andi %squeeze3A_3088, %and3A_3093 : i32
      %dma_start3A_3095 = arith.constant 1 : i32
      %dma_start3A_3096 = arith.constant 0 : i32
      %dma_start3A_3097 = tpu.memref_slice %arg9[%dma_start3A_3095, %dma_start3A_3096] : memref<8x64xf32, #tpu.memory_space<vmem>> -> memref<1x64xf32, #tpu.memory_space<vmem>>
      %dma_start3A_3098 = tpu.memref_squeeze %dma_start3A_3097 : memref<1x64xf32, #tpu.memory_space<vmem>> -> memref<64xf32, #tpu.memory_space<vmem>>
      %dma_start3A_3099 = arith.constant 0 : i32
      %dma_start3A_3100 = tpu.memref_slice %arg4[%shift_right_arithmetic3A_3092, %and3A_3094, %dma_start3A_3099] : memref<125000x8x64xf32, #tpu.memory_space<hbm>> -> memref<1x1x64xf32, #tpu.memory_space<hbm>>
      %dma_start3A_3101 = tpu.memref_squeeze %dma_start3A_3100 : memref<1x1x64xf32, #tpu.memory_space<hbm>> -> memref<64xf32, #tpu.memory_space<hbm>>
      %dma_start3A_3102 = arith.constant 0 : i32
      %dma_start3A_3103 = tpu.memref_slice %arg9[%dma_start3A_3095, %dma_start3A_3102] : memref<8x64xf32, #tpu.memory_space<vmem>> -> memref<1x64xf32, #tpu.memory_space<vmem>>
      %dma_start3A_3104 = tpu.memref_squeeze %dma_start3A_3103 : memref<1x64xf32, #tpu.memory_space<vmem>> -> memref<64xf32, #tpu.memory_space<vmem>>
      %dma_start3A_3105 = arith.constant 0 : i32
      %dma_start3A_3106 = tpu.memref_slice %arg4[%shift_right_arithmetic3A_3092, %and3A_3094, %dma_start3A_3105] : memref<125000x8x64xf32, #tpu.memory_space<hbm>> -> memref<1x1x64xf32, #tpu.memory_space<hbm>>
      %dma_start3A_3107 = tpu.memref_squeeze %dma_start3A_3106 : memref<1x1x64xf32, #tpu.memory_space<hbm>> -> memref<64xf32, #tpu.memory_space<hbm>>
      tpu.enqueue_dma source(%dma_start3A_3107 : memref<64xf32, #tpu.memory_space<hbm>>) target(%dma_start3A_3104 : memref<64xf32, #tpu.memory_space<vmem>>) target_semaphore(%arg13 : memref<!tpu.dma_semaphore, #tpu.memory_space<semaphore_mem>>)
      %shift_right_arithmetic3A_3108 = arith.constant 3 : i32
      %shift_right_arithmetic3A_3109 = arith.shrsi %squeeze3A_3090, %shift_right_arithmetic3A_3108 : i32
      %and3A_3110 = arith.constant 7 : i32
      %and3A_3111 = arith.andi %squeeze3A_3090, %and3A_3110 : i32
      %dma_start3A_3112 = arith.constant 1 : i32
      %dma_start3A_3113 = arith.constant 0 : i32
      %dma_start3A_3114 = tpu.memref_slice %arg10[%dma_start3A_3112, %dma_start3A_3113] : memref<8x64xf32, #tpu.memory_space<vmem>> -> memref<1x64xf32, #tpu.memory_space<vmem>>
      %dma_start3A_3115 = tpu.memref_squeeze %dma_start3A_3114 : memref<1x64xf32, #tpu.memory_space<vmem>> -> memref<64xf32, #tpu.memory_space<vmem>>
      %dma_start3A_3116 = arith.constant 0 : i32
      %dma_start3A_3117 = tpu.memref_slice %arg5[%shift_right_arithmetic3A_3109, %and3A_3111, %dma_start3A_3116] : memref<125000x8x64xf32, #tpu.memory_space<hbm>> -> memref<1x1x64xf32, #tpu.memory_space<hbm>>
      %dma_start3A_3118 = tpu.memref_squeeze %dma_start3A_3117 : memref<1x1x64xf32, #tpu.memory_space<hbm>> -> memref<64xf32, #tpu.memory_space<hbm>>
      %dma_start3A_3119 = arith.constant 0 : i32
      %dma_start3A_3120 = tpu.memref_slice %arg10[%dma_start3A_3112, %dma_start3A_3119] : memref<8x64xf32, #tpu.memory_space<vmem>> -> memref<1x64xf32, #tpu.memory_space<vmem>>
      %dma_start3A_3121 = tpu.memref_squeeze %dma_start3A_3120 : memref<1x64xf32, #tpu.memory_space<vmem>> -> memref<64xf32, #tpu.memory_space<vmem>>
      %dma_start3A_3122 = arith.constant 0 : i32
      %dma_start3A_3123 = tpu.memref_slice %arg5[%shift_right_arithmetic3A_3109, %and3A_3111, %dma_start3A_3122] : memref<125000x8x64xf32, #tpu.memory_space<hbm>> -> memref<1x1x64xf32, #tpu.memory_space<hbm>>
      %dma_start3A_3124 = tpu.memref_squeeze %dma_start3A_3123 : memref<1x1x64xf32, #tpu.memory_space<hbm>> -> memref<64xf32, #tpu.memory_space<hbm>>
      tpu.enqueue_dma source(%dma_start3A_3124 : memref<64xf32, #tpu.memory_space<hbm>>) target(%dma_start3A_3121 : memref<64xf32, #tpu.memory_space<vmem>>) target_semaphore(%arg21 : memref<!tpu.dma_semaphore, #tpu.memory_space<semaphore_mem>>)
      %dma_wait3A_3125 = arith.constant 0 : i32
      %dma_wait3A_3126 = arith.constant 0 : i32
      %dma_wait3A_3127 = arith.constant 2 : i32
      %dma_wait3A_3128 = arith.constant 0 : i32
      %dma_wait3A_3129 = tpu.memref_slice %arg9[%dma_wait3A_3127, %dma_wait3A_3128] : memref<8x64xf32, #tpu.memory_space<vmem>> -> memref<1x64xf32, #tpu.memory_space<vmem>>
      %dma_wait3A_3130 = tpu.memref_squeeze %dma_wait3A_3129 : memref<1x64xf32, #tpu.memory_space<vmem>> -> memref<64xf32, #tpu.memory_space<vmem>>
      %dma_wait3A_3131 = arith.constant 0 : i32
      %dma_wait3A_3132 = tpu.memref_slice %arg4[%dma_wait3A_3125, %dma_wait3A_3126, %dma_wait3A_3131] : memref<125000x8x64xf32, #tpu.memory_space<hbm>> -> memref<1x1x64xf32, #tpu.memory_space<hbm>>
      %dma_wait3A_3133 = tpu.memref_squeeze %dma_wait3A_3132 : memref<1x1x64xf32, #tpu.memory_space<hbm>> -> memref<64xf32, #tpu.memory_space<hbm>>
      %dma_wait3A_3134 = arith.constant 0 : i32
      %dma_wait3A_3135 = tpu.memref_slice %arg9[%dma_wait3A_3127, %dma_wait3A_3134] : memref<8x64xf32, #tpu.memory_space<vmem>> -> memref<1x64xf32, #tpu.memory_space<vmem>>
      %dma_wait3A_3136 = tpu.memref_squeeze %dma_wait3A_3135 : memref<1x64xf32, #tpu.memory_space<vmem>> -> memref<64xf32, #tpu.memory_space<vmem>>
      %dma_wait3A_3137 = arith.constant 0 : i32
      %dma_wait3A_3138 = tpu.memref_slice %arg4[%dma_wait3A_3125, %dma_wait3A_3126, %dma_wait3A_3137] : memref<125000x8x64xf32, #tpu.memory_space<hbm>> -> memref<1x1x64xf32, #tpu.memory_space<hbm>>
      %dma_wait3A_3139 = tpu.memref_squeeze %dma_wait3A_3138 : memref<1x1x64xf32, #tpu.memory_space<hbm>> -> memref<64xf32, #tpu.memory_space<hbm>>
      tpu.wait_dma2 semaphore(%arg14 : memref<!tpu.dma_semaphore, #tpu.memory_space<semaphore_mem>>) src(%dma_wait3A_3139 : memref<64xf32, #tpu.memory_space<hbm>>) dst(%dma_wait3A_3136 : memref<64xf32, #tpu.memory_space<vmem>>)
      %dma_wait3A_3140 = arith.constant 0 : i32
      %dma_wait3A_3141 = arith.constant 0 : i32
      %dma_wait3A_3142 = arith.constant 2 : i32
      %dma_wait3A_3143 = arith.constant 0 : i32
      %dma_wait3A_3144 = tpu.memref_slice %arg10[%dma_wait3A_3142, %dma_wait3A_3143] : memref<8x64xf32, #tpu.memory_space<vmem>> -> memref<1x64xf32, #tpu.memory_space<vmem>>
      %dma_wait3A_3145 = tpu.memref_squeeze %dma_wait3A_3144 : memref<1x64xf32, #tpu.memory_space<vmem>> -> memref<64xf32, #tpu.memory_space<vmem>>
      %dma_wait3A_3146 = arith.constant 0 : i32
      %dma_wait3A_3147 = tpu.memref_slice %arg5[%dma_wait3A_3140, %dma_wait3A_3141, %dma_wait3A_3146] : memref<125000x8x64xf32, #tpu.memory_space<hbm>> -> memref<1x1x64xf32, #tpu.memory_space<hbm>>
      %dma_wait3A_3148 = tpu.memref_squeeze %dma_wait3A_3147 : memref<1x1x64xf32, #tpu.memory_space<hbm>> -> memref<64xf32, #tpu.memory_space<hbm>>
      %dma_wait3A_3149 = arith.constant 0 : i32
      %dma_wait3A_3150 = tpu.memref_slice %arg10[%dma_wait3A_3142, %dma_wait3A_3149] : memref<8x64xf32, #tpu.memory_space<vmem>> -> memref<1x64xf32, #tpu.memory_space<vmem>>
      %dma_wait3A_3151 = tpu.memref_squeeze %dma_wait3A_3150 : memref<1x64xf32, #tpu.memory_space<vmem>> -> memref<64xf32, #tpu.memory_space<vmem>>
      %dma_wait3A_3152 = arith.constant 0 : i32
      %dma_wait3A_3153 = tpu.memref_slice %arg5[%dma_wait3A_3140, %dma_wait3A_3141, %dma_wait3A_3152] : memref<125000x8x64xf32, #tpu.memory_space<hbm>> -> memref<1x1x64xf32, #tpu.memory_space<hbm>>
      %dma_wait3A_3154 = tpu.memref_squeeze %dma_wait3A_3153 : memref<1x1x64xf32, #tpu.memory_space<hbm>> -> memref<64xf32, #tpu.memory_space<hbm>>
      tpu.wait_dma2 semaphore(%arg22 : memref<!tpu.dma_semaphore, #tpu.memory_space<semaphore_mem>>) src(%dma_wait3A_3154 : memref<64xf32, #tpu.memory_space<hbm>>) dst(%dma_wait3A_3151 : memref<64xf32, #tpu.memory_space<vmem>>)
      %broadcast_in_dim3A_3155 = arith.constant 0.000000e+00 : f32
      %broadcast_in_dim3A_3156 = vector.broadcast %broadcast_in_dim3A_3155 : f32 to vector<16xf32>
      %get3A_3157 = arith.constant 2 : i32
      %get3A_3158 = arith.index_cast %get3A_3157 : i32 to index
      %get3A_3159 = arith.constant 0 : index
      %get3A_3160 = tpu.vector_load %arg9[%get3A_3158, %get3A_3159] {strides = array<i32>} : memref<8x64xf32, #tpu.memory_space<vmem>>, vector<16xf32>,
      %get3A_3161 = arith.constant 2 : i32
      %get3A_3162 = arith.index_cast %get3A_3161 : i32 to index
      %get3A_3163 = arith.constant 0 : index
      %get3A_3164 = tpu.vector_load %arg10[%get3A_3162, %get3A_3163] {strides = array<i32>} : memref<8x64xf32, #tpu.memory_space<vmem>>, vector<16xf32>,
      %mul3A_3165 = arith.mulf %get3A_3160, %get3A_3164 : vector<16xf32>
      %add3A_3166 = arith.addf %broadcast_in_dim3A_3156, %mul3A_3165 : vector<16xf32>
      %get3A_3167 = arith.constant 2 : i32
      %get3A_3168 = arith.index_cast %get3A_3167 : i32 to index
      %get3A_3169 = arith.constant 16 : index
      %get3A_3170 = tpu.vector_load %arg9[%get3A_3168, %get3A_3169] {strides = array<i32>} : memref<8x64xf32, #tpu.memory_space<vmem>>, vector<16xf32>,
      %get3A_3171 = arith.constant 2 : i32
      %get3A_3172 = arith.index_cast %get3A_3171 : i32 to index
      %get3A_3173 = arith.constant 16 : index
      %get3A_3174 = tpu.vector_load %arg10[%get3A_3172, %get3A_3173] {strides = array<i32>} : memref<8x64xf32, #tpu.memory_space<vmem>>, vector<16xf32>,
      %mul3A_3175 = arith.mulf %get3A_3170, %get3A_3174 : vector<16xf32>
      %add3A_3176 = arith.addf %add3A_3166, %mul3A_3175 : vector<16xf32>
      %get3A_3177 = arith.constant 2 : i32
      %get3A_3178 = arith.index_cast %get3A_3177 : i32 to index
      %get3A_3179 = arith.constant 32 : index
      %get3A_3180 = tpu.vector_load %arg9[%get3A_3178, %get3A_3179] {strides = array<i32>} : memref<8x64xf32, #tpu.memory_space<vmem>>, vector<16xf32>,
      %get3A_3181 = arith.constant 2 : i32
      %get3A_3182 = arith.index_cast %get3A_3181 : i32 to index
      %get3A_3183 = arith.constant 32 : index
      %get3A_3184 = tpu.vector_load %arg10[%get3A_3182, %get3A_3183] {strides = array<i32>} : memref<8x64xf32, #tpu.memory_space<vmem>>, vector<16xf32>,
      %mul3A_3185 = arith.mulf %get3A_3180, %get3A_3184 : vector<16xf32>
      %add3A_3186 = arith.addf %add3A_3176, %mul3A_3185 : vector<16xf32>
      %get3A_3187 = arith.constant 2 : i32
      %get3A_3188 = arith.index_cast %get3A_3187 : i32 to index
      %get3A_3189 = arith.constant 48 : index
      %get3A_3190 = tpu.vector_load %arg9[%get3A_3188, %get3A_3189] {strides = array<i32>} : memref<8x64xf32, #tpu.memory_space<vmem>>, vector<16xf32>,
      %get3A_3191 = arith.constant 2 : i32
      %get3A_3192 = arith.index_cast %get3A_3191 : i32 to index
      %get3A_3193 = arith.constant 48 : index
      %get3A_3194 = tpu.vector_load %arg10[%get3A_3192, %get3A_3193] {strides = array<i32>} : memref<8x64xf32, #tpu.memory_space<vmem>>, vector<16xf32>,
      %mul3A_3195 = arith.mulf %get3A_3190, %get3A_3194 : vector<16xf32>
      %add3A_3196 = arith.addf %add3A_3186, %mul3A_3195 : vector<16xf32>
      %reduce_sum3A_3197 = arith.constant true
      %reduce_sum3A_3198 = vector.broadcast %reduce_sum3A_3197 : i1 to vector<16xi1>
      %reduce_sum3A_3199 = tpu.scan <sum>, %add3A_3196 masked %reduce_sum3A_3198 : vector<16xf32>, vector<16xi1> -> vector<16xf32>
      %reduce_sum3A_3200 = vector.extract %reduce_sum3A_3199[15] : f32 from vector<16xf32>
      %eq3A_3201 = arith.constant 10 : i32
      %eq3A_3202 = vector.broadcast %eq3A_3201 : i32 to vector<16xi32>
      %eq3A_3203 = arith.cmpi eq, %iota3A, %eq3A_3202 : vector<16xi32>
      %broadcast_in_dim3A_3204 = vector.broadcast %reduce_sum3A_3200 : f32 to vector<16xf32>
      %select_n3A_3205 = arith.select %eq3A_3203, %broadcast_in_dim3A_3204, %select_n3A_3086 : vector<16xi1>, vector<16xf32>
      %slice3A_3206 = vector.extract_strided_slice %get3A_1926 {offsets = [2], sizes = [1], strides = [1]} : vector<16xi32> to vector<1xi32>
      %squeeze3A_3207 = vector.extract %slice3A_3206[0] : i32 from vector<1xi32>
      %slice3A_3208 = vector.extract_strided_slice %get3A_1932 {offsets = [2], sizes = [1], strides = [1]} : vector<16xi32> to vector<1xi32>
      %squeeze3A_3209 = vector.extract %slice3A_3208[0] : i32 from vector<1xi32>
      %shift_right_arithmetic3A_3210 = arith.constant 3 : i32
      %shift_right_arithmetic3A_3211 = arith.shrsi %squeeze3A_3207, %shift_right_arithmetic3A_3210 : i32
      %and3A_3212 = arith.constant 7 : i32
      %and3A_3213 = arith.andi %squeeze3A_3207, %and3A_3212 : i32
      %dma_start3A_3214 = arith.constant 2 : i32
      %dma_start3A_3215 = arith.constant 0 : i32
      %dma_start3A_3216 = tpu.memref_slice %arg9[%dma_start3A_3214, %dma_start3A_3215] : memref<8x64xf32, #tpu.memory_space<vmem>> -> memref<1x64xf32, #tpu.memory_space<vmem>>
      %dma_start3A_3217 = tpu.memref_squeeze %dma_start3A_3216 : memref<1x64xf32, #tpu.memory_space<vmem>> -> memref<64xf32, #tpu.memory_space<vmem>>
      %dma_start3A_3218 = arith.constant 0 : i32
      %dma_start3A_3219 = tpu.memref_slice %arg4[%shift_right_arithmetic3A_3211, %and3A_3213, %dma_start3A_3218] : memref<125000x8x64xf32, #tpu.memory_space<hbm>> -> memref<1x1x64xf32, #tpu.memory_space<hbm>>
      %dma_start3A_3220 = tpu.memref_squeeze %dma_start3A_3219 : memref<1x1x64xf32, #tpu.memory_space<hbm>> -> memref<64xf32, #tpu.memory_space<hbm>>
      %dma_start3A_3221 = arith.constant 0 : i32
      %dma_start3A_3222 = tpu.memref_slice %arg9[%dma_start3A_3214, %dma_start3A_3221] : memref<8x64xf32, #tpu.memory_space<vmem>> -> memref<1x64xf32, #tpu.memory_space<vmem>>
      %dma_start3A_3223 = tpu.memref_squeeze %dma_start3A_3222 : memref<1x64xf32, #tpu.memory_space<vmem>> -> memref<64xf32, #tpu.memory_space<vmem>>
      %dma_start3A_3224 = arith.constant 0 : i32
      %dma_start3A_3225 = tpu.memref_slice %arg4[%shift_right_arithmetic3A_3211, %and3A_3213, %dma_start3A_3224] : memref<125000x8x64xf32, #tpu.memory_space<hbm>> -> memref<1x1x64xf32, #tpu.memory_space<hbm>>
      %dma_start3A_3226 = tpu.memref_squeeze %dma_start3A_3225 : memref<1x1x64xf32, #tpu.memory_space<hbm>> -> memref<64xf32, #tpu.memory_space<hbm>>
      tpu.enqueue_dma source(%dma_start3A_3226 : memref<64xf32, #tpu.memory_space<hbm>>) target(%dma_start3A_3223 : memref<64xf32, #tpu.memory_space<vmem>>) target_semaphore(%arg14 : memref<!tpu.dma_semaphore, #tpu.memory_space<semaphore_mem>>)
      %shift_right_arithmetic3A_3227 = arith.constant 3 : i32
      %shift_right_arithmetic3A_3228 = arith.shrsi %squeeze3A_3209, %shift_right_arithmetic3A_3227 : i32
      %and3A_3229 = arith.constant 7 : i32
      %and3A_3230 = arith.andi %squeeze3A_3209, %and3A_3229 : i32
      %dma_start3A_3231 = arith.constant 2 : i32
      %dma_start3A_3232 = arith.constant 0 : i32
      %dma_start3A_3233 = tpu.memref_slice %arg10[%dma_start3A_3231, %dma_start3A_3232] : memref<8x64xf32, #tpu.memory_space<vmem>> -> memref<1x64xf32, #tpu.memory_space<vmem>>
      %dma_start3A_3234 = tpu.memref_squeeze %dma_start3A_3233 : memref<1x64xf32, #tpu.memory_space<vmem>> -> memref<64xf32, #tpu.memory_space<vmem>>
      %dma_start3A_3235 = arith.constant 0 : i32
      %dma_start3A_3236 = tpu.memref_slice %arg5[%shift_right_arithmetic3A_3228, %and3A_3230, %dma_start3A_3235] : memref<125000x8x64xf32, #tpu.memory_space<hbm>> -> memref<1x1x64xf32, #tpu.memory_space<hbm>>
      %dma_start3A_3237 = tpu.memref_squeeze %dma_start3A_3236 : memref<1x1x64xf32, #tpu.memory_space<hbm>> -> memref<64xf32, #tpu.memory_space<hbm>>
      %dma_start3A_3238 = arith.constant 0 : i32
      %dma_start3A_3239 = tpu.memref_slice %arg10[%dma_start3A_3231, %dma_start3A_3238] : memref<8x64xf32, #tpu.memory_space<vmem>> -> memref<1x64xf32, #tpu.memory_space<vmem>>
      %dma_start3A_3240 = tpu.memref_squeeze %dma_start3A_3239 : memref<1x64xf32, #tpu.memory_space<vmem>> -> memref<64xf32, #tpu.memory_space<vmem>>
      %dma_start3A_3241 = arith.constant 0 : i32
      %dma_start3A_3242 = tpu.memref_slice %arg5[%shift_right_arithmetic3A_3228, %and3A_3230, %dma_start3A_3241] : memref<125000x8x64xf32, #tpu.memory_space<hbm>> -> memref<1x1x64xf32, #tpu.memory_space<hbm>>
      %dma_start3A_3243 = tpu.memref_squeeze %dma_start3A_3242 : memref<1x1x64xf32, #tpu.memory_space<hbm>> -> memref<64xf32, #tpu.memory_space<hbm>>
      tpu.enqueue_dma source(%dma_start3A_3243 : memref<64xf32, #tpu.memory_space<hbm>>) target(%dma_start3A_3240 : memref<64xf32, #tpu.memory_space<vmem>>) target_semaphore(%arg22 : memref<!tpu.dma_semaphore, #tpu.memory_space<semaphore_mem>>)
      %dma_wait3A_3244 = arith.constant 0 : i32
      %dma_wait3A_3245 = arith.constant 0 : i32
      %dma_wait3A_3246 = arith.constant 3 : i32
      %dma_wait3A_3247 = arith.constant 0 : i32
      %dma_wait3A_3248 = tpu.memref_slice %arg9[%dma_wait3A_3246, %dma_wait3A_3247] : memref<8x64xf32, #tpu.memory_space<vmem>> -> memref<1x64xf32, #tpu.memory_space<vmem>>
      %dma_wait3A_3249 = tpu.memref_squeeze %dma_wait3A_3248 : memref<1x64xf32, #tpu.memory_space<vmem>> -> memref<64xf32, #tpu.memory_space<vmem>>
      %dma_wait3A_3250 = arith.constant 0 : i32
      %dma_wait3A_3251 = tpu.memref_slice %arg4[%dma_wait3A_3244, %dma_wait3A_3245, %dma_wait3A_3250] : memref<125000x8x64xf32, #tpu.memory_space<hbm>> -> memref<1x1x64xf32, #tpu.memory_space<hbm>>
      %dma_wait3A_3252 = tpu.memref_squeeze %dma_wait3A_3251 : memref<1x1x64xf32, #tpu.memory_space<hbm>> -> memref<64xf32, #tpu.memory_space<hbm>>
      %dma_wait3A_3253 = arith.constant 0 : i32
      %dma_wait3A_3254 = tpu.memref_slice %arg9[%dma_wait3A_3246, %dma_wait3A_3253] : memref<8x64xf32, #tpu.memory_space<vmem>> -> memref<1x64xf32, #tpu.memory_space<vmem>>
      %dma_wait3A_3255 = tpu.memref_squeeze %dma_wait3A_3254 : memref<1x64xf32, #tpu.memory_space<vmem>> -> memref<64xf32, #tpu.memory_space<vmem>>
      %dma_wait3A_3256 = arith.constant 0 : i32
      %dma_wait3A_3257 = tpu.memref_slice %arg4[%dma_wait3A_3244, %dma_wait3A_3245, %dma_wait3A_3256] : memref<125000x8x64xf32, #tpu.memory_space<hbm>> -> memref<1x1x64xf32, #tpu.memory_space<hbm>>
      %dma_wait3A_3258 = tpu.memref_squeeze %dma_wait3A_3257 : memref<1x1x64xf32, #tpu.memory_space<hbm>> -> memref<64xf32, #tpu.memory_space<hbm>>
      tpu.wait_dma2 semaphore(%arg15 : memref<!tpu.dma_semaphore, #tpu.memory_space<semaphore_mem>>) src(%dma_wait3A_3258 : memref<64xf32, #tpu.memory_space<hbm>>) dst(%dma_wait3A_3255 : memref<64xf32, #tpu.memory_space<vmem>>)
      %dma_wait3A_3259 = arith.constant 0 : i32
      %dma_wait3A_3260 = arith.constant 0 : i32
      %dma_wait3A_3261 = arith.constant 3 : i32
      %dma_wait3A_3262 = arith.constant 0 : i32
      %dma_wait3A_3263 = tpu.memref_slice %arg10[%dma_wait3A_3261, %dma_wait3A_3262] : memref<8x64xf32, #tpu.memory_space<vmem>> -> memref<1x64xf32, #tpu.memory_space<vmem>>
      %dma_wait3A_3264 = tpu.memref_squeeze %dma_wait3A_3263 : memref<1x64xf32, #tpu.memory_space<vmem>> -> memref<64xf32, #tpu.memory_space<vmem>>
      %dma_wait3A_3265 = arith.constant 0 : i32
      %dma_wait3A_3266 = tpu.memref_slice %arg5[%dma_wait3A_3259, %dma_wait3A_3260, %dma_wait3A_3265] : memref<125000x8x64xf32, #tpu.memory_space<hbm>> -> memref<1x1x64xf32, #tpu.memory_space<hbm>>
      %dma_wait3A_3267 = tpu.memref_squeeze %dma_wait3A_3266 : memref<1x1x64xf32, #tpu.memory_space<hbm>> -> memref<64xf32, #tpu.memory_space<hbm>>
      %dma_wait3A_3268 = arith.constant 0 : i32
      %dma_wait3A_3269 = tpu.memref_slice %arg10[%dma_wait3A_3261, %dma_wait3A_3268] : memref<8x64xf32, #tpu.memory_space<vmem>> -> memref<1x64xf32, #tpu.memory_space<vmem>>
      %dma_wait3A_3270 = tpu.memref_squeeze %dma_wait3A_3269 : memref<1x64xf32, #tpu.memory_space<vmem>> -> memref<64xf32, #tpu.memory_space<vmem>>
      %dma_wait3A_3271 = arith.constant 0 : i32
      %dma_wait3A_3272 = tpu.memref_slice %arg5[%dma_wait3A_3259, %dma_wait3A_3260, %dma_wait3A_3271] : memref<125000x8x64xf32, #tpu.memory_space<hbm>> -> memref<1x1x64xf32, #tpu.memory_space<hbm>>
      %dma_wait3A_3273 = tpu.memref_squeeze %dma_wait3A_3272 : memref<1x1x64xf32, #tpu.memory_space<hbm>> -> memref<64xf32, #tpu.memory_space<hbm>>
      tpu.wait_dma2 semaphore(%arg23 : memref<!tpu.dma_semaphore, #tpu.memory_space<semaphore_mem>>) src(%dma_wait3A_3273 : memref<64xf32, #tpu.memory_space<hbm>>) dst(%dma_wait3A_3270 : memref<64xf32, #tpu.memory_space<vmem>>)
      %broadcast_in_dim3A_3274 = arith.constant 0.000000e+00 : f32
      %broadcast_in_dim3A_3275 = vector.broadcast %broadcast_in_dim3A_3274 : f32 to vector<16xf32>
      %get3A_3276 = arith.constant 3 : i32
      %get3A_3277 = arith.index_cast %get3A_3276 : i32 to index
      %get3A_3278 = arith.constant 0 : index
      %get3A_3279 = tpu.vector_load %arg9[%get3A_3277, %get3A_3278] {strides = array<i32>} : memref<8x64xf32, #tpu.memory_space<vmem>>, vector<16xf32>,
      %get3A_3280 = arith.constant 3 : i32
      %get3A_3281 = arith.index_cast %get3A_3280 : i32 to index
      %get3A_3282 = arith.constant 0 : index
      %get3A_3283 = tpu.vector_load %arg10[%get3A_3281, %get3A_3282] {strides = array<i32>} : memref<8x64xf32, #tpu.memory_space<vmem>>, vector<16xf32>,
      %mul3A_3284 = arith.mulf %get3A_3279, %get3A_3283 : vector<16xf32>
      %add3A_3285 = arith.addf %broadcast_in_dim3A_3275, %mul3A_3284 : vector<16xf32>
      %get3A_3286 = arith.constant 3 : i32
      %get3A_3287 = arith.index_cast %get3A_3286 : i32 to index
      %get3A_3288 = arith.constant 16 : index
      %get3A_3289 = tpu.vector_load %arg9[%get3A_3287, %get3A_3288] {strides = array<i32>} : memref<8x64xf32, #tpu.memory_space<vmem>>, vector<16xf32>,
      %get3A_3290 = arith.constant 3 : i32
      %get3A_3291 = arith.index_cast %get3A_3290 : i32 to index
      %get3A_3292 = arith.constant 16 : index
      %get3A_3293 = tpu.vector_load %arg10[%get3A_3291, %get3A_3292] {strides = array<i32>} : memref<8x64xf32, #tpu.memory_space<vmem>>, vector<16xf32>,
      %mul3A_3294 = arith.mulf %get3A_3289, %get3A_3293 : vector<16xf32>
      %add3A_3295 = arith.addf %add3A_3285, %mul3A_3294 : vector<16xf32>
      %get3A_3296 = arith.constant 3 : i32
      %get3A_3297 = arith.index_cast %get3A_3296 : i32 to index
      %get3A_3298 = arith.constant 32 : index
      %get3A_3299 = tpu.vector_load %arg9[%get3A_3297, %get3A_3298] {strides = array<i32>} : memref<8x64xf32, #tpu.memory_space<vmem>>, vector<16xf32>,
      %get3A_3300 = arith.constant 3 : i32
      %get3A_3301 = arith.index_cast %get3A_3300 : i32 to index
      %get3A_3302 = arith.constant 32 : index
      %get3A_3303 = tpu.vector_load %arg10[%get3A_3301, %get3A_3302] {strides = array<i32>} : memref<8x64xf32, #tpu.memory_space<vmem>>, vector<16xf32>,
      %mul3A_3304 = arith.mulf %get3A_3299, %get3A_3303 : vector<16xf32>
      %add3A_3305 = arith.addf %add3A_3295, %mul3A_3304 : vector<16xf32>
      %get3A_3306 = arith.constant 3 : i32
      %get3A_3307 = arith.index_cast %get3A_3306 : i32 to index
      %get3A_3308 = arith.constant 48 : index
      %get3A_3309 = tpu.vector_load %arg9[%get3A_3307, %get3A_3308] {strides = array<i32>} : memref<8x64xf32, #tpu.memory_space<vmem>>, vector<16xf32>,
      %get3A_3310 = arith.constant 3 : i32
      %get3A_3311 = arith.index_cast %get3A_3310 : i32 to index
      %get3A_3312 = arith.constant 48 : index
      %get3A_3313 = tpu.vector_load %arg10[%get3A_3311, %get3A_3312] {strides = array<i32>} : memref<8x64xf32, #tpu.memory_space<vmem>>, vector<16xf32>,
      %mul3A_3314 = arith.mulf %get3A_3309, %get3A_3313 : vector<16xf32>
      %add3A_3315 = arith.addf %add3A_3305, %mul3A_3314 : vector<16xf32>
      %reduce_sum3A_3316 = arith.constant true
      %reduce_sum3A_3317 = vector.broadcast %reduce_sum3A_3316 : i1 to vector<16xi1>
      %reduce_sum3A_3318 = tpu.scan <sum>, %add3A_3315 masked %reduce_sum3A_3317 : vector<16xf32>, vector<16xi1> -> vector<16xf32>
      %reduce_sum3A_3319 = vector.extract %reduce_sum3A_3318[15] : f32 from vector<16xf32>
      %eq3A_3320 = arith.constant 11 : i32
      %eq3A_3321 = vector.broadcast %eq3A_3320 : i32 to vector<16xi32>
      %eq3A_3322 = arith.cmpi eq, %iota3A, %eq3A_3321 : vector<16xi32>
      %broadcast_in_dim3A_3323 = vector.broadcast %reduce_sum3A_3319 : f32 to vector<16xf32>
      %select_n3A_3324 = arith.select %eq3A_3322, %broadcast_in_dim3A_3323, %select_n3A_3205 : vector<16xi1>, vector<16xf32>
      %slice3A_3325 = vector.extract_strided_slice %get3A_1926 {offsets = [3], sizes = [1], strides = [1]} : vector<16xi32> to vector<1xi32>
      %squeeze3A_3326 = vector.extract %slice3A_3325[0] : i32 from vector<1xi32>
      %slice3A_3327 = vector.extract_strided_slice %get3A_1932 {offsets = [3], sizes = [1], strides = [1]} : vector<16xi32> to vector<1xi32>
      %squeeze3A_3328 = vector.extract %slice3A_3327[0] : i32 from vector<1xi32>
      %shift_right_arithmetic3A_3329 = arith.constant 3 : i32
      %shift_right_arithmetic3A_3330 = arith.shrsi %squeeze3A_3326, %shift_right_arithmetic3A_3329 : i32
      %and3A_3331 = arith.constant 7 : i32
      %and3A_3332 = arith.andi %squeeze3A_3326, %and3A_3331 : i32
      %dma_start3A_3333 = arith.constant 3 : i32
      %dma_start3A_3334 = arith.constant 0 : i32
      %dma_start3A_3335 = tpu.memref_slice %arg9[%dma_start3A_3333, %dma_start3A_3334] : memref<8x64xf32, #tpu.memory_space<vmem>> -> memref<1x64xf32, #tpu.memory_space<vmem>>
      %dma_start3A_3336 = tpu.memref_squeeze %dma_start3A_3335 : memref<1x64xf32, #tpu.memory_space<vmem>> -> memref<64xf32, #tpu.memory_space<vmem>>
      %dma_start3A_3337 = arith.constant 0 : i32
      %dma_start3A_3338 = tpu.memref_slice %arg4[%shift_right_arithmetic3A_3330, %and3A_3332, %dma_start3A_3337] : memref<125000x8x64xf32, #tpu.memory_space<hbm>> -> memref<1x1x64xf32, #tpu.memory_space<hbm>>
      %dma_start3A_3339 = tpu.memref_squeeze %dma_start3A_3338 : memref<1x1x64xf32, #tpu.memory_space<hbm>> -> memref<64xf32, #tpu.memory_space<hbm>>
      %dma_start3A_3340 = arith.constant 0 : i32
      %dma_start3A_3341 = tpu.memref_slice %arg9[%dma_start3A_3333, %dma_start3A_3340] : memref<8x64xf32, #tpu.memory_space<vmem>> -> memref<1x64xf32, #tpu.memory_space<vmem>>
      %dma_start3A_3342 = tpu.memref_squeeze %dma_start3A_3341 : memref<1x64xf32, #tpu.memory_space<vmem>> -> memref<64xf32, #tpu.memory_space<vmem>>
      %dma_start3A_3343 = arith.constant 0 : i32
      %dma_start3A_3344 = tpu.memref_slice %arg4[%shift_right_arithmetic3A_3330, %and3A_3332, %dma_start3A_3343] : memref<125000x8x64xf32, #tpu.memory_space<hbm>> -> memref<1x1x64xf32, #tpu.memory_space<hbm>>
      %dma_start3A_3345 = tpu.memref_squeeze %dma_start3A_3344 : memref<1x1x64xf32, #tpu.memory_space<hbm>> -> memref<64xf32, #tpu.memory_space<hbm>>
      tpu.enqueue_dma source(%dma_start3A_3345 : memref<64xf32, #tpu.memory_space<hbm>>) target(%dma_start3A_3342 : memref<64xf32, #tpu.memory_space<vmem>>) target_semaphore(%arg15 : memref<!tpu.dma_semaphore, #tpu.memory_space<semaphore_mem>>)
      %shift_right_arithmetic3A_3346 = arith.constant 3 : i32
      %shift_right_arithmetic3A_3347 = arith.shrsi %squeeze3A_3328, %shift_right_arithmetic3A_3346 : i32
      %and3A_3348 = arith.constant 7 : i32
      %and3A_3349 = arith.andi %squeeze3A_3328, %and3A_3348 : i32
      %dma_start3A_3350 = arith.constant 3 : i32
      %dma_start3A_3351 = arith.constant 0 : i32
      %dma_start3A_3352 = tpu.memref_slice %arg10[%dma_start3A_3350, %dma_start3A_3351] : memref<8x64xf32, #tpu.memory_space<vmem>> -> memref<1x64xf32, #tpu.memory_space<vmem>>
      %dma_start3A_3353 = tpu.memref_squeeze %dma_start3A_3352 : memref<1x64xf32, #tpu.memory_space<vmem>> -> memref<64xf32, #tpu.memory_space<vmem>>
      %dma_start3A_3354 = arith.constant 0 : i32
      %dma_start3A_3355 = tpu.memref_slice %arg5[%shift_right_arithmetic3A_3347, %and3A_3349, %dma_start3A_3354] : memref<125000x8x64xf32, #tpu.memory_space<hbm>> -> memref<1x1x64xf32, #tpu.memory_space<hbm>>
      %dma_start3A_3356 = tpu.memref_squeeze %dma_start3A_3355 : memref<1x1x64xf32, #tpu.memory_space<hbm>> -> memref<64xf32, #tpu.memory_space<hbm>>
      %dma_start3A_3357 = arith.constant 0 : i32
      %dma_start3A_3358 = tpu.memref_slice %arg10[%dma_start3A_3350, %dma_start3A_3357] : memref<8x64xf32, #tpu.memory_space<vmem>> -> memref<1x64xf32, #tpu.memory_space<vmem>>
      %dma_start3A_3359 = tpu.memref_squeeze %dma_start3A_3358 : memref<1x64xf32, #tpu.memory_space<vmem>> -> memref<64xf32, #tpu.memory_space<vmem>>
      %dma_start3A_3360 = arith.constant 0 : i32
      %dma_start3A_3361 = tpu.memref_slice %arg5[%shift_right_arithmetic3A_3347, %and3A_3349, %dma_start3A_3360] : memref<125000x8x64xf32, #tpu.memory_space<hbm>> -> memref<1x1x64xf32, #tpu.memory_space<hbm>>
      %dma_start3A_3362 = tpu.memref_squeeze %dma_start3A_3361 : memref<1x1x64xf32, #tpu.memory_space<hbm>> -> memref<64xf32, #tpu.memory_space<hbm>>
      tpu.enqueue_dma source(%dma_start3A_3362 : memref<64xf32, #tpu.memory_space<hbm>>) target(%dma_start3A_3359 : memref<64xf32, #tpu.memory_space<vmem>>) target_semaphore(%arg23 : memref<!tpu.dma_semaphore, #tpu.memory_space<semaphore_mem>>)
      %dma_wait3A_3363 = arith.constant 0 : i32
      %dma_wait3A_3364 = arith.constant 0 : i32
      %dma_wait3A_3365 = arith.constant 4 : i32
      %dma_wait3A_3366 = arith.constant 0 : i32
      %dma_wait3A_3367 = tpu.memref_slice %arg9[%dma_wait3A_3365, %dma_wait3A_3366] : memref<8x64xf32, #tpu.memory_space<vmem>> -> memref<1x64xf32, #tpu.memory_space<vmem>>
      %dma_wait3A_3368 = tpu.memref_squeeze %dma_wait3A_3367 : memref<1x64xf32, #tpu.memory_space<vmem>> -> memref<64xf32, #tpu.memory_space<vmem>>
      %dma_wait3A_3369 = arith.constant 0 : i32
      %dma_wait3A_3370 = tpu.memref_slice %arg4[%dma_wait3A_3363, %dma_wait3A_3364, %dma_wait3A_3369] : memref<125000x8x64xf32, #tpu.memory_space<hbm>> -> memref<1x1x64xf32, #tpu.memory_space<hbm>>
      %dma_wait3A_3371 = tpu.memref_squeeze %dma_wait3A_3370 : memref<1x1x64xf32, #tpu.memory_space<hbm>> -> memref<64xf32, #tpu.memory_space<hbm>>
      %dma_wait3A_3372 = arith.constant 0 : i32
      %dma_wait3A_3373 = tpu.memref_slice %arg9[%dma_wait3A_3365, %dma_wait3A_3372] : memref<8x64xf32, #tpu.memory_space<vmem>> -> memref<1x64xf32, #tpu.memory_space<vmem>>
      %dma_wait3A_3374 = tpu.memref_squeeze %dma_wait3A_3373 : memref<1x64xf32, #tpu.memory_space<vmem>> -> memref<64xf32, #tpu.memory_space<vmem>>
      %dma_wait3A_3375 = arith.constant 0 : i32
      %dma_wait3A_3376 = tpu.memref_slice %arg4[%dma_wait3A_3363, %dma_wait3A_3364, %dma_wait3A_3375] : memref<125000x8x64xf32, #tpu.memory_space<hbm>> -> memref<1x1x64xf32, #tpu.memory_space<hbm>>
      %dma_wait3A_3377 = tpu.memref_squeeze %dma_wait3A_3376 : memref<1x1x64xf32, #tpu.memory_space<hbm>> -> memref<64xf32, #tpu.memory_space<hbm>>
      tpu.wait_dma2 semaphore(%arg16 : memref<!tpu.dma_semaphore, #tpu.memory_space<semaphore_mem>>) src(%dma_wait3A_3377 : memref<64xf32, #tpu.memory_space<hbm>>) dst(%dma_wait3A_3374 : memref<64xf32, #tpu.memory_space<vmem>>)
      %dma_wait3A_3378 = arith.constant 0 : i32
      %dma_wait3A_3379 = arith.constant 0 : i32
      %dma_wait3A_3380 = arith.constant 4 : i32
      %dma_wait3A_3381 = arith.constant 0 : i32
      %dma_wait3A_3382 = tpu.memref_slice %arg10[%dma_wait3A_3380, %dma_wait3A_3381] : memref<8x64xf32, #tpu.memory_space<vmem>> -> memref<1x64xf32, #tpu.memory_space<vmem>>
      %dma_wait3A_3383 = tpu.memref_squeeze %dma_wait3A_3382 : memref<1x64xf32, #tpu.memory_space<vmem>> -> memref<64xf32, #tpu.memory_space<vmem>>
      %dma_wait3A_3384 = arith.constant 0 : i32
      %dma_wait3A_3385 = tpu.memref_slice %arg5[%dma_wait3A_3378, %dma_wait3A_3379, %dma_wait3A_3384] : memref<125000x8x64xf32, #tpu.memory_space<hbm>> -> memref<1x1x64xf32, #tpu.memory_space<hbm>>
      %dma_wait3A_3386 = tpu.memref_squeeze %dma_wait3A_3385 : memref<1x1x64xf32, #tpu.memory_space<hbm>> -> memref<64xf32, #tpu.memory_space<hbm>>
      %dma_wait3A_3387 = arith.constant 0 : i32
      %dma_wait3A_3388 = tpu.memref_slice %arg10[%dma_wait3A_3380, %dma_wait3A_3387] : memref<8x64xf32, #tpu.memory_space<vmem>> -> memref<1x64xf32, #tpu.memory_space<vmem>>
      %dma_wait3A_3389 = tpu.memref_squeeze %dma_wait3A_3388 : memref<1x64xf32, #tpu.memory_space<vmem>> -> memref<64xf32, #tpu.memory_space<vmem>>
      %dma_wait3A_3390 = arith.constant 0 : i32
      %dma_wait3A_3391 = tpu.memref_slice %arg5[%dma_wait3A_3378, %dma_wait3A_3379, %dma_wait3A_3390] : memref<125000x8x64xf32, #tpu.memory_space<hbm>> -> memref<1x1x64xf32, #tpu.memory_space<hbm>>
      %dma_wait3A_3392 = tpu.memref_squeeze %dma_wait3A_3391 : memref<1x1x64xf32, #tpu.memory_space<hbm>> -> memref<64xf32, #tpu.memory_space<hbm>>
      tpu.wait_dma2 semaphore(%arg24 : memref<!tpu.dma_semaphore, #tpu.memory_space<semaphore_mem>>) src(%dma_wait3A_3392 : memref<64xf32, #tpu.memory_space<hbm>>) dst(%dma_wait3A_3389 : memref<64xf32, #tpu.memory_space<vmem>>)
      %broadcast_in_dim3A_3393 = arith.constant 0.000000e+00 : f32
      %broadcast_in_dim3A_3394 = vector.broadcast %broadcast_in_dim3A_3393 : f32 to vector<16xf32>
      %get3A_3395 = arith.constant 4 : i32
      %get3A_3396 = arith.index_cast %get3A_3395 : i32 to index
      %get3A_3397 = arith.constant 0 : index
      %get3A_3398 = tpu.vector_load %arg9[%get3A_3396, %get3A_3397] {strides = array<i32>} : memref<8x64xf32, #tpu.memory_space<vmem>>, vector<16xf32>,
      %get3A_3399 = arith.constant 4 : i32
      %get3A_3400 = arith.index_cast %get3A_3399 : i32 to index
      %get3A_3401 = arith.constant 0 : index
      %get3A_3402 = tpu.vector_load %arg10[%get3A_3400, %get3A_3401] {strides = array<i32>} : memref<8x64xf32, #tpu.memory_space<vmem>>, vector<16xf32>,
      %mul3A_3403 = arith.mulf %get3A_3398, %get3A_3402 : vector<16xf32>
      %add3A_3404 = arith.addf %broadcast_in_dim3A_3394, %mul3A_3403 : vector<16xf32>
      %get3A_3405 = arith.constant 4 : i32
      %get3A_3406 = arith.index_cast %get3A_3405 : i32 to index
      %get3A_3407 = arith.constant 16 : index
      %get3A_3408 = tpu.vector_load %arg9[%get3A_3406, %get3A_3407] {strides = array<i32>} : memref<8x64xf32, #tpu.memory_space<vmem>>, vector<16xf32>,
      %get3A_3409 = arith.constant 4 : i32
      %get3A_3410 = arith.index_cast %get3A_3409 : i32 to index
      %get3A_3411 = arith.constant 16 : index
      %get3A_3412 = tpu.vector_load %arg10[%get3A_3410, %get3A_3411] {strides = array<i32>} : memref<8x64xf32, #tpu.memory_space<vmem>>, vector<16xf32>,
      %mul3A_3413 = arith.mulf %get3A_3408, %get3A_3412 : vector<16xf32>
      %add3A_3414 = arith.addf %add3A_3404, %mul3A_3413 : vector<16xf32>
      %get3A_3415 = arith.constant 4 : i32
      %get3A_3416 = arith.index_cast %get3A_3415 : i32 to index
      %get3A_3417 = arith.constant 32 : index
      %get3A_3418 = tpu.vector_load %arg9[%get3A_3416, %get3A_3417] {strides = array<i32>} : memref<8x64xf32, #tpu.memory_space<vmem>>, vector<16xf32>,
      %get3A_3419 = arith.constant 4 : i32
      %get3A_3420 = arith.index_cast %get3A_3419 : i32 to index
      %get3A_3421 = arith.constant 32 : index
      %get3A_3422 = tpu.vector_load %arg10[%get3A_3420, %get3A_3421] {strides = array<i32>} : memref<8x64xf32, #tpu.memory_space<vmem>>, vector<16xf32>,
      %mul3A_3423 = arith.mulf %get3A_3418, %get3A_3422 : vector<16xf32>
      %add3A_3424 = arith.addf %add3A_3414, %mul3A_3423 : vector<16xf32>
      %get3A_3425 = arith.constant 4 : i32
      %get3A_3426 = arith.index_cast %get3A_3425 : i32 to index
      %get3A_3427 = arith.constant 48 : index
      %get3A_3428 = tpu.vector_load %arg9[%get3A_3426, %get3A_3427] {strides = array<i32>} : memref<8x64xf32, #tpu.memory_space<vmem>>, vector<16xf32>,
      %get3A_3429 = arith.constant 4 : i32
      %get3A_3430 = arith.index_cast %get3A_3429 : i32 to index
      %get3A_3431 = arith.constant 48 : index
      %get3A_3432 = tpu.vector_load %arg10[%get3A_3430, %get3A_3431] {strides = array<i32>} : memref<8x64xf32, #tpu.memory_space<vmem>>, vector<16xf32>,
      %mul3A_3433 = arith.mulf %get3A_3428, %get3A_3432 : vector<16xf32>
      %add3A_3434 = arith.addf %add3A_3424, %mul3A_3433 : vector<16xf32>
      %reduce_sum3A_3435 = arith.constant true
      %reduce_sum3A_3436 = vector.broadcast %reduce_sum3A_3435 : i1 to vector<16xi1>
      %reduce_sum3A_3437 = tpu.scan <sum>, %add3A_3434 masked %reduce_sum3A_3436 : vector<16xf32>, vector<16xi1> -> vector<16xf32>
      %reduce_sum3A_3438 = vector.extract %reduce_sum3A_3437[15] : f32 from vector<16xf32>
      %eq3A_3439 = arith.constant 12 : i32
      %eq3A_3440 = vector.broadcast %eq3A_3439 : i32 to vector<16xi32>
      %eq3A_3441 = arith.cmpi eq, %iota3A, %eq3A_3440 : vector<16xi32>
      %broadcast_in_dim3A_3442 = vector.broadcast %reduce_sum3A_3438 : f32 to vector<16xf32>
      %select_n3A_3443 = arith.select %eq3A_3441, %broadcast_in_dim3A_3442, %select_n3A_3324 : vector<16xi1>, vector<16xf32>
      %slice3A_3444 = vector.extract_strided_slice %get3A_1926 {offsets = [4], sizes = [1], strides = [1]} : vector<16xi32> to vector<1xi32>
      %squeeze3A_3445 = vector.extract %slice3A_3444[0] : i32 from vector<1xi32>
      %slice3A_3446 = vector.extract_strided_slice %get3A_1932 {offsets = [4], sizes = [1], strides = [1]} : vector<16xi32> to vector<1xi32>
      %squeeze3A_3447 = vector.extract %slice3A_3446[0] : i32 from vector<1xi32>
      %shift_right_arithmetic3A_3448 = arith.constant 3 : i32
      %shift_right_arithmetic3A_3449 = arith.shrsi %squeeze3A_3445, %shift_right_arithmetic3A_3448 : i32
      %and3A_3450 = arith.constant 7 : i32
      %and3A_3451 = arith.andi %squeeze3A_3445, %and3A_3450 : i32
      %dma_start3A_3452 = arith.constant 4 : i32
      %dma_start3A_3453 = arith.constant 0 : i32
      %dma_start3A_3454 = tpu.memref_slice %arg9[%dma_start3A_3452, %dma_start3A_3453] : memref<8x64xf32, #tpu.memory_space<vmem>> -> memref<1x64xf32, #tpu.memory_space<vmem>>
      %dma_start3A_3455 = tpu.memref_squeeze %dma_start3A_3454 : memref<1x64xf32, #tpu.memory_space<vmem>> -> memref<64xf32, #tpu.memory_space<vmem>>
      %dma_start3A_3456 = arith.constant 0 : i32
      %dma_start3A_3457 = tpu.memref_slice %arg4[%shift_right_arithmetic3A_3449, %and3A_3451, %dma_start3A_3456] : memref<125000x8x64xf32, #tpu.memory_space<hbm>> -> memref<1x1x64xf32, #tpu.memory_space<hbm>>
      %dma_start3A_3458 = tpu.memref_squeeze %dma_start3A_3457 : memref<1x1x64xf32, #tpu.memory_space<hbm>> -> memref<64xf32, #tpu.memory_space<hbm>>
      %dma_start3A_3459 = arith.constant 0 : i32
      %dma_start3A_3460 = tpu.memref_slice %arg9[%dma_start3A_3452, %dma_start3A_3459] : memref<8x64xf32, #tpu.memory_space<vmem>> -> memref<1x64xf32, #tpu.memory_space<vmem>>
      %dma_start3A_3461 = tpu.memref_squeeze %dma_start3A_3460 : memref<1x64xf32, #tpu.memory_space<vmem>> -> memref<64xf32, #tpu.memory_space<vmem>>
      %dma_start3A_3462 = arith.constant 0 : i32
      %dma_start3A_3463 = tpu.memref_slice %arg4[%shift_right_arithmetic3A_3449, %and3A_3451, %dma_start3A_3462] : memref<125000x8x64xf32, #tpu.memory_space<hbm>> -> memref<1x1x64xf32, #tpu.memory_space<hbm>>
      %dma_start3A_3464 = tpu.memref_squeeze %dma_start3A_3463 : memref<1x1x64xf32, #tpu.memory_space<hbm>> -> memref<64xf32, #tpu.memory_space<hbm>>
      tpu.enqueue_dma source(%dma_start3A_3464 : memref<64xf32, #tpu.memory_space<hbm>>) target(%dma_start3A_3461 : memref<64xf32, #tpu.memory_space<vmem>>) target_semaphore(%arg16 : memref<!tpu.dma_semaphore, #tpu.memory_space<semaphore_mem>>)
      %shift_right_arithmetic3A_3465 = arith.constant 3 : i32
      %shift_right_arithmetic3A_3466 = arith.shrsi %squeeze3A_3447, %shift_right_arithmetic3A_3465 : i32
      %and3A_3467 = arith.constant 7 : i32
      %and3A_3468 = arith.andi %squeeze3A_3447, %and3A_3467 : i32
      %dma_start3A_3469 = arith.constant 4 : i32
      %dma_start3A_3470 = arith.constant 0 : i32
      %dma_start3A_3471 = tpu.memref_slice %arg10[%dma_start3A_3469, %dma_start3A_3470] : memref<8x64xf32, #tpu.memory_space<vmem>> -> memref<1x64xf32, #tpu.memory_space<vmem>>
      %dma_start3A_3472 = tpu.memref_squeeze %dma_start3A_3471 : memref<1x64xf32, #tpu.memory_space<vmem>> -> memref<64xf32, #tpu.memory_space<vmem>>
      %dma_start3A_3473 = arith.constant 0 : i32
      %dma_start3A_3474 = tpu.memref_slice %arg5[%shift_right_arithmetic3A_3466, %and3A_3468, %dma_start3A_3473] : memref<125000x8x64xf32, #tpu.memory_space<hbm>> -> memref<1x1x64xf32, #tpu.memory_space<hbm>>
      %dma_start3A_3475 = tpu.memref_squeeze %dma_start3A_3474 : memref<1x1x64xf32, #tpu.memory_space<hbm>> -> memref<64xf32, #tpu.memory_space<hbm>>
      %dma_start3A_3476 = arith.constant 0 : i32
      %dma_start3A_3477 = tpu.memref_slice %arg10[%dma_start3A_3469, %dma_start3A_3476] : memref<8x64xf32, #tpu.memory_space<vmem>> -> memref<1x64xf32, #tpu.memory_space<vmem>>
      %dma_start3A_3478 = tpu.memref_squeeze %dma_start3A_3477 : memref<1x64xf32, #tpu.memory_space<vmem>> -> memref<64xf32, #tpu.memory_space<vmem>>
      %dma_start3A_3479 = arith.constant 0 : i32
      %dma_start3A_3480 = tpu.memref_slice %arg5[%shift_right_arithmetic3A_3466, %and3A_3468, %dma_start3A_3479] : memref<125000x8x64xf32, #tpu.memory_space<hbm>> -> memref<1x1x64xf32, #tpu.memory_space<hbm>>
      %dma_start3A_3481 = tpu.memref_squeeze %dma_start3A_3480 : memref<1x1x64xf32, #tpu.memory_space<hbm>> -> memref<64xf32, #tpu.memory_space<hbm>>
      tpu.enqueue_dma source(%dma_start3A_3481 : memref<64xf32, #tpu.memory_space<hbm>>) target(%dma_start3A_3478 : memref<64xf32, #tpu.memory_space<vmem>>) target_semaphore(%arg24 : memref<!tpu.dma_semaphore, #tpu.memory_space<semaphore_mem>>)
      %dma_wait3A_3482 = arith.constant 0 : i32
      %dma_wait3A_3483 = arith.constant 0 : i32
      %dma_wait3A_3484 = arith.constant 5 : i32
      %dma_wait3A_3485 = arith.constant 0 : i32
      %dma_wait3A_3486 = tpu.memref_slice %arg9[%dma_wait3A_3484, %dma_wait3A_3485] : memref<8x64xf32, #tpu.memory_space<vmem>> -> memref<1x64xf32, #tpu.memory_space<vmem>>
      %dma_wait3A_3487 = tpu.memref_squeeze %dma_wait3A_3486 : memref<1x64xf32, #tpu.memory_space<vmem>> -> memref<64xf32, #tpu.memory_space<vmem>>
      %dma_wait3A_3488 = arith.constant 0 : i32
      %dma_wait3A_3489 = tpu.memref_slice %arg4[%dma_wait3A_3482, %dma_wait3A_3483, %dma_wait3A_3488] : memref<125000x8x64xf32, #tpu.memory_space<hbm>> -> memref<1x1x64xf32, #tpu.memory_space<hbm>>
      %dma_wait3A_3490 = tpu.memref_squeeze %dma_wait3A_3489 : memref<1x1x64xf32, #tpu.memory_space<hbm>> -> memref<64xf32, #tpu.memory_space<hbm>>
      %dma_wait3A_3491 = arith.constant 0 : i32
      %dma_wait3A_3492 = tpu.memref_slice %arg9[%dma_wait3A_3484, %dma_wait3A_3491] : memref<8x64xf32, #tpu.memory_space<vmem>> -> memref<1x64xf32, #tpu.memory_space<vmem>>
      %dma_wait3A_3493 = tpu.memref_squeeze %dma_wait3A_3492 : memref<1x64xf32, #tpu.memory_space<vmem>> -> memref<64xf32, #tpu.memory_space<vmem>>
      %dma_wait3A_3494 = arith.constant 0 : i32
      %dma_wait3A_3495 = tpu.memref_slice %arg4[%dma_wait3A_3482, %dma_wait3A_3483, %dma_wait3A_3494] : memref<125000x8x64xf32, #tpu.memory_space<hbm>> -> memref<1x1x64xf32, #tpu.memory_space<hbm>>
      %dma_wait3A_3496 = tpu.memref_squeeze %dma_wait3A_3495 : memref<1x1x64xf32, #tpu.memory_space<hbm>> -> memref<64xf32, #tpu.memory_space<hbm>>
      tpu.wait_dma2 semaphore(%arg17 : memref<!tpu.dma_semaphore, #tpu.memory_space<semaphore_mem>>) src(%dma_wait3A_3496 : memref<64xf32, #tpu.memory_space<hbm>>) dst(%dma_wait3A_3493 : memref<64xf32, #tpu.memory_space<vmem>>)
      %dma_wait3A_3497 = arith.constant 0 : i32
      %dma_wait3A_3498 = arith.constant 0 : i32
      %dma_wait3A_3499 = arith.constant 5 : i32
      %dma_wait3A_3500 = arith.constant 0 : i32
      %dma_wait3A_3501 = tpu.memref_slice %arg10[%dma_wait3A_3499, %dma_wait3A_3500] : memref<8x64xf32, #tpu.memory_space<vmem>> -> memref<1x64xf32, #tpu.memory_space<vmem>>
      %dma_wait3A_3502 = tpu.memref_squeeze %dma_wait3A_3501 : memref<1x64xf32, #tpu.memory_space<vmem>> -> memref<64xf32, #tpu.memory_space<vmem>>
      %dma_wait3A_3503 = arith.constant 0 : i32
      %dma_wait3A_3504 = tpu.memref_slice %arg5[%dma_wait3A_3497, %dma_wait3A_3498, %dma_wait3A_3503] : memref<125000x8x64xf32, #tpu.memory_space<hbm>> -> memref<1x1x64xf32, #tpu.memory_space<hbm>>
      %dma_wait3A_3505 = tpu.memref_squeeze %dma_wait3A_3504 : memref<1x1x64xf32, #tpu.memory_space<hbm>> -> memref<64xf32, #tpu.memory_space<hbm>>
      %dma_wait3A_3506 = arith.constant 0 : i32
      %dma_wait3A_3507 = tpu.memref_slice %arg10[%dma_wait3A_3499, %dma_wait3A_3506] : memref<8x64xf32, #tpu.memory_space<vmem>> -> memref<1x64xf32, #tpu.memory_space<vmem>>
      %dma_wait3A_3508 = tpu.memref_squeeze %dma_wait3A_3507 : memref<1x64xf32, #tpu.memory_space<vmem>> -> memref<64xf32, #tpu.memory_space<vmem>>
      %dma_wait3A_3509 = arith.constant 0 : i32
      %dma_wait3A_3510 = tpu.memref_slice %arg5[%dma_wait3A_3497, %dma_wait3A_3498, %dma_wait3A_3509] : memref<125000x8x64xf32, #tpu.memory_space<hbm>> -> memref<1x1x64xf32, #tpu.memory_space<hbm>>
      %dma_wait3A_3511 = tpu.memref_squeeze %dma_wait3A_3510 : memref<1x1x64xf32, #tpu.memory_space<hbm>> -> memref<64xf32, #tpu.memory_space<hbm>>
      tpu.wait_dma2 semaphore(%arg25 : memref<!tpu.dma_semaphore, #tpu.memory_space<semaphore_mem>>) src(%dma_wait3A_3511 : memref<64xf32, #tpu.memory_space<hbm>>) dst(%dma_wait3A_3508 : memref<64xf32, #tpu.memory_space<vmem>>)
      %broadcast_in_dim3A_3512 = arith.constant 0.000000e+00 : f32
      %broadcast_in_dim3A_3513 = vector.broadcast %broadcast_in_dim3A_3512 : f32 to vector<16xf32>
      %get3A_3514 = arith.constant 5 : i32
      %get3A_3515 = arith.index_cast %get3A_3514 : i32 to index
      %get3A_3516 = arith.constant 0 : index
      %get3A_3517 = tpu.vector_load %arg9[%get3A_3515, %get3A_3516] {strides = array<i32>} : memref<8x64xf32, #tpu.memory_space<vmem>>, vector<16xf32>,
      %get3A_3518 = arith.constant 5 : i32
      %get3A_3519 = arith.index_cast %get3A_3518 : i32 to index
      %get3A_3520 = arith.constant 0 : index
      %get3A_3521 = tpu.vector_load %arg10[%get3A_3519, %get3A_3520] {strides = array<i32>} : memref<8x64xf32, #tpu.memory_space<vmem>>, vector<16xf32>,
      %mul3A_3522 = arith.mulf %get3A_3517, %get3A_3521 : vector<16xf32>
      %add3A_3523 = arith.addf %broadcast_in_dim3A_3513, %mul3A_3522 : vector<16xf32>
      %get3A_3524 = arith.constant 5 : i32
      %get3A_3525 = arith.index_cast %get3A_3524 : i32 to index
      %get3A_3526 = arith.constant 16 : index
      %get3A_3527 = tpu.vector_load %arg9[%get3A_3525, %get3A_3526] {strides = array<i32>} : memref<8x64xf32, #tpu.memory_space<vmem>>, vector<16xf32>,
      %get3A_3528 = arith.constant 5 : i32
      %get3A_3529 = arith.index_cast %get3A_3528 : i32 to index
      %get3A_3530 = arith.constant 16 : index
      %get3A_3531 = tpu.vector_load %arg10[%get3A_3529, %get3A_3530] {strides = array<i32>} : memref<8x64xf32, #tpu.memory_space<vmem>>, vector<16xf32>,
      %mul3A_3532 = arith.mulf %get3A_3527, %get3A_3531 : vector<16xf32>
      %add3A_3533 = arith.addf %add3A_3523, %mul3A_3532 : vector<16xf32>
      %get3A_3534 = arith.constant 5 : i32
      %get3A_3535 = arith.index_cast %get3A_3534 : i32 to index
      %get3A_3536 = arith.constant 32 : index
      %get3A_3537 = tpu.vector_load %arg9[%get3A_3535, %get3A_3536] {strides = array<i32>} : memref<8x64xf32, #tpu.memory_space<vmem>>, vector<16xf32>,
      %get3A_3538 = arith.constant 5 : i32
      %get3A_3539 = arith.index_cast %get3A_3538 : i32 to index
      %get3A_3540 = arith.constant 32 : index
      %get3A_3541 = tpu.vector_load %arg10[%get3A_3539, %get3A_3540] {strides = array<i32>} : memref<8x64xf32, #tpu.memory_space<vmem>>, vector<16xf32>,
      %mul3A_3542 = arith.mulf %get3A_3537, %get3A_3541 : vector<16xf32>
      %add3A_3543 = arith.addf %add3A_3533, %mul3A_3542 : vector<16xf32>
      %get3A_3544 = arith.constant 5 : i32
      %get3A_3545 = arith.index_cast %get3A_3544 : i32 to index
      %get3A_3546 = arith.constant 48 : index
      %get3A_3547 = tpu.vector_load %arg9[%get3A_3545, %get3A_3546] {strides = array<i32>} : memref<8x64xf32, #tpu.memory_space<vmem>>, vector<16xf32>,
      %get3A_3548 = arith.constant 5 : i32
      %get3A_3549 = arith.index_cast %get3A_3548 : i32 to index
      %get3A_3550 = arith.constant 48 : index
      %get3A_3551 = tpu.vector_load %arg10[%get3A_3549, %get3A_3550] {strides = array<i32>} : memref<8x64xf32, #tpu.memory_space<vmem>>, vector<16xf32>,
      %mul3A_3552 = arith.mulf %get3A_3547, %get3A_3551 : vector<16xf32>
      %add3A_3553 = arith.addf %add3A_3543, %mul3A_3552 : vector<16xf32>
      %reduce_sum3A_3554 = arith.constant true
      %reduce_sum3A_3555 = vector.broadcast %reduce_sum3A_3554 : i1 to vector<16xi1>
      %reduce_sum3A_3556 = tpu.scan <sum>, %add3A_3553 masked %reduce_sum3A_3555 : vector<16xf32>, vector<16xi1> -> vector<16xf32>
      %reduce_sum3A_3557 = vector.extract %reduce_sum3A_3556[15] : f32 from vector<16xf32>
      %eq3A_3558 = arith.constant 13 : i32
      %eq3A_3559 = vector.broadcast %eq3A_3558 : i32 to vector<16xi32>
      %eq3A_3560 = arith.cmpi eq, %iota3A, %eq3A_3559 : vector<16xi32>
      %broadcast_in_dim3A_3561 = vector.broadcast %reduce_sum3A_3557 : f32 to vector<16xf32>
      %select_n3A_3562 = arith.select %eq3A_3560, %broadcast_in_dim3A_3561, %select_n3A_3443 : vector<16xi1>, vector<16xf32>
      %slice3A_3563 = vector.extract_strided_slice %get3A_1926 {offsets = [5], sizes = [1], strides = [1]} : vector<16xi32> to vector<1xi32>
      %squeeze3A_3564 = vector.extract %slice3A_3563[0] : i32 from vector<1xi32>
      %slice3A_3565 = vector.extract_strided_slice %get3A_1932 {offsets = [5], sizes = [1], strides = [1]} : vector<16xi32> to vector<1xi32>
      %squeeze3A_3566 = vector.extract %slice3A_3565[0] : i32 from vector<1xi32>
      %shift_right_arithmetic3A_3567 = arith.constant 3 : i32
      %shift_right_arithmetic3A_3568 = arith.shrsi %squeeze3A_3564, %shift_right_arithmetic3A_3567 : i32
      %and3A_3569 = arith.constant 7 : i32
      %and3A_3570 = arith.andi %squeeze3A_3564, %and3A_3569 : i32
      %dma_start3A_3571 = arith.constant 5 : i32
      %dma_start3A_3572 = arith.constant 0 : i32
      %dma_start3A_3573 = tpu.memref_slice %arg9[%dma_start3A_3571, %dma_start3A_3572] : memref<8x64xf32, #tpu.memory_space<vmem>> -> memref<1x64xf32, #tpu.memory_space<vmem>>
      %dma_start3A_3574 = tpu.memref_squeeze %dma_start3A_3573 : memref<1x64xf32, #tpu.memory_space<vmem>> -> memref<64xf32, #tpu.memory_space<vmem>>
      %dma_start3A_3575 = arith.constant 0 : i32
      %dma_start3A_3576 = tpu.memref_slice %arg4[%shift_right_arithmetic3A_3568, %and3A_3570, %dma_start3A_3575] : memref<125000x8x64xf32, #tpu.memory_space<hbm>> -> memref<1x1x64xf32, #tpu.memory_space<hbm>>
      %dma_start3A_3577 = tpu.memref_squeeze %dma_start3A_3576 : memref<1x1x64xf32, #tpu.memory_space<hbm>> -> memref<64xf32, #tpu.memory_space<hbm>>
      %dma_start3A_3578 = arith.constant 0 : i32
      %dma_start3A_3579 = tpu.memref_slice %arg9[%dma_start3A_3571, %dma_start3A_3578] : memref<8x64xf32, #tpu.memory_space<vmem>> -> memref<1x64xf32, #tpu.memory_space<vmem>>
      %dma_start3A_3580 = tpu.memref_squeeze %dma_start3A_3579 : memref<1x64xf32, #tpu.memory_space<vmem>> -> memref<64xf32, #tpu.memory_space<vmem>>
      %dma_start3A_3581 = arith.constant 0 : i32
      %dma_start3A_3582 = tpu.memref_slice %arg4[%shift_right_arithmetic3A_3568, %and3A_3570, %dma_start3A_3581] : memref<125000x8x64xf32, #tpu.memory_space<hbm>> -> memref<1x1x64xf32, #tpu.memory_space<hbm>>
      %dma_start3A_3583 = tpu.memref_squeeze %dma_start3A_3582 : memref<1x1x64xf32, #tpu.memory_space<hbm>> -> memref<64xf32, #tpu.memory_space<hbm>>
      tpu.enqueue_dma source(%dma_start3A_3583 : memref<64xf32, #tpu.memory_space<hbm>>) target(%dma_start3A_3580 : memref<64xf32, #tpu.memory_space<vmem>>) target_semaphore(%arg17 : memref<!tpu.dma_semaphore, #tpu.memory_space<semaphore_mem>>)
      %shift_right_arithmetic3A_3584 = arith.constant 3 : i32
      %shift_right_arithmetic3A_3585 = arith.shrsi %squeeze3A_3566, %shift_right_arithmetic3A_3584 : i32
      %and3A_3586 = arith.constant 7 : i32
      %and3A_3587 = arith.andi %squeeze3A_3566, %and3A_3586 : i32
      %dma_start3A_3588 = arith.constant 5 : i32
      %dma_start3A_3589 = arith.constant 0 : i32
      %dma_start3A_3590 = tpu.memref_slice %arg10[%dma_start3A_3588, %dma_start3A_3589] : memref<8x64xf32, #tpu.memory_space<vmem>> -> memref<1x64xf32, #tpu.memory_space<vmem>>
      %dma_start3A_3591 = tpu.memref_squeeze %dma_start3A_3590 : memref<1x64xf32, #tpu.memory_space<vmem>> -> memref<64xf32, #tpu.memory_space<vmem>>
      %dma_start3A_3592 = arith.constant 0 : i32
      %dma_start3A_3593 = tpu.memref_slice %arg5[%shift_right_arithmetic3A_3585, %and3A_3587, %dma_start3A_3592] : memref<125000x8x64xf32, #tpu.memory_space<hbm>> -> memref<1x1x64xf32, #tpu.memory_space<hbm>>
      %dma_start3A_3594 = tpu.memref_squeeze %dma_start3A_3593 : memref<1x1x64xf32, #tpu.memory_space<hbm>> -> memref<64xf32, #tpu.memory_space<hbm>>
      %dma_start3A_3595 = arith.constant 0 : i32
      %dma_start3A_3596 = tpu.memref_slice %arg10[%dma_start3A_3588, %dma_start3A_3595] : memref<8x64xf32, #tpu.memory_space<vmem>> -> memref<1x64xf32, #tpu.memory_space<vmem>>
      %dma_start3A_3597 = tpu.memref_squeeze %dma_start3A_3596 : memref<1x64xf32, #tpu.memory_space<vmem>> -> memref<64xf32, #tpu.memory_space<vmem>>
      %dma_start3A_3598 = arith.constant 0 : i32
      %dma_start3A_3599 = tpu.memref_slice %arg5[%shift_right_arithmetic3A_3585, %and3A_3587, %dma_start3A_3598] : memref<125000x8x64xf32, #tpu.memory_space<hbm>> -> memref<1x1x64xf32, #tpu.memory_space<hbm>>
      %dma_start3A_3600 = tpu.memref_squeeze %dma_start3A_3599 : memref<1x1x64xf32, #tpu.memory_space<hbm>> -> memref<64xf32, #tpu.memory_space<hbm>>
      tpu.enqueue_dma source(%dma_start3A_3600 : memref<64xf32, #tpu.memory_space<hbm>>) target(%dma_start3A_3597 : memref<64xf32, #tpu.memory_space<vmem>>) target_semaphore(%arg25 : memref<!tpu.dma_semaphore, #tpu.memory_space<semaphore_mem>>)
      %dma_wait3A_3601 = arith.constant 0 : i32
      %dma_wait3A_3602 = arith.constant 0 : i32
      %dma_wait3A_3603 = arith.constant 6 : i32
      %dma_wait3A_3604 = arith.constant 0 : i32
      %dma_wait3A_3605 = tpu.memref_slice %arg9[%dma_wait3A_3603, %dma_wait3A_3604] : memref<8x64xf32, #tpu.memory_space<vmem>> -> memref<1x64xf32, #tpu.memory_space<vmem>>
      %dma_wait3A_3606 = tpu.memref_squeeze %dma_wait3A_3605 : memref<1x64xf32, #tpu.memory_space<vmem>> -> memref<64xf32, #tpu.memory_space<vmem>>
      %dma_wait3A_3607 = arith.constant 0 : i32
      %dma_wait3A_3608 = tpu.memref_slice %arg4[%dma_wait3A_3601, %dma_wait3A_3602, %dma_wait3A_3607] : memref<125000x8x64xf32, #tpu.memory_space<hbm>> -> memref<1x1x64xf32, #tpu.memory_space<hbm>>
      %dma_wait3A_3609 = tpu.memref_squeeze %dma_wait3A_3608 : memref<1x1x64xf32, #tpu.memory_space<hbm>> -> memref<64xf32, #tpu.memory_space<hbm>>
      %dma_wait3A_3610 = arith.constant 0 : i32
      %dma_wait3A_3611 = tpu.memref_slice %arg9[%dma_wait3A_3603, %dma_wait3A_3610] : memref<8x64xf32, #tpu.memory_space<vmem>> -> memref<1x64xf32, #tpu.memory_space<vmem>>
      %dma_wait3A_3612 = tpu.memref_squeeze %dma_wait3A_3611 : memref<1x64xf32, #tpu.memory_space<vmem>> -> memref<64xf32, #tpu.memory_space<vmem>>
      %dma_wait3A_3613 = arith.constant 0 : i32
      %dma_wait3A_3614 = tpu.memref_slice %arg4[%dma_wait3A_3601, %dma_wait3A_3602, %dma_wait3A_3613] : memref<125000x8x64xf32, #tpu.memory_space<hbm>> -> memref<1x1x64xf32, #tpu.memory_space<hbm>>
      %dma_wait3A_3615 = tpu.memref_squeeze %dma_wait3A_3614 : memref<1x1x64xf32, #tpu.memory_space<hbm>> -> memref<64xf32, #tpu.memory_space<hbm>>
      tpu.wait_dma2 semaphore(%arg18 : memref<!tpu.dma_semaphore, #tpu.memory_space<semaphore_mem>>) src(%dma_wait3A_3615 : memref<64xf32, #tpu.memory_space<hbm>>) dst(%dma_wait3A_3612 : memref<64xf32, #tpu.memory_space<vmem>>)
      %dma_wait3A_3616 = arith.constant 0 : i32
      %dma_wait3A_3617 = arith.constant 0 : i32
      %dma_wait3A_3618 = arith.constant 6 : i32
      %dma_wait3A_3619 = arith.constant 0 : i32
      %dma_wait3A_3620 = tpu.memref_slice %arg10[%dma_wait3A_3618, %dma_wait3A_3619] : memref<8x64xf32, #tpu.memory_space<vmem>> -> memref<1x64xf32, #tpu.memory_space<vmem>>
      %dma_wait3A_3621 = tpu.memref_squeeze %dma_wait3A_3620 : memref<1x64xf32, #tpu.memory_space<vmem>> -> memref<64xf32, #tpu.memory_space<vmem>>
      %dma_wait3A_3622 = arith.constant 0 : i32
      %dma_wait3A_3623 = tpu.memref_slice %arg5[%dma_wait3A_3616, %dma_wait3A_3617, %dma_wait3A_3622] : memref<125000x8x64xf32, #tpu.memory_space<hbm>> -> memref<1x1x64xf32, #tpu.memory_space<hbm>>
      %dma_wait3A_3624 = tpu.memref_squeeze %dma_wait3A_3623 : memref<1x1x64xf32, #tpu.memory_space<hbm>> -> memref<64xf32, #tpu.memory_space<hbm>>
      %dma_wait3A_3625 = arith.constant 0 : i32
      %dma_wait3A_3626 = tpu.memref_slice %arg10[%dma_wait3A_3618, %dma_wait3A_3625] : memref<8x64xf32, #tpu.memory_space<vmem>> -> memref<1x64xf32, #tpu.memory_space<vmem>>
      %dma_wait3A_3627 = tpu.memref_squeeze %dma_wait3A_3626 : memref<1x64xf32, #tpu.memory_space<vmem>> -> memref<64xf32, #tpu.memory_space<vmem>>
      %dma_wait3A_3628 = arith.constant 0 : i32
      %dma_wait3A_3629 = tpu.memref_slice %arg5[%dma_wait3A_3616, %dma_wait3A_3617, %dma_wait3A_3628] : memref<125000x8x64xf32, #tpu.memory_space<hbm>> -> memref<1x1x64xf32, #tpu.memory_space<hbm>>
      %dma_wait3A_3630 = tpu.memref_squeeze %dma_wait3A_3629 : memref<1x1x64xf32, #tpu.memory_space<hbm>> -> memref<64xf32, #tpu.memory_space<hbm>>
      tpu.wait_dma2 semaphore(%arg26 : memref<!tpu.dma_semaphore, #tpu.memory_space<semaphore_mem>>) src(%dma_wait3A_3630 : memref<64xf32, #tpu.memory_space<hbm>>) dst(%dma_wait3A_3627 : memref<64xf32, #tpu.memory_space<vmem>>)
      %broadcast_in_dim3A_3631 = arith.constant 0.000000e+00 : f32
      %broadcast_in_dim3A_3632 = vector.broadcast %broadcast_in_dim3A_3631 : f32 to vector<16xf32>
      %get3A_3633 = arith.constant 6 : i32
      %get3A_3634 = arith.index_cast %get3A_3633 : i32 to index
      %get3A_3635 = arith.constant 0 : index
      %get3A_3636 = tpu.vector_load %arg9[%get3A_3634, %get3A_3635] {strides = array<i32>} : memref<8x64xf32, #tpu.memory_space<vmem>>, vector<16xf32>,
      %get3A_3637 = arith.constant 6 : i32
      %get3A_3638 = arith.index_cast %get3A_3637 : i32 to index
      %get3A_3639 = arith.constant 0 : index
      %get3A_3640 = tpu.vector_load %arg10[%get3A_3638, %get3A_3639] {strides = array<i32>} : memref<8x64xf32, #tpu.memory_space<vmem>>, vector<16xf32>,
      %mul3A_3641 = arith.mulf %get3A_3636, %get3A_3640 : vector<16xf32>
      %add3A_3642 = arith.addf %broadcast_in_dim3A_3632, %mul3A_3641 : vector<16xf32>
      %get3A_3643 = arith.constant 6 : i32
      %get3A_3644 = arith.index_cast %get3A_3643 : i32 to index
      %get3A_3645 = arith.constant 16 : index
      %get3A_3646 = tpu.vector_load %arg9[%get3A_3644, %get3A_3645] {strides = array<i32>} : memref<8x64xf32, #tpu.memory_space<vmem>>, vector<16xf32>,
      %get3A_3647 = arith.constant 6 : i32
      %get3A_3648 = arith.index_cast %get3A_3647 : i32 to index
      %get3A_3649 = arith.constant 16 : index
      %get3A_3650 = tpu.vector_load %arg10[%get3A_3648, %get3A_3649] {strides = array<i32>} : memref<8x64xf32, #tpu.memory_space<vmem>>, vector<16xf32>,
      %mul3A_3651 = arith.mulf %get3A_3646, %get3A_3650 : vector<16xf32>
      %add3A_3652 = arith.addf %add3A_3642, %mul3A_3651 : vector<16xf32>
      %get3A_3653 = arith.constant 6 : i32
      %get3A_3654 = arith.index_cast %get3A_3653 : i32 to index
      %get3A_3655 = arith.constant 32 : index
      %get3A_3656 = tpu.vector_load %arg9[%get3A_3654, %get3A_3655] {strides = array<i32>} : memref<8x64xf32, #tpu.memory_space<vmem>>, vector<16xf32>,
      %get3A_3657 = arith.constant 6 : i32
      %get3A_3658 = arith.index_cast %get3A_3657 : i32 to index
      %get3A_3659 = arith.constant 32 : index
      %get3A_3660 = tpu.vector_load %arg10[%get3A_3658, %get3A_3659] {strides = array<i32>} : memref<8x64xf32, #tpu.memory_space<vmem>>, vector<16xf32>,
      %mul3A_3661 = arith.mulf %get3A_3656, %get3A_3660 : vector<16xf32>
      %add3A_3662 = arith.addf %add3A_3652, %mul3A_3661 : vector<16xf32>
      %get3A_3663 = arith.constant 6 : i32
      %get3A_3664 = arith.index_cast %get3A_3663 : i32 to index
      %get3A_3665 = arith.constant 48 : index
      %get3A_3666 = tpu.vector_load %arg9[%get3A_3664, %get3A_3665] {strides = array<i32>} : memref<8x64xf32, #tpu.memory_space<vmem>>, vector<16xf32>,
      %get3A_3667 = arith.constant 6 : i32
      %get3A_3668 = arith.index_cast %get3A_3667 : i32 to index
      %get3A_3669 = arith.constant 48 : index
      %get3A_3670 = tpu.vector_load %arg10[%get3A_3668, %get3A_3669] {strides = array<i32>} : memref<8x64xf32, #tpu.memory_space<vmem>>, vector<16xf32>,
      %mul3A_3671 = arith.mulf %get3A_3666, %get3A_3670 : vector<16xf32>
      %add3A_3672 = arith.addf %add3A_3662, %mul3A_3671 : vector<16xf32>
      %reduce_sum3A_3673 = arith.constant true
      %reduce_sum3A_3674 = vector.broadcast %reduce_sum3A_3673 : i1 to vector<16xi1>
      %reduce_sum3A_3675 = tpu.scan <sum>, %add3A_3672 masked %reduce_sum3A_3674 : vector<16xf32>, vector<16xi1> -> vector<16xf32>
      %reduce_sum3A_3676 = vector.extract %reduce_sum3A_3675[15] : f32 from vector<16xf32>
      %eq3A_3677 = arith.constant 14 : i32
      %eq3A_3678 = vector.broadcast %eq3A_3677 : i32 to vector<16xi32>
      %eq3A_3679 = arith.cmpi eq, %iota3A, %eq3A_3678 : vector<16xi32>
      %broadcast_in_dim3A_3680 = vector.broadcast %reduce_sum3A_3676 : f32 to vector<16xf32>
      %select_n3A_3681 = arith.select %eq3A_3679, %broadcast_in_dim3A_3680, %select_n3A_3562 : vector<16xi1>, vector<16xf32>
      %slice3A_3682 = vector.extract_strided_slice %get3A_1926 {offsets = [6], sizes = [1], strides = [1]} : vector<16xi32> to vector<1xi32>
      %squeeze3A_3683 = vector.extract %slice3A_3682[0] : i32 from vector<1xi32>
      %slice3A_3684 = vector.extract_strided_slice %get3A_1932 {offsets = [6], sizes = [1], strides = [1]} : vector<16xi32> to vector<1xi32>
      %squeeze3A_3685 = vector.extract %slice3A_3684[0] : i32 from vector<1xi32>
      %shift_right_arithmetic3A_3686 = arith.constant 3 : i32
      %shift_right_arithmetic3A_3687 = arith.shrsi %squeeze3A_3683, %shift_right_arithmetic3A_3686 : i32
      %and3A_3688 = arith.constant 7 : i32
      %and3A_3689 = arith.andi %squeeze3A_3683, %and3A_3688 : i32
      %dma_start3A_3690 = arith.constant 6 : i32
      %dma_start3A_3691 = arith.constant 0 : i32
      %dma_start3A_3692 = tpu.memref_slice %arg9[%dma_start3A_3690, %dma_start3A_3691] : memref<8x64xf32, #tpu.memory_space<vmem>> -> memref<1x64xf32, #tpu.memory_space<vmem>>
      %dma_start3A_3693 = tpu.memref_squeeze %dma_start3A_3692 : memref<1x64xf32, #tpu.memory_space<vmem>> -> memref<64xf32, #tpu.memory_space<vmem>>
      %dma_start3A_3694 = arith.constant 0 : i32
      %dma_start3A_3695 = tpu.memref_slice %arg4[%shift_right_arithmetic3A_3687, %and3A_3689, %dma_start3A_3694] : memref<125000x8x64xf32, #tpu.memory_space<hbm>> -> memref<1x1x64xf32, #tpu.memory_space<hbm>>
      %dma_start3A_3696 = tpu.memref_squeeze %dma_start3A_3695 : memref<1x1x64xf32, #tpu.memory_space<hbm>> -> memref<64xf32, #tpu.memory_space<hbm>>
      %dma_start3A_3697 = arith.constant 0 : i32
      %dma_start3A_3698 = tpu.memref_slice %arg9[%dma_start3A_3690, %dma_start3A_3697] : memref<8x64xf32, #tpu.memory_space<vmem>> -> memref<1x64xf32, #tpu.memory_space<vmem>>
      %dma_start3A_3699 = tpu.memref_squeeze %dma_start3A_3698 : memref<1x64xf32, #tpu.memory_space<vmem>> -> memref<64xf32, #tpu.memory_space<vmem>>
      %dma_start3A_3700 = arith.constant 0 : i32
      %dma_start3A_3701 = tpu.memref_slice %arg4[%shift_right_arithmetic3A_3687, %and3A_3689, %dma_start3A_3700] : memref<125000x8x64xf32, #tpu.memory_space<hbm>> -> memref<1x1x64xf32, #tpu.memory_space<hbm>>
      %dma_start3A_3702 = tpu.memref_squeeze %dma_start3A_3701 : memref<1x1x64xf32, #tpu.memory_space<hbm>> -> memref<64xf32, #tpu.memory_space<hbm>>
      tpu.enqueue_dma source(%dma_start3A_3702 : memref<64xf32, #tpu.memory_space<hbm>>) target(%dma_start3A_3699 : memref<64xf32, #tpu.memory_space<vmem>>) target_semaphore(%arg18 : memref<!tpu.dma_semaphore, #tpu.memory_space<semaphore_mem>>)
      %shift_right_arithmetic3A_3703 = arith.constant 3 : i32
      %shift_right_arithmetic3A_3704 = arith.shrsi %squeeze3A_3685, %shift_right_arithmetic3A_3703 : i32
      %and3A_3705 = arith.constant 7 : i32
      %and3A_3706 = arith.andi %squeeze3A_3685, %and3A_3705 : i32
      %dma_start3A_3707 = arith.constant 6 : i32
      %dma_start3A_3708 = arith.constant 0 : i32
      %dma_start3A_3709 = tpu.memref_slice %arg10[%dma_start3A_3707, %dma_start3A_3708] : memref<8x64xf32, #tpu.memory_space<vmem>> -> memref<1x64xf32, #tpu.memory_space<vmem>>
      %dma_start3A_3710 = tpu.memref_squeeze %dma_start3A_3709 : memref<1x64xf32, #tpu.memory_space<vmem>> -> memref<64xf32, #tpu.memory_space<vmem>>
      %dma_start3A_3711 = arith.constant 0 : i32
      %dma_start3A_3712 = tpu.memref_slice %arg5[%shift_right_arithmetic3A_3704, %and3A_3706, %dma_start3A_3711] : memref<125000x8x64xf32, #tpu.memory_space<hbm>> -> memref<1x1x64xf32, #tpu.memory_space<hbm>>
      %dma_start3A_3713 = tpu.memref_squeeze %dma_start3A_3712 : memref<1x1x64xf32, #tpu.memory_space<hbm>> -> memref<64xf32, #tpu.memory_space<hbm>>
      %dma_start3A_3714 = arith.constant 0 : i32
      %dma_start3A_3715 = tpu.memref_slice %arg10[%dma_start3A_3707, %dma_start3A_3714] : memref<8x64xf32, #tpu.memory_space<vmem>> -> memref<1x64xf32, #tpu.memory_space<vmem>>
      %dma_start3A_3716 = tpu.memref_squeeze %dma_start3A_3715 : memref<1x64xf32, #tpu.memory_space<vmem>> -> memref<64xf32, #tpu.memory_space<vmem>>
      %dma_start3A_3717 = arith.constant 0 : i32
      %dma_start3A_3718 = tpu.memref_slice %arg5[%shift_right_arithmetic3A_3704, %and3A_3706, %dma_start3A_3717] : memref<125000x8x64xf32, #tpu.memory_space<hbm>> -> memref<1x1x64xf32, #tpu.memory_space<hbm>>
      %dma_start3A_3719 = tpu.memref_squeeze %dma_start3A_3718 : memref<1x1x64xf32, #tpu.memory_space<hbm>> -> memref<64xf32, #tpu.memory_space<hbm>>
      tpu.enqueue_dma source(%dma_start3A_3719 : memref<64xf32, #tpu.memory_space<hbm>>) target(%dma_start3A_3716 : memref<64xf32, #tpu.memory_space<vmem>>) target_semaphore(%arg26 : memref<!tpu.dma_semaphore, #tpu.memory_space<semaphore_mem>>)
      %dma_wait3A_3720 = arith.constant 0 : i32
      %dma_wait3A_3721 = arith.constant 0 : i32
      %dma_wait3A_3722 = arith.constant 7 : i32
      %dma_wait3A_3723 = arith.constant 0 : i32
      %dma_wait3A_3724 = tpu.memref_slice %arg9[%dma_wait3A_3722, %dma_wait3A_3723] : memref<8x64xf32, #tpu.memory_space<vmem>> -> memref<1x64xf32, #tpu.memory_space<vmem>>
      %dma_wait3A_3725 = tpu.memref_squeeze %dma_wait3A_3724 : memref<1x64xf32, #tpu.memory_space<vmem>> -> memref<64xf32, #tpu.memory_space<vmem>>
      %dma_wait3A_3726 = arith.constant 0 : i32
      %dma_wait3A_3727 = tpu.memref_slice %arg4[%dma_wait3A_3720, %dma_wait3A_3721, %dma_wait3A_3726] : memref<125000x8x64xf32, #tpu.memory_space<hbm>> -> memref<1x1x64xf32, #tpu.memory_space<hbm>>
      %dma_wait3A_3728 = tpu.memref_squeeze %dma_wait3A_3727 : memref<1x1x64xf32, #tpu.memory_space<hbm>> -> memref<64xf32, #tpu.memory_space<hbm>>
      %dma_wait3A_3729 = arith.constant 0 : i32
      %dma_wait3A_3730 = tpu.memref_slice %arg9[%dma_wait3A_3722, %dma_wait3A_3729] : memref<8x64xf32, #tpu.memory_space<vmem>> -> memref<1x64xf32, #tpu.memory_space<vmem>>
      %dma_wait3A_3731 = tpu.memref_squeeze %dma_wait3A_3730 : memref<1x64xf32, #tpu.memory_space<vmem>> -> memref<64xf32, #tpu.memory_space<vmem>>
      %dma_wait3A_3732 = arith.constant 0 : i32
      %dma_wait3A_3733 = tpu.memref_slice %arg4[%dma_wait3A_3720, %dma_wait3A_3721, %dma_wait3A_3732] : memref<125000x8x64xf32, #tpu.memory_space<hbm>> -> memref<1x1x64xf32, #tpu.memory_space<hbm>>
      %dma_wait3A_3734 = tpu.memref_squeeze %dma_wait3A_3733 : memref<1x1x64xf32, #tpu.memory_space<hbm>> -> memref<64xf32, #tpu.memory_space<hbm>>
      tpu.wait_dma2 semaphore(%arg19 : memref<!tpu.dma_semaphore, #tpu.memory_space<semaphore_mem>>) src(%dma_wait3A_3734 : memref<64xf32, #tpu.memory_space<hbm>>) dst(%dma_wait3A_3731 : memref<64xf32, #tpu.memory_space<vmem>>)
      %dma_wait3A_3735 = arith.constant 0 : i32
      %dma_wait3A_3736 = arith.constant 0 : i32
      %dma_wait3A_3737 = arith.constant 7 : i32
      %dma_wait3A_3738 = arith.constant 0 : i32
      %dma_wait3A_3739 = tpu.memref_slice %arg10[%dma_wait3A_3737, %dma_wait3A_3738] : memref<8x64xf32, #tpu.memory_space<vmem>> -> memref<1x64xf32, #tpu.memory_space<vmem>>
      %dma_wait3A_3740 = tpu.memref_squeeze %dma_wait3A_3739 : memref<1x64xf32, #tpu.memory_space<vmem>> -> memref<64xf32, #tpu.memory_space<vmem>>
      %dma_wait3A_3741 = arith.constant 0 : i32
      %dma_wait3A_3742 = tpu.memref_slice %arg5[%dma_wait3A_3735, %dma_wait3A_3736, %dma_wait3A_3741] : memref<125000x8x64xf32, #tpu.memory_space<hbm>> -> memref<1x1x64xf32, #tpu.memory_space<hbm>>
      %dma_wait3A_3743 = tpu.memref_squeeze %dma_wait3A_3742 : memref<1x1x64xf32, #tpu.memory_space<hbm>> -> memref<64xf32, #tpu.memory_space<hbm>>
      %dma_wait3A_3744 = arith.constant 0 : i32
      %dma_wait3A_3745 = tpu.memref_slice %arg10[%dma_wait3A_3737, %dma_wait3A_3744] : memref<8x64xf32, #tpu.memory_space<vmem>> -> memref<1x64xf32, #tpu.memory_space<vmem>>
      %dma_wait3A_3746 = tpu.memref_squeeze %dma_wait3A_3745 : memref<1x64xf32, #tpu.memory_space<vmem>> -> memref<64xf32, #tpu.memory_space<vmem>>
      %dma_wait3A_3747 = arith.constant 0 : i32
      %dma_wait3A_3748 = tpu.memref_slice %arg5[%dma_wait3A_3735, %dma_wait3A_3736, %dma_wait3A_3747] : memref<125000x8x64xf32, #tpu.memory_space<hbm>> -> memref<1x1x64xf32, #tpu.memory_space<hbm>>
      %dma_wait3A_3749 = tpu.memref_squeeze %dma_wait3A_3748 : memref<1x1x64xf32, #tpu.memory_space<hbm>> -> memref<64xf32, #tpu.memory_space<hbm>>
      tpu.wait_dma2 semaphore(%arg27 : memref<!tpu.dma_semaphore, #tpu.memory_space<semaphore_mem>>) src(%dma_wait3A_3749 : memref<64xf32, #tpu.memory_space<hbm>>) dst(%dma_wait3A_3746 : memref<64xf32, #tpu.memory_space<vmem>>)
      %broadcast_in_dim3A_3750 = arith.constant 0.000000e+00 : f32
      %broadcast_in_dim3A_3751 = vector.broadcast %broadcast_in_dim3A_3750 : f32 to vector<16xf32>
      %get3A_3752 = arith.constant 7 : i32
      %get3A_3753 = arith.index_cast %get3A_3752 : i32 to index
      %get3A_3754 = arith.constant 0 : index
      %get3A_3755 = tpu.vector_load %arg9[%get3A_3753, %get3A_3754] {strides = array<i32>} : memref<8x64xf32, #tpu.memory_space<vmem>>, vector<16xf32>,
      %get3A_3756 = arith.constant 7 : i32
      %get3A_3757 = arith.index_cast %get3A_3756 : i32 to index
      %get3A_3758 = arith.constant 0 : index
      %get3A_3759 = tpu.vector_load %arg10[%get3A_3757, %get3A_3758] {strides = array<i32>} : memref<8x64xf32, #tpu.memory_space<vmem>>, vector<16xf32>,
      %mul3A_3760 = arith.mulf %get3A_3755, %get3A_3759 : vector<16xf32>
      %add3A_3761 = arith.addf %broadcast_in_dim3A_3751, %mul3A_3760 : vector<16xf32>
      %get3A_3762 = arith.constant 7 : i32
      %get3A_3763 = arith.index_cast %get3A_3762 : i32 to index
      %get3A_3764 = arith.constant 16 : index
      %get3A_3765 = tpu.vector_load %arg9[%get3A_3763, %get3A_3764] {strides = array<i32>} : memref<8x64xf32, #tpu.memory_space<vmem>>, vector<16xf32>,
      %get3A_3766 = arith.constant 7 : i32
      %get3A_3767 = arith.index_cast %get3A_3766 : i32 to index
      %get3A_3768 = arith.constant 16 : index
      %get3A_3769 = tpu.vector_load %arg10[%get3A_3767, %get3A_3768] {strides = array<i32>} : memref<8x64xf32, #tpu.memory_space<vmem>>, vector<16xf32>,
      %mul3A_3770 = arith.mulf %get3A_3765, %get3A_3769 : vector<16xf32>
      %add3A_3771 = arith.addf %add3A_3761, %mul3A_3770 : vector<16xf32>
      %get3A_3772 = arith.constant 7 : i32
      %get3A_3773 = arith.index_cast %get3A_3772 : i32 to index
      %get3A_3774 = arith.constant 32 : index
      %get3A_3775 = tpu.vector_load %arg9[%get3A_3773, %get3A_3774] {strides = array<i32>} : memref<8x64xf32, #tpu.memory_space<vmem>>, vector<16xf32>,
      %get3A_3776 = arith.constant 7 : i32
      %get3A_3777 = arith.index_cast %get3A_3776 : i32 to index
      %get3A_3778 = arith.constant 32 : index
      %get3A_3779 = tpu.vector_load %arg10[%get3A_3777, %get3A_3778] {strides = array<i32>} : memref<8x64xf32, #tpu.memory_space<vmem>>, vector<16xf32>,
      %mul3A_3780 = arith.mulf %get3A_3775, %get3A_3779 : vector<16xf32>
      %add3A_3781 = arith.addf %add3A_3771, %mul3A_3780 : vector<16xf32>
      %get3A_3782 = arith.constant 7 : i32
      %get3A_3783 = arith.index_cast %get3A_3782 : i32 to index
      %get3A_3784 = arith.constant 48 : index
      %get3A_3785 = tpu.vector_load %arg9[%get3A_3783, %get3A_3784] {strides = array<i32>} : memref<8x64xf32, #tpu.memory_space<vmem>>, vector<16xf32>,
      %get3A_3786 = arith.constant 7 : i32
      %get3A_3787 = arith.index_cast %get3A_3786 : i32 to index
      %get3A_3788 = arith.constant 48 : index
      %get3A_3789 = tpu.vector_load %arg10[%get3A_3787, %get3A_3788] {strides = array<i32>} : memref<8x64xf32, #tpu.memory_space<vmem>>, vector<16xf32>,
      %mul3A_3790 = arith.mulf %get3A_3785, %get3A_3789 : vector<16xf32>
      %add3A_3791 = arith.addf %add3A_3781, %mul3A_3790 : vector<16xf32>
      %reduce_sum3A_3792 = arith.constant true
      %reduce_sum3A_3793 = vector.broadcast %reduce_sum3A_3792 : i1 to vector<16xi1>
      %reduce_sum3A_3794 = tpu.scan <sum>, %add3A_3791 masked %reduce_sum3A_3793 : vector<16xf32>, vector<16xi1> -> vector<16xf32>
      %reduce_sum3A_3795 = vector.extract %reduce_sum3A_3794[15] : f32 from vector<16xf32>
      %eq3A_3796 = arith.constant 15 : i32
      %eq3A_3797 = vector.broadcast %eq3A_3796 : i32 to vector<16xi32>
      %eq3A_3798 = arith.cmpi eq, %iota3A, %eq3A_3797 : vector<16xi32>
      %broadcast_in_dim3A_3799 = vector.broadcast %reduce_sum3A_3795 : f32 to vector<16xf32>
      %select_n3A_3800 = arith.select %eq3A_3798, %broadcast_in_dim3A_3799, %select_n3A_3681 : vector<16xi1>, vector<16xf32>
      %slice3A_3801 = vector.extract_strided_slice %get3A_1926 {offsets = [7], sizes = [1], strides = [1]} : vector<16xi32> to vector<1xi32>
      %squeeze3A_3802 = vector.extract %slice3A_3801[0] : i32 from vector<1xi32>
      %slice3A_3803 = vector.extract_strided_slice %get3A_1932 {offsets = [7], sizes = [1], strides = [1]} : vector<16xi32> to vector<1xi32>
      %squeeze3A_3804 = vector.extract %slice3A_3803[0] : i32 from vector<1xi32>
      %shift_right_arithmetic3A_3805 = arith.constant 3 : i32
      %shift_right_arithmetic3A_3806 = arith.shrsi %squeeze3A_3802, %shift_right_arithmetic3A_3805 : i32
      %and3A_3807 = arith.constant 7 : i32
      %and3A_3808 = arith.andi %squeeze3A_3802, %and3A_3807 : i32
      %dma_start3A_3809 = arith.constant 7 : i32
      %dma_start3A_3810 = arith.constant 0 : i32
      %dma_start3A_3811 = tpu.memref_slice %arg9[%dma_start3A_3809, %dma_start3A_3810] : memref<8x64xf32, #tpu.memory_space<vmem>> -> memref<1x64xf32, #tpu.memory_space<vmem>>
      %dma_start3A_3812 = tpu.memref_squeeze %dma_start3A_3811 : memref<1x64xf32, #tpu.memory_space<vmem>> -> memref<64xf32, #tpu.memory_space<vmem>>
      %dma_start3A_3813 = arith.constant 0 : i32
      %dma_start3A_3814 = tpu.memref_slice %arg4[%shift_right_arithmetic3A_3806, %and3A_3808, %dma_start3A_3813] : memref<125000x8x64xf32, #tpu.memory_space<hbm>> -> memref<1x1x64xf32, #tpu.memory_space<hbm>>
      %dma_start3A_3815 = tpu.memref_squeeze %dma_start3A_3814 : memref<1x1x64xf32, #tpu.memory_space<hbm>> -> memref<64xf32, #tpu.memory_space<hbm>>
      %dma_start3A_3816 = arith.constant 0 : i32
      %dma_start3A_3817 = tpu.memref_slice %arg9[%dma_start3A_3809, %dma_start3A_3816] : memref<8x64xf32, #tpu.memory_space<vmem>> -> memref<1x64xf32, #tpu.memory_space<vmem>>
      %dma_start3A_3818 = tpu.memref_squeeze %dma_start3A_3817 : memref<1x64xf32, #tpu.memory_space<vmem>> -> memref<64xf32, #tpu.memory_space<vmem>>
      %dma_start3A_3819 = arith.constant 0 : i32
      %dma_start3A_3820 = tpu.memref_slice %arg4[%shift_right_arithmetic3A_3806, %and3A_3808, %dma_start3A_3819] : memref<125000x8x64xf32, #tpu.memory_space<hbm>> -> memref<1x1x64xf32, #tpu.memory_space<hbm>>
      %dma_start3A_3821 = tpu.memref_squeeze %dma_start3A_3820 : memref<1x1x64xf32, #tpu.memory_space<hbm>> -> memref<64xf32, #tpu.memory_space<hbm>>
      tpu.enqueue_dma source(%dma_start3A_3821 : memref<64xf32, #tpu.memory_space<hbm>>) target(%dma_start3A_3818 : memref<64xf32, #tpu.memory_space<vmem>>) target_semaphore(%arg19 : memref<!tpu.dma_semaphore, #tpu.memory_space<semaphore_mem>>)
      %shift_right_arithmetic3A_3822 = arith.constant 3 : i32
      %shift_right_arithmetic3A_3823 = arith.shrsi %squeeze3A_3804, %shift_right_arithmetic3A_3822 : i32
      %and3A_3824 = arith.constant 7 : i32
      %and3A_3825 = arith.andi %squeeze3A_3804, %and3A_3824 : i32
      %dma_start3A_3826 = arith.constant 7 : i32
      %dma_start3A_3827 = arith.constant 0 : i32
      %dma_start3A_3828 = tpu.memref_slice %arg10[%dma_start3A_3826, %dma_start3A_3827] : memref<8x64xf32, #tpu.memory_space<vmem>> -> memref<1x64xf32, #tpu.memory_space<vmem>>
      %dma_start3A_3829 = tpu.memref_squeeze %dma_start3A_3828 : memref<1x64xf32, #tpu.memory_space<vmem>> -> memref<64xf32, #tpu.memory_space<vmem>>
      %dma_start3A_3830 = arith.constant 0 : i32
      %dma_start3A_3831 = tpu.memref_slice %arg5[%shift_right_arithmetic3A_3823, %and3A_3825, %dma_start3A_3830] : memref<125000x8x64xf32, #tpu.memory_space<hbm>> -> memref<1x1x64xf32, #tpu.memory_space<hbm>>
      %dma_start3A_3832 = tpu.memref_squeeze %dma_start3A_3831 : memref<1x1x64xf32, #tpu.memory_space<hbm>> -> memref<64xf32, #tpu.memory_space<hbm>>
      %dma_start3A_3833 = arith.constant 0 : i32
      %dma_start3A_3834 = tpu.memref_slice %arg10[%dma_start3A_3826, %dma_start3A_3833] : memref<8x64xf32, #tpu.memory_space<vmem>> -> memref<1x64xf32, #tpu.memory_space<vmem>>
      %dma_start3A_3835 = tpu.memref_squeeze %dma_start3A_3834 : memref<1x64xf32, #tpu.memory_space<vmem>> -> memref<64xf32, #tpu.memory_space<vmem>>
      %dma_start3A_3836 = arith.constant 0 : i32
      %dma_start3A_3837 = tpu.memref_slice %arg5[%shift_right_arithmetic3A_3823, %and3A_3825, %dma_start3A_3836] : memref<125000x8x64xf32, #tpu.memory_space<hbm>> -> memref<1x1x64xf32, #tpu.memory_space<hbm>>
      %dma_start3A_3838 = tpu.memref_squeeze %dma_start3A_3837 : memref<1x1x64xf32, #tpu.memory_space<hbm>> -> memref<64xf32, #tpu.memory_space<hbm>>
      tpu.enqueue_dma source(%dma_start3A_3838 : memref<64xf32, #tpu.memory_space<hbm>>) target(%dma_start3A_3835 : memref<64xf32, #tpu.memory_space<vmem>>) target_semaphore(%arg27 : memref<!tpu.dma_semaphore, #tpu.memory_space<semaphore_mem>>)
      %mul3A_3839 = arith.constant 16 : i32
      %mul3A_3840 = arith.muli %scan3A_1912, %mul3A_3839 : i32
      %swap3A_3841 = arith.index_cast %mul3A_3840 : i32 to index
      %swap3A_3842 = tpu.vector_load %arg11[%swap3A_3841] {strides = array<i32>} : memref<512xf32, #tpu.memory_space<vmem>>, vector<16xf32>,
      tpu.vector_store %arg11[%swap3A_3841], %select_n3A_3800 {strides = array<i32>} : memref<512xf32, #tpu.memory_space<vmem>>, vector<16xf32>,
    }
    %scan3A_309 = arith.constant 31 : i32
    %get3A_310 = arith.constant 496 : index
    %get3A_311 = tpu.vector_load %arg7[%get3A_310] {strides = array<i32>} : memref<512xi32, #tpu.memory_space<vmem>>, vector<16xi32>,
    %get3A_312 = arith.constant 496 : index
    %get3A_313 = tpu.vector_load %arg8[%get3A_312] {strides = array<i32>} : memref<512xi32, #tpu.memory_space<vmem>>, vector<16xi32>,
    %broadcast_in_dim3A = arith.constant 0.000000e+00 : f32
    %broadcast_in_dim3A_314 = vector.broadcast %broadcast_in_dim3A : f32 to vector<16xf32>
    %dma_wait3A = arith.constant 0 : i32
    %dma_wait3A_315 = arith.constant 0 : i32
    %dma_wait3A_316 = arith.constant 0 : i32
    %dma_wait3A_317 = arith.constant 0 : i32
    %dma_wait3A_318 = tpu.memref_slice %arg9[%dma_wait3A_316, %dma_wait3A_317] : memref<8x64xf32, #tpu.memory_space<vmem>> -> memref<1x64xf32, #tpu.memory_space<vmem>>
    %dma_wait3A_319 = tpu.memref_squeeze %dma_wait3A_318 : memref<1x64xf32, #tpu.memory_space<vmem>> -> memref<64xf32, #tpu.memory_space<vmem>>
    %dma_wait3A_320 = arith.constant 0 : i32
    %dma_wait3A_321 = tpu.memref_slice %arg4[%dma_wait3A, %dma_wait3A_315, %dma_wait3A_320] : memref<125000x8x64xf32, #tpu.memory_space<hbm>> -> memref<1x1x64xf32, #tpu.memory_space<hbm>>
    %dma_wait3A_322 = tpu.memref_squeeze %dma_wait3A_321 : memref<1x1x64xf32, #tpu.memory_space<hbm>> -> memref<64xf32, #tpu.memory_space<hbm>>
    %dma_wait3A_323 = arith.constant 0 : i32
    %dma_wait3A_324 = tpu.memref_slice %arg9[%dma_wait3A_316, %dma_wait3A_323] : memref<8x64xf32, #tpu.memory_space<vmem>> -> memref<1x64xf32, #tpu.memory_space<vmem>>
    %dma_wait3A_325 = tpu.memref_squeeze %dma_wait3A_324 : memref<1x64xf32, #tpu.memory_space<vmem>> -> memref<64xf32, #tpu.memory_space<vmem>>
    %dma_wait3A_326 = arith.constant 0 : i32
    %dma_wait3A_327 = tpu.memref_slice %arg4[%dma_wait3A, %dma_wait3A_315, %dma_wait3A_326] : memref<125000x8x64xf32, #tpu.memory_space<hbm>> -> memref<1x1x64xf32, #tpu.memory_space<hbm>>
    %dma_wait3A_328 = tpu.memref_squeeze %dma_wait3A_327 : memref<1x1x64xf32, #tpu.memory_space<hbm>> -> memref<64xf32, #tpu.memory_space<hbm>>
    tpu.wait_dma2 semaphore(%arg12 : memref<!tpu.dma_semaphore, #tpu.memory_space<semaphore_mem>>) src(%dma_wait3A_328 : memref<64xf32, #tpu.memory_space<hbm>>) dst(%dma_wait3A_325 : memref<64xf32, #tpu.memory_space<vmem>>)
    %dma_wait3A_329 = arith.constant 0 : i32
    %dma_wait3A_330 = arith.constant 0 : i32
    %dma_wait3A_331 = arith.constant 0 : i32
    %dma_wait3A_332 = arith.constant 0 : i32
    %dma_wait3A_333 = tpu.memref_slice %arg10[%dma_wait3A_331, %dma_wait3A_332] : memref<8x64xf32, #tpu.memory_space<vmem>> -> memref<1x64xf32, #tpu.memory_space<vmem>>
    %dma_wait3A_334 = tpu.memref_squeeze %dma_wait3A_333 : memref<1x64xf32, #tpu.memory_space<vmem>> -> memref<64xf32, #tpu.memory_space<vmem>>
    %dma_wait3A_335 = arith.constant 0 : i32
    %dma_wait3A_336 = tpu.memref_slice %arg5[%dma_wait3A_329, %dma_wait3A_330, %dma_wait3A_335] : memref<125000x8x64xf32, #tpu.memory_space<hbm>> -> memref<1x1x64xf32, #tpu.memory_space<hbm>>
    %dma_wait3A_337 = tpu.memref_squeeze %dma_wait3A_336 : memref<1x1x64xf32, #tpu.memory_space<hbm>> -> memref<64xf32, #tpu.memory_space<hbm>>
    %dma_wait3A_338 = arith.constant 0 : i32
    %dma_wait3A_339 = tpu.memref_slice %arg10[%dma_wait3A_331, %dma_wait3A_338] : memref<8x64xf32, #tpu.memory_space<vmem>> -> memref<1x64xf32, #tpu.memory_space<vmem>>
    %dma_wait3A_340 = tpu.memref_squeeze %dma_wait3A_339 : memref<1x64xf32, #tpu.memory_space<vmem>> -> memref<64xf32, #tpu.memory_space<vmem>>
    %dma_wait3A_341 = arith.constant 0 : i32
    %dma_wait3A_342 = tpu.memref_slice %arg5[%dma_wait3A_329, %dma_wait3A_330, %dma_wait3A_341] : memref<125000x8x64xf32, #tpu.memory_space<hbm>> -> memref<1x1x64xf32, #tpu.memory_space<hbm>>
    %dma_wait3A_343 = tpu.memref_squeeze %dma_wait3A_342 : memref<1x1x64xf32, #tpu.memory_space<hbm>> -> memref<64xf32, #tpu.memory_space<hbm>>
    tpu.wait_dma2 semaphore(%arg20 : memref<!tpu.dma_semaphore, #tpu.memory_space<semaphore_mem>>) src(%dma_wait3A_343 : memref<64xf32, #tpu.memory_space<hbm>>) dst(%dma_wait3A_340 : memref<64xf32, #tpu.memory_space<vmem>>)
    %broadcast_in_dim3A_344 = arith.constant 0.000000e+00 : f32
    %broadcast_in_dim3A_345 = vector.broadcast %broadcast_in_dim3A_344 : f32 to vector<16xf32>
    %get3A_346 = arith.constant 0 : i32
    %get3A_347 = arith.index_cast %get3A_346 : i32 to index
    %get3A_348 = arith.constant 0 : index
    %get3A_349 = tpu.vector_load %arg9[%get3A_347, %get3A_348] {strides = array<i32>} : memref<8x64xf32, #tpu.memory_space<vmem>>, vector<16xf32>,
    %get3A_350 = arith.constant 0 : i32
    %get3A_351 = arith.index_cast %get3A_350 : i32 to index
    %get3A_352 = arith.constant 0 : index
    %get3A_353 = tpu.vector_load %arg10[%get3A_351, %get3A_352] {strides = array<i32>} : memref<8x64xf32, #tpu.memory_space<vmem>>, vector<16xf32>,
    %mul3A_354 = arith.mulf %get3A_349, %get3A_353 : vector<16xf32>
    %add3A_355 = arith.addf %broadcast_in_dim3A_345, %mul3A_354 : vector<16xf32>
    %get3A_356 = arith.constant 0 : i32
    %get3A_357 = arith.index_cast %get3A_356 : i32 to index
    %get3A_358 = arith.constant 16 : index
    %get3A_359 = tpu.vector_load %arg9[%get3A_357, %get3A_358] {strides = array<i32>} : memref<8x64xf32, #tpu.memory_space<vmem>>, vector<16xf32>,
    %get3A_360 = arith.constant 0 : i32
    %get3A_361 = arith.index_cast %get3A_360 : i32 to index
    %get3A_362 = arith.constant 16 : index
    %get3A_363 = tpu.vector_load %arg10[%get3A_361, %get3A_362] {strides = array<i32>} : memref<8x64xf32, #tpu.memory_space<vmem>>, vector<16xf32>,
    %mul3A_364 = arith.mulf %get3A_359, %get3A_363 : vector<16xf32>
    %add3A_365 = arith.addf %add3A_355, %mul3A_364 : vector<16xf32>
    %get3A_366 = arith.constant 0 : i32
    %get3A_367 = arith.index_cast %get3A_366 : i32 to index
    %get3A_368 = arith.constant 32 : index
    %get3A_369 = tpu.vector_load %arg9[%get3A_367, %get3A_368] {strides = array<i32>} : memref<8x64xf32, #tpu.memory_space<vmem>>, vector<16xf32>,
    %get3A_370 = arith.constant 0 : i32
    %get3A_371 = arith.index_cast %get3A_370 : i32 to index
    %get3A_372 = arith.constant 32 : index
    %get3A_373 = tpu.vector_load %arg10[%get3A_371, %get3A_372] {strides = array<i32>} : memref<8x64xf32, #tpu.memory_space<vmem>>, vector<16xf32>,
    %mul3A_374 = arith.mulf %get3A_369, %get3A_373 : vector<16xf32>
    %add3A_375 = arith.addf %add3A_365, %mul3A_374 : vector<16xf32>
    %get3A_376 = arith.constant 0 : i32
    %get3A_377 = arith.index_cast %get3A_376 : i32 to index
    %get3A_378 = arith.constant 48 : index
    %get3A_379 = tpu.vector_load %arg9[%get3A_377, %get3A_378] {strides = array<i32>} : memref<8x64xf32, #tpu.memory_space<vmem>>, vector<16xf32>,
    %get3A_380 = arith.constant 0 : i32
    %get3A_381 = arith.index_cast %get3A_380 : i32 to index
    %get3A_382 = arith.constant 48 : index
    %get3A_383 = tpu.vector_load %arg10[%get3A_381, %get3A_382] {strides = array<i32>} : memref<8x64xf32, #tpu.memory_space<vmem>>, vector<16xf32>,
    %mul3A_384 = arith.mulf %get3A_379, %get3A_383 : vector<16xf32>
    %add3A_385 = arith.addf %add3A_375, %mul3A_384 : vector<16xf32>
    %reduce_sum3A = arith.constant true
    %reduce_sum3A_386 = vector.broadcast %reduce_sum3A : i1 to vector<16xi1>
    %reduce_sum3A_387 = tpu.scan <sum>, %add3A_385 masked %reduce_sum3A_386 : vector<16xf32>, vector<16xi1> -> vector<16xf32>
    %reduce_sum3A_388 = vector.extract %reduce_sum3A_387[15] : f32 from vector<16xf32>
    %eq3A = arith.constant 0 : i32
    %eq3A_389 = vector.broadcast %eq3A : i32 to vector<16xi32>
    %eq3A_390 = arith.cmpi eq, %iota3A, %eq3A_389 : vector<16xi32>
    %broadcast_in_dim3A_391 = vector.broadcast %reduce_sum3A_388 : f32 to vector<16xf32>
    %select_n3A = arith.select %eq3A_390, %broadcast_in_dim3A_391, %broadcast_in_dim3A_314 : vector<16xi1>, vector<16xf32>
    %slice3A_392 = vector.extract_strided_slice %get3A_311 {offsets = [8], sizes = [1], strides = [1]} : vector<16xi32> to vector<1xi32>
    %squeeze3A_393 = vector.extract %slice3A_392[0] : i32 from vector<1xi32>
    %slice3A_394 = vector.extract_strided_slice %get3A_313 {offsets = [8], sizes = [1], strides = [1]} : vector<16xi32> to vector<1xi32>
    %squeeze3A_395 = vector.extract %slice3A_394[0] : i32 from vector<1xi32>
    %shift_right_arithmetic3A_396 = arith.constant 3 : i32
    %shift_right_arithmetic3A_397 = arith.shrsi %squeeze3A_393, %shift_right_arithmetic3A_396 : i32
    %and3A_398 = arith.constant 7 : i32
    %and3A_399 = arith.andi %squeeze3A_393, %and3A_398 : i32
    %dma_start3A_400 = arith.constant 0 : i32
    %dma_start3A_401 = arith.constant 0 : i32
    %dma_start3A_402 = tpu.memref_slice %arg9[%dma_start3A_400, %dma_start3A_401] : memref<8x64xf32, #tpu.memory_space<vmem>> -> memref<1x64xf32, #tpu.memory_space<vmem>>
    %dma_start3A_403 = tpu.memref_squeeze %dma_start3A_402 : memref<1x64xf32, #tpu.memory_space<vmem>> -> memref<64xf32, #tpu.memory_space<vmem>>
    %dma_start3A_404 = arith.constant 0 : i32
    %dma_start3A_405 = tpu.memref_slice %arg4[%shift_right_arithmetic3A_397, %and3A_399, %dma_start3A_404] : memref<125000x8x64xf32, #tpu.memory_space<hbm>> -> memref<1x1x64xf32, #tpu.memory_space<hbm>>
    %dma_start3A_406 = tpu.memref_squeeze %dma_start3A_405 : memref<1x1x64xf32, #tpu.memory_space<hbm>> -> memref<64xf32, #tpu.memory_space<hbm>>
    %dma_start3A_407 = arith.constant 0 : i32
    %dma_start3A_408 = tpu.memref_slice %arg9[%dma_start3A_400, %dma_start3A_407] : memref<8x64xf32, #tpu.memory_space<vmem>> -> memref<1x64xf32, #tpu.memory_space<vmem>>
    %dma_start3A_409 = tpu.memref_squeeze %dma_start3A_408 : memref<1x64xf32, #tpu.memory_space<vmem>> -> memref<64xf32, #tpu.memory_space<vmem>>
    %dma_start3A_410 = arith.constant 0 : i32
    %dma_start3A_411 = tpu.memref_slice %arg4[%shift_right_arithmetic3A_397, %and3A_399, %dma_start3A_410] : memref<125000x8x64xf32, #tpu.memory_space<hbm>> -> memref<1x1x64xf32, #tpu.memory_space<hbm>>
    %dma_start3A_412 = tpu.memref_squeeze %dma_start3A_411 : memref<1x1x64xf32, #tpu.memory_space<hbm>> -> memref<64xf32, #tpu.memory_space<hbm>>
    tpu.enqueue_dma source(%dma_start3A_412 : memref<64xf32, #tpu.memory_space<hbm>>) target(%dma_start3A_409 : memref<64xf32, #tpu.memory_space<vmem>>) target_semaphore(%arg12 : memref<!tpu.dma_semaphore, #tpu.memory_space<semaphore_mem>>)
    %shift_right_arithmetic3A_413 = arith.constant 3 : i32
    %shift_right_arithmetic3A_414 = arith.shrsi %squeeze3A_395, %shift_right_arithmetic3A_413 : i32
    %and3A_415 = arith.constant 7 : i32
    %and3A_416 = arith.andi %squeeze3A_395, %and3A_415 : i32
    %dma_start3A_417 = arith.constant 0 : i32
    %dma_start3A_418 = arith.constant 0 : i32
    %dma_start3A_419 = tpu.memref_slice %arg10[%dma_start3A_417, %dma_start3A_418] : memref<8x64xf32, #tpu.memory_space<vmem>> -> memref<1x64xf32, #tpu.memory_space<vmem>>
    %dma_start3A_420 = tpu.memref_squeeze %dma_start3A_419 : memref<1x64xf32, #tpu.memory_space<vmem>> -> memref<64xf32, #tpu.memory_space<vmem>>
    %dma_start3A_421 = arith.constant 0 : i32
    %dma_start3A_422 = tpu.memref_slice %arg5[%shift_right_arithmetic3A_414, %and3A_416, %dma_start3A_421] : memref<125000x8x64xf32, #tpu.memory_space<hbm>> -> memref<1x1x64xf32, #tpu.memory_space<hbm>>
    %dma_start3A_423 = tpu.memref_squeeze %dma_start3A_422 : memref<1x1x64xf32, #tpu.memory_space<hbm>> -> memref<64xf32, #tpu.memory_space<hbm>>
    %dma_start3A_424 = arith.constant 0 : i32
    %dma_start3A_425 = tpu.memref_slice %arg10[%dma_start3A_417, %dma_start3A_424] : memref<8x64xf32, #tpu.memory_space<vmem>> -> memref<1x64xf32, #tpu.memory_space<vmem>>
    %dma_start3A_426 = tpu.memref_squeeze %dma_start3A_425 : memref<1x64xf32, #tpu.memory_space<vmem>> -> memref<64xf32, #tpu.memory_space<vmem>>
    %dma_start3A_427 = arith.constant 0 : i32
    %dma_start3A_428 = tpu.memref_slice %arg5[%shift_right_arithmetic3A_414, %and3A_416, %dma_start3A_427] : memref<125000x8x64xf32, #tpu.memory_space<hbm>> -> memref<1x1x64xf32, #tpu.memory_space<hbm>>
    %dma_start3A_429 = tpu.memref_squeeze %dma_start3A_428 : memref<1x1x64xf32, #tpu.memory_space<hbm>> -> memref<64xf32, #tpu.memory_space<hbm>>
    tpu.enqueue_dma source(%dma_start3A_429 : memref<64xf32, #tpu.memory_space<hbm>>) target(%dma_start3A_426 : memref<64xf32, #tpu.memory_space<vmem>>) target_semaphore(%arg20 : memref<!tpu.dma_semaphore, #tpu.memory_space<semaphore_mem>>)
    %dma_wait3A_430 = arith.constant 0 : i32
    %dma_wait3A_431 = arith.constant 0 : i32
    %dma_wait3A_432 = arith.constant 1 : i32
    %dma_wait3A_433 = arith.constant 0 : i32
    %dma_wait3A_434 = tpu.memref_slice %arg9[%dma_wait3A_432, %dma_wait3A_433] : memref<8x64xf32, #tpu.memory_space<vmem>> -> memref<1x64xf32, #tpu.memory_space<vmem>>
    %dma_wait3A_435 = tpu.memref_squeeze %dma_wait3A_434 : memref<1x64xf32, #tpu.memory_space<vmem>> -> memref<64xf32, #tpu.memory_space<vmem>>
    %dma_wait3A_436 = arith.constant 0 : i32
    %dma_wait3A_437 = tpu.memref_slice %arg4[%dma_wait3A_430, %dma_wait3A_431, %dma_wait3A_436] : memref<125000x8x64xf32, #tpu.memory_space<hbm>> -> memref<1x1x64xf32, #tpu.memory_space<hbm>>
    %dma_wait3A_438 = tpu.memref_squeeze %dma_wait3A_437 : memref<1x1x64xf32, #tpu.memory_space<hbm>> -> memref<64xf32, #tpu.memory_space<hbm>>
    %dma_wait3A_439 = arith.constant 0 : i32
    %dma_wait3A_440 = tpu.memref_slice %arg9[%dma_wait3A_432, %dma_wait3A_439] : memref<8x64xf32, #tpu.memory_space<vmem>> -> memref<1x64xf32, #tpu.memory_space<vmem>>
    %dma_wait3A_441 = tpu.memref_squeeze %dma_wait3A_440 : memref<1x64xf32, #tpu.memory_space<vmem>> -> memref<64xf32, #tpu.memory_space<vmem>>
    %dma_wait3A_442 = arith.constant 0 : i32
    %dma_wait3A_443 = tpu.memref_slice %arg4[%dma_wait3A_430, %dma_wait3A_431, %dma_wait3A_442] : memref<125000x8x64xf32, #tpu.memory_space<hbm>> -> memref<1x1x64xf32, #tpu.memory_space<hbm>>
    %dma_wait3A_444 = tpu.memref_squeeze %dma_wait3A_443 : memref<1x1x64xf32, #tpu.memory_space<hbm>> -> memref<64xf32, #tpu.memory_space<hbm>>
    tpu.wait_dma2 semaphore(%arg13 : memref<!tpu.dma_semaphore, #tpu.memory_space<semaphore_mem>>) src(%dma_wait3A_444 : memref<64xf32, #tpu.memory_space<hbm>>) dst(%dma_wait3A_441 : memref<64xf32, #tpu.memory_space<vmem>>)
    %dma_wait3A_445 = arith.constant 0 : i32
    %dma_wait3A_446 = arith.constant 0 : i32
    %dma_wait3A_447 = arith.constant 1 : i32
    %dma_wait3A_448 = arith.constant 0 : i32
    %dma_wait3A_449 = tpu.memref_slice %arg10[%dma_wait3A_447, %dma_wait3A_448] : memref<8x64xf32, #tpu.memory_space<vmem>> -> memref<1x64xf32, #tpu.memory_space<vmem>>
    %dma_wait3A_450 = tpu.memref_squeeze %dma_wait3A_449 : memref<1x64xf32, #tpu.memory_space<vmem>> -> memref<64xf32, #tpu.memory_space<vmem>>
    %dma_wait3A_451 = arith.constant 0 : i32
    %dma_wait3A_452 = tpu.memref_slice %arg5[%dma_wait3A_445, %dma_wait3A_446, %dma_wait3A_451] : memref<125000x8x64xf32, #tpu.memory_space<hbm>> -> memref<1x1x64xf32, #tpu.memory_space<hbm>>
    %dma_wait3A_453 = tpu.memref_squeeze %dma_wait3A_452 : memref<1x1x64xf32, #tpu.memory_space<hbm>> -> memref<64xf32, #tpu.memory_space<hbm>>
    %dma_wait3A_454 = arith.constant 0 : i32
    %dma_wait3A_455 = tpu.memref_slice %arg10[%dma_wait3A_447, %dma_wait3A_454] : memref<8x64xf32, #tpu.memory_space<vmem>> -> memref<1x64xf32, #tpu.memory_space<vmem>>
    %dma_wait3A_456 = tpu.memref_squeeze %dma_wait3A_455 : memref<1x64xf32, #tpu.memory_space<vmem>> -> memref<64xf32, #tpu.memory_space<vmem>>
    %dma_wait3A_457 = arith.constant 0 : i32
    %dma_wait3A_458 = tpu.memref_slice %arg5[%dma_wait3A_445, %dma_wait3A_446, %dma_wait3A_457] : memref<125000x8x64xf32, #tpu.memory_space<hbm>> -> memref<1x1x64xf32, #tpu.memory_space<hbm>>
    %dma_wait3A_459 = tpu.memref_squeeze %dma_wait3A_458 : memref<1x1x64xf32, #tpu.memory_space<hbm>> -> memref<64xf32, #tpu.memory_space<hbm>>
    tpu.wait_dma2 semaphore(%arg21 : memref<!tpu.dma_semaphore, #tpu.memory_space<semaphore_mem>>) src(%dma_wait3A_459 : memref<64xf32, #tpu.memory_space<hbm>>) dst(%dma_wait3A_456 : memref<64xf32, #tpu.memory_space<vmem>>)
    %broadcast_in_dim3A_460 = arith.constant 0.000000e+00 : f32
    %broadcast_in_dim3A_461 = vector.broadcast %broadcast_in_dim3A_460 : f32 to vector<16xf32>
    %get3A_462 = arith.constant 1 : i32
    %get3A_463 = arith.index_cast %get3A_462 : i32 to index
    %get3A_464 = arith.constant 0 : index
    %get3A_465 = tpu.vector_load %arg9[%get3A_463, %get3A_464] {strides = array<i32>} : memref<8x64xf32, #tpu.memory_space<vmem>>, vector<16xf32>,
    %get3A_466 = arith.constant 1 : i32
    %get3A_467 = arith.index_cast %get3A_466 : i32 to index
    %get3A_468 = arith.constant 0 : index
    %get3A_469 = tpu.vector_load %arg10[%get3A_467, %get3A_468] {strides = array<i32>} : memref<8x64xf32, #tpu.memory_space<vmem>>, vector<16xf32>,
    %mul3A_470 = arith.mulf %get3A_465, %get3A_469 : vector<16xf32>
    %add3A_471 = arith.addf %broadcast_in_dim3A_461, %mul3A_470 : vector<16xf32>
    %get3A_472 = arith.constant 1 : i32
    %get3A_473 = arith.index_cast %get3A_472 : i32 to index
    %get3A_474 = arith.constant 16 : index
    %get3A_475 = tpu.vector_load %arg9[%get3A_473, %get3A_474] {strides = array<i32>} : memref<8x64xf32, #tpu.memory_space<vmem>>, vector<16xf32>,
    %get3A_476 = arith.constant 1 : i32
    %get3A_477 = arith.index_cast %get3A_476 : i32 to index
    %get3A_478 = arith.constant 16 : index
    %get3A_479 = tpu.vector_load %arg10[%get3A_477, %get3A_478] {strides = array<i32>} : memref<8x64xf32, #tpu.memory_space<vmem>>, vector<16xf32>,
    %mul3A_480 = arith.mulf %get3A_475, %get3A_479 : vector<16xf32>
    %add3A_481 = arith.addf %add3A_471, %mul3A_480 : vector<16xf32>
    %get3A_482 = arith.constant 1 : i32
    %get3A_483 = arith.index_cast %get3A_482 : i32 to index
    %get3A_484 = arith.constant 32 : index
    %get3A_485 = tpu.vector_load %arg9[%get3A_483, %get3A_484] {strides = array<i32>} : memref<8x64xf32, #tpu.memory_space<vmem>>, vector<16xf32>,
    %get3A_486 = arith.constant 1 : i32
    %get3A_487 = arith.index_cast %get3A_486 : i32 to index
    %get3A_488 = arith.constant 32 : index
    %get3A_489 = tpu.vector_load %arg10[%get3A_487, %get3A_488] {strides = array<i32>} : memref<8x64xf32, #tpu.memory_space<vmem>>, vector<16xf32>,
    %mul3A_490 = arith.mulf %get3A_485, %get3A_489 : vector<16xf32>
    %add3A_491 = arith.addf %add3A_481, %mul3A_490 : vector<16xf32>
    %get3A_492 = arith.constant 1 : i32
    %get3A_493 = arith.index_cast %get3A_492 : i32 to index
    %get3A_494 = arith.constant 48 : index
    %get3A_495 = tpu.vector_load %arg9[%get3A_493, %get3A_494] {strides = array<i32>} : memref<8x64xf32, #tpu.memory_space<vmem>>, vector<16xf32>,
    %get3A_496 = arith.constant 1 : i32
    %get3A_497 = arith.index_cast %get3A_496 : i32 to index
    %get3A_498 = arith.constant 48 : index
    %get3A_499 = tpu.vector_load %arg10[%get3A_497, %get3A_498] {strides = array<i32>} : memref<8x64xf32, #tpu.memory_space<vmem>>, vector<16xf32>,
    %mul3A_500 = arith.mulf %get3A_495, %get3A_499 : vector<16xf32>
    %add3A_501 = arith.addf %add3A_491, %mul3A_500 : vector<16xf32>
    %reduce_sum3A_502 = arith.constant true
    %reduce_sum3A_503 = vector.broadcast %reduce_sum3A_502 : i1 to vector<16xi1>
    %reduce_sum3A_504 = tpu.scan <sum>, %add3A_501 masked %reduce_sum3A_503 : vector<16xf32>, vector<16xi1> -> vector<16xf32>
    %reduce_sum3A_505 = vector.extract %reduce_sum3A_504[15] : f32 from vector<16xf32>
    %eq3A_506 = arith.constant 1 : i32
    %eq3A_507 = vector.broadcast %eq3A_506 : i32 to vector<16xi32>
    %eq3A_508 = arith.cmpi eq, %iota3A, %eq3A_507 : vector<16xi32>
    %broadcast_in_dim3A_509 = vector.broadcast %reduce_sum3A_505 : f32 to vector<16xf32>
    %select_n3A_510 = arith.select %eq3A_508, %broadcast_in_dim3A_509, %select_n3A : vector<16xi1>, vector<16xf32>
    %slice3A_511 = vector.extract_strided_slice %get3A_311 {offsets = [9], sizes = [1], strides = [1]} : vector<16xi32> to vector<1xi32>
    %squeeze3A_512 = vector.extract %slice3A_511[0] : i32 from vector<1xi32>
    %slice3A_513 = vector.extract_strided_slice %get3A_313 {offsets = [9], sizes = [1], strides = [1]} : vector<16xi32> to vector<1xi32>
    %squeeze3A_514 = vector.extract %slice3A_513[0] : i32 from vector<1xi32>
    %shift_right_arithmetic3A_515 = arith.constant 3 : i32
    %shift_right_arithmetic3A_516 = arith.shrsi %squeeze3A_512, %shift_right_arithmetic3A_515 : i32
    %and3A_517 = arith.constant 7 : i32
    %and3A_518 = arith.andi %squeeze3A_512, %and3A_517 : i32
    %dma_start3A_519 = arith.constant 1 : i32
    %dma_start3A_520 = arith.constant 0 : i32
    %dma_start3A_521 = tpu.memref_slice %arg9[%dma_start3A_519, %dma_start3A_520] : memref<8x64xf32, #tpu.memory_space<vmem>> -> memref<1x64xf32, #tpu.memory_space<vmem>>
    %dma_start3A_522 = tpu.memref_squeeze %dma_start3A_521 : memref<1x64xf32, #tpu.memory_space<vmem>> -> memref<64xf32, #tpu.memory_space<vmem>>
    %dma_start3A_523 = arith.constant 0 : i32
    %dma_start3A_524 = tpu.memref_slice %arg4[%shift_right_arithmetic3A_516, %and3A_518, %dma_start3A_523] : memref<125000x8x64xf32, #tpu.memory_space<hbm>> -> memref<1x1x64xf32, #tpu.memory_space<hbm>>
    %dma_start3A_525 = tpu.memref_squeeze %dma_start3A_524 : memref<1x1x64xf32, #tpu.memory_space<hbm>> -> memref<64xf32, #tpu.memory_space<hbm>>
    %dma_start3A_526 = arith.constant 0 : i32
    %dma_start3A_527 = tpu.memref_slice %arg9[%dma_start3A_519, %dma_start3A_526] : memref<8x64xf32, #tpu.memory_space<vmem>> -> memref<1x64xf32, #tpu.memory_space<vmem>>
    %dma_start3A_528 = tpu.memref_squeeze %dma_start3A_527 : memref<1x64xf32, #tpu.memory_space<vmem>> -> memref<64xf32, #tpu.memory_space<vmem>>
    %dma_start3A_529 = arith.constant 0 : i32
    %dma_start3A_530 = tpu.memref_slice %arg4[%shift_right_arithmetic3A_516, %and3A_518, %dma_start3A_529] : memref<125000x8x64xf32, #tpu.memory_space<hbm>> -> memref<1x1x64xf32, #tpu.memory_space<hbm>>
    %dma_start3A_531 = tpu.memref_squeeze %dma_start3A_530 : memref<1x1x64xf32, #tpu.memory_space<hbm>> -> memref<64xf32, #tpu.memory_space<hbm>>
    tpu.enqueue_dma source(%dma_start3A_531 : memref<64xf32, #tpu.memory_space<hbm>>) target(%dma_start3A_528 : memref<64xf32, #tpu.memory_space<vmem>>) target_semaphore(%arg13 : memref<!tpu.dma_semaphore, #tpu.memory_space<semaphore_mem>>)
    %shift_right_arithmetic3A_532 = arith.constant 3 : i32
    %shift_right_arithmetic3A_533 = arith.shrsi %squeeze3A_514, %shift_right_arithmetic3A_532 : i32
    %and3A_534 = arith.constant 7 : i32
    %and3A_535 = arith.andi %squeeze3A_514, %and3A_534 : i32
    %dma_start3A_536 = arith.constant 1 : i32
    %dma_start3A_537 = arith.constant 0 : i32
    %dma_start3A_538 = tpu.memref_slice %arg10[%dma_start3A_536, %dma_start3A_537] : memref<8x64xf32, #tpu.memory_space<vmem>> -> memref<1x64xf32, #tpu.memory_space<vmem>>
    %dma_start3A_539 = tpu.memref_squeeze %dma_start3A_538 : memref<1x64xf32, #tpu.memory_space<vmem>> -> memref<64xf32, #tpu.memory_space<vmem>>
    %dma_start3A_540 = arith.constant 0 : i32
    %dma_start3A_541 = tpu.memref_slice %arg5[%shift_right_arithmetic3A_533, %and3A_535, %dma_start3A_540] : memref<125000x8x64xf32, #tpu.memory_space<hbm>> -> memref<1x1x64xf32, #tpu.memory_space<hbm>>
    %dma_start3A_542 = tpu.memref_squeeze %dma_start3A_541 : memref<1x1x64xf32, #tpu.memory_space<hbm>> -> memref<64xf32, #tpu.memory_space<hbm>>
    %dma_start3A_543 = arith.constant 0 : i32
    %dma_start3A_544 = tpu.memref_slice %arg10[%dma_start3A_536, %dma_start3A_543] : memref<8x64xf32, #tpu.memory_space<vmem>> -> memref<1x64xf32, #tpu.memory_space<vmem>>
    %dma_start3A_545 = tpu.memref_squeeze %dma_start3A_544 : memref<1x64xf32, #tpu.memory_space<vmem>> -> memref<64xf32, #tpu.memory_space<vmem>>
    %dma_start3A_546 = arith.constant 0 : i32
    %dma_start3A_547 = tpu.memref_slice %arg5[%shift_right_arithmetic3A_533, %and3A_535, %dma_start3A_546] : memref<125000x8x64xf32, #tpu.memory_space<hbm>> -> memref<1x1x64xf32, #tpu.memory_space<hbm>>
    %dma_start3A_548 = tpu.memref_squeeze %dma_start3A_547 : memref<1x1x64xf32, #tpu.memory_space<hbm>> -> memref<64xf32, #tpu.memory_space<hbm>>
    tpu.enqueue_dma source(%dma_start3A_548 : memref<64xf32, #tpu.memory_space<hbm>>) target(%dma_start3A_545 : memref<64xf32, #tpu.memory_space<vmem>>) target_semaphore(%arg21 : memref<!tpu.dma_semaphore, #tpu.memory_space<semaphore_mem>>)
    %dma_wait3A_549 = arith.constant 0 : i32
    %dma_wait3A_550 = arith.constant 0 : i32
    %dma_wait3A_551 = arith.constant 2 : i32
    %dma_wait3A_552 = arith.constant 0 : i32
    %dma_wait3A_553 = tpu.memref_slice %arg9[%dma_wait3A_551, %dma_wait3A_552] : memref<8x64xf32, #tpu.memory_space<vmem>> -> memref<1x64xf32, #tpu.memory_space<vmem>>
    %dma_wait3A_554 = tpu.memref_squeeze %dma_wait3A_553 : memref<1x64xf32, #tpu.memory_space<vmem>> -> memref<64xf32, #tpu.memory_space<vmem>>
    %dma_wait3A_555 = arith.constant 0 : i32
    %dma_wait3A_556 = tpu.memref_slice %arg4[%dma_wait3A_549, %dma_wait3A_550, %dma_wait3A_555] : memref<125000x8x64xf32, #tpu.memory_space<hbm>> -> memref<1x1x64xf32, #tpu.memory_space<hbm>>
    %dma_wait3A_557 = tpu.memref_squeeze %dma_wait3A_556 : memref<1x1x64xf32, #tpu.memory_space<hbm>> -> memref<64xf32, #tpu.memory_space<hbm>>
    %dma_wait3A_558 = arith.constant 0 : i32
    %dma_wait3A_559 = tpu.memref_slice %arg9[%dma_wait3A_551, %dma_wait3A_558] : memref<8x64xf32, #tpu.memory_space<vmem>> -> memref<1x64xf32, #tpu.memory_space<vmem>>
    %dma_wait3A_560 = tpu.memref_squeeze %dma_wait3A_559 : memref<1x64xf32, #tpu.memory_space<vmem>> -> memref<64xf32, #tpu.memory_space<vmem>>
    %dma_wait3A_561 = arith.constant 0 : i32
    %dma_wait3A_562 = tpu.memref_slice %arg4[%dma_wait3A_549, %dma_wait3A_550, %dma_wait3A_561] : memref<125000x8x64xf32, #tpu.memory_space<hbm>> -> memref<1x1x64xf32, #tpu.memory_space<hbm>>
    %dma_wait3A_563 = tpu.memref_squeeze %dma_wait3A_562 : memref<1x1x64xf32, #tpu.memory_space<hbm>> -> memref<64xf32, #tpu.memory_space<hbm>>
    tpu.wait_dma2 semaphore(%arg14 : memref<!tpu.dma_semaphore, #tpu.memory_space<semaphore_mem>>) src(%dma_wait3A_563 : memref<64xf32, #tpu.memory_space<hbm>>) dst(%dma_wait3A_560 : memref<64xf32, #tpu.memory_space<vmem>>)
    %dma_wait3A_564 = arith.constant 0 : i32
    %dma_wait3A_565 = arith.constant 0 : i32
    %dma_wait3A_566 = arith.constant 2 : i32
    %dma_wait3A_567 = arith.constant 0 : i32
    %dma_wait3A_568 = tpu.memref_slice %arg10[%dma_wait3A_566, %dma_wait3A_567] : memref<8x64xf32, #tpu.memory_space<vmem>> -> memref<1x64xf32, #tpu.memory_space<vmem>>
    %dma_wait3A_569 = tpu.memref_squeeze %dma_wait3A_568 : memref<1x64xf32, #tpu.memory_space<vmem>> -> memref<64xf32, #tpu.memory_space<vmem>>
    %dma_wait3A_570 = arith.constant 0 : i32
    %dma_wait3A_571 = tpu.memref_slice %arg5[%dma_wait3A_564, %dma_wait3A_565, %dma_wait3A_570] : memref<125000x8x64xf32, #tpu.memory_space<hbm>> -> memref<1x1x64xf32, #tpu.memory_space<hbm>>
    %dma_wait3A_572 = tpu.memref_squeeze %dma_wait3A_571 : memref<1x1x64xf32, #tpu.memory_space<hbm>> -> memref<64xf32, #tpu.memory_space<hbm>>
    %dma_wait3A_573 = arith.constant 0 : i32
    %dma_wait3A_574 = tpu.memref_slice %arg10[%dma_wait3A_566, %dma_wait3A_573] : memref<8x64xf32, #tpu.memory_space<vmem>> -> memref<1x64xf32, #tpu.memory_space<vmem>>
    %dma_wait3A_575 = tpu.memref_squeeze %dma_wait3A_574 : memref<1x64xf32, #tpu.memory_space<vmem>> -> memref<64xf32, #tpu.memory_space<vmem>>
    %dma_wait3A_576 = arith.constant 0 : i32
    %dma_wait3A_577 = tpu.memref_slice %arg5[%dma_wait3A_564, %dma_wait3A_565, %dma_wait3A_576] : memref<125000x8x64xf32, #tpu.memory_space<hbm>> -> memref<1x1x64xf32, #tpu.memory_space<hbm>>
    %dma_wait3A_578 = tpu.memref_squeeze %dma_wait3A_577 : memref<1x1x64xf32, #tpu.memory_space<hbm>> -> memref<64xf32, #tpu.memory_space<hbm>>
    tpu.wait_dma2 semaphore(%arg22 : memref<!tpu.dma_semaphore, #tpu.memory_space<semaphore_mem>>) src(%dma_wait3A_578 : memref<64xf32, #tpu.memory_space<hbm>>) dst(%dma_wait3A_575 : memref<64xf32, #tpu.memory_space<vmem>>)
    %broadcast_in_dim3A_579 = arith.constant 0.000000e+00 : f32
    %broadcast_in_dim3A_580 = vector.broadcast %broadcast_in_dim3A_579 : f32 to vector<16xf32>
    %get3A_581 = arith.constant 2 : i32
    %get3A_582 = arith.index_cast %get3A_581 : i32 to index
    %get3A_583 = arith.constant 0 : index
    %get3A_584 = tpu.vector_load %arg9[%get3A_582, %get3A_583] {strides = array<i32>} : memref<8x64xf32, #tpu.memory_space<vmem>>, vector<16xf32>,
    %get3A_585 = arith.constant 2 : i32
    %get3A_586 = arith.index_cast %get3A_585 : i32 to index
    %get3A_587 = arith.constant 0 : index
    %get3A_588 = tpu.vector_load %arg10[%get3A_586, %get3A_587] {strides = array<i32>} : memref<8x64xf32, #tpu.memory_space<vmem>>, vector<16xf32>,
    %mul3A_589 = arith.mulf %get3A_584, %get3A_588 : vector<16xf32>
    %add3A_590 = arith.addf %broadcast_in_dim3A_580, %mul3A_589 : vector<16xf32>
    %get3A_591 = arith.constant 2 : i32
    %get3A_592 = arith.index_cast %get3A_591 : i32 to index
    %get3A_593 = arith.constant 16 : index
    %get3A_594 = tpu.vector_load %arg9[%get3A_592, %get3A_593] {strides = array<i32>} : memref<8x64xf32, #tpu.memory_space<vmem>>, vector<16xf32>,
    %get3A_595 = arith.constant 2 : i32
    %get3A_596 = arith.index_cast %get3A_595 : i32 to index
    %get3A_597 = arith.constant 16 : index
    %get3A_598 = tpu.vector_load %arg10[%get3A_596, %get3A_597] {strides = array<i32>} : memref<8x64xf32, #tpu.memory_space<vmem>>, vector<16xf32>,
    %mul3A_599 = arith.mulf %get3A_594, %get3A_598 : vector<16xf32>
    %add3A_600 = arith.addf %add3A_590, %mul3A_599 : vector<16xf32>
    %get3A_601 = arith.constant 2 : i32
    %get3A_602 = arith.index_cast %get3A_601 : i32 to index
    %get3A_603 = arith.constant 32 : index
    %get3A_604 = tpu.vector_load %arg9[%get3A_602, %get3A_603] {strides = array<i32>} : memref<8x64xf32, #tpu.memory_space<vmem>>, vector<16xf32>,
    %get3A_605 = arith.constant 2 : i32
    %get3A_606 = arith.index_cast %get3A_605 : i32 to index
    %get3A_607 = arith.constant 32 : index
    %get3A_608 = tpu.vector_load %arg10[%get3A_606, %get3A_607] {strides = array<i32>} : memref<8x64xf32, #tpu.memory_space<vmem>>, vector<16xf32>,
    %mul3A_609 = arith.mulf %get3A_604, %get3A_608 : vector<16xf32>
    %add3A_610 = arith.addf %add3A_600, %mul3A_609 : vector<16xf32>
    %get3A_611 = arith.constant 2 : i32
    %get3A_612 = arith.index_cast %get3A_611 : i32 to index
    %get3A_613 = arith.constant 48 : index
    %get3A_614 = tpu.vector_load %arg9[%get3A_612, %get3A_613] {strides = array<i32>} : memref<8x64xf32, #tpu.memory_space<vmem>>, vector<16xf32>,
    %get3A_615 = arith.constant 2 : i32
    %get3A_616 = arith.index_cast %get3A_615 : i32 to index
    %get3A_617 = arith.constant 48 : index
    %get3A_618 = tpu.vector_load %arg10[%get3A_616, %get3A_617] {strides = array<i32>} : memref<8x64xf32, #tpu.memory_space<vmem>>, vector<16xf32>,
    %mul3A_619 = arith.mulf %get3A_614, %get3A_618 : vector<16xf32>
    %add3A_620 = arith.addf %add3A_610, %mul3A_619 : vector<16xf32>
    %reduce_sum3A_621 = arith.constant true
    %reduce_sum3A_622 = vector.broadcast %reduce_sum3A_621 : i1 to vector<16xi1>
    %reduce_sum3A_623 = tpu.scan <sum>, %add3A_620 masked %reduce_sum3A_622 : vector<16xf32>, vector<16xi1> -> vector<16xf32>
    %reduce_sum3A_624 = vector.extract %reduce_sum3A_623[15] : f32 from vector<16xf32>
    %eq3A_625 = arith.constant 2 : i32
    %eq3A_626 = vector.broadcast %eq3A_625 : i32 to vector<16xi32>
    %eq3A_627 = arith.cmpi eq, %iota3A, %eq3A_626 : vector<16xi32>
    %broadcast_in_dim3A_628 = vector.broadcast %reduce_sum3A_624 : f32 to vector<16xf32>
    %select_n3A_629 = arith.select %eq3A_627, %broadcast_in_dim3A_628, %select_n3A_510 : vector<16xi1>, vector<16xf32>
    %slice3A_630 = vector.extract_strided_slice %get3A_311 {offsets = [10], sizes = [1], strides = [1]} : vector<16xi32> to vector<1xi32>
    %squeeze3A_631 = vector.extract %slice3A_630[0] : i32 from vector<1xi32>
    %slice3A_632 = vector.extract_strided_slice %get3A_313 {offsets = [10], sizes = [1], strides = [1]} : vector<16xi32> to vector<1xi32>
    %squeeze3A_633 = vector.extract %slice3A_632[0] : i32 from vector<1xi32>
    %shift_right_arithmetic3A_634 = arith.constant 3 : i32
    %shift_right_arithmetic3A_635 = arith.shrsi %squeeze3A_631, %shift_right_arithmetic3A_634 : i32
    %and3A_636 = arith.constant 7 : i32
    %and3A_637 = arith.andi %squeeze3A_631, %and3A_636 : i32
    %dma_start3A_638 = arith.constant 2 : i32
    %dma_start3A_639 = arith.constant 0 : i32
    %dma_start3A_640 = tpu.memref_slice %arg9[%dma_start3A_638, %dma_start3A_639] : memref<8x64xf32, #tpu.memory_space<vmem>> -> memref<1x64xf32, #tpu.memory_space<vmem>>
    %dma_start3A_641 = tpu.memref_squeeze %dma_start3A_640 : memref<1x64xf32, #tpu.memory_space<vmem>> -> memref<64xf32, #tpu.memory_space<vmem>>
    %dma_start3A_642 = arith.constant 0 : i32
    %dma_start3A_643 = tpu.memref_slice %arg4[%shift_right_arithmetic3A_635, %and3A_637, %dma_start3A_642] : memref<125000x8x64xf32, #tpu.memory_space<hbm>> -> memref<1x1x64xf32, #tpu.memory_space<hbm>>
    %dma_start3A_644 = tpu.memref_squeeze %dma_start3A_643 : memref<1x1x64xf32, #tpu.memory_space<hbm>> -> memref<64xf32, #tpu.memory_space<hbm>>
    %dma_start3A_645 = arith.constant 0 : i32
    %dma_start3A_646 = tpu.memref_slice %arg9[%dma_start3A_638, %dma_start3A_645] : memref<8x64xf32, #tpu.memory_space<vmem>> -> memref<1x64xf32, #tpu.memory_space<vmem>>
    %dma_start3A_647 = tpu.memref_squeeze %dma_start3A_646 : memref<1x64xf32, #tpu.memory_space<vmem>> -> memref<64xf32, #tpu.memory_space<vmem>>
    %dma_start3A_648 = arith.constant 0 : i32
    %dma_start3A_649 = tpu.memref_slice %arg4[%shift_right_arithmetic3A_635, %and3A_637, %dma_start3A_648] : memref<125000x8x64xf32, #tpu.memory_space<hbm>> -> memref<1x1x64xf32, #tpu.memory_space<hbm>>
    %dma_start3A_650 = tpu.memref_squeeze %dma_start3A_649 : memref<1x1x64xf32, #tpu.memory_space<hbm>> -> memref<64xf32, #tpu.memory_space<hbm>>
    tpu.enqueue_dma source(%dma_start3A_650 : memref<64xf32, #tpu.memory_space<hbm>>) target(%dma_start3A_647 : memref<64xf32, #tpu.memory_space<vmem>>) target_semaphore(%arg14 : memref<!tpu.dma_semaphore, #tpu.memory_space<semaphore_mem>>)
    %shift_right_arithmetic3A_651 = arith.constant 3 : i32
    %shift_right_arithmetic3A_652 = arith.shrsi %squeeze3A_633, %shift_right_arithmetic3A_651 : i32
    %and3A_653 = arith.constant 7 : i32
    %and3A_654 = arith.andi %squeeze3A_633, %and3A_653 : i32
    %dma_start3A_655 = arith.constant 2 : i32
    %dma_start3A_656 = arith.constant 0 : i32
    %dma_start3A_657 = tpu.memref_slice %arg10[%dma_start3A_655, %dma_start3A_656] : memref<8x64xf32, #tpu.memory_space<vmem>> -> memref<1x64xf32, #tpu.memory_space<vmem>>
    %dma_start3A_658 = tpu.memref_squeeze %dma_start3A_657 : memref<1x64xf32, #tpu.memory_space<vmem>> -> memref<64xf32, #tpu.memory_space<vmem>>
    %dma_start3A_659 = arith.constant 0 : i32
    %dma_start3A_660 = tpu.memref_slice %arg5[%shift_right_arithmetic3A_652, %and3A_654, %dma_start3A_659] : memref<125000x8x64xf32, #tpu.memory_space<hbm>> -> memref<1x1x64xf32, #tpu.memory_space<hbm>>
    %dma_start3A_661 = tpu.memref_squeeze %dma_start3A_660 : memref<1x1x64xf32, #tpu.memory_space<hbm>> -> memref<64xf32, #tpu.memory_space<hbm>>
    %dma_start3A_662 = arith.constant 0 : i32
    %dma_start3A_663 = tpu.memref_slice %arg10[%dma_start3A_655, %dma_start3A_662] : memref<8x64xf32, #tpu.memory_space<vmem>> -> memref<1x64xf32, #tpu.memory_space<vmem>>
    %dma_start3A_664 = tpu.memref_squeeze %dma_start3A_663 : memref<1x64xf32, #tpu.memory_space<vmem>> -> memref<64xf32, #tpu.memory_space<vmem>>
    %dma_start3A_665 = arith.constant 0 : i32
    %dma_start3A_666 = tpu.memref_slice %arg5[%shift_right_arithmetic3A_652, %and3A_654, %dma_start3A_665] : memref<125000x8x64xf32, #tpu.memory_space<hbm>> -> memref<1x1x64xf32, #tpu.memory_space<hbm>>
    %dma_start3A_667 = tpu.memref_squeeze %dma_start3A_666 : memref<1x1x64xf32, #tpu.memory_space<hbm>> -> memref<64xf32, #tpu.memory_space<hbm>>
    tpu.enqueue_dma source(%dma_start3A_667 : memref<64xf32, #tpu.memory_space<hbm>>) target(%dma_start3A_664 : memref<64xf32, #tpu.memory_space<vmem>>) target_semaphore(%arg22 : memref<!tpu.dma_semaphore, #tpu.memory_space<semaphore_mem>>)
    %dma_wait3A_668 = arith.constant 0 : i32
    %dma_wait3A_669 = arith.constant 0 : i32
    %dma_wait3A_670 = arith.constant 3 : i32
    %dma_wait3A_671 = arith.constant 0 : i32
    %dma_wait3A_672 = tpu.memref_slice %arg9[%dma_wait3A_670, %dma_wait3A_671] : memref<8x64xf32, #tpu.memory_space<vmem>> -> memref<1x64xf32, #tpu.memory_space<vmem>>
    %dma_wait3A_673 = tpu.memref_squeeze %dma_wait3A_672 : memref<1x64xf32, #tpu.memory_space<vmem>> -> memref<64xf32, #tpu.memory_space<vmem>>
    %dma_wait3A_674 = arith.constant 0 : i32
    %dma_wait3A_675 = tpu.memref_slice %arg4[%dma_wait3A_668, %dma_wait3A_669, %dma_wait3A_674] : memref<125000x8x64xf32, #tpu.memory_space<hbm>> -> memref<1x1x64xf32, #tpu.memory_space<hbm>>
    %dma_wait3A_676 = tpu.memref_squeeze %dma_wait3A_675 : memref<1x1x64xf32, #tpu.memory_space<hbm>> -> memref<64xf32, #tpu.memory_space<hbm>>
    %dma_wait3A_677 = arith.constant 0 : i32
    %dma_wait3A_678 = tpu.memref_slice %arg9[%dma_wait3A_670, %dma_wait3A_677] : memref<8x64xf32, #tpu.memory_space<vmem>> -> memref<1x64xf32, #tpu.memory_space<vmem>>
    %dma_wait3A_679 = tpu.memref_squeeze %dma_wait3A_678 : memref<1x64xf32, #tpu.memory_space<vmem>> -> memref<64xf32, #tpu.memory_space<vmem>>
    %dma_wait3A_680 = arith.constant 0 : i32
    %dma_wait3A_681 = tpu.memref_slice %arg4[%dma_wait3A_668, %dma_wait3A_669, %dma_wait3A_680] : memref<125000x8x64xf32, #tpu.memory_space<hbm>> -> memref<1x1x64xf32, #tpu.memory_space<hbm>>
    %dma_wait3A_682 = tpu.memref_squeeze %dma_wait3A_681 : memref<1x1x64xf32, #tpu.memory_space<hbm>> -> memref<64xf32, #tpu.memory_space<hbm>>
    tpu.wait_dma2 semaphore(%arg15 : memref<!tpu.dma_semaphore, #tpu.memory_space<semaphore_mem>>) src(%dma_wait3A_682 : memref<64xf32, #tpu.memory_space<hbm>>) dst(%dma_wait3A_679 : memref<64xf32, #tpu.memory_space<vmem>>)
    %dma_wait3A_683 = arith.constant 0 : i32
    %dma_wait3A_684 = arith.constant 0 : i32
    %dma_wait3A_685 = arith.constant 3 : i32
    %dma_wait3A_686 = arith.constant 0 : i32
    %dma_wait3A_687 = tpu.memref_slice %arg10[%dma_wait3A_685, %dma_wait3A_686] : memref<8x64xf32, #tpu.memory_space<vmem>> -> memref<1x64xf32, #tpu.memory_space<vmem>>
    %dma_wait3A_688 = tpu.memref_squeeze %dma_wait3A_687 : memref<1x64xf32, #tpu.memory_space<vmem>> -> memref<64xf32, #tpu.memory_space<vmem>>
    %dma_wait3A_689 = arith.constant 0 : i32
    %dma_wait3A_690 = tpu.memref_slice %arg5[%dma_wait3A_683, %dma_wait3A_684, %dma_wait3A_689] : memref<125000x8x64xf32, #tpu.memory_space<hbm>> -> memref<1x1x64xf32, #tpu.memory_space<hbm>>
    %dma_wait3A_691 = tpu.memref_squeeze %dma_wait3A_690 : memref<1x1x64xf32, #tpu.memory_space<hbm>> -> memref<64xf32, #tpu.memory_space<hbm>>
    %dma_wait3A_692 = arith.constant 0 : i32
    %dma_wait3A_693 = tpu.memref_slice %arg10[%dma_wait3A_685, %dma_wait3A_692] : memref<8x64xf32, #tpu.memory_space<vmem>> -> memref<1x64xf32, #tpu.memory_space<vmem>>
    %dma_wait3A_694 = tpu.memref_squeeze %dma_wait3A_693 : memref<1x64xf32, #tpu.memory_space<vmem>> -> memref<64xf32, #tpu.memory_space<vmem>>
    %dma_wait3A_695 = arith.constant 0 : i32
    %dma_wait3A_696 = tpu.memref_slice %arg5[%dma_wait3A_683, %dma_wait3A_684, %dma_wait3A_695] : memref<125000x8x64xf32, #tpu.memory_space<hbm>> -> memref<1x1x64xf32, #tpu.memory_space<hbm>>
    %dma_wait3A_697 = tpu.memref_squeeze %dma_wait3A_696 : memref<1x1x64xf32, #tpu.memory_space<hbm>> -> memref<64xf32, #tpu.memory_space<hbm>>
    tpu.wait_dma2 semaphore(%arg23 : memref<!tpu.dma_semaphore, #tpu.memory_space<semaphore_mem>>) src(%dma_wait3A_697 : memref<64xf32, #tpu.memory_space<hbm>>) dst(%dma_wait3A_694 : memref<64xf32, #tpu.memory_space<vmem>>)
    %broadcast_in_dim3A_698 = arith.constant 0.000000e+00 : f32
    %broadcast_in_dim3A_699 = vector.broadcast %broadcast_in_dim3A_698 : f32 to vector<16xf32>
    %get3A_700 = arith.constant 3 : i32
    %get3A_701 = arith.index_cast %get3A_700 : i32 to index
    %get3A_702 = arith.constant 0 : index
    %get3A_703 = tpu.vector_load %arg9[%get3A_701, %get3A_702] {strides = array<i32>} : memref<8x64xf32, #tpu.memory_space<vmem>>, vector<16xf32>,
    %get3A_704 = arith.constant 3 : i32
    %get3A_705 = arith.index_cast %get3A_704 : i32 to index
    %get3A_706 = arith.constant 0 : index
    %get3A_707 = tpu.vector_load %arg10[%get3A_705, %get3A_706] {strides = array<i32>} : memref<8x64xf32, #tpu.memory_space<vmem>>, vector<16xf32>,
    %mul3A_708 = arith.mulf %get3A_703, %get3A_707 : vector<16xf32>
    %add3A_709 = arith.addf %broadcast_in_dim3A_699, %mul3A_708 : vector<16xf32>
    %get3A_710 = arith.constant 3 : i32
    %get3A_711 = arith.index_cast %get3A_710 : i32 to index
    %get3A_712 = arith.constant 16 : index
    %get3A_713 = tpu.vector_load %arg9[%get3A_711, %get3A_712] {strides = array<i32>} : memref<8x64xf32, #tpu.memory_space<vmem>>, vector<16xf32>,
    %get3A_714 = arith.constant 3 : i32
    %get3A_715 = arith.index_cast %get3A_714 : i32 to index
    %get3A_716 = arith.constant 16 : index
    %get3A_717 = tpu.vector_load %arg10[%get3A_715, %get3A_716] {strides = array<i32>} : memref<8x64xf32, #tpu.memory_space<vmem>>, vector<16xf32>,
    %mul3A_718 = arith.mulf %get3A_713, %get3A_717 : vector<16xf32>
    %add3A_719 = arith.addf %add3A_709, %mul3A_718 : vector<16xf32>
    %get3A_720 = arith.constant 3 : i32
    %get3A_721 = arith.index_cast %get3A_720 : i32 to index
    %get3A_722 = arith.constant 32 : index
    %get3A_723 = tpu.vector_load %arg9[%get3A_721, %get3A_722] {strides = array<i32>} : memref<8x64xf32, #tpu.memory_space<vmem>>, vector<16xf32>,
    %get3A_724 = arith.constant 3 : i32
    %get3A_725 = arith.index_cast %get3A_724 : i32 to index
    %get3A_726 = arith.constant 32 : index
    %get3A_727 = tpu.vector_load %arg10[%get3A_725, %get3A_726] {strides = array<i32>} : memref<8x64xf32, #tpu.memory_space<vmem>>, vector<16xf32>,
    %mul3A_728 = arith.mulf %get3A_723, %get3A_727 : vector<16xf32>
    %add3A_729 = arith.addf %add3A_719, %mul3A_728 : vector<16xf32>
    %get3A_730 = arith.constant 3 : i32
    %get3A_731 = arith.index_cast %get3A_730 : i32 to index
    %get3A_732 = arith.constant 48 : index
    %get3A_733 = tpu.vector_load %arg9[%get3A_731, %get3A_732] {strides = array<i32>} : memref<8x64xf32, #tpu.memory_space<vmem>>, vector<16xf32>,
    %get3A_734 = arith.constant 3 : i32
    %get3A_735 = arith.index_cast %get3A_734 : i32 to index
    %get3A_736 = arith.constant 48 : index
    %get3A_737 = tpu.vector_load %arg10[%get3A_735, %get3A_736] {strides = array<i32>} : memref<8x64xf32, #tpu.memory_space<vmem>>, vector<16xf32>,
    %mul3A_738 = arith.mulf %get3A_733, %get3A_737 : vector<16xf32>
    %add3A_739 = arith.addf %add3A_729, %mul3A_738 : vector<16xf32>
    %reduce_sum3A_740 = arith.constant true
    %reduce_sum3A_741 = vector.broadcast %reduce_sum3A_740 : i1 to vector<16xi1>
    %reduce_sum3A_742 = tpu.scan <sum>, %add3A_739 masked %reduce_sum3A_741 : vector<16xf32>, vector<16xi1> -> vector<16xf32>
    %reduce_sum3A_743 = vector.extract %reduce_sum3A_742[15] : f32 from vector<16xf32>
    %eq3A_744 = arith.constant 3 : i32
    %eq3A_745 = vector.broadcast %eq3A_744 : i32 to vector<16xi32>
    %eq3A_746 = arith.cmpi eq, %iota3A, %eq3A_745 : vector<16xi32>
    %broadcast_in_dim3A_747 = vector.broadcast %reduce_sum3A_743 : f32 to vector<16xf32>
    %select_n3A_748 = arith.select %eq3A_746, %broadcast_in_dim3A_747, %select_n3A_629 : vector<16xi1>, vector<16xf32>
    %slice3A_749 = vector.extract_strided_slice %get3A_311 {offsets = [11], sizes = [1], strides = [1]} : vector<16xi32> to vector<1xi32>
    %squeeze3A_750 = vector.extract %slice3A_749[0] : i32 from vector<1xi32>
    %slice3A_751 = vector.extract_strided_slice %get3A_313 {offsets = [11], sizes = [1], strides = [1]} : vector<16xi32> to vector<1xi32>
    %squeeze3A_752 = vector.extract %slice3A_751[0] : i32 from vector<1xi32>
    %shift_right_arithmetic3A_753 = arith.constant 3 : i32
    %shift_right_arithmetic3A_754 = arith.shrsi %squeeze3A_750, %shift_right_arithmetic3A_753 : i32
    %and3A_755 = arith.constant 7 : i32
    %and3A_756 = arith.andi %squeeze3A_750, %and3A_755 : i32
    %dma_start3A_757 = arith.constant 3 : i32
    %dma_start3A_758 = arith.constant 0 : i32
    %dma_start3A_759 = tpu.memref_slice %arg9[%dma_start3A_757, %dma_start3A_758] : memref<8x64xf32, #tpu.memory_space<vmem>> -> memref<1x64xf32, #tpu.memory_space<vmem>>
    %dma_start3A_760 = tpu.memref_squeeze %dma_start3A_759 : memref<1x64xf32, #tpu.memory_space<vmem>> -> memref<64xf32, #tpu.memory_space<vmem>>
    %dma_start3A_761 = arith.constant 0 : i32
    %dma_start3A_762 = tpu.memref_slice %arg4[%shift_right_arithmetic3A_754, %and3A_756, %dma_start3A_761] : memref<125000x8x64xf32, #tpu.memory_space<hbm>> -> memref<1x1x64xf32, #tpu.memory_space<hbm>>
    %dma_start3A_763 = tpu.memref_squeeze %dma_start3A_762 : memref<1x1x64xf32, #tpu.memory_space<hbm>> -> memref<64xf32, #tpu.memory_space<hbm>>
    %dma_start3A_764 = arith.constant 0 : i32
    %dma_start3A_765 = tpu.memref_slice %arg9[%dma_start3A_757, %dma_start3A_764] : memref<8x64xf32, #tpu.memory_space<vmem>> -> memref<1x64xf32, #tpu.memory_space<vmem>>
    %dma_start3A_766 = tpu.memref_squeeze %dma_start3A_765 : memref<1x64xf32, #tpu.memory_space<vmem>> -> memref<64xf32, #tpu.memory_space<vmem>>
    %dma_start3A_767 = arith.constant 0 : i32
    %dma_start3A_768 = tpu.memref_slice %arg4[%shift_right_arithmetic3A_754, %and3A_756, %dma_start3A_767] : memref<125000x8x64xf32, #tpu.memory_space<hbm>> -> memref<1x1x64xf32, #tpu.memory_space<hbm>>
    %dma_start3A_769 = tpu.memref_squeeze %dma_start3A_768 : memref<1x1x64xf32, #tpu.memory_space<hbm>> -> memref<64xf32, #tpu.memory_space<hbm>>
    tpu.enqueue_dma source(%dma_start3A_769 : memref<64xf32, #tpu.memory_space<hbm>>) target(%dma_start3A_766 : memref<64xf32, #tpu.memory_space<vmem>>) target_semaphore(%arg15 : memref<!tpu.dma_semaphore, #tpu.memory_space<semaphore_mem>>)
    %shift_right_arithmetic3A_770 = arith.constant 3 : i32
    %shift_right_arithmetic3A_771 = arith.shrsi %squeeze3A_752, %shift_right_arithmetic3A_770 : i32
    %and3A_772 = arith.constant 7 : i32
    %and3A_773 = arith.andi %squeeze3A_752, %and3A_772 : i32
    %dma_start3A_774 = arith.constant 3 : i32
    %dma_start3A_775 = arith.constant 0 : i32
    %dma_start3A_776 = tpu.memref_slice %arg10[%dma_start3A_774, %dma_start3A_775] : memref<8x64xf32, #tpu.memory_space<vmem>> -> memref<1x64xf32, #tpu.memory_space<vmem>>
    %dma_start3A_777 = tpu.memref_squeeze %dma_start3A_776 : memref<1x64xf32, #tpu.memory_space<vmem>> -> memref<64xf32, #tpu.memory_space<vmem>>
    %dma_start3A_778 = arith.constant 0 : i32
    %dma_start3A_779 = tpu.memref_slice %arg5[%shift_right_arithmetic3A_771, %and3A_773, %dma_start3A_778] : memref<125000x8x64xf32, #tpu.memory_space<hbm>> -> memref<1x1x64xf32, #tpu.memory_space<hbm>>
    %dma_start3A_780 = tpu.memref_squeeze %dma_start3A_779 : memref<1x1x64xf32, #tpu.memory_space<hbm>> -> memref<64xf32, #tpu.memory_space<hbm>>
    %dma_start3A_781 = arith.constant 0 : i32
    %dma_start3A_782 = tpu.memref_slice %arg10[%dma_start3A_774, %dma_start3A_781] : memref<8x64xf32, #tpu.memory_space<vmem>> -> memref<1x64xf32, #tpu.memory_space<vmem>>
    %dma_start3A_783 = tpu.memref_squeeze %dma_start3A_782 : memref<1x64xf32, #tpu.memory_space<vmem>> -> memref<64xf32, #tpu.memory_space<vmem>>
    %dma_start3A_784 = arith.constant 0 : i32
    %dma_start3A_785 = tpu.memref_slice %arg5[%shift_right_arithmetic3A_771, %and3A_773, %dma_start3A_784] : memref<125000x8x64xf32, #tpu.memory_space<hbm>> -> memref<1x1x64xf32, #tpu.memory_space<hbm>>
    %dma_start3A_786 = tpu.memref_squeeze %dma_start3A_785 : memref<1x1x64xf32, #tpu.memory_space<hbm>> -> memref<64xf32, #tpu.memory_space<hbm>>
    tpu.enqueue_dma source(%dma_start3A_786 : memref<64xf32, #tpu.memory_space<hbm>>) target(%dma_start3A_783 : memref<64xf32, #tpu.memory_space<vmem>>) target_semaphore(%arg23 : memref<!tpu.dma_semaphore, #tpu.memory_space<semaphore_mem>>)
    %dma_wait3A_787 = arith.constant 0 : i32
    %dma_wait3A_788 = arith.constant 0 : i32
    %dma_wait3A_789 = arith.constant 4 : i32
    %dma_wait3A_790 = arith.constant 0 : i32
    %dma_wait3A_791 = tpu.memref_slice %arg9[%dma_wait3A_789, %dma_wait3A_790] : memref<8x64xf32, #tpu.memory_space<vmem>> -> memref<1x64xf32, #tpu.memory_space<vmem>>
    %dma_wait3A_792 = tpu.memref_squeeze %dma_wait3A_791 : memref<1x64xf32, #tpu.memory_space<vmem>> -> memref<64xf32, #tpu.memory_space<vmem>>
    %dma_wait3A_793 = arith.constant 0 : i32
    %dma_wait3A_794 = tpu.memref_slice %arg4[%dma_wait3A_787, %dma_wait3A_788, %dma_wait3A_793] : memref<125000x8x64xf32, #tpu.memory_space<hbm>> -> memref<1x1x64xf32, #tpu.memory_space<hbm>>
    %dma_wait3A_795 = tpu.memref_squeeze %dma_wait3A_794 : memref<1x1x64xf32, #tpu.memory_space<hbm>> -> memref<64xf32, #tpu.memory_space<hbm>>
    %dma_wait3A_796 = arith.constant 0 : i32
    %dma_wait3A_797 = tpu.memref_slice %arg9[%dma_wait3A_789, %dma_wait3A_796] : memref<8x64xf32, #tpu.memory_space<vmem>> -> memref<1x64xf32, #tpu.memory_space<vmem>>
    %dma_wait3A_798 = tpu.memref_squeeze %dma_wait3A_797 : memref<1x64xf32, #tpu.memory_space<vmem>> -> memref<64xf32, #tpu.memory_space<vmem>>
    %dma_wait3A_799 = arith.constant 0 : i32
    %dma_wait3A_800 = tpu.memref_slice %arg4[%dma_wait3A_787, %dma_wait3A_788, %dma_wait3A_799] : memref<125000x8x64xf32, #tpu.memory_space<hbm>> -> memref<1x1x64xf32, #tpu.memory_space<hbm>>
    %dma_wait3A_801 = tpu.memref_squeeze %dma_wait3A_800 : memref<1x1x64xf32, #tpu.memory_space<hbm>> -> memref<64xf32, #tpu.memory_space<hbm>>
    tpu.wait_dma2 semaphore(%arg16 : memref<!tpu.dma_semaphore, #tpu.memory_space<semaphore_mem>>) src(%dma_wait3A_801 : memref<64xf32, #tpu.memory_space<hbm>>) dst(%dma_wait3A_798 : memref<64xf32, #tpu.memory_space<vmem>>)
    %dma_wait3A_802 = arith.constant 0 : i32
    %dma_wait3A_803 = arith.constant 0 : i32
    %dma_wait3A_804 = arith.constant 4 : i32
    %dma_wait3A_805 = arith.constant 0 : i32
    %dma_wait3A_806 = tpu.memref_slice %arg10[%dma_wait3A_804, %dma_wait3A_805] : memref<8x64xf32, #tpu.memory_space<vmem>> -> memref<1x64xf32, #tpu.memory_space<vmem>>
    %dma_wait3A_807 = tpu.memref_squeeze %dma_wait3A_806 : memref<1x64xf32, #tpu.memory_space<vmem>> -> memref<64xf32, #tpu.memory_space<vmem>>
    %dma_wait3A_808 = arith.constant 0 : i32
    %dma_wait3A_809 = tpu.memref_slice %arg5[%dma_wait3A_802, %dma_wait3A_803, %dma_wait3A_808] : memref<125000x8x64xf32, #tpu.memory_space<hbm>> -> memref<1x1x64xf32, #tpu.memory_space<hbm>>
    %dma_wait3A_810 = tpu.memref_squeeze %dma_wait3A_809 : memref<1x1x64xf32, #tpu.memory_space<hbm>> -> memref<64xf32, #tpu.memory_space<hbm>>
    %dma_wait3A_811 = arith.constant 0 : i32
    %dma_wait3A_812 = tpu.memref_slice %arg10[%dma_wait3A_804, %dma_wait3A_811] : memref<8x64xf32, #tpu.memory_space<vmem>> -> memref<1x64xf32, #tpu.memory_space<vmem>>
    %dma_wait3A_813 = tpu.memref_squeeze %dma_wait3A_812 : memref<1x64xf32, #tpu.memory_space<vmem>> -> memref<64xf32, #tpu.memory_space<vmem>>
    %dma_wait3A_814 = arith.constant 0 : i32
    %dma_wait3A_815 = tpu.memref_slice %arg5[%dma_wait3A_802, %dma_wait3A_803, %dma_wait3A_814] : memref<125000x8x64xf32, #tpu.memory_space<hbm>> -> memref<1x1x64xf32, #tpu.memory_space<hbm>>
    %dma_wait3A_816 = tpu.memref_squeeze %dma_wait3A_815 : memref<1x1x64xf32, #tpu.memory_space<hbm>> -> memref<64xf32, #tpu.memory_space<hbm>>
    tpu.wait_dma2 semaphore(%arg24 : memref<!tpu.dma_semaphore, #tpu.memory_space<semaphore_mem>>) src(%dma_wait3A_816 : memref<64xf32, #tpu.memory_space<hbm>>) dst(%dma_wait3A_813 : memref<64xf32, #tpu.memory_space<vmem>>)
    %broadcast_in_dim3A_817 = arith.constant 0.000000e+00 : f32
    %broadcast_in_dim3A_818 = vector.broadcast %broadcast_in_dim3A_817 : f32 to vector<16xf32>
    %get3A_819 = arith.constant 4 : i32
    %get3A_820 = arith.index_cast %get3A_819 : i32 to index
    %get3A_821 = arith.constant 0 : index
    %get3A_822 = tpu.vector_load %arg9[%get3A_820, %get3A_821] {strides = array<i32>} : memref<8x64xf32, #tpu.memory_space<vmem>>, vector<16xf32>,
    %get3A_823 = arith.constant 4 : i32
    %get3A_824 = arith.index_cast %get3A_823 : i32 to index
    %get3A_825 = arith.constant 0 : index
    %get3A_826 = tpu.vector_load %arg10[%get3A_824, %get3A_825] {strides = array<i32>} : memref<8x64xf32, #tpu.memory_space<vmem>>, vector<16xf32>,
    %mul3A_827 = arith.mulf %get3A_822, %get3A_826 : vector<16xf32>
    %add3A_828 = arith.addf %broadcast_in_dim3A_818, %mul3A_827 : vector<16xf32>
    %get3A_829 = arith.constant 4 : i32
    %get3A_830 = arith.index_cast %get3A_829 : i32 to index
    %get3A_831 = arith.constant 16 : index
    %get3A_832 = tpu.vector_load %arg9[%get3A_830, %get3A_831] {strides = array<i32>} : memref<8x64xf32, #tpu.memory_space<vmem>>, vector<16xf32>,
    %get3A_833 = arith.constant 4 : i32
    %get3A_834 = arith.index_cast %get3A_833 : i32 to index
    %get3A_835 = arith.constant 16 : index
    %get3A_836 = tpu.vector_load %arg10[%get3A_834, %get3A_835] {strides = array<i32>} : memref<8x64xf32, #tpu.memory_space<vmem>>, vector<16xf32>,
    %mul3A_837 = arith.mulf %get3A_832, %get3A_836 : vector<16xf32>
    %add3A_838 = arith.addf %add3A_828, %mul3A_837 : vector<16xf32>
    %get3A_839 = arith.constant 4 : i32
    %get3A_840 = arith.index_cast %get3A_839 : i32 to index
    %get3A_841 = arith.constant 32 : index
    %get3A_842 = tpu.vector_load %arg9[%get3A_840, %get3A_841] {strides = array<i32>} : memref<8x64xf32, #tpu.memory_space<vmem>>, vector<16xf32>,
    %get3A_843 = arith.constant 4 : i32
    %get3A_844 = arith.index_cast %get3A_843 : i32 to index
    %get3A_845 = arith.constant 32 : index
    %get3A_846 = tpu.vector_load %arg10[%get3A_844, %get3A_845] {strides = array<i32>} : memref<8x64xf32, #tpu.memory_space<vmem>>, vector<16xf32>,
    %mul3A_847 = arith.mulf %get3A_842, %get3A_846 : vector<16xf32>
    %add3A_848 = arith.addf %add3A_838, %mul3A_847 : vector<16xf32>
    %get3A_849 = arith.constant 4 : i32
    %get3A_850 = arith.index_cast %get3A_849 : i32 to index
    %get3A_851 = arith.constant 48 : index
    %get3A_852 = tpu.vector_load %arg9[%get3A_850, %get3A_851] {strides = array<i32>} : memref<8x64xf32, #tpu.memory_space<vmem>>, vector<16xf32>,
    %get3A_853 = arith.constant 4 : i32
    %get3A_854 = arith.index_cast %get3A_853 : i32 to index
    %get3A_855 = arith.constant 48 : index
    %get3A_856 = tpu.vector_load %arg10[%get3A_854, %get3A_855] {strides = array<i32>} : memref<8x64xf32, #tpu.memory_space<vmem>>, vector<16xf32>,
    %mul3A_857 = arith.mulf %get3A_852, %get3A_856 : vector<16xf32>
    %add3A_858 = arith.addf %add3A_848, %mul3A_857 : vector<16xf32>
    %reduce_sum3A_859 = arith.constant true
    %reduce_sum3A_860 = vector.broadcast %reduce_sum3A_859 : i1 to vector<16xi1>
    %reduce_sum3A_861 = tpu.scan <sum>, %add3A_858 masked %reduce_sum3A_860 : vector<16xf32>, vector<16xi1> -> vector<16xf32>
    %reduce_sum3A_862 = vector.extract %reduce_sum3A_861[15] : f32 from vector<16xf32>
    %eq3A_863 = arith.constant 4 : i32
    %eq3A_864 = vector.broadcast %eq3A_863 : i32 to vector<16xi32>
    %eq3A_865 = arith.cmpi eq, %iota3A, %eq3A_864 : vector<16xi32>
    %broadcast_in_dim3A_866 = vector.broadcast %reduce_sum3A_862 : f32 to vector<16xf32>
    %select_n3A_867 = arith.select %eq3A_865, %broadcast_in_dim3A_866, %select_n3A_748 : vector<16xi1>, vector<16xf32>
    %slice3A_868 = vector.extract_strided_slice %get3A_311 {offsets = [12], sizes = [1], strides = [1]} : vector<16xi32> to vector<1xi32>
    %squeeze3A_869 = vector.extract %slice3A_868[0] : i32 from vector<1xi32>
    %slice3A_870 = vector.extract_strided_slice %get3A_313 {offsets = [12], sizes = [1], strides = [1]} : vector<16xi32> to vector<1xi32>
    %squeeze3A_871 = vector.extract %slice3A_870[0] : i32 from vector<1xi32>
    %shift_right_arithmetic3A_872 = arith.constant 3 : i32
    %shift_right_arithmetic3A_873 = arith.shrsi %squeeze3A_869, %shift_right_arithmetic3A_872 : i32
    %and3A_874 = arith.constant 7 : i32
    %and3A_875 = arith.andi %squeeze3A_869, %and3A_874 : i32
    %dma_start3A_876 = arith.constant 4 : i32
    %dma_start3A_877 = arith.constant 0 : i32
    %dma_start3A_878 = tpu.memref_slice %arg9[%dma_start3A_876, %dma_start3A_877] : memref<8x64xf32, #tpu.memory_space<vmem>> -> memref<1x64xf32, #tpu.memory_space<vmem>>
    %dma_start3A_879 = tpu.memref_squeeze %dma_start3A_878 : memref<1x64xf32, #tpu.memory_space<vmem>> -> memref<64xf32, #tpu.memory_space<vmem>>
    %dma_start3A_880 = arith.constant 0 : i32
    %dma_start3A_881 = tpu.memref_slice %arg4[%shift_right_arithmetic3A_873, %and3A_875, %dma_start3A_880] : memref<125000x8x64xf32, #tpu.memory_space<hbm>> -> memref<1x1x64xf32, #tpu.memory_space<hbm>>
    %dma_start3A_882 = tpu.memref_squeeze %dma_start3A_881 : memref<1x1x64xf32, #tpu.memory_space<hbm>> -> memref<64xf32, #tpu.memory_space<hbm>>
    %dma_start3A_883 = arith.constant 0 : i32
    %dma_start3A_884 = tpu.memref_slice %arg9[%dma_start3A_876, %dma_start3A_883] : memref<8x64xf32, #tpu.memory_space<vmem>> -> memref<1x64xf32, #tpu.memory_space<vmem>>
    %dma_start3A_885 = tpu.memref_squeeze %dma_start3A_884 : memref<1x64xf32, #tpu.memory_space<vmem>> -> memref<64xf32, #tpu.memory_space<vmem>>
    %dma_start3A_886 = arith.constant 0 : i32
    %dma_start3A_887 = tpu.memref_slice %arg4[%shift_right_arithmetic3A_873, %and3A_875, %dma_start3A_886] : memref<125000x8x64xf32, #tpu.memory_space<hbm>> -> memref<1x1x64xf32, #tpu.memory_space<hbm>>
    %dma_start3A_888 = tpu.memref_squeeze %dma_start3A_887 : memref<1x1x64xf32, #tpu.memory_space<hbm>> -> memref<64xf32, #tpu.memory_space<hbm>>
    tpu.enqueue_dma source(%dma_start3A_888 : memref<64xf32, #tpu.memory_space<hbm>>) target(%dma_start3A_885 : memref<64xf32, #tpu.memory_space<vmem>>) target_semaphore(%arg16 : memref<!tpu.dma_semaphore, #tpu.memory_space<semaphore_mem>>)
    %shift_right_arithmetic3A_889 = arith.constant 3 : i32
    %shift_right_arithmetic3A_890 = arith.shrsi %squeeze3A_871, %shift_right_arithmetic3A_889 : i32
    %and3A_891 = arith.constant 7 : i32
    %and3A_892 = arith.andi %squeeze3A_871, %and3A_891 : i32
    %dma_start3A_893 = arith.constant 4 : i32
    %dma_start3A_894 = arith.constant 0 : i32
    %dma_start3A_895 = tpu.memref_slice %arg10[%dma_start3A_893, %dma_start3A_894] : memref<8x64xf32, #tpu.memory_space<vmem>> -> memref<1x64xf32, #tpu.memory_space<vmem>>
    %dma_start3A_896 = tpu.memref_squeeze %dma_start3A_895 : memref<1x64xf32, #tpu.memory_space<vmem>> -> memref<64xf32, #tpu.memory_space<vmem>>
    %dma_start3A_897 = arith.constant 0 : i32
    %dma_start3A_898 = tpu.memref_slice %arg5[%shift_right_arithmetic3A_890, %and3A_892, %dma_start3A_897] : memref<125000x8x64xf32, #tpu.memory_space<hbm>> -> memref<1x1x64xf32, #tpu.memory_space<hbm>>
    %dma_start3A_899 = tpu.memref_squeeze %dma_start3A_898 : memref<1x1x64xf32, #tpu.memory_space<hbm>> -> memref<64xf32, #tpu.memory_space<hbm>>
    %dma_start3A_900 = arith.constant 0 : i32
    %dma_start3A_901 = tpu.memref_slice %arg10[%dma_start3A_893, %dma_start3A_900] : memref<8x64xf32, #tpu.memory_space<vmem>> -> memref<1x64xf32, #tpu.memory_space<vmem>>
    %dma_start3A_902 = tpu.memref_squeeze %dma_start3A_901 : memref<1x64xf32, #tpu.memory_space<vmem>> -> memref<64xf32, #tpu.memory_space<vmem>>
    %dma_start3A_903 = arith.constant 0 : i32
    %dma_start3A_904 = tpu.memref_slice %arg5[%shift_right_arithmetic3A_890, %and3A_892, %dma_start3A_903] : memref<125000x8x64xf32, #tpu.memory_space<hbm>> -> memref<1x1x64xf32, #tpu.memory_space<hbm>>
    %dma_start3A_905 = tpu.memref_squeeze %dma_start3A_904 : memref<1x1x64xf32, #tpu.memory_space<hbm>> -> memref<64xf32, #tpu.memory_space<hbm>>
    tpu.enqueue_dma source(%dma_start3A_905 : memref<64xf32, #tpu.memory_space<hbm>>) target(%dma_start3A_902 : memref<64xf32, #tpu.memory_space<vmem>>) target_semaphore(%arg24 : memref<!tpu.dma_semaphore, #tpu.memory_space<semaphore_mem>>)
    %dma_wait3A_906 = arith.constant 0 : i32
    %dma_wait3A_907 = arith.constant 0 : i32
    %dma_wait3A_908 = arith.constant 5 : i32
    %dma_wait3A_909 = arith.constant 0 : i32
    %dma_wait3A_910 = tpu.memref_slice %arg9[%dma_wait3A_908, %dma_wait3A_909] : memref<8x64xf32, #tpu.memory_space<vmem>> -> memref<1x64xf32, #tpu.memory_space<vmem>>
    %dma_wait3A_911 = tpu.memref_squeeze %dma_wait3A_910 : memref<1x64xf32, #tpu.memory_space<vmem>> -> memref<64xf32, #tpu.memory_space<vmem>>
    %dma_wait3A_912 = arith.constant 0 : i32
    %dma_wait3A_913 = tpu.memref_slice %arg4[%dma_wait3A_906, %dma_wait3A_907, %dma_wait3A_912] : memref<125000x8x64xf32, #tpu.memory_space<hbm>> -> memref<1x1x64xf32, #tpu.memory_space<hbm>>
    %dma_wait3A_914 = tpu.memref_squeeze %dma_wait3A_913 : memref<1x1x64xf32, #tpu.memory_space<hbm>> -> memref<64xf32, #tpu.memory_space<hbm>>
    %dma_wait3A_915 = arith.constant 0 : i32
    %dma_wait3A_916 = tpu.memref_slice %arg9[%dma_wait3A_908, %dma_wait3A_915] : memref<8x64xf32, #tpu.memory_space<vmem>> -> memref<1x64xf32, #tpu.memory_space<vmem>>
    %dma_wait3A_917 = tpu.memref_squeeze %dma_wait3A_916 : memref<1x64xf32, #tpu.memory_space<vmem>> -> memref<64xf32, #tpu.memory_space<vmem>>
    %dma_wait3A_918 = arith.constant 0 : i32
    %dma_wait3A_919 = tpu.memref_slice %arg4[%dma_wait3A_906, %dma_wait3A_907, %dma_wait3A_918] : memref<125000x8x64xf32, #tpu.memory_space<hbm>> -> memref<1x1x64xf32, #tpu.memory_space<hbm>>
    %dma_wait3A_920 = tpu.memref_squeeze %dma_wait3A_919 : memref<1x1x64xf32, #tpu.memory_space<hbm>> -> memref<64xf32, #tpu.memory_space<hbm>>
    tpu.wait_dma2 semaphore(%arg17 : memref<!tpu.dma_semaphore, #tpu.memory_space<semaphore_mem>>) src(%dma_wait3A_920 : memref<64xf32, #tpu.memory_space<hbm>>) dst(%dma_wait3A_917 : memref<64xf32, #tpu.memory_space<vmem>>)
    %dma_wait3A_921 = arith.constant 0 : i32
    %dma_wait3A_922 = arith.constant 0 : i32
    %dma_wait3A_923 = arith.constant 5 : i32
    %dma_wait3A_924 = arith.constant 0 : i32
    %dma_wait3A_925 = tpu.memref_slice %arg10[%dma_wait3A_923, %dma_wait3A_924] : memref<8x64xf32, #tpu.memory_space<vmem>> -> memref<1x64xf32, #tpu.memory_space<vmem>>
    %dma_wait3A_926 = tpu.memref_squeeze %dma_wait3A_925 : memref<1x64xf32, #tpu.memory_space<vmem>> -> memref<64xf32, #tpu.memory_space<vmem>>
    %dma_wait3A_927 = arith.constant 0 : i32
    %dma_wait3A_928 = tpu.memref_slice %arg5[%dma_wait3A_921, %dma_wait3A_922, %dma_wait3A_927] : memref<125000x8x64xf32, #tpu.memory_space<hbm>> -> memref<1x1x64xf32, #tpu.memory_space<hbm>>
    %dma_wait3A_929 = tpu.memref_squeeze %dma_wait3A_928 : memref<1x1x64xf32, #tpu.memory_space<hbm>> -> memref<64xf32, #tpu.memory_space<hbm>>
    %dma_wait3A_930 = arith.constant 0 : i32
    %dma_wait3A_931 = tpu.memref_slice %arg10[%dma_wait3A_923, %dma_wait3A_930] : memref<8x64xf32, #tpu.memory_space<vmem>> -> memref<1x64xf32, #tpu.memory_space<vmem>>
    %dma_wait3A_932 = tpu.memref_squeeze %dma_wait3A_931 : memref<1x64xf32, #tpu.memory_space<vmem>> -> memref<64xf32, #tpu.memory_space<vmem>>
    %dma_wait3A_933 = arith.constant 0 : i32
    %dma_wait3A_934 = tpu.memref_slice %arg5[%dma_wait3A_921, %dma_wait3A_922, %dma_wait3A_933] : memref<125000x8x64xf32, #tpu.memory_space<hbm>> -> memref<1x1x64xf32, #tpu.memory_space<hbm>>
    %dma_wait3A_935 = tpu.memref_squeeze %dma_wait3A_934 : memref<1x1x64xf32, #tpu.memory_space<hbm>> -> memref<64xf32, #tpu.memory_space<hbm>>
    tpu.wait_dma2 semaphore(%arg25 : memref<!tpu.dma_semaphore, #tpu.memory_space<semaphore_mem>>) src(%dma_wait3A_935 : memref<64xf32, #tpu.memory_space<hbm>>) dst(%dma_wait3A_932 : memref<64xf32, #tpu.memory_space<vmem>>)
    %broadcast_in_dim3A_936 = arith.constant 0.000000e+00 : f32
    %broadcast_in_dim3A_937 = vector.broadcast %broadcast_in_dim3A_936 : f32 to vector<16xf32>
    %get3A_938 = arith.constant 5 : i32
    %get3A_939 = arith.index_cast %get3A_938 : i32 to index
    %get3A_940 = arith.constant 0 : index
    %get3A_941 = tpu.vector_load %arg9[%get3A_939, %get3A_940] {strides = array<i32>} : memref<8x64xf32, #tpu.memory_space<vmem>>, vector<16xf32>,
    %get3A_942 = arith.constant 5 : i32
    %get3A_943 = arith.index_cast %get3A_942 : i32 to index
    %get3A_944 = arith.constant 0 : index
    %get3A_945 = tpu.vector_load %arg10[%get3A_943, %get3A_944] {strides = array<i32>} : memref<8x64xf32, #tpu.memory_space<vmem>>, vector<16xf32>,
    %mul3A_946 = arith.mulf %get3A_941, %get3A_945 : vector<16xf32>
    %add3A_947 = arith.addf %broadcast_in_dim3A_937, %mul3A_946 : vector<16xf32>
    %get3A_948 = arith.constant 5 : i32
    %get3A_949 = arith.index_cast %get3A_948 : i32 to index
    %get3A_950 = arith.constant 16 : index
    %get3A_951 = tpu.vector_load %arg9[%get3A_949, %get3A_950] {strides = array<i32>} : memref<8x64xf32, #tpu.memory_space<vmem>>, vector<16xf32>,
    %get3A_952 = arith.constant 5 : i32
    %get3A_953 = arith.index_cast %get3A_952 : i32 to index
    %get3A_954 = arith.constant 16 : index
    %get3A_955 = tpu.vector_load %arg10[%get3A_953, %get3A_954] {strides = array<i32>} : memref<8x64xf32, #tpu.memory_space<vmem>>, vector<16xf32>,
    %mul3A_956 = arith.mulf %get3A_951, %get3A_955 : vector<16xf32>
    %add3A_957 = arith.addf %add3A_947, %mul3A_956 : vector<16xf32>
    %get3A_958 = arith.constant 5 : i32
    %get3A_959 = arith.index_cast %get3A_958 : i32 to index
    %get3A_960 = arith.constant 32 : index
    %get3A_961 = tpu.vector_load %arg9[%get3A_959, %get3A_960] {strides = array<i32>} : memref<8x64xf32, #tpu.memory_space<vmem>>, vector<16xf32>,
    %get3A_962 = arith.constant 5 : i32
    %get3A_963 = arith.index_cast %get3A_962 : i32 to index
    %get3A_964 = arith.constant 32 : index
    %get3A_965 = tpu.vector_load %arg10[%get3A_963, %get3A_964] {strides = array<i32>} : memref<8x64xf32, #tpu.memory_space<vmem>>, vector<16xf32>,
    %mul3A_966 = arith.mulf %get3A_961, %get3A_965 : vector<16xf32>
    %add3A_967 = arith.addf %add3A_957, %mul3A_966 : vector<16xf32>
    %get3A_968 = arith.constant 5 : i32
    %get3A_969 = arith.index_cast %get3A_968 : i32 to index
    %get3A_970 = arith.constant 48 : index
    %get3A_971 = tpu.vector_load %arg9[%get3A_969, %get3A_970] {strides = array<i32>} : memref<8x64xf32, #tpu.memory_space<vmem>>, vector<16xf32>,
    %get3A_972 = arith.constant 5 : i32
    %get3A_973 = arith.index_cast %get3A_972 : i32 to index
    %get3A_974 = arith.constant 48 : index
    %get3A_975 = tpu.vector_load %arg10[%get3A_973, %get3A_974] {strides = array<i32>} : memref<8x64xf32, #tpu.memory_space<vmem>>, vector<16xf32>,
    %mul3A_976 = arith.mulf %get3A_971, %get3A_975 : vector<16xf32>
    %add3A_977 = arith.addf %add3A_967, %mul3A_976 : vector<16xf32>
    %reduce_sum3A_978 = arith.constant true
    %reduce_sum3A_979 = vector.broadcast %reduce_sum3A_978 : i1 to vector<16xi1>
    %reduce_sum3A_980 = tpu.scan <sum>, %add3A_977 masked %reduce_sum3A_979 : vector<16xf32>, vector<16xi1> -> vector<16xf32>
    %reduce_sum3A_981 = vector.extract %reduce_sum3A_980[15] : f32 from vector<16xf32>
    %eq3A_982 = arith.constant 5 : i32
    %eq3A_983 = vector.broadcast %eq3A_982 : i32 to vector<16xi32>
    %eq3A_984 = arith.cmpi eq, %iota3A, %eq3A_983 : vector<16xi32>
    %broadcast_in_dim3A_985 = vector.broadcast %reduce_sum3A_981 : f32 to vector<16xf32>
    %select_n3A_986 = arith.select %eq3A_984, %broadcast_in_dim3A_985, %select_n3A_867 : vector<16xi1>, vector<16xf32>
    %slice3A_987 = vector.extract_strided_slice %get3A_311 {offsets = [13], sizes = [1], strides = [1]} : vector<16xi32> to vector<1xi32>
    %squeeze3A_988 = vector.extract %slice3A_987[0] : i32 from vector<1xi32>
    %slice3A_989 = vector.extract_strided_slice %get3A_313 {offsets = [13], sizes = [1], strides = [1]} : vector<16xi32> to vector<1xi32>
    %squeeze3A_990 = vector.extract %slice3A_989[0] : i32 from vector<1xi32>
    %shift_right_arithmetic3A_991 = arith.constant 3 : i32
    %shift_right_arithmetic3A_992 = arith.shrsi %squeeze3A_988, %shift_right_arithmetic3A_991 : i32
    %and3A_993 = arith.constant 7 : i32
    %and3A_994 = arith.andi %squeeze3A_988, %and3A_993 : i32
    %dma_start3A_995 = arith.constant 5 : i32
    %dma_start3A_996 = arith.constant 0 : i32
    %dma_start3A_997 = tpu.memref_slice %arg9[%dma_start3A_995, %dma_start3A_996] : memref<8x64xf32, #tpu.memory_space<vmem>> -> memref<1x64xf32, #tpu.memory_space<vmem>>
    %dma_start3A_998 = tpu.memref_squeeze %dma_start3A_997 : memref<1x64xf32, #tpu.memory_space<vmem>> -> memref<64xf32, #tpu.memory_space<vmem>>
    %dma_start3A_999 = arith.constant 0 : i32
    %dma_start3A_1000 = tpu.memref_slice %arg4[%shift_right_arithmetic3A_992, %and3A_994, %dma_start3A_999] : memref<125000x8x64xf32, #tpu.memory_space<hbm>> -> memref<1x1x64xf32, #tpu.memory_space<hbm>>
    %dma_start3A_1001 = tpu.memref_squeeze %dma_start3A_1000 : memref<1x1x64xf32, #tpu.memory_space<hbm>> -> memref<64xf32, #tpu.memory_space<hbm>>
    %dma_start3A_1002 = arith.constant 0 : i32
    %dma_start3A_1003 = tpu.memref_slice %arg9[%dma_start3A_995, %dma_start3A_1002] : memref<8x64xf32, #tpu.memory_space<vmem>> -> memref<1x64xf32, #tpu.memory_space<vmem>>
    %dma_start3A_1004 = tpu.memref_squeeze %dma_start3A_1003 : memref<1x64xf32, #tpu.memory_space<vmem>> -> memref<64xf32, #tpu.memory_space<vmem>>
    %dma_start3A_1005 = arith.constant 0 : i32
    %dma_start3A_1006 = tpu.memref_slice %arg4[%shift_right_arithmetic3A_992, %and3A_994, %dma_start3A_1005] : memref<125000x8x64xf32, #tpu.memory_space<hbm>> -> memref<1x1x64xf32, #tpu.memory_space<hbm>>
    %dma_start3A_1007 = tpu.memref_squeeze %dma_start3A_1006 : memref<1x1x64xf32, #tpu.memory_space<hbm>> -> memref<64xf32, #tpu.memory_space<hbm>>
    tpu.enqueue_dma source(%dma_start3A_1007 : memref<64xf32, #tpu.memory_space<hbm>>) target(%dma_start3A_1004 : memref<64xf32, #tpu.memory_space<vmem>>) target_semaphore(%arg17 : memref<!tpu.dma_semaphore, #tpu.memory_space<semaphore_mem>>)
    %shift_right_arithmetic3A_1008 = arith.constant 3 : i32
    %shift_right_arithmetic3A_1009 = arith.shrsi %squeeze3A_990, %shift_right_arithmetic3A_1008 : i32
    %and3A_1010 = arith.constant 7 : i32
    %and3A_1011 = arith.andi %squeeze3A_990, %and3A_1010 : i32
    %dma_start3A_1012 = arith.constant 5 : i32
    %dma_start3A_1013 = arith.constant 0 : i32
    %dma_start3A_1014 = tpu.memref_slice %arg10[%dma_start3A_1012, %dma_start3A_1013] : memref<8x64xf32, #tpu.memory_space<vmem>> -> memref<1x64xf32, #tpu.memory_space<vmem>>
    %dma_start3A_1015 = tpu.memref_squeeze %dma_start3A_1014 : memref<1x64xf32, #tpu.memory_space<vmem>> -> memref<64xf32, #tpu.memory_space<vmem>>
    %dma_start3A_1016 = arith.constant 0 : i32
    %dma_start3A_1017 = tpu.memref_slice %arg5[%shift_right_arithmetic3A_1009, %and3A_1011, %dma_start3A_1016] : memref<125000x8x64xf32, #tpu.memory_space<hbm>> -> memref<1x1x64xf32, #tpu.memory_space<hbm>>
    %dma_start3A_1018 = tpu.memref_squeeze %dma_start3A_1017 : memref<1x1x64xf32, #tpu.memory_space<hbm>> -> memref<64xf32, #tpu.memory_space<hbm>>
    %dma_start3A_1019 = arith.constant 0 : i32
    %dma_start3A_1020 = tpu.memref_slice %arg10[%dma_start3A_1012, %dma_start3A_1019] : memref<8x64xf32, #tpu.memory_space<vmem>> -> memref<1x64xf32, #tpu.memory_space<vmem>>
    %dma_start3A_1021 = tpu.memref_squeeze %dma_start3A_1020 : memref<1x64xf32, #tpu.memory_space<vmem>> -> memref<64xf32, #tpu.memory_space<vmem>>
    %dma_start3A_1022 = arith.constant 0 : i32
    %dma_start3A_1023 = tpu.memref_slice %arg5[%shift_right_arithmetic3A_1009, %and3A_1011, %dma_start3A_1022] : memref<125000x8x64xf32, #tpu.memory_space<hbm>> -> memref<1x1x64xf32, #tpu.memory_space<hbm>>
    %dma_start3A_1024 = tpu.memref_squeeze %dma_start3A_1023 : memref<1x1x64xf32, #tpu.memory_space<hbm>> -> memref<64xf32, #tpu.memory_space<hbm>>
    tpu.enqueue_dma source(%dma_start3A_1024 : memref<64xf32, #tpu.memory_space<hbm>>) target(%dma_start3A_1021 : memref<64xf32, #tpu.memory_space<vmem>>) target_semaphore(%arg25 : memref<!tpu.dma_semaphore, #tpu.memory_space<semaphore_mem>>)
    %dma_wait3A_1025 = arith.constant 0 : i32
    %dma_wait3A_1026 = arith.constant 0 : i32
    %dma_wait3A_1027 = arith.constant 6 : i32
    %dma_wait3A_1028 = arith.constant 0 : i32
    %dma_wait3A_1029 = tpu.memref_slice %arg9[%dma_wait3A_1027, %dma_wait3A_1028] : memref<8x64xf32, #tpu.memory_space<vmem>> -> memref<1x64xf32, #tpu.memory_space<vmem>>
    %dma_wait3A_1030 = tpu.memref_squeeze %dma_wait3A_1029 : memref<1x64xf32, #tpu.memory_space<vmem>> -> memref<64xf32, #tpu.memory_space<vmem>>
    %dma_wait3A_1031 = arith.constant 0 : i32
    %dma_wait3A_1032 = tpu.memref_slice %arg4[%dma_wait3A_1025, %dma_wait3A_1026, %dma_wait3A_1031] : memref<125000x8x64xf32, #tpu.memory_space<hbm>> -> memref<1x1x64xf32, #tpu.memory_space<hbm>>
    %dma_wait3A_1033 = tpu.memref_squeeze %dma_wait3A_1032 : memref<1x1x64xf32, #tpu.memory_space<hbm>> -> memref<64xf32, #tpu.memory_space<hbm>>
    %dma_wait3A_1034 = arith.constant 0 : i32
    %dma_wait3A_1035 = tpu.memref_slice %arg9[%dma_wait3A_1027, %dma_wait3A_1034] : memref<8x64xf32, #tpu.memory_space<vmem>> -> memref<1x64xf32, #tpu.memory_space<vmem>>
    %dma_wait3A_1036 = tpu.memref_squeeze %dma_wait3A_1035 : memref<1x64xf32, #tpu.memory_space<vmem>> -> memref<64xf32, #tpu.memory_space<vmem>>
    %dma_wait3A_1037 = arith.constant 0 : i32
    %dma_wait3A_1038 = tpu.memref_slice %arg4[%dma_wait3A_1025, %dma_wait3A_1026, %dma_wait3A_1037] : memref<125000x8x64xf32, #tpu.memory_space<hbm>> -> memref<1x1x64xf32, #tpu.memory_space<hbm>>
    %dma_wait3A_1039 = tpu.memref_squeeze %dma_wait3A_1038 : memref<1x1x64xf32, #tpu.memory_space<hbm>> -> memref<64xf32, #tpu.memory_space<hbm>>
    tpu.wait_dma2 semaphore(%arg18 : memref<!tpu.dma_semaphore, #tpu.memory_space<semaphore_mem>>) src(%dma_wait3A_1039 : memref<64xf32, #tpu.memory_space<hbm>>) dst(%dma_wait3A_1036 : memref<64xf32, #tpu.memory_space<vmem>>)
    %dma_wait3A_1040 = arith.constant 0 : i32
    %dma_wait3A_1041 = arith.constant 0 : i32
    %dma_wait3A_1042 = arith.constant 6 : i32
    %dma_wait3A_1043 = arith.constant 0 : i32
    %dma_wait3A_1044 = tpu.memref_slice %arg10[%dma_wait3A_1042, %dma_wait3A_1043] : memref<8x64xf32, #tpu.memory_space<vmem>> -> memref<1x64xf32, #tpu.memory_space<vmem>>
    %dma_wait3A_1045 = tpu.memref_squeeze %dma_wait3A_1044 : memref<1x64xf32, #tpu.memory_space<vmem>> -> memref<64xf32, #tpu.memory_space<vmem>>
    %dma_wait3A_1046 = arith.constant 0 : i32
    %dma_wait3A_1047 = tpu.memref_slice %arg5[%dma_wait3A_1040, %dma_wait3A_1041, %dma_wait3A_1046] : memref<125000x8x64xf32, #tpu.memory_space<hbm>> -> memref<1x1x64xf32, #tpu.memory_space<hbm>>
    %dma_wait3A_1048 = tpu.memref_squeeze %dma_wait3A_1047 : memref<1x1x64xf32, #tpu.memory_space<hbm>> -> memref<64xf32, #tpu.memory_space<hbm>>
    %dma_wait3A_1049 = arith.constant 0 : i32
    %dma_wait3A_1050 = tpu.memref_slice %arg10[%dma_wait3A_1042, %dma_wait3A_1049] : memref<8x64xf32, #tpu.memory_space<vmem>> -> memref<1x64xf32, #tpu.memory_space<vmem>>
    %dma_wait3A_1051 = tpu.memref_squeeze %dma_wait3A_1050 : memref<1x64xf32, #tpu.memory_space<vmem>> -> memref<64xf32, #tpu.memory_space<vmem>>
    %dma_wait3A_1052 = arith.constant 0 : i32
    %dma_wait3A_1053 = tpu.memref_slice %arg5[%dma_wait3A_1040, %dma_wait3A_1041, %dma_wait3A_1052] : memref<125000x8x64xf32, #tpu.memory_space<hbm>> -> memref<1x1x64xf32, #tpu.memory_space<hbm>>
    %dma_wait3A_1054 = tpu.memref_squeeze %dma_wait3A_1053 : memref<1x1x64xf32, #tpu.memory_space<hbm>> -> memref<64xf32, #tpu.memory_space<hbm>>
    tpu.wait_dma2 semaphore(%arg26 : memref<!tpu.dma_semaphore, #tpu.memory_space<semaphore_mem>>) src(%dma_wait3A_1054 : memref<64xf32, #tpu.memory_space<hbm>>) dst(%dma_wait3A_1051 : memref<64xf32, #tpu.memory_space<vmem>>)
    %broadcast_in_dim3A_1055 = arith.constant 0.000000e+00 : f32
    %broadcast_in_dim3A_1056 = vector.broadcast %broadcast_in_dim3A_1055 : f32 to vector<16xf32>
    %get3A_1057 = arith.constant 6 : i32
    %get3A_1058 = arith.index_cast %get3A_1057 : i32 to index
    %get3A_1059 = arith.constant 0 : index
    %get3A_1060 = tpu.vector_load %arg9[%get3A_1058, %get3A_1059] {strides = array<i32>} : memref<8x64xf32, #tpu.memory_space<vmem>>, vector<16xf32>,
    %get3A_1061 = arith.constant 6 : i32
    %get3A_1062 = arith.index_cast %get3A_1061 : i32 to index
    %get3A_1063 = arith.constant 0 : index
    %get3A_1064 = tpu.vector_load %arg10[%get3A_1062, %get3A_1063] {strides = array<i32>} : memref<8x64xf32, #tpu.memory_space<vmem>>, vector<16xf32>,
    %mul3A_1065 = arith.mulf %get3A_1060, %get3A_1064 : vector<16xf32>
    %add3A_1066 = arith.addf %broadcast_in_dim3A_1056, %mul3A_1065 : vector<16xf32>
    %get3A_1067 = arith.constant 6 : i32
    %get3A_1068 = arith.index_cast %get3A_1067 : i32 to index
    %get3A_1069 = arith.constant 16 : index
    %get3A_1070 = tpu.vector_load %arg9[%get3A_1068, %get3A_1069] {strides = array<i32>} : memref<8x64xf32, #tpu.memory_space<vmem>>, vector<16xf32>,
    %get3A_1071 = arith.constant 6 : i32
    %get3A_1072 = arith.index_cast %get3A_1071 : i32 to index
    %get3A_1073 = arith.constant 16 : index
    %get3A_1074 = tpu.vector_load %arg10[%get3A_1072, %get3A_1073] {strides = array<i32>} : memref<8x64xf32, #tpu.memory_space<vmem>>, vector<16xf32>,
    %mul3A_1075 = arith.mulf %get3A_1070, %get3A_1074 : vector<16xf32>
    %add3A_1076 = arith.addf %add3A_1066, %mul3A_1075 : vector<16xf32>
    %get3A_1077 = arith.constant 6 : i32
    %get3A_1078 = arith.index_cast %get3A_1077 : i32 to index
    %get3A_1079 = arith.constant 32 : index
    %get3A_1080 = tpu.vector_load %arg9[%get3A_1078, %get3A_1079] {strides = array<i32>} : memref<8x64xf32, #tpu.memory_space<vmem>>, vector<16xf32>,
    %get3A_1081 = arith.constant 6 : i32
    %get3A_1082 = arith.index_cast %get3A_1081 : i32 to index
    %get3A_1083 = arith.constant 32 : index
    %get3A_1084 = tpu.vector_load %arg10[%get3A_1082, %get3A_1083] {strides = array<i32>} : memref<8x64xf32, #tpu.memory_space<vmem>>, vector<16xf32>,
    %mul3A_1085 = arith.mulf %get3A_1080, %get3A_1084 : vector<16xf32>
    %add3A_1086 = arith.addf %add3A_1076, %mul3A_1085 : vector<16xf32>
    %get3A_1087 = arith.constant 6 : i32
    %get3A_1088 = arith.index_cast %get3A_1087 : i32 to index
    %get3A_1089 = arith.constant 48 : index
    %get3A_1090 = tpu.vector_load %arg9[%get3A_1088, %get3A_1089] {strides = array<i32>} : memref<8x64xf32, #tpu.memory_space<vmem>>, vector<16xf32>,
    %get3A_1091 = arith.constant 6 : i32
    %get3A_1092 = arith.index_cast %get3A_1091 : i32 to index
    %get3A_1093 = arith.constant 48 : index
    %get3A_1094 = tpu.vector_load %arg10[%get3A_1092, %get3A_1093] {strides = array<i32>} : memref<8x64xf32, #tpu.memory_space<vmem>>, vector<16xf32>,
    %mul3A_1095 = arith.mulf %get3A_1090, %get3A_1094 : vector<16xf32>
    %add3A_1096 = arith.addf %add3A_1086, %mul3A_1095 : vector<16xf32>
    %reduce_sum3A_1097 = arith.constant true
    %reduce_sum3A_1098 = vector.broadcast %reduce_sum3A_1097 : i1 to vector<16xi1>
    %reduce_sum3A_1099 = tpu.scan <sum>, %add3A_1096 masked %reduce_sum3A_1098 : vector<16xf32>, vector<16xi1> -> vector<16xf32>
    %reduce_sum3A_1100 = vector.extract %reduce_sum3A_1099[15] : f32 from vector<16xf32>
    %eq3A_1101 = arith.constant 6 : i32
    %eq3A_1102 = vector.broadcast %eq3A_1101 : i32 to vector<16xi32>
    %eq3A_1103 = arith.cmpi eq, %iota3A, %eq3A_1102 : vector<16xi32>
    %broadcast_in_dim3A_1104 = vector.broadcast %reduce_sum3A_1100 : f32 to vector<16xf32>
    %select_n3A_1105 = arith.select %eq3A_1103, %broadcast_in_dim3A_1104, %select_n3A_986 : vector<16xi1>, vector<16xf32>
    %slice3A_1106 = vector.extract_strided_slice %get3A_311 {offsets = [14], sizes = [1], strides = [1]} : vector<16xi32> to vector<1xi32>
    %squeeze3A_1107 = vector.extract %slice3A_1106[0] : i32 from vector<1xi32>
    %slice3A_1108 = vector.extract_strided_slice %get3A_313 {offsets = [14], sizes = [1], strides = [1]} : vector<16xi32> to vector<1xi32>
    %squeeze3A_1109 = vector.extract %slice3A_1108[0] : i32 from vector<1xi32>
    %shift_right_arithmetic3A_1110 = arith.constant 3 : i32
    %shift_right_arithmetic3A_1111 = arith.shrsi %squeeze3A_1107, %shift_right_arithmetic3A_1110 : i32
    %and3A_1112 = arith.constant 7 : i32
    %and3A_1113 = arith.andi %squeeze3A_1107, %and3A_1112 : i32
    %dma_start3A_1114 = arith.constant 6 : i32
    %dma_start3A_1115 = arith.constant 0 : i32
    %dma_start3A_1116 = tpu.memref_slice %arg9[%dma_start3A_1114, %dma_start3A_1115] : memref<8x64xf32, #tpu.memory_space<vmem>> -> memref<1x64xf32, #tpu.memory_space<vmem>>
    %dma_start3A_1117 = tpu.memref_squeeze %dma_start3A_1116 : memref<1x64xf32, #tpu.memory_space<vmem>> -> memref<64xf32, #tpu.memory_space<vmem>>
    %dma_start3A_1118 = arith.constant 0 : i32
    %dma_start3A_1119 = tpu.memref_slice %arg4[%shift_right_arithmetic3A_1111, %and3A_1113, %dma_start3A_1118] : memref<125000x8x64xf32, #tpu.memory_space<hbm>> -> memref<1x1x64xf32, #tpu.memory_space<hbm>>
    %dma_start3A_1120 = tpu.memref_squeeze %dma_start3A_1119 : memref<1x1x64xf32, #tpu.memory_space<hbm>> -> memref<64xf32, #tpu.memory_space<hbm>>
    %dma_start3A_1121 = arith.constant 0 : i32
    %dma_start3A_1122 = tpu.memref_slice %arg9[%dma_start3A_1114, %dma_start3A_1121] : memref<8x64xf32, #tpu.memory_space<vmem>> -> memref<1x64xf32, #tpu.memory_space<vmem>>
    %dma_start3A_1123 = tpu.memref_squeeze %dma_start3A_1122 : memref<1x64xf32, #tpu.memory_space<vmem>> -> memref<64xf32, #tpu.memory_space<vmem>>
    %dma_start3A_1124 = arith.constant 0 : i32
    %dma_start3A_1125 = tpu.memref_slice %arg4[%shift_right_arithmetic3A_1111, %and3A_1113, %dma_start3A_1124] : memref<125000x8x64xf32, #tpu.memory_space<hbm>> -> memref<1x1x64xf32, #tpu.memory_space<hbm>>
    %dma_start3A_1126 = tpu.memref_squeeze %dma_start3A_1125 : memref<1x1x64xf32, #tpu.memory_space<hbm>> -> memref<64xf32, #tpu.memory_space<hbm>>
    tpu.enqueue_dma source(%dma_start3A_1126 : memref<64xf32, #tpu.memory_space<hbm>>) target(%dma_start3A_1123 : memref<64xf32, #tpu.memory_space<vmem>>) target_semaphore(%arg18 : memref<!tpu.dma_semaphore, #tpu.memory_space<semaphore_mem>>)
    %shift_right_arithmetic3A_1127 = arith.constant 3 : i32
    %shift_right_arithmetic3A_1128 = arith.shrsi %squeeze3A_1109, %shift_right_arithmetic3A_1127 : i32
    %and3A_1129 = arith.constant 7 : i32
    %and3A_1130 = arith.andi %squeeze3A_1109, %and3A_1129 : i32
    %dma_start3A_1131 = arith.constant 6 : i32
    %dma_start3A_1132 = arith.constant 0 : i32
    %dma_start3A_1133 = tpu.memref_slice %arg10[%dma_start3A_1131, %dma_start3A_1132] : memref<8x64xf32, #tpu.memory_space<vmem>> -> memref<1x64xf32, #tpu.memory_space<vmem>>
    %dma_start3A_1134 = tpu.memref_squeeze %dma_start3A_1133 : memref<1x64xf32, #tpu.memory_space<vmem>> -> memref<64xf32, #tpu.memory_space<vmem>>
    %dma_start3A_1135 = arith.constant 0 : i32
    %dma_start3A_1136 = tpu.memref_slice %arg5[%shift_right_arithmetic3A_1128, %and3A_1130, %dma_start3A_1135] : memref<125000x8x64xf32, #tpu.memory_space<hbm>> -> memref<1x1x64xf32, #tpu.memory_space<hbm>>
    %dma_start3A_1137 = tpu.memref_squeeze %dma_start3A_1136 : memref<1x1x64xf32, #tpu.memory_space<hbm>> -> memref<64xf32, #tpu.memory_space<hbm>>
    %dma_start3A_1138 = arith.constant 0 : i32
    %dma_start3A_1139 = tpu.memref_slice %arg10[%dma_start3A_1131, %dma_start3A_1138] : memref<8x64xf32, #tpu.memory_space<vmem>> -> memref<1x64xf32, #tpu.memory_space<vmem>>
    %dma_start3A_1140 = tpu.memref_squeeze %dma_start3A_1139 : memref<1x64xf32, #tpu.memory_space<vmem>> -> memref<64xf32, #tpu.memory_space<vmem>>
    %dma_start3A_1141 = arith.constant 0 : i32
    %dma_start3A_1142 = tpu.memref_slice %arg5[%shift_right_arithmetic3A_1128, %and3A_1130, %dma_start3A_1141] : memref<125000x8x64xf32, #tpu.memory_space<hbm>> -> memref<1x1x64xf32, #tpu.memory_space<hbm>>
    %dma_start3A_1143 = tpu.memref_squeeze %dma_start3A_1142 : memref<1x1x64xf32, #tpu.memory_space<hbm>> -> memref<64xf32, #tpu.memory_space<hbm>>
    tpu.enqueue_dma source(%dma_start3A_1143 : memref<64xf32, #tpu.memory_space<hbm>>) target(%dma_start3A_1140 : memref<64xf32, #tpu.memory_space<vmem>>) target_semaphore(%arg26 : memref<!tpu.dma_semaphore, #tpu.memory_space<semaphore_mem>>)
    %dma_wait3A_1144 = arith.constant 0 : i32
    %dma_wait3A_1145 = arith.constant 0 : i32
    %dma_wait3A_1146 = arith.constant 7 : i32
    %dma_wait3A_1147 = arith.constant 0 : i32
    %dma_wait3A_1148 = tpu.memref_slice %arg9[%dma_wait3A_1146, %dma_wait3A_1147] : memref<8x64xf32, #tpu.memory_space<vmem>> -> memref<1x64xf32, #tpu.memory_space<vmem>>
    %dma_wait3A_1149 = tpu.memref_squeeze %dma_wait3A_1148 : memref<1x64xf32, #tpu.memory_space<vmem>> -> memref<64xf32, #tpu.memory_space<vmem>>
    %dma_wait3A_1150 = arith.constant 0 : i32
    %dma_wait3A_1151 = tpu.memref_slice %arg4[%dma_wait3A_1144, %dma_wait3A_1145, %dma_wait3A_1150] : memref<125000x8x64xf32, #tpu.memory_space<hbm>> -> memref<1x1x64xf32, #tpu.memory_space<hbm>>
    %dma_wait3A_1152 = tpu.memref_squeeze %dma_wait3A_1151 : memref<1x1x64xf32, #tpu.memory_space<hbm>> -> memref<64xf32, #tpu.memory_space<hbm>>
    %dma_wait3A_1153 = arith.constant 0 : i32
    %dma_wait3A_1154 = tpu.memref_slice %arg9[%dma_wait3A_1146, %dma_wait3A_1153] : memref<8x64xf32, #tpu.memory_space<vmem>> -> memref<1x64xf32, #tpu.memory_space<vmem>>
    %dma_wait3A_1155 = tpu.memref_squeeze %dma_wait3A_1154 : memref<1x64xf32, #tpu.memory_space<vmem>> -> memref<64xf32, #tpu.memory_space<vmem>>
    %dma_wait3A_1156 = arith.constant 0 : i32
    %dma_wait3A_1157 = tpu.memref_slice %arg4[%dma_wait3A_1144, %dma_wait3A_1145, %dma_wait3A_1156] : memref<125000x8x64xf32, #tpu.memory_space<hbm>> -> memref<1x1x64xf32, #tpu.memory_space<hbm>>
    %dma_wait3A_1158 = tpu.memref_squeeze %dma_wait3A_1157 : memref<1x1x64xf32, #tpu.memory_space<hbm>> -> memref<64xf32, #tpu.memory_space<hbm>>
    tpu.wait_dma2 semaphore(%arg19 : memref<!tpu.dma_semaphore, #tpu.memory_space<semaphore_mem>>) src(%dma_wait3A_1158 : memref<64xf32, #tpu.memory_space<hbm>>) dst(%dma_wait3A_1155 : memref<64xf32, #tpu.memory_space<vmem>>)
    %dma_wait3A_1159 = arith.constant 0 : i32
    %dma_wait3A_1160 = arith.constant 0 : i32
    %dma_wait3A_1161 = arith.constant 7 : i32
    %dma_wait3A_1162 = arith.constant 0 : i32
    %dma_wait3A_1163 = tpu.memref_slice %arg10[%dma_wait3A_1161, %dma_wait3A_1162] : memref<8x64xf32, #tpu.memory_space<vmem>> -> memref<1x64xf32, #tpu.memory_space<vmem>>
    %dma_wait3A_1164 = tpu.memref_squeeze %dma_wait3A_1163 : memref<1x64xf32, #tpu.memory_space<vmem>> -> memref<64xf32, #tpu.memory_space<vmem>>
    %dma_wait3A_1165 = arith.constant 0 : i32
    %dma_wait3A_1166 = tpu.memref_slice %arg5[%dma_wait3A_1159, %dma_wait3A_1160, %dma_wait3A_1165] : memref<125000x8x64xf32, #tpu.memory_space<hbm>> -> memref<1x1x64xf32, #tpu.memory_space<hbm>>
    %dma_wait3A_1167 = tpu.memref_squeeze %dma_wait3A_1166 : memref<1x1x64xf32, #tpu.memory_space<hbm>> -> memref<64xf32, #tpu.memory_space<hbm>>
    %dma_wait3A_1168 = arith.constant 0 : i32
    %dma_wait3A_1169 = tpu.memref_slice %arg10[%dma_wait3A_1161, %dma_wait3A_1168] : memref<8x64xf32, #tpu.memory_space<vmem>> -> memref<1x64xf32, #tpu.memory_space<vmem>>
    %dma_wait3A_1170 = tpu.memref_squeeze %dma_wait3A_1169 : memref<1x64xf32, #tpu.memory_space<vmem>> -> memref<64xf32, #tpu.memory_space<vmem>>
    %dma_wait3A_1171 = arith.constant 0 : i32
    %dma_wait3A_1172 = tpu.memref_slice %arg5[%dma_wait3A_1159, %dma_wait3A_1160, %dma_wait3A_1171] : memref<125000x8x64xf32, #tpu.memory_space<hbm>> -> memref<1x1x64xf32, #tpu.memory_space<hbm>>
    %dma_wait3A_1173 = tpu.memref_squeeze %dma_wait3A_1172 : memref<1x1x64xf32, #tpu.memory_space<hbm>> -> memref<64xf32, #tpu.memory_space<hbm>>
    tpu.wait_dma2 semaphore(%arg27 : memref<!tpu.dma_semaphore, #tpu.memory_space<semaphore_mem>>) src(%dma_wait3A_1173 : memref<64xf32, #tpu.memory_space<hbm>>) dst(%dma_wait3A_1170 : memref<64xf32, #tpu.memory_space<vmem>>)
    %broadcast_in_dim3A_1174 = arith.constant 0.000000e+00 : f32
    %broadcast_in_dim3A_1175 = vector.broadcast %broadcast_in_dim3A_1174 : f32 to vector<16xf32>
    %get3A_1176 = arith.constant 7 : i32
    %get3A_1177 = arith.index_cast %get3A_1176 : i32 to index
    %get3A_1178 = arith.constant 0 : index
    %get3A_1179 = tpu.vector_load %arg9[%get3A_1177, %get3A_1178] {strides = array<i32>} : memref<8x64xf32, #tpu.memory_space<vmem>>, vector<16xf32>,
    %get3A_1180 = arith.constant 7 : i32
    %get3A_1181 = arith.index_cast %get3A_1180 : i32 to index
    %get3A_1182 = arith.constant 0 : index
    %get3A_1183 = tpu.vector_load %arg10[%get3A_1181, %get3A_1182] {strides = array<i32>} : memref<8x64xf32, #tpu.memory_space<vmem>>, vector<16xf32>,
    %mul3A_1184 = arith.mulf %get3A_1179, %get3A_1183 : vector<16xf32>
    %add3A_1185 = arith.addf %broadcast_in_dim3A_1175, %mul3A_1184 : vector<16xf32>
    %get3A_1186 = arith.constant 7 : i32
    %get3A_1187 = arith.index_cast %get3A_1186 : i32 to index
    %get3A_1188 = arith.constant 16 : index
    %get3A_1189 = tpu.vector_load %arg9[%get3A_1187, %get3A_1188] {strides = array<i32>} : memref<8x64xf32, #tpu.memory_space<vmem>>, vector<16xf32>,
    %get3A_1190 = arith.constant 7 : i32
    %get3A_1191 = arith.index_cast %get3A_1190 : i32 to index
    %get3A_1192 = arith.constant 16 : index
    %get3A_1193 = tpu.vector_load %arg10[%get3A_1191, %get3A_1192] {strides = array<i32>} : memref<8x64xf32, #tpu.memory_space<vmem>>, vector<16xf32>,
    %mul3A_1194 = arith.mulf %get3A_1189, %get3A_1193 : vector<16xf32>
    %add3A_1195 = arith.addf %add3A_1185, %mul3A_1194 : vector<16xf32>
    %get3A_1196 = arith.constant 7 : i32
    %get3A_1197 = arith.index_cast %get3A_1196 : i32 to index
    %get3A_1198 = arith.constant 32 : index
    %get3A_1199 = tpu.vector_load %arg9[%get3A_1197, %get3A_1198] {strides = array<i32>} : memref<8x64xf32, #tpu.memory_space<vmem>>, vector<16xf32>,
    %get3A_1200 = arith.constant 7 : i32
    %get3A_1201 = arith.index_cast %get3A_1200 : i32 to index
    %get3A_1202 = arith.constant 32 : index
    %get3A_1203 = tpu.vector_load %arg10[%get3A_1201, %get3A_1202] {strides = array<i32>} : memref<8x64xf32, #tpu.memory_space<vmem>>, vector<16xf32>,
    %mul3A_1204 = arith.mulf %get3A_1199, %get3A_1203 : vector<16xf32>
    %add3A_1205 = arith.addf %add3A_1195, %mul3A_1204 : vector<16xf32>
    %get3A_1206 = arith.constant 7 : i32
    %get3A_1207 = arith.index_cast %get3A_1206 : i32 to index
    %get3A_1208 = arith.constant 48 : index
    %get3A_1209 = tpu.vector_load %arg9[%get3A_1207, %get3A_1208] {strides = array<i32>} : memref<8x64xf32, #tpu.memory_space<vmem>>, vector<16xf32>,
    %get3A_1210 = arith.constant 7 : i32
    %get3A_1211 = arith.index_cast %get3A_1210 : i32 to index
    %get3A_1212 = arith.constant 48 : index
    %get3A_1213 = tpu.vector_load %arg10[%get3A_1211, %get3A_1212] {strides = array<i32>} : memref<8x64xf32, #tpu.memory_space<vmem>>, vector<16xf32>,
    %mul3A_1214 = arith.mulf %get3A_1209, %get3A_1213 : vector<16xf32>
    %add3A_1215 = arith.addf %add3A_1205, %mul3A_1214 : vector<16xf32>
    %reduce_sum3A_1216 = arith.constant true
    %reduce_sum3A_1217 = vector.broadcast %reduce_sum3A_1216 : i1 to vector<16xi1>
    %reduce_sum3A_1218 = tpu.scan <sum>, %add3A_1215 masked %reduce_sum3A_1217 : vector<16xf32>, vector<16xi1> -> vector<16xf32>
    %reduce_sum3A_1219 = vector.extract %reduce_sum3A_1218[15] : f32 from vector<16xf32>
    %eq3A_1220 = arith.constant 7 : i32
    %eq3A_1221 = vector.broadcast %eq3A_1220 : i32 to vector<16xi32>
    %eq3A_1222 = arith.cmpi eq, %iota3A, %eq3A_1221 : vector<16xi32>
    %broadcast_in_dim3A_1223 = vector.broadcast %reduce_sum3A_1219 : f32 to vector<16xf32>
    %select_n3A_1224 = arith.select %eq3A_1222, %broadcast_in_dim3A_1223, %select_n3A_1105 : vector<16xi1>, vector<16xf32>
    %slice3A_1225 = vector.extract_strided_slice %get3A_311 {offsets = [15], sizes = [1], strides = [1]} : vector<16xi32> to vector<1xi32>
    %squeeze3A_1226 = vector.extract %slice3A_1225[0] : i32 from vector<1xi32>
    %slice3A_1227 = vector.extract_strided_slice %get3A_313 {offsets = [15], sizes = [1], strides = [1]} : vector<16xi32> to vector<1xi32>
    %squeeze3A_1228 = vector.extract %slice3A_1227[0] : i32 from vector<1xi32>
    %shift_right_arithmetic3A_1229 = arith.constant 3 : i32
    %shift_right_arithmetic3A_1230 = arith.shrsi %squeeze3A_1226, %shift_right_arithmetic3A_1229 : i32
    %and3A_1231 = arith.constant 7 : i32
    %and3A_1232 = arith.andi %squeeze3A_1226, %and3A_1231 : i32
    %dma_start3A_1233 = arith.constant 7 : i32
    %dma_start3A_1234 = arith.constant 0 : i32
    %dma_start3A_1235 = tpu.memref_slice %arg9[%dma_start3A_1233, %dma_start3A_1234] : memref<8x64xf32, #tpu.memory_space<vmem>> -> memref<1x64xf32, #tpu.memory_space<vmem>>
    %dma_start3A_1236 = tpu.memref_squeeze %dma_start3A_1235 : memref<1x64xf32, #tpu.memory_space<vmem>> -> memref<64xf32, #tpu.memory_space<vmem>>
    %dma_start3A_1237 = arith.constant 0 : i32
    %dma_start3A_1238 = tpu.memref_slice %arg4[%shift_right_arithmetic3A_1230, %and3A_1232, %dma_start3A_1237] : memref<125000x8x64xf32, #tpu.memory_space<hbm>> -> memref<1x1x64xf32, #tpu.memory_space<hbm>>
    %dma_start3A_1239 = tpu.memref_squeeze %dma_start3A_1238 : memref<1x1x64xf32, #tpu.memory_space<hbm>> -> memref<64xf32, #tpu.memory_space<hbm>>
    %dma_start3A_1240 = arith.constant 0 : i32
    %dma_start3A_1241 = tpu.memref_slice %arg9[%dma_start3A_1233, %dma_start3A_1240] : memref<8x64xf32, #tpu.memory_space<vmem>> -> memref<1x64xf32, #tpu.memory_space<vmem>>
    %dma_start3A_1242 = tpu.memref_squeeze %dma_start3A_1241 : memref<1x64xf32, #tpu.memory_space<vmem>> -> memref<64xf32, #tpu.memory_space<vmem>>
    %dma_start3A_1243 = arith.constant 0 : i32
    %dma_start3A_1244 = tpu.memref_slice %arg4[%shift_right_arithmetic3A_1230, %and3A_1232, %dma_start3A_1243] : memref<125000x8x64xf32, #tpu.memory_space<hbm>> -> memref<1x1x64xf32, #tpu.memory_space<hbm>>
    %dma_start3A_1245 = tpu.memref_squeeze %dma_start3A_1244 : memref<1x1x64xf32, #tpu.memory_space<hbm>> -> memref<64xf32, #tpu.memory_space<hbm>>
    tpu.enqueue_dma source(%dma_start3A_1245 : memref<64xf32, #tpu.memory_space<hbm>>) target(%dma_start3A_1242 : memref<64xf32, #tpu.memory_space<vmem>>) target_semaphore(%arg19 : memref<!tpu.dma_semaphore, #tpu.memory_space<semaphore_mem>>)
    %shift_right_arithmetic3A_1246 = arith.constant 3 : i32
    %shift_right_arithmetic3A_1247 = arith.shrsi %squeeze3A_1228, %shift_right_arithmetic3A_1246 : i32
    %and3A_1248 = arith.constant 7 : i32
    %and3A_1249 = arith.andi %squeeze3A_1228, %and3A_1248 : i32
    %dma_start3A_1250 = arith.constant 7 : i32
    %dma_start3A_1251 = arith.constant 0 : i32
    %dma_start3A_1252 = tpu.memref_slice %arg10[%dma_start3A_1250, %dma_start3A_1251] : memref<8x64xf32, #tpu.memory_space<vmem>> -> memref<1x64xf32, #tpu.memory_space<vmem>>
    %dma_start3A_1253 = tpu.memref_squeeze %dma_start3A_1252 : memref<1x64xf32, #tpu.memory_space<vmem>> -> memref<64xf32, #tpu.memory_space<vmem>>
    %dma_start3A_1254 = arith.constant 0 : i32
    %dma_start3A_1255 = tpu.memref_slice %arg5[%shift_right_arithmetic3A_1247, %and3A_1249, %dma_start3A_1254] : memref<125000x8x64xf32, #tpu.memory_space<hbm>> -> memref<1x1x64xf32, #tpu.memory_space<hbm>>
    %dma_start3A_1256 = tpu.memref_squeeze %dma_start3A_1255 : memref<1x1x64xf32, #tpu.memory_space<hbm>> -> memref<64xf32, #tpu.memory_space<hbm>>
    %dma_start3A_1257 = arith.constant 0 : i32
    %dma_start3A_1258 = tpu.memref_slice %arg10[%dma_start3A_1250, %dma_start3A_1257] : memref<8x64xf32, #tpu.memory_space<vmem>> -> memref<1x64xf32, #tpu.memory_space<vmem>>
    %dma_start3A_1259 = tpu.memref_squeeze %dma_start3A_1258 : memref<1x64xf32, #tpu.memory_space<vmem>> -> memref<64xf32, #tpu.memory_space<vmem>>
    %dma_start3A_1260 = arith.constant 0 : i32
    %dma_start3A_1261 = tpu.memref_slice %arg5[%shift_right_arithmetic3A_1247, %and3A_1249, %dma_start3A_1260] : memref<125000x8x64xf32, #tpu.memory_space<hbm>> -> memref<1x1x64xf32, #tpu.memory_space<hbm>>
    %dma_start3A_1262 = tpu.memref_squeeze %dma_start3A_1261 : memref<1x1x64xf32, #tpu.memory_space<hbm>> -> memref<64xf32, #tpu.memory_space<hbm>>
    tpu.enqueue_dma source(%dma_start3A_1262 : memref<64xf32, #tpu.memory_space<hbm>>) target(%dma_start3A_1259 : memref<64xf32, #tpu.memory_space<vmem>>) target_semaphore(%arg27 : memref<!tpu.dma_semaphore, #tpu.memory_space<semaphore_mem>>)
    %dma_wait3A_1263 = arith.constant 0 : i32
    %dma_wait3A_1264 = arith.constant 0 : i32
    %dma_wait3A_1265 = arith.constant 0 : i32
    %dma_wait3A_1266 = arith.constant 0 : i32
    %dma_wait3A_1267 = tpu.memref_slice %arg9[%dma_wait3A_1265, %dma_wait3A_1266] : memref<8x64xf32, #tpu.memory_space<vmem>> -> memref<1x64xf32, #tpu.memory_space<vmem>>
    %dma_wait3A_1268 = tpu.memref_squeeze %dma_wait3A_1267 : memref<1x64xf32, #tpu.memory_space<vmem>> -> memref<64xf32, #tpu.memory_space<vmem>>
    %dma_wait3A_1269 = arith.constant 0 : i32
    %dma_wait3A_1270 = tpu.memref_slice %arg4[%dma_wait3A_1263, %dma_wait3A_1264, %dma_wait3A_1269] : memref<125000x8x64xf32, #tpu.memory_space<hbm>> -> memref<1x1x64xf32, #tpu.memory_space<hbm>>
    %dma_wait3A_1271 = tpu.memref_squeeze %dma_wait3A_1270 : memref<1x1x64xf32, #tpu.memory_space<hbm>> -> memref<64xf32, #tpu.memory_space<hbm>>
    %dma_wait3A_1272 = arith.constant 0 : i32
    %dma_wait3A_1273 = tpu.memref_slice %arg9[%dma_wait3A_1265, %dma_wait3A_1272] : memref<8x64xf32, #tpu.memory_space<vmem>> -> memref<1x64xf32, #tpu.memory_space<vmem>>
    %dma_wait3A_1274 = tpu.memref_squeeze %dma_wait3A_1273 : memref<1x64xf32, #tpu.memory_space<vmem>> -> memref<64xf32, #tpu.memory_space<vmem>>
    %dma_wait3A_1275 = arith.constant 0 : i32
    %dma_wait3A_1276 = tpu.memref_slice %arg4[%dma_wait3A_1263, %dma_wait3A_1264, %dma_wait3A_1275] : memref<125000x8x64xf32, #tpu.memory_space<hbm>> -> memref<1x1x64xf32, #tpu.memory_space<hbm>>
    %dma_wait3A_1277 = tpu.memref_squeeze %dma_wait3A_1276 : memref<1x1x64xf32, #tpu.memory_space<hbm>> -> memref<64xf32, #tpu.memory_space<hbm>>
    tpu.wait_dma2 semaphore(%arg12 : memref<!tpu.dma_semaphore, #tpu.memory_space<semaphore_mem>>) src(%dma_wait3A_1277 : memref<64xf32, #tpu.memory_space<hbm>>) dst(%dma_wait3A_1274 : memref<64xf32, #tpu.memory_space<vmem>>)
    %dma_wait3A_1278 = arith.constant 0 : i32
    %dma_wait3A_1279 = arith.constant 0 : i32
    %dma_wait3A_1280 = arith.constant 0 : i32
    %dma_wait3A_1281 = arith.constant 0 : i32
    %dma_wait3A_1282 = tpu.memref_slice %arg10[%dma_wait3A_1280, %dma_wait3A_1281] : memref<8x64xf32, #tpu.memory_space<vmem>> -> memref<1x64xf32, #tpu.memory_space<vmem>>
    %dma_wait3A_1283 = tpu.memref_squeeze %dma_wait3A_1282 : memref<1x64xf32, #tpu.memory_space<vmem>> -> memref<64xf32, #tpu.memory_space<vmem>>
    %dma_wait3A_1284 = arith.constant 0 : i32
    %dma_wait3A_1285 = tpu.memref_slice %arg5[%dma_wait3A_1278, %dma_wait3A_1279, %dma_wait3A_1284] : memref<125000x8x64xf32, #tpu.memory_space<hbm>> -> memref<1x1x64xf32, #tpu.memory_space<hbm>>
    %dma_wait3A_1286 = tpu.memref_squeeze %dma_wait3A_1285 : memref<1x1x64xf32, #tpu.memory_space<hbm>> -> memref<64xf32, #tpu.memory_space<hbm>>
    %dma_wait3A_1287 = arith.constant 0 : i32
    %dma_wait3A_1288 = tpu.memref_slice %arg10[%dma_wait3A_1280, %dma_wait3A_1287] : memref<8x64xf32, #tpu.memory_space<vmem>> -> memref<1x64xf32, #tpu.memory_space<vmem>>
    %dma_wait3A_1289 = tpu.memref_squeeze %dma_wait3A_1288 : memref<1x64xf32, #tpu.memory_space<vmem>> -> memref<64xf32, #tpu.memory_space<vmem>>
    %dma_wait3A_1290 = arith.constant 0 : i32
    %dma_wait3A_1291 = tpu.memref_slice %arg5[%dma_wait3A_1278, %dma_wait3A_1279, %dma_wait3A_1290] : memref<125000x8x64xf32, #tpu.memory_space<hbm>> -> memref<1x1x64xf32, #tpu.memory_space<hbm>>
    %dma_wait3A_1292 = tpu.memref_squeeze %dma_wait3A_1291 : memref<1x1x64xf32, #tpu.memory_space<hbm>> -> memref<64xf32, #tpu.memory_space<hbm>>
    tpu.wait_dma2 semaphore(%arg20 : memref<!tpu.dma_semaphore, #tpu.memory_space<semaphore_mem>>) src(%dma_wait3A_1292 : memref<64xf32, #tpu.memory_space<hbm>>) dst(%dma_wait3A_1289 : memref<64xf32, #tpu.memory_space<vmem>>)
    %broadcast_in_dim3A_1293 = arith.constant 0.000000e+00 : f32
    %broadcast_in_dim3A_1294 = vector.broadcast %broadcast_in_dim3A_1293 : f32 to vector<16xf32>
    %get3A_1295 = arith.constant 0 : i32
    %get3A_1296 = arith.index_cast %get3A_1295 : i32 to index
    %get3A_1297 = arith.constant 0 : index
    %get3A_1298 = tpu.vector_load %arg9[%get3A_1296, %get3A_1297] {strides = array<i32>} : memref<8x64xf32, #tpu.memory_space<vmem>>, vector<16xf32>,
    %get3A_1299 = arith.constant 0 : i32
    %get3A_1300 = arith.index_cast %get3A_1299 : i32 to index
    %get3A_1301 = arith.constant 0 : index
    %get3A_1302 = tpu.vector_load %arg10[%get3A_1300, %get3A_1301] {strides = array<i32>} : memref<8x64xf32, #tpu.memory_space<vmem>>, vector<16xf32>,
    %mul3A_1303 = arith.mulf %get3A_1298, %get3A_1302 : vector<16xf32>
    %add3A_1304 = arith.addf %broadcast_in_dim3A_1294, %mul3A_1303 : vector<16xf32>
    %get3A_1305 = arith.constant 0 : i32
    %get3A_1306 = arith.index_cast %get3A_1305 : i32 to index
    %get3A_1307 = arith.constant 16 : index
    %get3A_1308 = tpu.vector_load %arg9[%get3A_1306, %get3A_1307] {strides = array<i32>} : memref<8x64xf32, #tpu.memory_space<vmem>>, vector<16xf32>,
    %get3A_1309 = arith.constant 0 : i32
    %get3A_1310 = arith.index_cast %get3A_1309 : i32 to index
    %get3A_1311 = arith.constant 16 : index
    %get3A_1312 = tpu.vector_load %arg10[%get3A_1310, %get3A_1311] {strides = array<i32>} : memref<8x64xf32, #tpu.memory_space<vmem>>, vector<16xf32>,
    %mul3A_1313 = arith.mulf %get3A_1308, %get3A_1312 : vector<16xf32>
    %add3A_1314 = arith.addf %add3A_1304, %mul3A_1313 : vector<16xf32>
    %get3A_1315 = arith.constant 0 : i32
    %get3A_1316 = arith.index_cast %get3A_1315 : i32 to index
    %get3A_1317 = arith.constant 32 : index
    %get3A_1318 = tpu.vector_load %arg9[%get3A_1316, %get3A_1317] {strides = array<i32>} : memref<8x64xf32, #tpu.memory_space<vmem>>, vector<16xf32>,
    %get3A_1319 = arith.constant 0 : i32
    %get3A_1320 = arith.index_cast %get3A_1319 : i32 to index
    %get3A_1321 = arith.constant 32 : index
    %get3A_1322 = tpu.vector_load %arg10[%get3A_1320, %get3A_1321] {strides = array<i32>} : memref<8x64xf32, #tpu.memory_space<vmem>>, vector<16xf32>,
    %mul3A_1323 = arith.mulf %get3A_1318, %get3A_1322 : vector<16xf32>
    %add3A_1324 = arith.addf %add3A_1314, %mul3A_1323 : vector<16xf32>
    %get3A_1325 = arith.constant 0 : i32
    %get3A_1326 = arith.index_cast %get3A_1325 : i32 to index
    %get3A_1327 = arith.constant 48 : index
    %get3A_1328 = tpu.vector_load %arg9[%get3A_1326, %get3A_1327] {strides = array<i32>} : memref<8x64xf32, #tpu.memory_space<vmem>>, vector<16xf32>,
    %get3A_1329 = arith.constant 0 : i32
    %get3A_1330 = arith.index_cast %get3A_1329 : i32 to index
    %get3A_1331 = arith.constant 48 : index
    %get3A_1332 = tpu.vector_load %arg10[%get3A_1330, %get3A_1331] {strides = array<i32>} : memref<8x64xf32, #tpu.memory_space<vmem>>, vector<16xf32>,
    %mul3A_1333 = arith.mulf %get3A_1328, %get3A_1332 : vector<16xf32>
    %add3A_1334 = arith.addf %add3A_1324, %mul3A_1333 : vector<16xf32>
    %reduce_sum3A_1335 = arith.constant true
    %reduce_sum3A_1336 = vector.broadcast %reduce_sum3A_1335 : i1 to vector<16xi1>
    %reduce_sum3A_1337 = tpu.scan <sum>, %add3A_1334 masked %reduce_sum3A_1336 : vector<16xf32>, vector<16xi1> -> vector<16xf32>
    %reduce_sum3A_1338 = vector.extract %reduce_sum3A_1337[15] : f32 from vector<16xf32>
    %eq3A_1339 = arith.constant 8 : i32
    %eq3A_1340 = vector.broadcast %eq3A_1339 : i32 to vector<16xi32>
    %eq3A_1341 = arith.cmpi eq, %iota3A, %eq3A_1340 : vector<16xi32>
    %broadcast_in_dim3A_1342 = vector.broadcast %reduce_sum3A_1338 : f32 to vector<16xf32>
    %select_n3A_1343 = arith.select %eq3A_1341, %broadcast_in_dim3A_1342, %select_n3A_1224 : vector<16xi1>, vector<16xf32>
    %dma_wait3A_1344 = arith.constant 0 : i32
    %dma_wait3A_1345 = arith.constant 0 : i32
    %dma_wait3A_1346 = arith.constant 1 : i32
    %dma_wait3A_1347 = arith.constant 0 : i32
    %dma_wait3A_1348 = tpu.memref_slice %arg9[%dma_wait3A_1346, %dma_wait3A_1347] : memref<8x64xf32, #tpu.memory_space<vmem>> -> memref<1x64xf32, #tpu.memory_space<vmem>>
    %dma_wait3A_1349 = tpu.memref_squeeze %dma_wait3A_1348 : memref<1x64xf32, #tpu.memory_space<vmem>> -> memref<64xf32, #tpu.memory_space<vmem>>
    %dma_wait3A_1350 = arith.constant 0 : i32
    %dma_wait3A_1351 = tpu.memref_slice %arg4[%dma_wait3A_1344, %dma_wait3A_1345, %dma_wait3A_1350] : memref<125000x8x64xf32, #tpu.memory_space<hbm>> -> memref<1x1x64xf32, #tpu.memory_space<hbm>>
    %dma_wait3A_1352 = tpu.memref_squeeze %dma_wait3A_1351 : memref<1x1x64xf32, #tpu.memory_space<hbm>> -> memref<64xf32, #tpu.memory_space<hbm>>
    %dma_wait3A_1353 = arith.constant 0 : i32
    %dma_wait3A_1354 = tpu.memref_slice %arg9[%dma_wait3A_1346, %dma_wait3A_1353] : memref<8x64xf32, #tpu.memory_space<vmem>> -> memref<1x64xf32, #tpu.memory_space<vmem>>
    %dma_wait3A_1355 = tpu.memref_squeeze %dma_wait3A_1354 : memref<1x64xf32, #tpu.memory_space<vmem>> -> memref<64xf32, #tpu.memory_space<vmem>>
    %dma_wait3A_1356 = arith.constant 0 : i32
    %dma_wait3A_1357 = tpu.memref_slice %arg4[%dma_wait3A_1344, %dma_wait3A_1345, %dma_wait3A_1356] : memref<125000x8x64xf32, #tpu.memory_space<hbm>> -> memref<1x1x64xf32, #tpu.memory_space<hbm>>
    %dma_wait3A_1358 = tpu.memref_squeeze %dma_wait3A_1357 : memref<1x1x64xf32, #tpu.memory_space<hbm>> -> memref<64xf32, #tpu.memory_space<hbm>>
    tpu.wait_dma2 semaphore(%arg13 : memref<!tpu.dma_semaphore, #tpu.memory_space<semaphore_mem>>) src(%dma_wait3A_1358 : memref<64xf32, #tpu.memory_space<hbm>>) dst(%dma_wait3A_1355 : memref<64xf32, #tpu.memory_space<vmem>>)
    %dma_wait3A_1359 = arith.constant 0 : i32
    %dma_wait3A_1360 = arith.constant 0 : i32
    %dma_wait3A_1361 = arith.constant 1 : i32
    %dma_wait3A_1362 = arith.constant 0 : i32
    %dma_wait3A_1363 = tpu.memref_slice %arg10[%dma_wait3A_1361, %dma_wait3A_1362] : memref<8x64xf32, #tpu.memory_space<vmem>> -> memref<1x64xf32, #tpu.memory_space<vmem>>
    %dma_wait3A_1364 = tpu.memref_squeeze %dma_wait3A_1363 : memref<1x64xf32, #tpu.memory_space<vmem>> -> memref<64xf32, #tpu.memory_space<vmem>>
    %dma_wait3A_1365 = arith.constant 0 : i32
    %dma_wait3A_1366 = tpu.memref_slice %arg5[%dma_wait3A_1359, %dma_wait3A_1360, %dma_wait3A_1365] : memref<125000x8x64xf32, #tpu.memory_space<hbm>> -> memref<1x1x64xf32, #tpu.memory_space<hbm>>
    %dma_wait3A_1367 = tpu.memref_squeeze %dma_wait3A_1366 : memref<1x1x64xf32, #tpu.memory_space<hbm>> -> memref<64xf32, #tpu.memory_space<hbm>>
    %dma_wait3A_1368 = arith.constant 0 : i32
    %dma_wait3A_1369 = tpu.memref_slice %arg10[%dma_wait3A_1361, %dma_wait3A_1368] : memref<8x64xf32, #tpu.memory_space<vmem>> -> memref<1x64xf32, #tpu.memory_space<vmem>>
    %dma_wait3A_1370 = tpu.memref_squeeze %dma_wait3A_1369 : memref<1x64xf32, #tpu.memory_space<vmem>> -> memref<64xf32, #tpu.memory_space<vmem>>
    %dma_wait3A_1371 = arith.constant 0 : i32
    %dma_wait3A_1372 = tpu.memref_slice %arg5[%dma_wait3A_1359, %dma_wait3A_1360, %dma_wait3A_1371] : memref<125000x8x64xf32, #tpu.memory_space<hbm>> -> memref<1x1x64xf32, #tpu.memory_space<hbm>>
    %dma_wait3A_1373 = tpu.memref_squeeze %dma_wait3A_1372 : memref<1x1x64xf32, #tpu.memory_space<hbm>> -> memref<64xf32, #tpu.memory_space<hbm>>
    tpu.wait_dma2 semaphore(%arg21 : memref<!tpu.dma_semaphore, #tpu.memory_space<semaphore_mem>>) src(%dma_wait3A_1373 : memref<64xf32, #tpu.memory_space<hbm>>) dst(%dma_wait3A_1370 : memref<64xf32, #tpu.memory_space<vmem>>)
    %broadcast_in_dim3A_1374 = arith.constant 0.000000e+00 : f32
    %broadcast_in_dim3A_1375 = vector.broadcast %broadcast_in_dim3A_1374 : f32 to vector<16xf32>
    %get3A_1376 = arith.constant 1 : i32
    %get3A_1377 = arith.index_cast %get3A_1376 : i32 to index
    %get3A_1378 = arith.constant 0 : index
    %get3A_1379 = tpu.vector_load %arg9[%get3A_1377, %get3A_1378] {strides = array<i32>} : memref<8x64xf32, #tpu.memory_space<vmem>>, vector<16xf32>,
    %get3A_1380 = arith.constant 1 : i32
    %get3A_1381 = arith.index_cast %get3A_1380 : i32 to index
    %get3A_1382 = arith.constant 0 : index
    %get3A_1383 = tpu.vector_load %arg10[%get3A_1381, %get3A_1382] {strides = array<i32>} : memref<8x64xf32, #tpu.memory_space<vmem>>, vector<16xf32>,
    %mul3A_1384 = arith.mulf %get3A_1379, %get3A_1383 : vector<16xf32>
    %add3A_1385 = arith.addf %broadcast_in_dim3A_1375, %mul3A_1384 : vector<16xf32>
    %get3A_1386 = arith.constant 1 : i32
    %get3A_1387 = arith.index_cast %get3A_1386 : i32 to index
    %get3A_1388 = arith.constant 16 : index
    %get3A_1389 = tpu.vector_load %arg9[%get3A_1387, %get3A_1388] {strides = array<i32>} : memref<8x64xf32, #tpu.memory_space<vmem>>, vector<16xf32>,
    %get3A_1390 = arith.constant 1 : i32
    %get3A_1391 = arith.index_cast %get3A_1390 : i32 to index
    %get3A_1392 = arith.constant 16 : index
    %get3A_1393 = tpu.vector_load %arg10[%get3A_1391, %get3A_1392] {strides = array<i32>} : memref<8x64xf32, #tpu.memory_space<vmem>>, vector<16xf32>,
    %mul3A_1394 = arith.mulf %get3A_1389, %get3A_1393 : vector<16xf32>
    %add3A_1395 = arith.addf %add3A_1385, %mul3A_1394 : vector<16xf32>
    %get3A_1396 = arith.constant 1 : i32
    %get3A_1397 = arith.index_cast %get3A_1396 : i32 to index
    %get3A_1398 = arith.constant 32 : index
    %get3A_1399 = tpu.vector_load %arg9[%get3A_1397, %get3A_1398] {strides = array<i32>} : memref<8x64xf32, #tpu.memory_space<vmem>>, vector<16xf32>,
    %get3A_1400 = arith.constant 1 : i32
    %get3A_1401 = arith.index_cast %get3A_1400 : i32 to index
    %get3A_1402 = arith.constant 32 : index
    %get3A_1403 = tpu.vector_load %arg10[%get3A_1401, %get3A_1402] {strides = array<i32>} : memref<8x64xf32, #tpu.memory_space<vmem>>, vector<16xf32>,
    %mul3A_1404 = arith.mulf %get3A_1399, %get3A_1403 : vector<16xf32>
    %add3A_1405 = arith.addf %add3A_1395, %mul3A_1404 : vector<16xf32>
    %get3A_1406 = arith.constant 1 : i32
    %get3A_1407 = arith.index_cast %get3A_1406 : i32 to index
    %get3A_1408 = arith.constant 48 : index
    %get3A_1409 = tpu.vector_load %arg9[%get3A_1407, %get3A_1408] {strides = array<i32>} : memref<8x64xf32, #tpu.memory_space<vmem>>, vector<16xf32>,
    %get3A_1410 = arith.constant 1 : i32
    %get3A_1411 = arith.index_cast %get3A_1410 : i32 to index
    %get3A_1412 = arith.constant 48 : index
    %get3A_1413 = tpu.vector_load %arg10[%get3A_1411, %get3A_1412] {strides = array<i32>} : memref<8x64xf32, #tpu.memory_space<vmem>>, vector<16xf32>,
    %mul3A_1414 = arith.mulf %get3A_1409, %get3A_1413 : vector<16xf32>
    %add3A_1415 = arith.addf %add3A_1405, %mul3A_1414 : vector<16xf32>
    %reduce_sum3A_1416 = arith.constant true
    %reduce_sum3A_1417 = vector.broadcast %reduce_sum3A_1416 : i1 to vector<16xi1>
    %reduce_sum3A_1418 = tpu.scan <sum>, %add3A_1415 masked %reduce_sum3A_1417 : vector<16xf32>, vector<16xi1> -> vector<16xf32>
    %reduce_sum3A_1419 = vector.extract %reduce_sum3A_1418[15] : f32 from vector<16xf32>
    %eq3A_1420 = arith.constant 9 : i32
    %eq3A_1421 = vector.broadcast %eq3A_1420 : i32 to vector<16xi32>
    %eq3A_1422 = arith.cmpi eq, %iota3A, %eq3A_1421 : vector<16xi32>
    %broadcast_in_dim3A_1423 = vector.broadcast %reduce_sum3A_1419 : f32 to vector<16xf32>
    %select_n3A_1424 = arith.select %eq3A_1422, %broadcast_in_dim3A_1423, %select_n3A_1343 : vector<16xi1>, vector<16xf32>
    %dma_wait3A_1425 = arith.constant 0 : i32
    %dma_wait3A_1426 = arith.constant 0 : i32
    %dma_wait3A_1427 = arith.constant 2 : i32
    %dma_wait3A_1428 = arith.constant 0 : i32
    %dma_wait3A_1429 = tpu.memref_slice %arg9[%dma_wait3A_1427, %dma_wait3A_1428] : memref<8x64xf32, #tpu.memory_space<vmem>> -> memref<1x64xf32, #tpu.memory_space<vmem>>
    %dma_wait3A_1430 = tpu.memref_squeeze %dma_wait3A_1429 : memref<1x64xf32, #tpu.memory_space<vmem>> -> memref<64xf32, #tpu.memory_space<vmem>>
    %dma_wait3A_1431 = arith.constant 0 : i32
    %dma_wait3A_1432 = tpu.memref_slice %arg4[%dma_wait3A_1425, %dma_wait3A_1426, %dma_wait3A_1431] : memref<125000x8x64xf32, #tpu.memory_space<hbm>> -> memref<1x1x64xf32, #tpu.memory_space<hbm>>
    %dma_wait3A_1433 = tpu.memref_squeeze %dma_wait3A_1432 : memref<1x1x64xf32, #tpu.memory_space<hbm>> -> memref<64xf32, #tpu.memory_space<hbm>>
    %dma_wait3A_1434 = arith.constant 0 : i32
    %dma_wait3A_1435 = tpu.memref_slice %arg9[%dma_wait3A_1427, %dma_wait3A_1434] : memref<8x64xf32, #tpu.memory_space<vmem>> -> memref<1x64xf32, #tpu.memory_space<vmem>>
    %dma_wait3A_1436 = tpu.memref_squeeze %dma_wait3A_1435 : memref<1x64xf32, #tpu.memory_space<vmem>> -> memref<64xf32, #tpu.memory_space<vmem>>
    %dma_wait3A_1437 = arith.constant 0 : i32
    %dma_wait3A_1438 = tpu.memref_slice %arg4[%dma_wait3A_1425, %dma_wait3A_1426, %dma_wait3A_1437] : memref<125000x8x64xf32, #tpu.memory_space<hbm>> -> memref<1x1x64xf32, #tpu.memory_space<hbm>>
    %dma_wait3A_1439 = tpu.memref_squeeze %dma_wait3A_1438 : memref<1x1x64xf32, #tpu.memory_space<hbm>> -> memref<64xf32, #tpu.memory_space<hbm>>
    tpu.wait_dma2 semaphore(%arg14 : memref<!tpu.dma_semaphore, #tpu.memory_space<semaphore_mem>>) src(%dma_wait3A_1439 : memref<64xf32, #tpu.memory_space<hbm>>) dst(%dma_wait3A_1436 : memref<64xf32, #tpu.memory_space<vmem>>)
    %dma_wait3A_1440 = arith.constant 0 : i32
    %dma_wait3A_1441 = arith.constant 0 : i32
    %dma_wait3A_1442 = arith.constant 2 : i32
    %dma_wait3A_1443 = arith.constant 0 : i32
    %dma_wait3A_1444 = tpu.memref_slice %arg10[%dma_wait3A_1442, %dma_wait3A_1443] : memref<8x64xf32, #tpu.memory_space<vmem>> -> memref<1x64xf32, #tpu.memory_space<vmem>>
    %dma_wait3A_1445 = tpu.memref_squeeze %dma_wait3A_1444 : memref<1x64xf32, #tpu.memory_space<vmem>> -> memref<64xf32, #tpu.memory_space<vmem>>
    %dma_wait3A_1446 = arith.constant 0 : i32
    %dma_wait3A_1447 = tpu.memref_slice %arg5[%dma_wait3A_1440, %dma_wait3A_1441, %dma_wait3A_1446] : memref<125000x8x64xf32, #tpu.memory_space<hbm>> -> memref<1x1x64xf32, #tpu.memory_space<hbm>>
    %dma_wait3A_1448 = tpu.memref_squeeze %dma_wait3A_1447 : memref<1x1x64xf32, #tpu.memory_space<hbm>> -> memref<64xf32, #tpu.memory_space<hbm>>
    %dma_wait3A_1449 = arith.constant 0 : i32
    %dma_wait3A_1450 = tpu.memref_slice %arg10[%dma_wait3A_1442, %dma_wait3A_1449] : memref<8x64xf32, #tpu.memory_space<vmem>> -> memref<1x64xf32, #tpu.memory_space<vmem>>
    %dma_wait3A_1451 = tpu.memref_squeeze %dma_wait3A_1450 : memref<1x64xf32, #tpu.memory_space<vmem>> -> memref<64xf32, #tpu.memory_space<vmem>>
    %dma_wait3A_1452 = arith.constant 0 : i32
    %dma_wait3A_1453 = tpu.memref_slice %arg5[%dma_wait3A_1440, %dma_wait3A_1441, %dma_wait3A_1452] : memref<125000x8x64xf32, #tpu.memory_space<hbm>> -> memref<1x1x64xf32, #tpu.memory_space<hbm>>
    %dma_wait3A_1454 = tpu.memref_squeeze %dma_wait3A_1453 : memref<1x1x64xf32, #tpu.memory_space<hbm>> -> memref<64xf32, #tpu.memory_space<hbm>>
    tpu.wait_dma2 semaphore(%arg22 : memref<!tpu.dma_semaphore, #tpu.memory_space<semaphore_mem>>) src(%dma_wait3A_1454 : memref<64xf32, #tpu.memory_space<hbm>>) dst(%dma_wait3A_1451 : memref<64xf32, #tpu.memory_space<vmem>>)
    %broadcast_in_dim3A_1455 = arith.constant 0.000000e+00 : f32
    %broadcast_in_dim3A_1456 = vector.broadcast %broadcast_in_dim3A_1455 : f32 to vector<16xf32>
    %get3A_1457 = arith.constant 2 : i32
    %get3A_1458 = arith.index_cast %get3A_1457 : i32 to index
    %get3A_1459 = arith.constant 0 : index
    %get3A_1460 = tpu.vector_load %arg9[%get3A_1458, %get3A_1459] {strides = array<i32>} : memref<8x64xf32, #tpu.memory_space<vmem>>, vector<16xf32>,
    %get3A_1461 = arith.constant 2 : i32
    %get3A_1462 = arith.index_cast %get3A_1461 : i32 to index
    %get3A_1463 = arith.constant 0 : index
    %get3A_1464 = tpu.vector_load %arg10[%get3A_1462, %get3A_1463] {strides = array<i32>} : memref<8x64xf32, #tpu.memory_space<vmem>>, vector<16xf32>,
    %mul3A_1465 = arith.mulf %get3A_1460, %get3A_1464 : vector<16xf32>
    %add3A_1466 = arith.addf %broadcast_in_dim3A_1456, %mul3A_1465 : vector<16xf32>
    %get3A_1467 = arith.constant 2 : i32
    %get3A_1468 = arith.index_cast %get3A_1467 : i32 to index
    %get3A_1469 = arith.constant 16 : index
    %get3A_1470 = tpu.vector_load %arg9[%get3A_1468, %get3A_1469] {strides = array<i32>} : memref<8x64xf32, #tpu.memory_space<vmem>>, vector<16xf32>,
    %get3A_1471 = arith.constant 2 : i32
    %get3A_1472 = arith.index_cast %get3A_1471 : i32 to index
    %get3A_1473 = arith.constant 16 : index
    %get3A_1474 = tpu.vector_load %arg10[%get3A_1472, %get3A_1473] {strides = array<i32>} : memref<8x64xf32, #tpu.memory_space<vmem>>, vector<16xf32>,
    %mul3A_1475 = arith.mulf %get3A_1470, %get3A_1474 : vector<16xf32>
    %add3A_1476 = arith.addf %add3A_1466, %mul3A_1475 : vector<16xf32>
    %get3A_1477 = arith.constant 2 : i32
    %get3A_1478 = arith.index_cast %get3A_1477 : i32 to index
    %get3A_1479 = arith.constant 32 : index
    %get3A_1480 = tpu.vector_load %arg9[%get3A_1478, %get3A_1479] {strides = array<i32>} : memref<8x64xf32, #tpu.memory_space<vmem>>, vector<16xf32>,
    %get3A_1481 = arith.constant 2 : i32
    %get3A_1482 = arith.index_cast %get3A_1481 : i32 to index
    %get3A_1483 = arith.constant 32 : index
    %get3A_1484 = tpu.vector_load %arg10[%get3A_1482, %get3A_1483] {strides = array<i32>} : memref<8x64xf32, #tpu.memory_space<vmem>>, vector<16xf32>,
    %mul3A_1485 = arith.mulf %get3A_1480, %get3A_1484 : vector<16xf32>
    %add3A_1486 = arith.addf %add3A_1476, %mul3A_1485 : vector<16xf32>
    %get3A_1487 = arith.constant 2 : i32
    %get3A_1488 = arith.index_cast %get3A_1487 : i32 to index
    %get3A_1489 = arith.constant 48 : index
    %get3A_1490 = tpu.vector_load %arg9[%get3A_1488, %get3A_1489] {strides = array<i32>} : memref<8x64xf32, #tpu.memory_space<vmem>>, vector<16xf32>,
    %get3A_1491 = arith.constant 2 : i32
    %get3A_1492 = arith.index_cast %get3A_1491 : i32 to index
    %get3A_1493 = arith.constant 48 : index
    %get3A_1494 = tpu.vector_load %arg10[%get3A_1492, %get3A_1493] {strides = array<i32>} : memref<8x64xf32, #tpu.memory_space<vmem>>, vector<16xf32>,
    %mul3A_1495 = arith.mulf %get3A_1490, %get3A_1494 : vector<16xf32>
    %add3A_1496 = arith.addf %add3A_1486, %mul3A_1495 : vector<16xf32>
    %reduce_sum3A_1497 = arith.constant true
    %reduce_sum3A_1498 = vector.broadcast %reduce_sum3A_1497 : i1 to vector<16xi1>
    %reduce_sum3A_1499 = tpu.scan <sum>, %add3A_1496 masked %reduce_sum3A_1498 : vector<16xf32>, vector<16xi1> -> vector<16xf32>
    %reduce_sum3A_1500 = vector.extract %reduce_sum3A_1499[15] : f32 from vector<16xf32>
    %eq3A_1501 = arith.constant 10 : i32
    %eq3A_1502 = vector.broadcast %eq3A_1501 : i32 to vector<16xi32>
    %eq3A_1503 = arith.cmpi eq, %iota3A, %eq3A_1502 : vector<16xi32>
    %broadcast_in_dim3A_1504 = vector.broadcast %reduce_sum3A_1500 : f32 to vector<16xf32>
    %select_n3A_1505 = arith.select %eq3A_1503, %broadcast_in_dim3A_1504, %select_n3A_1424 : vector<16xi1>, vector<16xf32>
    %dma_wait3A_1506 = arith.constant 0 : i32
    %dma_wait3A_1507 = arith.constant 0 : i32
    %dma_wait3A_1508 = arith.constant 3 : i32
    %dma_wait3A_1509 = arith.constant 0 : i32
    %dma_wait3A_1510 = tpu.memref_slice %arg9[%dma_wait3A_1508, %dma_wait3A_1509] : memref<8x64xf32, #tpu.memory_space<vmem>> -> memref<1x64xf32, #tpu.memory_space<vmem>>
    %dma_wait3A_1511 = tpu.memref_squeeze %dma_wait3A_1510 : memref<1x64xf32, #tpu.memory_space<vmem>> -> memref<64xf32, #tpu.memory_space<vmem>>
    %dma_wait3A_1512 = arith.constant 0 : i32
    %dma_wait3A_1513 = tpu.memref_slice %arg4[%dma_wait3A_1506, %dma_wait3A_1507, %dma_wait3A_1512] : memref<125000x8x64xf32, #tpu.memory_space<hbm>> -> memref<1x1x64xf32, #tpu.memory_space<hbm>>
    %dma_wait3A_1514 = tpu.memref_squeeze %dma_wait3A_1513 : memref<1x1x64xf32, #tpu.memory_space<hbm>> -> memref<64xf32, #tpu.memory_space<hbm>>
    %dma_wait3A_1515 = arith.constant 0 : i32
    %dma_wait3A_1516 = tpu.memref_slice %arg9[%dma_wait3A_1508, %dma_wait3A_1515] : memref<8x64xf32, #tpu.memory_space<vmem>> -> memref<1x64xf32, #tpu.memory_space<vmem>>
    %dma_wait3A_1517 = tpu.memref_squeeze %dma_wait3A_1516 : memref<1x64xf32, #tpu.memory_space<vmem>> -> memref<64xf32, #tpu.memory_space<vmem>>
    %dma_wait3A_1518 = arith.constant 0 : i32
    %dma_wait3A_1519 = tpu.memref_slice %arg4[%dma_wait3A_1506, %dma_wait3A_1507, %dma_wait3A_1518] : memref<125000x8x64xf32, #tpu.memory_space<hbm>> -> memref<1x1x64xf32, #tpu.memory_space<hbm>>
    %dma_wait3A_1520 = tpu.memref_squeeze %dma_wait3A_1519 : memref<1x1x64xf32, #tpu.memory_space<hbm>> -> memref<64xf32, #tpu.memory_space<hbm>>
    tpu.wait_dma2 semaphore(%arg15 : memref<!tpu.dma_semaphore, #tpu.memory_space<semaphore_mem>>) src(%dma_wait3A_1520 : memref<64xf32, #tpu.memory_space<hbm>>) dst(%dma_wait3A_1517 : memref<64xf32, #tpu.memory_space<vmem>>)
    %dma_wait3A_1521 = arith.constant 0 : i32
    %dma_wait3A_1522 = arith.constant 0 : i32
    %dma_wait3A_1523 = arith.constant 3 : i32
    %dma_wait3A_1524 = arith.constant 0 : i32
    %dma_wait3A_1525 = tpu.memref_slice %arg10[%dma_wait3A_1523, %dma_wait3A_1524] : memref<8x64xf32, #tpu.memory_space<vmem>> -> memref<1x64xf32, #tpu.memory_space<vmem>>
    %dma_wait3A_1526 = tpu.memref_squeeze %dma_wait3A_1525 : memref<1x64xf32, #tpu.memory_space<vmem>> -> memref<64xf32, #tpu.memory_space<vmem>>
    %dma_wait3A_1527 = arith.constant 0 : i32
    %dma_wait3A_1528 = tpu.memref_slice %arg5[%dma_wait3A_1521, %dma_wait3A_1522, %dma_wait3A_1527] : memref<125000x8x64xf32, #tpu.memory_space<hbm>> -> memref<1x1x64xf32, #tpu.memory_space<hbm>>
    %dma_wait3A_1529 = tpu.memref_squeeze %dma_wait3A_1528 : memref<1x1x64xf32, #tpu.memory_space<hbm>> -> memref<64xf32, #tpu.memory_space<hbm>>
    %dma_wait3A_1530 = arith.constant 0 : i32
    %dma_wait3A_1531 = tpu.memref_slice %arg10[%dma_wait3A_1523, %dma_wait3A_1530] : memref<8x64xf32, #tpu.memory_space<vmem>> -> memref<1x64xf32, #tpu.memory_space<vmem>>
    %dma_wait3A_1532 = tpu.memref_squeeze %dma_wait3A_1531 : memref<1x64xf32, #tpu.memory_space<vmem>> -> memref<64xf32, #tpu.memory_space<vmem>>
    %dma_wait3A_1533 = arith.constant 0 : i32
    %dma_wait3A_1534 = tpu.memref_slice %arg5[%dma_wait3A_1521, %dma_wait3A_1522, %dma_wait3A_1533] : memref<125000x8x64xf32, #tpu.memory_space<hbm>> -> memref<1x1x64xf32, #tpu.memory_space<hbm>>
    %dma_wait3A_1535 = tpu.memref_squeeze %dma_wait3A_1534 : memref<1x1x64xf32, #tpu.memory_space<hbm>> -> memref<64xf32, #tpu.memory_space<hbm>>
    tpu.wait_dma2 semaphore(%arg23 : memref<!tpu.dma_semaphore, #tpu.memory_space<semaphore_mem>>) src(%dma_wait3A_1535 : memref<64xf32, #tpu.memory_space<hbm>>) dst(%dma_wait3A_1532 : memref<64xf32, #tpu.memory_space<vmem>>)
    %broadcast_in_dim3A_1536 = arith.constant 0.000000e+00 : f32
    %broadcast_in_dim3A_1537 = vector.broadcast %broadcast_in_dim3A_1536 : f32 to vector<16xf32>
    %get3A_1538 = arith.constant 3 : i32
    %get3A_1539 = arith.index_cast %get3A_1538 : i32 to index
    %get3A_1540 = arith.constant 0 : index
    %get3A_1541 = tpu.vector_load %arg9[%get3A_1539, %get3A_1540] {strides = array<i32>} : memref<8x64xf32, #tpu.memory_space<vmem>>, vector<16xf32>,
    %get3A_1542 = arith.constant 3 : i32
    %get3A_1543 = arith.index_cast %get3A_1542 : i32 to index
    %get3A_1544 = arith.constant 0 : index
    %get3A_1545 = tpu.vector_load %arg10[%get3A_1543, %get3A_1544] {strides = array<i32>} : memref<8x64xf32, #tpu.memory_space<vmem>>, vector<16xf32>,
    %mul3A_1546 = arith.mulf %get3A_1541, %get3A_1545 : vector<16xf32>
    %add3A_1547 = arith.addf %broadcast_in_dim3A_1537, %mul3A_1546 : vector<16xf32>
    %get3A_1548 = arith.constant 3 : i32
    %get3A_1549 = arith.index_cast %get3A_1548 : i32 to index
    %get3A_1550 = arith.constant 16 : index
    %get3A_1551 = tpu.vector_load %arg9[%get3A_1549, %get3A_1550] {strides = array<i32>} : memref<8x64xf32, #tpu.memory_space<vmem>>, vector<16xf32>,
    %get3A_1552 = arith.constant 3 : i32
    %get3A_1553 = arith.index_cast %get3A_1552 : i32 to index
    %get3A_1554 = arith.constant 16 : index
    %get3A_1555 = tpu.vector_load %arg10[%get3A_1553, %get3A_1554] {strides = array<i32>} : memref<8x64xf32, #tpu.memory_space<vmem>>, vector<16xf32>,
    %mul3A_1556 = arith.mulf %get3A_1551, %get3A_1555 : vector<16xf32>
    %add3A_1557 = arith.addf %add3A_1547, %mul3A_1556 : vector<16xf32>
    %get3A_1558 = arith.constant 3 : i32
    %get3A_1559 = arith.index_cast %get3A_1558 : i32 to index
    %get3A_1560 = arith.constant 32 : index
    %get3A_1561 = tpu.vector_load %arg9[%get3A_1559, %get3A_1560] {strides = array<i32>} : memref<8x64xf32, #tpu.memory_space<vmem>>, vector<16xf32>,
    %get3A_1562 = arith.constant 3 : i32
    %get3A_1563 = arith.index_cast %get3A_1562 : i32 to index
    %get3A_1564 = arith.constant 32 : index
    %get3A_1565 = tpu.vector_load %arg10[%get3A_1563, %get3A_1564] {strides = array<i32>} : memref<8x64xf32, #tpu.memory_space<vmem>>, vector<16xf32>,
    %mul3A_1566 = arith.mulf %get3A_1561, %get3A_1565 : vector<16xf32>
    %add3A_1567 = arith.addf %add3A_1557, %mul3A_1566 : vector<16xf32>
    %get3A_1568 = arith.constant 3 : i32
    %get3A_1569 = arith.index_cast %get3A_1568 : i32 to index
    %get3A_1570 = arith.constant 48 : index
    %get3A_1571 = tpu.vector_load %arg9[%get3A_1569, %get3A_1570] {strides = array<i32>} : memref<8x64xf32, #tpu.memory_space<vmem>>, vector<16xf32>,
    %get3A_1572 = arith.constant 3 : i32
    %get3A_1573 = arith.index_cast %get3A_1572 : i32 to index
    %get3A_1574 = arith.constant 48 : index
    %get3A_1575 = tpu.vector_load %arg10[%get3A_1573, %get3A_1574] {strides = array<i32>} : memref<8x64xf32, #tpu.memory_space<vmem>>, vector<16xf32>,
    %mul3A_1576 = arith.mulf %get3A_1571, %get3A_1575 : vector<16xf32>
    %add3A_1577 = arith.addf %add3A_1567, %mul3A_1576 : vector<16xf32>
    %reduce_sum3A_1578 = arith.constant true
    %reduce_sum3A_1579 = vector.broadcast %reduce_sum3A_1578 : i1 to vector<16xi1>
    %reduce_sum3A_1580 = tpu.scan <sum>, %add3A_1577 masked %reduce_sum3A_1579 : vector<16xf32>, vector<16xi1> -> vector<16xf32>
    %reduce_sum3A_1581 = vector.extract %reduce_sum3A_1580[15] : f32 from vector<16xf32>
    %eq3A_1582 = arith.constant 11 : i32
    %eq3A_1583 = vector.broadcast %eq3A_1582 : i32 to vector<16xi32>
    %eq3A_1584 = arith.cmpi eq, %iota3A, %eq3A_1583 : vector<16xi32>
    %broadcast_in_dim3A_1585 = vector.broadcast %reduce_sum3A_1581 : f32 to vector<16xf32>
    %select_n3A_1586 = arith.select %eq3A_1584, %broadcast_in_dim3A_1585, %select_n3A_1505 : vector<16xi1>, vector<16xf32>
    %dma_wait3A_1587 = arith.constant 0 : i32
    %dma_wait3A_1588 = arith.constant 0 : i32
    %dma_wait3A_1589 = arith.constant 4 : i32
    %dma_wait3A_1590 = arith.constant 0 : i32
    %dma_wait3A_1591 = tpu.memref_slice %arg9[%dma_wait3A_1589, %dma_wait3A_1590] : memref<8x64xf32, #tpu.memory_space<vmem>> -> memref<1x64xf32, #tpu.memory_space<vmem>>
    %dma_wait3A_1592 = tpu.memref_squeeze %dma_wait3A_1591 : memref<1x64xf32, #tpu.memory_space<vmem>> -> memref<64xf32, #tpu.memory_space<vmem>>
    %dma_wait3A_1593 = arith.constant 0 : i32
    %dma_wait3A_1594 = tpu.memref_slice %arg4[%dma_wait3A_1587, %dma_wait3A_1588, %dma_wait3A_1593] : memref<125000x8x64xf32, #tpu.memory_space<hbm>> -> memref<1x1x64xf32, #tpu.memory_space<hbm>>
    %dma_wait3A_1595 = tpu.memref_squeeze %dma_wait3A_1594 : memref<1x1x64xf32, #tpu.memory_space<hbm>> -> memref<64xf32, #tpu.memory_space<hbm>>
    %dma_wait3A_1596 = arith.constant 0 : i32
    %dma_wait3A_1597 = tpu.memref_slice %arg9[%dma_wait3A_1589, %dma_wait3A_1596] : memref<8x64xf32, #tpu.memory_space<vmem>> -> memref<1x64xf32, #tpu.memory_space<vmem>>
    %dma_wait3A_1598 = tpu.memref_squeeze %dma_wait3A_1597 : memref<1x64xf32, #tpu.memory_space<vmem>> -> memref<64xf32, #tpu.memory_space<vmem>>
    %dma_wait3A_1599 = arith.constant 0 : i32
    %dma_wait3A_1600 = tpu.memref_slice %arg4[%dma_wait3A_1587, %dma_wait3A_1588, %dma_wait3A_1599] : memref<125000x8x64xf32, #tpu.memory_space<hbm>> -> memref<1x1x64xf32, #tpu.memory_space<hbm>>
    %dma_wait3A_1601 = tpu.memref_squeeze %dma_wait3A_1600 : memref<1x1x64xf32, #tpu.memory_space<hbm>> -> memref<64xf32, #tpu.memory_space<hbm>>
    tpu.wait_dma2 semaphore(%arg16 : memref<!tpu.dma_semaphore, #tpu.memory_space<semaphore_mem>>) src(%dma_wait3A_1601 : memref<64xf32, #tpu.memory_space<hbm>>) dst(%dma_wait3A_1598 : memref<64xf32, #tpu.memory_space<vmem>>)
    %dma_wait3A_1602 = arith.constant 0 : i32
    %dma_wait3A_1603 = arith.constant 0 : i32
    %dma_wait3A_1604 = arith.constant 4 : i32
    %dma_wait3A_1605 = arith.constant 0 : i32
    %dma_wait3A_1606 = tpu.memref_slice %arg10[%dma_wait3A_1604, %dma_wait3A_1605] : memref<8x64xf32, #tpu.memory_space<vmem>> -> memref<1x64xf32, #tpu.memory_space<vmem>>
    %dma_wait3A_1607 = tpu.memref_squeeze %dma_wait3A_1606 : memref<1x64xf32, #tpu.memory_space<vmem>> -> memref<64xf32, #tpu.memory_space<vmem>>
    %dma_wait3A_1608 = arith.constant 0 : i32
    %dma_wait3A_1609 = tpu.memref_slice %arg5[%dma_wait3A_1602, %dma_wait3A_1603, %dma_wait3A_1608] : memref<125000x8x64xf32, #tpu.memory_space<hbm>> -> memref<1x1x64xf32, #tpu.memory_space<hbm>>
    %dma_wait3A_1610 = tpu.memref_squeeze %dma_wait3A_1609 : memref<1x1x64xf32, #tpu.memory_space<hbm>> -> memref<64xf32, #tpu.memory_space<hbm>>
    %dma_wait3A_1611 = arith.constant 0 : i32
    %dma_wait3A_1612 = tpu.memref_slice %arg10[%dma_wait3A_1604, %dma_wait3A_1611] : memref<8x64xf32, #tpu.memory_space<vmem>> -> memref<1x64xf32, #tpu.memory_space<vmem>>
    %dma_wait3A_1613 = tpu.memref_squeeze %dma_wait3A_1612 : memref<1x64xf32, #tpu.memory_space<vmem>> -> memref<64xf32, #tpu.memory_space<vmem>>
    %dma_wait3A_1614 = arith.constant 0 : i32
    %dma_wait3A_1615 = tpu.memref_slice %arg5[%dma_wait3A_1602, %dma_wait3A_1603, %dma_wait3A_1614] : memref<125000x8x64xf32, #tpu.memory_space<hbm>> -> memref<1x1x64xf32, #tpu.memory_space<hbm>>
    %dma_wait3A_1616 = tpu.memref_squeeze %dma_wait3A_1615 : memref<1x1x64xf32, #tpu.memory_space<hbm>> -> memref<64xf32, #tpu.memory_space<hbm>>
    tpu.wait_dma2 semaphore(%arg24 : memref<!tpu.dma_semaphore, #tpu.memory_space<semaphore_mem>>) src(%dma_wait3A_1616 : memref<64xf32, #tpu.memory_space<hbm>>) dst(%dma_wait3A_1613 : memref<64xf32, #tpu.memory_space<vmem>>)
    %broadcast_in_dim3A_1617 = arith.constant 0.000000e+00 : f32
    %broadcast_in_dim3A_1618 = vector.broadcast %broadcast_in_dim3A_1617 : f32 to vector<16xf32>
    %get3A_1619 = arith.constant 4 : i32
    %get3A_1620 = arith.index_cast %get3A_1619 : i32 to index
    %get3A_1621 = arith.constant 0 : index
    %get3A_1622 = tpu.vector_load %arg9[%get3A_1620, %get3A_1621] {strides = array<i32>} : memref<8x64xf32, #tpu.memory_space<vmem>>, vector<16xf32>,
    %get3A_1623 = arith.constant 4 : i32
    %get3A_1624 = arith.index_cast %get3A_1623 : i32 to index
    %get3A_1625 = arith.constant 0 : index
    %get3A_1626 = tpu.vector_load %arg10[%get3A_1624, %get3A_1625] {strides = array<i32>} : memref<8x64xf32, #tpu.memory_space<vmem>>, vector<16xf32>,
    %mul3A_1627 = arith.mulf %get3A_1622, %get3A_1626 : vector<16xf32>
    %add3A_1628 = arith.addf %broadcast_in_dim3A_1618, %mul3A_1627 : vector<16xf32>
    %get3A_1629 = arith.constant 4 : i32
    %get3A_1630 = arith.index_cast %get3A_1629 : i32 to index
    %get3A_1631 = arith.constant 16 : index
    %get3A_1632 = tpu.vector_load %arg9[%get3A_1630, %get3A_1631] {strides = array<i32>} : memref<8x64xf32, #tpu.memory_space<vmem>>, vector<16xf32>,
    %get3A_1633 = arith.constant 4 : i32
    %get3A_1634 = arith.index_cast %get3A_1633 : i32 to index
    %get3A_1635 = arith.constant 16 : index
    %get3A_1636 = tpu.vector_load %arg10[%get3A_1634, %get3A_1635] {strides = array<i32>} : memref<8x64xf32, #tpu.memory_space<vmem>>, vector<16xf32>,
    %mul3A_1637 = arith.mulf %get3A_1632, %get3A_1636 : vector<16xf32>
    %add3A_1638 = arith.addf %add3A_1628, %mul3A_1637 : vector<16xf32>
    %get3A_1639 = arith.constant 4 : i32
    %get3A_1640 = arith.index_cast %get3A_1639 : i32 to index
    %get3A_1641 = arith.constant 32 : index
    %get3A_1642 = tpu.vector_load %arg9[%get3A_1640, %get3A_1641] {strides = array<i32>} : memref<8x64xf32, #tpu.memory_space<vmem>>, vector<16xf32>,
    %get3A_1643 = arith.constant 4 : i32
    %get3A_1644 = arith.index_cast %get3A_1643 : i32 to index
    %get3A_1645 = arith.constant 32 : index
    %get3A_1646 = tpu.vector_load %arg10[%get3A_1644, %get3A_1645] {strides = array<i32>} : memref<8x64xf32, #tpu.memory_space<vmem>>, vector<16xf32>,
    %mul3A_1647 = arith.mulf %get3A_1642, %get3A_1646 : vector<16xf32>
    %add3A_1648 = arith.addf %add3A_1638, %mul3A_1647 : vector<16xf32>
    %get3A_1649 = arith.constant 4 : i32
    %get3A_1650 = arith.index_cast %get3A_1649 : i32 to index
    %get3A_1651 = arith.constant 48 : index
    %get3A_1652 = tpu.vector_load %arg9[%get3A_1650, %get3A_1651] {strides = array<i32>} : memref<8x64xf32, #tpu.memory_space<vmem>>, vector<16xf32>,
    %get3A_1653 = arith.constant 4 : i32
    %get3A_1654 = arith.index_cast %get3A_1653 : i32 to index
    %get3A_1655 = arith.constant 48 : index
    %get3A_1656 = tpu.vector_load %arg10[%get3A_1654, %get3A_1655] {strides = array<i32>} : memref<8x64xf32, #tpu.memory_space<vmem>>, vector<16xf32>,
    %mul3A_1657 = arith.mulf %get3A_1652, %get3A_1656 : vector<16xf32>
    %add3A_1658 = arith.addf %add3A_1648, %mul3A_1657 : vector<16xf32>
    %reduce_sum3A_1659 = arith.constant true
    %reduce_sum3A_1660 = vector.broadcast %reduce_sum3A_1659 : i1 to vector<16xi1>
    %reduce_sum3A_1661 = tpu.scan <sum>, %add3A_1658 masked %reduce_sum3A_1660 : vector<16xf32>, vector<16xi1> -> vector<16xf32>
    %reduce_sum3A_1662 = vector.extract %reduce_sum3A_1661[15] : f32 from vector<16xf32>
    %eq3A_1663 = arith.constant 12 : i32
    %eq3A_1664 = vector.broadcast %eq3A_1663 : i32 to vector<16xi32>
    %eq3A_1665 = arith.cmpi eq, %iota3A, %eq3A_1664 : vector<16xi32>
    %broadcast_in_dim3A_1666 = vector.broadcast %reduce_sum3A_1662 : f32 to vector<16xf32>
    %select_n3A_1667 = arith.select %eq3A_1665, %broadcast_in_dim3A_1666, %select_n3A_1586 : vector<16xi1>, vector<16xf32>
    %dma_wait3A_1668 = arith.constant 0 : i32
    %dma_wait3A_1669 = arith.constant 0 : i32
    %dma_wait3A_1670 = arith.constant 5 : i32
    %dma_wait3A_1671 = arith.constant 0 : i32
    %dma_wait3A_1672 = tpu.memref_slice %arg9[%dma_wait3A_1670, %dma_wait3A_1671] : memref<8x64xf32, #tpu.memory_space<vmem>> -> memref<1x64xf32, #tpu.memory_space<vmem>>
    %dma_wait3A_1673 = tpu.memref_squeeze %dma_wait3A_1672 : memref<1x64xf32, #tpu.memory_space<vmem>> -> memref<64xf32, #tpu.memory_space<vmem>>
    %dma_wait3A_1674 = arith.constant 0 : i32
    %dma_wait3A_1675 = tpu.memref_slice %arg4[%dma_wait3A_1668, %dma_wait3A_1669, %dma_wait3A_1674] : memref<125000x8x64xf32, #tpu.memory_space<hbm>> -> memref<1x1x64xf32, #tpu.memory_space<hbm>>
    %dma_wait3A_1676 = tpu.memref_squeeze %dma_wait3A_1675 : memref<1x1x64xf32, #tpu.memory_space<hbm>> -> memref<64xf32, #tpu.memory_space<hbm>>
    %dma_wait3A_1677 = arith.constant 0 : i32
    %dma_wait3A_1678 = tpu.memref_slice %arg9[%dma_wait3A_1670, %dma_wait3A_1677] : memref<8x64xf32, #tpu.memory_space<vmem>> -> memref<1x64xf32, #tpu.memory_space<vmem>>
    %dma_wait3A_1679 = tpu.memref_squeeze %dma_wait3A_1678 : memref<1x64xf32, #tpu.memory_space<vmem>> -> memref<64xf32, #tpu.memory_space<vmem>>
    %dma_wait3A_1680 = arith.constant 0 : i32
    %dma_wait3A_1681 = tpu.memref_slice %arg4[%dma_wait3A_1668, %dma_wait3A_1669, %dma_wait3A_1680] : memref<125000x8x64xf32, #tpu.memory_space<hbm>> -> memref<1x1x64xf32, #tpu.memory_space<hbm>>
    %dma_wait3A_1682 = tpu.memref_squeeze %dma_wait3A_1681 : memref<1x1x64xf32, #tpu.memory_space<hbm>> -> memref<64xf32, #tpu.memory_space<hbm>>
    tpu.wait_dma2 semaphore(%arg17 : memref<!tpu.dma_semaphore, #tpu.memory_space<semaphore_mem>>) src(%dma_wait3A_1682 : memref<64xf32, #tpu.memory_space<hbm>>) dst(%dma_wait3A_1679 : memref<64xf32, #tpu.memory_space<vmem>>)
    %dma_wait3A_1683 = arith.constant 0 : i32
    %dma_wait3A_1684 = arith.constant 0 : i32
    %dma_wait3A_1685 = arith.constant 5 : i32
    %dma_wait3A_1686 = arith.constant 0 : i32
    %dma_wait3A_1687 = tpu.memref_slice %arg10[%dma_wait3A_1685, %dma_wait3A_1686] : memref<8x64xf32, #tpu.memory_space<vmem>> -> memref<1x64xf32, #tpu.memory_space<vmem>>
    %dma_wait3A_1688 = tpu.memref_squeeze %dma_wait3A_1687 : memref<1x64xf32, #tpu.memory_space<vmem>> -> memref<64xf32, #tpu.memory_space<vmem>>
    %dma_wait3A_1689 = arith.constant 0 : i32
    %dma_wait3A_1690 = tpu.memref_slice %arg5[%dma_wait3A_1683, %dma_wait3A_1684, %dma_wait3A_1689] : memref<125000x8x64xf32, #tpu.memory_space<hbm>> -> memref<1x1x64xf32, #tpu.memory_space<hbm>>
    %dma_wait3A_1691 = tpu.memref_squeeze %dma_wait3A_1690 : memref<1x1x64xf32, #tpu.memory_space<hbm>> -> memref<64xf32, #tpu.memory_space<hbm>>
    %dma_wait3A_1692 = arith.constant 0 : i32
    %dma_wait3A_1693 = tpu.memref_slice %arg10[%dma_wait3A_1685, %dma_wait3A_1692] : memref<8x64xf32, #tpu.memory_space<vmem>> -> memref<1x64xf32, #tpu.memory_space<vmem>>
    %dma_wait3A_1694 = tpu.memref_squeeze %dma_wait3A_1693 : memref<1x64xf32, #tpu.memory_space<vmem>> -> memref<64xf32, #tpu.memory_space<vmem>>
    %dma_wait3A_1695 = arith.constant 0 : i32
    %dma_wait3A_1696 = tpu.memref_slice %arg5[%dma_wait3A_1683, %dma_wait3A_1684, %dma_wait3A_1695] : memref<125000x8x64xf32, #tpu.memory_space<hbm>> -> memref<1x1x64xf32, #tpu.memory_space<hbm>>
    %dma_wait3A_1697 = tpu.memref_squeeze %dma_wait3A_1696 : memref<1x1x64xf32, #tpu.memory_space<hbm>> -> memref<64xf32, #tpu.memory_space<hbm>>
    tpu.wait_dma2 semaphore(%arg25 : memref<!tpu.dma_semaphore, #tpu.memory_space<semaphore_mem>>) src(%dma_wait3A_1697 : memref<64xf32, #tpu.memory_space<hbm>>) dst(%dma_wait3A_1694 : memref<64xf32, #tpu.memory_space<vmem>>)
    %broadcast_in_dim3A_1698 = arith.constant 0.000000e+00 : f32
    %broadcast_in_dim3A_1699 = vector.broadcast %broadcast_in_dim3A_1698 : f32 to vector<16xf32>
    %get3A_1700 = arith.constant 5 : i32
    %get3A_1701 = arith.index_cast %get3A_1700 : i32 to index
    %get3A_1702 = arith.constant 0 : index
    %get3A_1703 = tpu.vector_load %arg9[%get3A_1701, %get3A_1702] {strides = array<i32>} : memref<8x64xf32, #tpu.memory_space<vmem>>, vector<16xf32>,
    %get3A_1704 = arith.constant 5 : i32
    %get3A_1705 = arith.index_cast %get3A_1704 : i32 to index
    %get3A_1706 = arith.constant 0 : index
    %get3A_1707 = tpu.vector_load %arg10[%get3A_1705, %get3A_1706] {strides = array<i32>} : memref<8x64xf32, #tpu.memory_space<vmem>>, vector<16xf32>,
    %mul3A_1708 = arith.mulf %get3A_1703, %get3A_1707 : vector<16xf32>
    %add3A_1709 = arith.addf %broadcast_in_dim3A_1699, %mul3A_1708 : vector<16xf32>
    %get3A_1710 = arith.constant 5 : i32
    %get3A_1711 = arith.index_cast %get3A_1710 : i32 to index
    %get3A_1712 = arith.constant 16 : index
    %get3A_1713 = tpu.vector_load %arg9[%get3A_1711, %get3A_1712] {strides = array<i32>} : memref<8x64xf32, #tpu.memory_space<vmem>>, vector<16xf32>,
    %get3A_1714 = arith.constant 5 : i32
    %get3A_1715 = arith.index_cast %get3A_1714 : i32 to index
    %get3A_1716 = arith.constant 16 : index
    %get3A_1717 = tpu.vector_load %arg10[%get3A_1715, %get3A_1716] {strides = array<i32>} : memref<8x64xf32, #tpu.memory_space<vmem>>, vector<16xf32>,
    %mul3A_1718 = arith.mulf %get3A_1713, %get3A_1717 : vector<16xf32>
    %add3A_1719 = arith.addf %add3A_1709, %mul3A_1718 : vector<16xf32>
    %get3A_1720 = arith.constant 5 : i32
    %get3A_1721 = arith.index_cast %get3A_1720 : i32 to index
    %get3A_1722 = arith.constant 32 : index
    %get3A_1723 = tpu.vector_load %arg9[%get3A_1721, %get3A_1722] {strides = array<i32>} : memref<8x64xf32, #tpu.memory_space<vmem>>, vector<16xf32>,
    %get3A_1724 = arith.constant 5 : i32
    %get3A_1725 = arith.index_cast %get3A_1724 : i32 to index
    %get3A_1726 = arith.constant 32 : index
    %get3A_1727 = tpu.vector_load %arg10[%get3A_1725, %get3A_1726] {strides = array<i32>} : memref<8x64xf32, #tpu.memory_space<vmem>>, vector<16xf32>,
    %mul3A_1728 = arith.mulf %get3A_1723, %get3A_1727 : vector<16xf32>
    %add3A_1729 = arith.addf %add3A_1719, %mul3A_1728 : vector<16xf32>
    %get3A_1730 = arith.constant 5 : i32
    %get3A_1731 = arith.index_cast %get3A_1730 : i32 to index
    %get3A_1732 = arith.constant 48 : index
    %get3A_1733 = tpu.vector_load %arg9[%get3A_1731, %get3A_1732] {strides = array<i32>} : memref<8x64xf32, #tpu.memory_space<vmem>>, vector<16xf32>,
    %get3A_1734 = arith.constant 5 : i32
    %get3A_1735 = arith.index_cast %get3A_1734 : i32 to index
    %get3A_1736 = arith.constant 48 : index
    %get3A_1737 = tpu.vector_load %arg10[%get3A_1735, %get3A_1736] {strides = array<i32>} : memref<8x64xf32, #tpu.memory_space<vmem>>, vector<16xf32>,
    %mul3A_1738 = arith.mulf %get3A_1733, %get3A_1737 : vector<16xf32>
    %add3A_1739 = arith.addf %add3A_1729, %mul3A_1738 : vector<16xf32>
    %reduce_sum3A_1740 = arith.constant true
    %reduce_sum3A_1741 = vector.broadcast %reduce_sum3A_1740 : i1 to vector<16xi1>
    %reduce_sum3A_1742 = tpu.scan <sum>, %add3A_1739 masked %reduce_sum3A_1741 : vector<16xf32>, vector<16xi1> -> vector<16xf32>
    %reduce_sum3A_1743 = vector.extract %reduce_sum3A_1742[15] : f32 from vector<16xf32>
    %eq3A_1744 = arith.constant 13 : i32
    %eq3A_1745 = vector.broadcast %eq3A_1744 : i32 to vector<16xi32>
    %eq3A_1746 = arith.cmpi eq, %iota3A, %eq3A_1745 : vector<16xi32>
    %broadcast_in_dim3A_1747 = vector.broadcast %reduce_sum3A_1743 : f32 to vector<16xf32>
    %select_n3A_1748 = arith.select %eq3A_1746, %broadcast_in_dim3A_1747, %select_n3A_1667 : vector<16xi1>, vector<16xf32>
    %dma_wait3A_1749 = arith.constant 0 : i32
    %dma_wait3A_1750 = arith.constant 0 : i32
    %dma_wait3A_1751 = arith.constant 6 : i32
    %dma_wait3A_1752 = arith.constant 0 : i32
    %dma_wait3A_1753 = tpu.memref_slice %arg9[%dma_wait3A_1751, %dma_wait3A_1752] : memref<8x64xf32, #tpu.memory_space<vmem>> -> memref<1x64xf32, #tpu.memory_space<vmem>>
    %dma_wait3A_1754 = tpu.memref_squeeze %dma_wait3A_1753 : memref<1x64xf32, #tpu.memory_space<vmem>> -> memref<64xf32, #tpu.memory_space<vmem>>
    %dma_wait3A_1755 = arith.constant 0 : i32
    %dma_wait3A_1756 = tpu.memref_slice %arg4[%dma_wait3A_1749, %dma_wait3A_1750, %dma_wait3A_1755] : memref<125000x8x64xf32, #tpu.memory_space<hbm>> -> memref<1x1x64xf32, #tpu.memory_space<hbm>>
    %dma_wait3A_1757 = tpu.memref_squeeze %dma_wait3A_1756 : memref<1x1x64xf32, #tpu.memory_space<hbm>> -> memref<64xf32, #tpu.memory_space<hbm>>
    %dma_wait3A_1758 = arith.constant 0 : i32
    %dma_wait3A_1759 = tpu.memref_slice %arg9[%dma_wait3A_1751, %dma_wait3A_1758] : memref<8x64xf32, #tpu.memory_space<vmem>> -> memref<1x64xf32, #tpu.memory_space<vmem>>
    %dma_wait3A_1760 = tpu.memref_squeeze %dma_wait3A_1759 : memref<1x64xf32, #tpu.memory_space<vmem>> -> memref<64xf32, #tpu.memory_space<vmem>>
    %dma_wait3A_1761 = arith.constant 0 : i32
    %dma_wait3A_1762 = tpu.memref_slice %arg4[%dma_wait3A_1749, %dma_wait3A_1750, %dma_wait3A_1761] : memref<125000x8x64xf32, #tpu.memory_space<hbm>> -> memref<1x1x64xf32, #tpu.memory_space<hbm>>
    %dma_wait3A_1763 = tpu.memref_squeeze %dma_wait3A_1762 : memref<1x1x64xf32, #tpu.memory_space<hbm>> -> memref<64xf32, #tpu.memory_space<hbm>>
    tpu.wait_dma2 semaphore(%arg18 : memref<!tpu.dma_semaphore, #tpu.memory_space<semaphore_mem>>) src(%dma_wait3A_1763 : memref<64xf32, #tpu.memory_space<hbm>>) dst(%dma_wait3A_1760 : memref<64xf32, #tpu.memory_space<vmem>>)
    %dma_wait3A_1764 = arith.constant 0 : i32
    %dma_wait3A_1765 = arith.constant 0 : i32
    %dma_wait3A_1766 = arith.constant 6 : i32
    %dma_wait3A_1767 = arith.constant 0 : i32
    %dma_wait3A_1768 = tpu.memref_slice %arg10[%dma_wait3A_1766, %dma_wait3A_1767] : memref<8x64xf32, #tpu.memory_space<vmem>> -> memref<1x64xf32, #tpu.memory_space<vmem>>
    %dma_wait3A_1769 = tpu.memref_squeeze %dma_wait3A_1768 : memref<1x64xf32, #tpu.memory_space<vmem>> -> memref<64xf32, #tpu.memory_space<vmem>>
    %dma_wait3A_1770 = arith.constant 0 : i32
    %dma_wait3A_1771 = tpu.memref_slice %arg5[%dma_wait3A_1764, %dma_wait3A_1765, %dma_wait3A_1770] : memref<125000x8x64xf32, #tpu.memory_space<hbm>> -> memref<1x1x64xf32, #tpu.memory_space<hbm>>
    %dma_wait3A_1772 = tpu.memref_squeeze %dma_wait3A_1771 : memref<1x1x64xf32, #tpu.memory_space<hbm>> -> memref<64xf32, #tpu.memory_space<hbm>>
    %dma_wait3A_1773 = arith.constant 0 : i32
    %dma_wait3A_1774 = tpu.memref_slice %arg10[%dma_wait3A_1766, %dma_wait3A_1773] : memref<8x64xf32, #tpu.memory_space<vmem>> -> memref<1x64xf32, #tpu.memory_space<vmem>>
    %dma_wait3A_1775 = tpu.memref_squeeze %dma_wait3A_1774 : memref<1x64xf32, #tpu.memory_space<vmem>> -> memref<64xf32, #tpu.memory_space<vmem>>
    %dma_wait3A_1776 = arith.constant 0 : i32
    %dma_wait3A_1777 = tpu.memref_slice %arg5[%dma_wait3A_1764, %dma_wait3A_1765, %dma_wait3A_1776] : memref<125000x8x64xf32, #tpu.memory_space<hbm>> -> memref<1x1x64xf32, #tpu.memory_space<hbm>>
    %dma_wait3A_1778 = tpu.memref_squeeze %dma_wait3A_1777 : memref<1x1x64xf32, #tpu.memory_space<hbm>> -> memref<64xf32, #tpu.memory_space<hbm>>
    tpu.wait_dma2 semaphore(%arg26 : memref<!tpu.dma_semaphore, #tpu.memory_space<semaphore_mem>>) src(%dma_wait3A_1778 : memref<64xf32, #tpu.memory_space<hbm>>) dst(%dma_wait3A_1775 : memref<64xf32, #tpu.memory_space<vmem>>)
    %broadcast_in_dim3A_1779 = arith.constant 0.000000e+00 : f32
    %broadcast_in_dim3A_1780 = vector.broadcast %broadcast_in_dim3A_1779 : f32 to vector<16xf32>
    %get3A_1781 = arith.constant 6 : i32
    %get3A_1782 = arith.index_cast %get3A_1781 : i32 to index
    %get3A_1783 = arith.constant 0 : index
    %get3A_1784 = tpu.vector_load %arg9[%get3A_1782, %get3A_1783] {strides = array<i32>} : memref<8x64xf32, #tpu.memory_space<vmem>>, vector<16xf32>,
    %get3A_1785 = arith.constant 6 : i32
    %get3A_1786 = arith.index_cast %get3A_1785 : i32 to index
    %get3A_1787 = arith.constant 0 : index
    %get3A_1788 = tpu.vector_load %arg10[%get3A_1786, %get3A_1787] {strides = array<i32>} : memref<8x64xf32, #tpu.memory_space<vmem>>, vector<16xf32>,
    %mul3A_1789 = arith.mulf %get3A_1784, %get3A_1788 : vector<16xf32>
    %add3A_1790 = arith.addf %broadcast_in_dim3A_1780, %mul3A_1789 : vector<16xf32>
    %get3A_1791 = arith.constant 6 : i32
    %get3A_1792 = arith.index_cast %get3A_1791 : i32 to index
    %get3A_1793 = arith.constant 16 : index
    %get3A_1794 = tpu.vector_load %arg9[%get3A_1792, %get3A_1793] {strides = array<i32>} : memref<8x64xf32, #tpu.memory_space<vmem>>, vector<16xf32>,
    %get3A_1795 = arith.constant 6 : i32
    %get3A_1796 = arith.index_cast %get3A_1795 : i32 to index
    %get3A_1797 = arith.constant 16 : index
    %get3A_1798 = tpu.vector_load %arg10[%get3A_1796, %get3A_1797] {strides = array<i32>} : memref<8x64xf32, #tpu.memory_space<vmem>>, vector<16xf32>,
    %mul3A_1799 = arith.mulf %get3A_1794, %get3A_1798 : vector<16xf32>
    %add3A_1800 = arith.addf %add3A_1790, %mul3A_1799 : vector<16xf32>
    %get3A_1801 = arith.constant 6 : i32
    %get3A_1802 = arith.index_cast %get3A_1801 : i32 to index
    %get3A_1803 = arith.constant 32 : index
    %get3A_1804 = tpu.vector_load %arg9[%get3A_1802, %get3A_1803] {strides = array<i32>} : memref<8x64xf32, #tpu.memory_space<vmem>>, vector<16xf32>,
    %get3A_1805 = arith.constant 6 : i32
    %get3A_1806 = arith.index_cast %get3A_1805 : i32 to index
    %get3A_1807 = arith.constant 32 : index
    %get3A_1808 = tpu.vector_load %arg10[%get3A_1806, %get3A_1807] {strides = array<i32>} : memref<8x64xf32, #tpu.memory_space<vmem>>, vector<16xf32>,
    %mul3A_1809 = arith.mulf %get3A_1804, %get3A_1808 : vector<16xf32>
    %add3A_1810 = arith.addf %add3A_1800, %mul3A_1809 : vector<16xf32>
    %get3A_1811 = arith.constant 6 : i32
    %get3A_1812 = arith.index_cast %get3A_1811 : i32 to index
    %get3A_1813 = arith.constant 48 : index
    %get3A_1814 = tpu.vector_load %arg9[%get3A_1812, %get3A_1813] {strides = array<i32>} : memref<8x64xf32, #tpu.memory_space<vmem>>, vector<16xf32>,
    %get3A_1815 = arith.constant 6 : i32
    %get3A_1816 = arith.index_cast %get3A_1815 : i32 to index
    %get3A_1817 = arith.constant 48 : index
    %get3A_1818 = tpu.vector_load %arg10[%get3A_1816, %get3A_1817] {strides = array<i32>} : memref<8x64xf32, #tpu.memory_space<vmem>>, vector<16xf32>,
    %mul3A_1819 = arith.mulf %get3A_1814, %get3A_1818 : vector<16xf32>
    %add3A_1820 = arith.addf %add3A_1810, %mul3A_1819 : vector<16xf32>
    %reduce_sum3A_1821 = arith.constant true
    %reduce_sum3A_1822 = vector.broadcast %reduce_sum3A_1821 : i1 to vector<16xi1>
    %reduce_sum3A_1823 = tpu.scan <sum>, %add3A_1820 masked %reduce_sum3A_1822 : vector<16xf32>, vector<16xi1> -> vector<16xf32>
    %reduce_sum3A_1824 = vector.extract %reduce_sum3A_1823[15] : f32 from vector<16xf32>
    %eq3A_1825 = arith.constant 14 : i32
    %eq3A_1826 = vector.broadcast %eq3A_1825 : i32 to vector<16xi32>
    %eq3A_1827 = arith.cmpi eq, %iota3A, %eq3A_1826 : vector<16xi32>
    %broadcast_in_dim3A_1828 = vector.broadcast %reduce_sum3A_1824 : f32 to vector<16xf32>
    %select_n3A_1829 = arith.select %eq3A_1827, %broadcast_in_dim3A_1828, %select_n3A_1748 : vector<16xi1>, vector<16xf32>
    %dma_wait3A_1830 = arith.constant 0 : i32
    %dma_wait3A_1831 = arith.constant 0 : i32
    %dma_wait3A_1832 = arith.constant 7 : i32
    %dma_wait3A_1833 = arith.constant 0 : i32
    %dma_wait3A_1834 = tpu.memref_slice %arg9[%dma_wait3A_1832, %dma_wait3A_1833] : memref<8x64xf32, #tpu.memory_space<vmem>> -> memref<1x64xf32, #tpu.memory_space<vmem>>
    %dma_wait3A_1835 = tpu.memref_squeeze %dma_wait3A_1834 : memref<1x64xf32, #tpu.memory_space<vmem>> -> memref<64xf32, #tpu.memory_space<vmem>>
    %dma_wait3A_1836 = arith.constant 0 : i32
    %dma_wait3A_1837 = tpu.memref_slice %arg4[%dma_wait3A_1830, %dma_wait3A_1831, %dma_wait3A_1836] : memref<125000x8x64xf32, #tpu.memory_space<hbm>> -> memref<1x1x64xf32, #tpu.memory_space<hbm>>
    %dma_wait3A_1838 = tpu.memref_squeeze %dma_wait3A_1837 : memref<1x1x64xf32, #tpu.memory_space<hbm>> -> memref<64xf32, #tpu.memory_space<hbm>>
    %dma_wait3A_1839 = arith.constant 0 : i32
    %dma_wait3A_1840 = tpu.memref_slice %arg9[%dma_wait3A_1832, %dma_wait3A_1839] : memref<8x64xf32, #tpu.memory_space<vmem>> -> memref<1x64xf32, #tpu.memory_space<vmem>>
    %dma_wait3A_1841 = tpu.memref_squeeze %dma_wait3A_1840 : memref<1x64xf32, #tpu.memory_space<vmem>> -> memref<64xf32, #tpu.memory_space<vmem>>
    %dma_wait3A_1842 = arith.constant 0 : i32
    %dma_wait3A_1843 = tpu.memref_slice %arg4[%dma_wait3A_1830, %dma_wait3A_1831, %dma_wait3A_1842] : memref<125000x8x64xf32, #tpu.memory_space<hbm>> -> memref<1x1x64xf32, #tpu.memory_space<hbm>>
    %dma_wait3A_1844 = tpu.memref_squeeze %dma_wait3A_1843 : memref<1x1x64xf32, #tpu.memory_space<hbm>> -> memref<64xf32, #tpu.memory_space<hbm>>
    tpu.wait_dma2 semaphore(%arg19 : memref<!tpu.dma_semaphore, #tpu.memory_space<semaphore_mem>>) src(%dma_wait3A_1844 : memref<64xf32, #tpu.memory_space<hbm>>) dst(%dma_wait3A_1841 : memref<64xf32, #tpu.memory_space<vmem>>)
    %dma_wait3A_1845 = arith.constant 0 : i32
    %dma_wait3A_1846 = arith.constant 0 : i32
    %dma_wait3A_1847 = arith.constant 7 : i32
    %dma_wait3A_1848 = arith.constant 0 : i32
    %dma_wait3A_1849 = tpu.memref_slice %arg10[%dma_wait3A_1847, %dma_wait3A_1848] : memref<8x64xf32, #tpu.memory_space<vmem>> -> memref<1x64xf32, #tpu.memory_space<vmem>>
    %dma_wait3A_1850 = tpu.memref_squeeze %dma_wait3A_1849 : memref<1x64xf32, #tpu.memory_space<vmem>> -> memref<64xf32, #tpu.memory_space<vmem>>
    %dma_wait3A_1851 = arith.constant 0 : i32
    %dma_wait3A_1852 = tpu.memref_slice %arg5[%dma_wait3A_1845, %dma_wait3A_1846, %dma_wait3A_1851] : memref<125000x8x64xf32, #tpu.memory_space<hbm>> -> memref<1x1x64xf32, #tpu.memory_space<hbm>>
    %dma_wait3A_1853 = tpu.memref_squeeze %dma_wait3A_1852 : memref<1x1x64xf32, #tpu.memory_space<hbm>> -> memref<64xf32, #tpu.memory_space<hbm>>
    %dma_wait3A_1854 = arith.constant 0 : i32
    %dma_wait3A_1855 = tpu.memref_slice %arg10[%dma_wait3A_1847, %dma_wait3A_1854] : memref<8x64xf32, #tpu.memory_space<vmem>> -> memref<1x64xf32, #tpu.memory_space<vmem>>
    %dma_wait3A_1856 = tpu.memref_squeeze %dma_wait3A_1855 : memref<1x64xf32, #tpu.memory_space<vmem>> -> memref<64xf32, #tpu.memory_space<vmem>>
    %dma_wait3A_1857 = arith.constant 0 : i32
    %dma_wait3A_1858 = tpu.memref_slice %arg5[%dma_wait3A_1845, %dma_wait3A_1846, %dma_wait3A_1857] : memref<125000x8x64xf32, #tpu.memory_space<hbm>> -> memref<1x1x64xf32, #tpu.memory_space<hbm>>
    %dma_wait3A_1859 = tpu.memref_squeeze %dma_wait3A_1858 : memref<1x1x64xf32, #tpu.memory_space<hbm>> -> memref<64xf32, #tpu.memory_space<hbm>>
    tpu.wait_dma2 semaphore(%arg27 : memref<!tpu.dma_semaphore, #tpu.memory_space<semaphore_mem>>) src(%dma_wait3A_1859 : memref<64xf32, #tpu.memory_space<hbm>>) dst(%dma_wait3A_1856 : memref<64xf32, #tpu.memory_space<vmem>>)
    %broadcast_in_dim3A_1860 = arith.constant 0.000000e+00 : f32
    %broadcast_in_dim3A_1861 = vector.broadcast %broadcast_in_dim3A_1860 : f32 to vector<16xf32>
    %get3A_1862 = arith.constant 7 : i32
    %get3A_1863 = arith.index_cast %get3A_1862 : i32 to index
    %get3A_1864 = arith.constant 0 : index
    %get3A_1865 = tpu.vector_load %arg9[%get3A_1863, %get3A_1864] {strides = array<i32>} : memref<8x64xf32, #tpu.memory_space<vmem>>, vector<16xf32>,
    %get3A_1866 = arith.constant 7 : i32
    %get3A_1867 = arith.index_cast %get3A_1866 : i32 to index
    %get3A_1868 = arith.constant 0 : index
    %get3A_1869 = tpu.vector_load %arg10[%get3A_1867, %get3A_1868] {strides = array<i32>} : memref<8x64xf32, #tpu.memory_space<vmem>>, vector<16xf32>,
    %mul3A_1870 = arith.mulf %get3A_1865, %get3A_1869 : vector<16xf32>
    %add3A_1871 = arith.addf %broadcast_in_dim3A_1861, %mul3A_1870 : vector<16xf32>
    %get3A_1872 = arith.constant 7 : i32
    %get3A_1873 = arith.index_cast %get3A_1872 : i32 to index
    %get3A_1874 = arith.constant 16 : index
    %get3A_1875 = tpu.vector_load %arg9[%get3A_1873, %get3A_1874] {strides = array<i32>} : memref<8x64xf32, #tpu.memory_space<vmem>>, vector<16xf32>,
    %get3A_1876 = arith.constant 7 : i32
    %get3A_1877 = arith.index_cast %get3A_1876 : i32 to index
    %get3A_1878 = arith.constant 16 : index
    %get3A_1879 = tpu.vector_load %arg10[%get3A_1877, %get3A_1878] {strides = array<i32>} : memref<8x64xf32, #tpu.memory_space<vmem>>, vector<16xf32>,
    %mul3A_1880 = arith.mulf %get3A_1875, %get3A_1879 : vector<16xf32>
    %add3A_1881 = arith.addf %add3A_1871, %mul3A_1880 : vector<16xf32>
    %get3A_1882 = arith.constant 7 : i32
    %get3A_1883 = arith.index_cast %get3A_1882 : i32 to index
    %get3A_1884 = arith.constant 32 : index
    %get3A_1885 = tpu.vector_load %arg9[%get3A_1883, %get3A_1884] {strides = array<i32>} : memref<8x64xf32, #tpu.memory_space<vmem>>, vector<16xf32>,
    %get3A_1886 = arith.constant 7 : i32
    %get3A_1887 = arith.index_cast %get3A_1886 : i32 to index
    %get3A_1888 = arith.constant 32 : index
    %get3A_1889 = tpu.vector_load %arg10[%get3A_1887, %get3A_1888] {strides = array<i32>} : memref<8x64xf32, #tpu.memory_space<vmem>>, vector<16xf32>,
    %mul3A_1890 = arith.mulf %get3A_1885, %get3A_1889 : vector<16xf32>
    %add3A_1891 = arith.addf %add3A_1881, %mul3A_1890 : vector<16xf32>
    %get3A_1892 = arith.constant 7 : i32
    %get3A_1893 = arith.index_cast %get3A_1892 : i32 to index
    %get3A_1894 = arith.constant 48 : index
    %get3A_1895 = tpu.vector_load %arg9[%get3A_1893, %get3A_1894] {strides = array<i32>} : memref<8x64xf32, #tpu.memory_space<vmem>>, vector<16xf32>,
    %get3A_1896 = arith.constant 7 : i32
    %get3A_1897 = arith.index_cast %get3A_1896 : i32 to index
    %get3A_1898 = arith.constant 48 : index
    %get3A_1899 = tpu.vector_load %arg10[%get3A_1897, %get3A_1898] {strides = array<i32>} : memref<8x64xf32, #tpu.memory_space<vmem>>, vector<16xf32>,
    %mul3A_1900 = arith.mulf %get3A_1895, %get3A_1899 : vector<16xf32>
    %add3A_1901 = arith.addf %add3A_1891, %mul3A_1900 : vector<16xf32>
    %reduce_sum3A_1902 = arith.constant true
    %reduce_sum3A_1903 = vector.broadcast %reduce_sum3A_1902 : i1 to vector<16xi1>
    %reduce_sum3A_1904 = tpu.scan <sum>, %add3A_1901 masked %reduce_sum3A_1903 : vector<16xf32>, vector<16xi1> -> vector<16xf32>
    %reduce_sum3A_1905 = vector.extract %reduce_sum3A_1904[15] : f32 from vector<16xf32>
    %eq3A_1906 = arith.constant 15 : i32
    %eq3A_1907 = vector.broadcast %eq3A_1906 : i32 to vector<16xi32>
    %eq3A_1908 = arith.cmpi eq, %iota3A, %eq3A_1907 : vector<16xi32>
    %broadcast_in_dim3A_1909 = vector.broadcast %reduce_sum3A_1905 : f32 to vector<16xf32>
    %select_n3A_1910 = arith.select %eq3A_1908, %broadcast_in_dim3A_1909, %select_n3A_1829 : vector<16xi1>, vector<16xf32>
    %swap3A = arith.constant 496 : index
    %swap3A_1911 = tpu.vector_load %arg11[%swap3A] {strides = array<i32>} : memref<512xf32, #tpu.memory_space<vmem>>, vector<16xf32>,
    tpu.vector_store %arg11[%swap3A], %select_n3A_1910 {strides = array<i32>} : memref<512xf32, #tpu.memory_space<vmem>>, vector<16xf32>,
    "tpu.region"() ({
      %run_scoped3A = tpu.sem_alloc : memref<!tpu.dma_semaphore, #tpu.memory_space<semaphore_mem>>
      %dma_start3A_1912 = tpu.memref_slice %arg6[%mul3A_2] : memref<16384xf32, #tpu.memory_space<hbm>> -> memref<512xf32, #tpu.memory_space<hbm>>
      %dma_start3A_1913 = tpu.memref_slice %arg6[%mul3A_2] : memref<16384xf32, #tpu.memory_space<hbm>> -> memref<512xf32, #tpu.memory_space<hbm>>
      tpu.enqueue_dma source(%arg11 : memref<512xf32, #tpu.memory_space<vmem>>) target(%dma_start3A_1913 : memref<512xf32, #tpu.memory_space<hbm>>) target_semaphore(%run_scoped3A : memref<!tpu.dma_semaphore, #tpu.memory_space<semaphore_mem>>)
      %dma_wait3A_1914 = tpu.memref_slice %arg6[%mul3A_2] : memref<16384xf32, #tpu.memory_space<hbm>> -> memref<512xf32, #tpu.memory_space<hbm>>
      %dma_wait3A_1915 = tpu.memref_slice %arg6[%mul3A_2] : memref<16384xf32, #tpu.memory_space<hbm>> -> memref<512xf32, #tpu.memory_space<hbm>>
      tpu.wait_dma2 semaphore(%run_scoped3A : memref<!tpu.dma_semaphore, #tpu.memory_space<semaphore_mem>>) src(%arg11 : memref<512xf32, #tpu.memory_space<vmem>>) dst(%dma_wait3A_1915 : memref<512xf32, #tpu.memory_space<hbm>>)
      tpu.yield
    }) : () -> ()
    return
  }
}

</mosaic_0001>

<sc_bundles>
// kernel: kernel.3.cloned.1.call-start
scs
__scs_entry_jumppad:
0x0: {  	(pc) =	sbr.rel $0x88, $3  }
0x1: {  	(tag) =	ssettag $0x0;
	lr =	simm.s32 $0x1  }
0x2: {  	[smem:$0x3F9D] =	sst lr;
	_ =	strace $0xD0000000  }
0x3: {  	_ = 	snop  }
0x4: {  	_ = 	snop  }
0x5: {  	_ = 	snop  }
0x6: {  	_ = 	snop  }
0x7: {  	_ = 	snop  }
__scs_overlays_trampoline_lowered:
0x8: {  	[smem:$0x3FAC] =	sst s0  }
0x9: {  	[smem:$0x3FAD] =	sst s1  }
0xa: {  	[smem:$0x3FAE] =	sst s2  }
0xb: {  	[smem:$0x3FAF] =	sst s3  }
0xc: {  	[smem:$0x3FB0] =	sst s4  }
0xd: {  	[smem:$0x3FB1] =	sst s5  }
0xe: {  	[smem:$0x3FB2] =	sst s6  }
0xf: {  	[smem:$0x3FB3] =	sst s7  }
0x10: {  	[smem:$0x3FB4] =	sst s8  }
0x11: {  	[smem:$0x3FB5] =	sst s9;
	s0 =	simm.s32 @!p0 $0x0  }
0x12: {  	s1 =	sld [smem:$0x3F9B];
	s0 =	simm.s32 @p0 $0x1  }
0x13: {  	[smem:$0x3FB6] =	sst s0;
	s0 =	simm.s32 @!p1 $0x0  }
0x14: {  	s2 =	sld [smem:$0x3F9A];
	s0 =	simm.s32 @p1 $0x1  }
0x15: {  	[smem:$0x3FB7] =	sst s0;
	s0 =	simm.s32 @!p2 $0x0  }
0x16: {  	s3 =	sld [smem:$0x3FDB];
	s0 =	simm.s32 @p2 $0x1  }
0x17: {  	s4 =	simm.s32 $0x1BF5;
	[smem:$0x3FB9] =	sst s0  }
0x18: {  	s0 =	sld [smem:$0x3F9C];
	_ =	swait.ge [sflag:s4], $0x0  }
0x19: {  	s7 =	sld [smem:$0x3F9D]  }
0x1a: {  	s8 =	sadd.s32 $0xFFFFE003, lr  }
0x1b: {  	s9 =	sadd.s32 $0xFFFFFEF7, lr;
	s5 =	simm.s32 $0xFFFFFFFF;
	p2 =	slt.u32 s8, $0xFFFFF086  }
0x1c: {  	p1 =	slt.u32 s9, $0xF7A;
	s5 =	simm.s32 @!p2 $0x0  }
0x1d: {  	s5 =	simm.s32 @p1 $0x1;
	p0 =	seq.s32 s7, s2  }
0x1e: {  	s7 =	smul.u32 @!p0 $0xF7A, s2;
	p2 =	seq.s32 @!p0 s5, $0x0  }
0x1f: {  	s9 =	smul.u32 $0xF7A, s1;
	s8 =	simm.s32 @!p0 $0x1BF5;
	p2 =	por !p2, p0  }
0x20: {  	[sflag:s8] =	ssyncset.s32 @!p0 $0xFFFFF086;
	s6 =	sadd.s32 @!p0 s3, s7;
	s7 =	simm.s32 @!p0 $0x108  }
0x21: {  	s3 =	sadd.s32 s3, s9;
	s6 =	sadd.s32 @!p0 $0x88, s6;
	s7 =	simm.s32 @p2 $0x1082  }
0x22: {  	[simem:s7], [sflag:s8] =	dma.local @!p0 [hbm:s6], $0xF7A  }
0x23: {  	s9 =	sor.u32 $0xD0000000, s2;
	s6 =	simm.s32 $0x108;
	_ =	swait.ge @!p0 [sflag:s8], $0x0  }
0x24: {  	s3 =	sadd.s32 $0x88, s3;
	s6 =	simm.s32 @!p1 $0x1082;
	[sflag:s4] =	ssyncset.s32 $0xFFFFF086  }
0x25: {  	[simem:s6], [sflag:s4] =	dma.local [hbm:s3], $0xF7A  }
0x26: {  	[smem:$0x3F9D] =	sst s1;
	(tag) =	ssettag s2;
	_ =	strace s9  }
0x27: {  	s1 =	sld [smem:$0x3FAD]  }
0x28: {  	s2 =	sld [smem:$0x3FAE]  }
0x29: {  	s4 =	sld [smem:$0x3FB0]  }
0x2a: {  	p0 =	seq.s32 s5, $0x0;
	s5 =	sld [smem:$0x3FB1]  }
0x2b: {  	s6 =	sld [smem:$0x3FB2]  }
0x2c: {  	s7 =	sld [smem:$0x3FB3]  }
0x2d: {  	s3 =	simm.s32 $0x108;
	s8 =	sld [smem:$0x3FB4]  }
0x2e: {  	s3 =	simm.s32 @!p0 $0x1082;
	s9 =	sld [smem:$0x3FB5]  }
0x2f: {  	lr =	sadd.s32 s0, s3;
	s0 =	sld [smem:$0x3FAC]  }
0x30: {  	s3 =	sld [smem:$0x3FAF]  }
0x31: {  	[smem:$0x3FB8] =	sst s10  }
0x32: {  	s10 =	sld [smem:$0x3FB6];
	_ =	sdelay $0x3  }
0x33: {  	p0 =	seq.s32 s10, $0x1;
	s10 =	sld [smem:$0x3FB8];
	_ =	sdelay $0x3  }
0x34: {  	[smem:$0x3FB8] =	sst s10  }
0x35: {  	s10 =	sld [smem:$0x3FB7];
	_ =	sdelay $0x3  }
0x36: {  	p1 =	seq.s32 s10, $0x1;
	s10 =	sld [smem:$0x3FB8];
	_ =	sdelay $0x3  }
0x37: {  	[smem:$0x3FB8] =	sst s10  }
0x38: {  	s10 =	sld [smem:$0x3FB9]  }
0x39: {  	_ = 	snop;
	(pc) =	sbr.ind lr, $3  }
0x3a: {  	_ = 	snop  }
0x3b: {  	_ = 	snop  }
0x3c: {  	p2 =	seq.s32 s10, $0x1;
	s10 =	sld [smem:$0x3FB8]  }
0x3d: {  	_ =	shalt  }
0x3e: {  	_ =	shalt  }
0x3f: {  	_ =	shalt  }
0x40: {  	_ =	shalt  }
0x41: {  	_ =	shalt  }
0x42: {  	_ =	shalt  }
0x43: {  	_ =	shalt  }
0x44: {  	_ =	shalt  }
0x45: {  	_ =	shalt  }
0x46: {  	_ =	shalt  }
0x47: {  	_ =	shalt  }
0x48: {  	_ =	shalt  }
0x49: {  	_ =	shalt  }
0x4a: {  	_ =	shalt  }
0x4b: {  	_ =	shalt  }
0x4c: {  	_ =	shalt  }
0x4d: {  	_ =	shalt  }
0x4e: {  	_ =	shalt  }
0x4f: {  	_ =	shalt  }
0x50: {  	_ =	shalt  }
0x51: {  	_ =	shalt  }
0x52: {  	_ =	shalt  }
0x53: {  	_ =	shalt  }
0x54: {  	_ =	shalt  }
0x55: {  	_ =	shalt  }
0x56: {  	_ =	shalt  }
0x57: {  	_ =	shalt  }
0x58: {  	_ =	shalt  }
0x59: {  	_ =	shalt  }
0x5a: {  	_ =	shalt  }
0x5b: {  	_ =	shalt  }
0x5c: {  	_ =	shalt  }
0x5d: {  	_ =	shalt  }
0x5e: {  	_ =	shalt  }
0x5f: {  	_ =	shalt  }
0x60: {  	_ =	shalt  }
0x61: {  	_ =	shalt  }
0x62: {  	_ =	shalt  }
0x63: {  	_ =	shalt  }
0x64: {  	_ =	shalt  }
0x65: {  	_ =	shalt  }
0x66: {  	_ =	shalt  }
0x67: {  	_ =	shalt  }
0x68: {  	_ =	shalt  }
0x69: {  	_ =	shalt  }
0x6a: {  	_ =	shalt  }
0x6b: {  	_ =	shalt  }
0x6c: {  	_ =	shalt  }
0x6d: {  	_ =	shalt  }
0x6e: {  	_ =	shalt  }
0x6f: {  	_ =	shalt  }
0x70: {  	_ =	shalt  }
0x71: {  	_ =	shalt  }
0x72: {  	_ =	shalt  }
0x73: {  	_ =	shalt  }
0x74: {  	_ =	shalt  }
0x75: {  	_ =	shalt  }
0x76: {  	_ =	shalt  }
0x77: {  	_ =	shalt  }
0x78: {  	_ =	shalt  }
0x79: {  	_ =	shalt  }
0x7a: {  	_ =	shalt  }
0x7b: {  	_ =	shalt  }
0x7c: {  	_ =	shalt  }
0x7d: {  	_ =	shalt  }
0x7e: {  	_ =	shalt  }
0x7f: {  	_ =	shalt  }
0x80: {  	_ =	shalt  }
0x81: {  	_ =	shalt  }
0x82: {  	_ =	shalt  }
0x83: {  	_ =	shalt  }
0x84: {  	_ =	shalt  }
0x85: {  	_ =	shalt  }
0x86: {  	_ =	shalt  }
0x87: {  	_ =	shalt  }
.Lfunc_end0:
.L_simem_size_0:
called_computation_lowered:
.L_overlay_start_0:
0x88: {  	s2 =	sld [smem:$0x3FD9]  }
0x89: {  	s3 =	sld [smem:$0x3FFE];
	_ =	sdelay $0x1  }
0x8a: {  	s1 =	srdreg.scid  }
0x8b: {  	s0 =	sand.u32 $0x1, s1  }
0x8c: {  	s17 =	sshll.u32 s0, $0xA;
	s2 =	sadd.s32 s3, s2  }
0x8d: {  	s2 =	sadd.s32 s2, s17  }
0x8e: {  	[smem:$0x3FC4] =	sst s2  }
0x8f: {  	_ = 	snop  }
0x90: {  	s2 =	sld [smem:$0x3FC9]  }
0x91: {  	s18 =	sld [smem:$0x3FC8]  }
0x92: {  	s4 =	sld [smem:$0x3FD0];
	(tm) =	ssettm $0x1  }
0x93: {  	s5 =	sld [smem:$0x3FFB];
	_ =	sdelay $0x3  }
0x94: {  	_ =	strace s5  }
0x95: {  	s5 =	sld [smem:$0x3FFC];
	_ =	sdelay $0x3  }
0x96: {  	_ =	strace s5  }
0x97: {  	s5 =	sld [smem:$0x3FFD];
	_ =	sdelay $0x3  }
0x98: {  	_ =	strace s5  }
0x99: {  	_ =	strace $0x8FFFFFFF  }
0x9a: {  	s19 =	sld [smem:$0x3FDB];
	_ =	sdelay $0x1  }
0x9b: {  	s6 =	simm.s32 $_scs_section_size  }
0x9c: {  	s7 =	simm.s32 $_size__tile_overlayer_lowered;
	s8 =	simm.s32 $_tile_overlayer_lowered  }
0x9d: {  	s22 =	simm.s32 $0x1BFF;
	s21 =	sshll.u32 s8, $0x1;
	s5 =	sadd.s32 s6, s19  }
0x9e: {  	s9 =	simm.s32 $0x0;
	s20 =	sshll.u32 s7, $0x1;
	s7 =	sadd.s32 s21, s5  }
0x9f: {  	[timem:s9], [sflag:s22] =	dma.local [hbm:s7], s20  }
0xa0: {  	_ =	swait.ge [sflag:s22], s20  }
0xa1: {  	s6 =	ssub.s32 $0x0, s20;
	[sflag:s22] =	ssyncset.done $0x0  }
0xa2: {  	[sflag:s22] =	ssyncadd.s32 s6;
	_ =	sdelay $0x1  }
0xa3: {  	s23 =	simm.s32 $0x1B8B  }
0xa4: {  	_ =	swait.ge [sflag:s23], $0x1  }
0xa5: {  	[sflag:s23] =	ssyncset.done $0x0  }
0xa6: {  	s25 =	simm.s32 $0x1B8E;
	s24 =	sld [smem:$0x3FFE];
	[sflag:s23] =	ssyncadd.s32 $0xFFFFFFFF  }
0xa7: {  	s26 =	simm.s32 $execute0_lowered;
	[smem:$0x3FD2] =	sst s25  }
0xa8: {  	s7 =	sshll.u32 s26, $0x1;
	_ =	strace $0x80000046;
	[dreg:$0x1] =	wrdreg $0xFFFFFFFF  }
0xa9: {  	s28 =	simm.s32 $_size_execute0_lowered;
	s5 =	sadd.s32 s5, s7;
	[dreg:$0x0] =	wrdreg $0x0  }
0xaa: {  	s7 =	sshll.u32 s28, $0x1;
	[dreg:$0x2] =	wrdreg s5  }
0xab: {  	[dreg:$0x3] =	wrdreg s7  }
0xac: {  	[dreg:$0x4] =	wrdreg $0xC0  }
0xad: {  	_ =	task [dreg:s9], $0x5FFFF  }
0xae: {  	[dreg:$0x1] =	wrdreg $0xFFFFFFFF  }
0xaf: {  	[dreg:$0x0] =	wrdreg $0x60  }
0xb0: {  	[dreg:$0x2] =	wrdreg s2  }
0xb1: {  	[dreg:$0x3] =	wrdreg s18  }
0xb2: {  	[dreg:$0x4] =	wrdreg s24  }
0xb3: {  	[dreg:$0x5] =	wrdreg s4  }
0xb4: {  	[dreg:$0x6] =	wrdreg $0x9  }
0xb5: {  	_ =	task.clear_ibuf [dreg:s9], $0x7FFFF;
	_ =	strace $0x90000046  }
0xb6: {  	s29 =	simm.s32 $0x9;
	_ =	strace $0x80000048  }
0xb7: {  	_ =	swait.ge [sflag:s29], $0x1  }
0xb8: {  	[sflag:s29] =	ssyncadd.s32 $0xFFFFFFFF  }
0xb9: {  	_ =	strace $0x90000048  }
0xba: {  	_ =	sfence  }
0xbb: {  	s30 =	sld [smem:$0x0];
	_ =	sdelay $0x2  }
0xbc: {  	s31 =	sshll.u32 s1, $0xD;
	s1 =	sshrl.u32 s1, $0x2  }
0xbd: {  	s3 =	sand.u32 $0x4000, s31;
	s1 =	sadd.s32 s1, s30  }
0xbe: {  	s0 =	sor.u32 s3, s0;
	s1 =	sshll.u32 s1, $0x11  }
0xbf: {  	s0 =	sor.u32 s1, s0  }
0xc0: {  	s0 =	sadd.s32 $0x8F2B, s0  }
0xc1: {  	[sflag:s0] =	ssyncadd.remote.s32 $0x1  }
0xc2: {  	_ =	sfence.sel $0xFFFF  }
0xc3: {  	[dreg:$0x0] =	wrdreg $0xFFFFFFFF;
	(pc) =	sbr.abs _section_cstart, $3  }
0xc4: {  	[dreg:$0x1] =	wrdreg $0xFFFFFFFF  }
0xc5: {  	_ =	task.clear_ibuf [dreg:s9], $0x2FFFF;
	_ =	strace $0x9FFFFFFF  }
0xc6: {  	(tm) =	ssettm $0x7FFFFFFF  }
0xc7: {  	_ =	shalt  }
tec
execute0_lowered:
.L_overlay_start_1:
0x0: {  	(tag) =	ssettag $0x1  }
0x1: {  	s0 =	rddreg [dreg:$0x0]  }
0x2: {  	s1 =	rddreg [dreg:$0x1]  }
0x3: {  	s4 =	rddreg [dreg:$0x2]  }
0x4: {  	s5 =	rddreg [dreg:$0x3];
	s2 =	simm.s32 $0x0  }
0x5: {  	s3 =	srdreg.scid;
	s7 =	stileid.u32;
	s16 =	simm.s32 $0x11  }
0x6: {  	s18 =	simm.s32 $0x800;
	s19 =	simm.s32 $0x480;
	s20 =	simm.s32 $0x880  }
0x7: {  	s22 =	simm.s32 $0x500;
	s23 =	simm.s32 $0x900;
	s28 =	simm.s32 $0xA00  }
0x8: {  	s29 =	simm.s32 $0x680;
	s30 =	simm.s32 $0xA80;
	s31 =	simm.s32 $0x700  }
0x9: {  	s10 =	simm.s32 $0xB80;
	[smem:$0x7FF] =	sst s2;
	s3 =	sand.u32 $0x1, s3  }
0xa: {  	s7 =	sshll.u32 s7, $0x7;
	_ =	strace $0x80000047;
	s8 =	sshll.u32 s3, $0x6  }
0xb: {  	s6 =	ssub.s32 $0x2, s3;
	s3 =	sadd.s32 $0x400, s4;
	s7 =	sor.u32 s8, s7  }
0xc: {  	s4 =	sadd.s32 $0xF42800, s4;
	s9 =	sshrl.u32 s6, $0x1;
	s0 =	sadd.s32 s0, s7  }
0xd: {  	vm0 =	vmmov $0x1;
	vm1 =	vmmov $0x3;
	vm2 =	vmmov $0x7;
	s6 =	ssub.s32 s6, s9;
	s24 =	sadd.s32 s1, s7;
	[dreg:$0x5] =	wrdreg s0  }
0xe: {  	vm3 =	vmmov $0xf;
	vm4 =	vmmov $0x1f;
	vm5 =	vmmov $0x3f;
	s25 =	sadd.s32 s5, s7;
	s1 =	simm.s32 $0x780;
	[dreg:$0x6] =	wrdreg s24  }
0xf: {  	vm6 =	vmmov $0x7f;
	vm7 =	vmmov $0xff;
	vm8 =	vmmov $0x1ff;
	s5 =	simm.s32 $0x1;
	[dreg:$0x7] =	wrdreg s25;
	s26 =	smax.u32 s6, $0x1  }
0x10: {  	vm9 =	vmmov $0x3ff;
	vm10 =	vmmov $0x7ff;
	vm11 =	vmmov $0xfff;
	s24 =	simm.s32 $0x580;
	s25 =	simm.s32 $0x980;
	s0 =	simm.s32 $0xB00  }
0x11: {  	vm12 =	vmmov $0x1fff;
	vm13 =	vmmov $0x3fff;
	vm14 =	vmmov $0x7fff;
	s6 =	simm.s32 $0x0;
	[dreg:$0x8] =	wrdreg s26;
	s26 =	simm.s32 $0x600  }
.LBB2_1:
0x12: {  	[dreg:$0x9] =	wrdreg s6  }
0x13: {  	s15 =	rddreg [dreg:$0x5]  }
0x14: {  	[tilespmem:s2], [sflag:$0x11] =	stream.linear.gather [hbm4b:s15+s2], $0x200, $0x38;
	[tilespmem:$0xE00] =	vst v63  }
0x15: {  	_ =	swait.ge [sflag:s16], $0x200  }
0x16: {  	[sflag:s16] =	ssyncset.done $0x0  }
0x17: {  	s17 =	simm.s32 $0x200;
	s12 =	rddreg [dreg:$0x6];
	[sflag:s16] =	ssyncadd.s32 $0xFFFFFE00  }
0x18: {  	[tilespmem:s17], [sflag:$0x11] =	stream.linear.gather [hbm4b:s12+s2], $0x200, $0x38;
	[tilespmem:$0xE00] =	vst v63  }
0x19: {  	_ =	swait.ge [sflag:s16], $0x200  }
0x1a: {  	[sflag:s16] =	ssyncset.done $0x0  }
0x1b: {  	[sflag:s16] =	ssyncadd.s32 $0xFFFFFE00  }
0x1c: {  	v0 =	vld [tilespmem:$0x0];
	_ =	sdelay $0x1  }
0x1d: {  	v1 =	vld [tilespmem:$0x200];
	_ =	sdelay $0x2  }
0x1e: {  	v0 =	vshll.u32 v0, $0x4  }
0x1f: {  	(v2sf) =	vpush v0, $0x0  }
0x20: {  	v1 =	vshll.u32 v1, $0x4  }
0x21: {  	(v2sf) =	vpush v1, $0x0;
	_ =	sdelay $0x2  }
0x22: {  	(v2sf) =	vpush v0, $0x1;
	_ =	sdelay $0x2  }
0x23: {  	(v2sf) =	vpush v1, $0x1;
	_ =	sdelay $0x6  }
0x24: {  	s13 =	spop (v2sf);
	(v2sf) =	vpush v0, $0x2;
	_ =	sdelay $0x1  }
0x25: {  	s15 =	sand.u32 $0x1FFFFFF0, s13;
	s16 =	spop (v2sf);
	(v2sf) =	vpush v1, $0x2  }
0x26: {  	s14 =	simm.s32 $0x400;
	s15 =	sadd.s32 s3, s15  }
0x27: {  	[tilespmem:s14], [sflag:$0x1] =	stream.linear.gather [hbm4b:s15+s2], $0x80, $0x38;
	[tilespmem:$0xE00] =	vst v63  }
0x28: {  	s17 =	spop (v2sf);
	(v2sf) =	vpush v0, $0x3;
	s15 =	sand.u32 $0x1FFFFFF0, s16  }
0x29: {  	s15 =	sadd.s32 s4, s15  }
0x2a: {  	[tilespmem:s18], [sflag:$0x9] =	stream.linear.gather [hbm4b:s15+s2], $0x80, $0x38;
	[tilespmem:$0xE00] =	vst v63  }
0x2b: {  	s18 =	spop (v2sf);
	(v2sf) =	vpush v1, $0x3;
	_ =	sdelay $0x2  }
0x2c: {  	s15 =	sand.u32 $0x1FFFFFF0, s17  }
0x2d: {  	s15 =	sadd.s32 s3, s15  }
0x2e: {  	[tilespmem:s19], [sflag:$0x2] =	stream.linear.gather [hbm4b:s15+s2], $0x80, $0x38;
	[tilespmem:$0xE00] =	vst v63  }
0x2f: {  	s15 =	sand.u32 $0x1FFFFFF0, s18  }
0x30: {  	s15 =	sadd.s32 s4, s15;
	s19 =	spop (v2sf);
	(v2sf) =	vpush v0, $0x4  }
0x31: {  	[tilespmem:s20], [sflag:$0xA] =	stream.linear.gather [hbm4b:s15+s2], $0x80, $0x38;
	[tilespmem:$0xE00] =	vst v63  }
0x32: {  	s20 =	spop (v2sf);
	(v2sf) =	vpush v1, $0x4;
	_ =	sdelay $0x2  }
0x33: {  	s15 =	sand.u32 $0x1FFFFFF0, s19;
	s21 =	spop (v2sf);
	(v2sf) =	vpush v0, $0x5  }
0x34: {  	s15 =	sadd.s32 s3, s15  }
0x35: {  	[tilespmem:s22], [sflag:$0x3] =	stream.linear.gather [hbm4b:s15+s2], $0x80, $0x38;
	[tilespmem:$0xE00] =	vst v63  }
0x36: {  	s15 =	sand.u32 $0x1FFFFFF0, s20;
	s22 =	spop (v2sf);
	(v2sf) =	vpush v1, $0x5  }
0x37: {  	s15 =	sadd.s32 s4, s15  }
0x38: {  	[tilespmem:s23], [sflag:$0xB] =	stream.linear.gather [hbm4b:s15+s2], $0x80, $0x38;
	[tilespmem:$0xE00] =	vst v63  }
0x39: {  	s15 =	sand.u32 $0x1FFFFFF0, s21  }
0x3a: {  	s15 =	sadd.s32 s3, s15  }
0x3b: {  	[tilespmem:s24], [sflag:$0x4] =	stream.linear.gather [hbm4b:s15+s2], $0x80, $0x38;
	[tilespmem:$0xE00] =	vst v63  }
0x3c: {  	s15 =	sand.u32 $0x1FFFFFF0, s22  }
0x3d: {  	s15 =	sadd.s32 s4, s15;
	s23 =	spop (v2sf);
	(v2sf) =	vpush v0, $0x6  }
0x3e: {  	[tilespmem:s25], [sflag:$0xC] =	stream.linear.gather [hbm4b:s15+s2], $0x80, $0x38;
	[tilespmem:$0xE00] =	vst v63  }
0x3f: {  	s15 =	sand.u32 $0x1FFFFFF0, s23;
	s24 =	spop (v2sf);
	(v2sf) =	vpush v1, $0x6  }
0x40: {  	s15 =	sadd.s32 s3, s15  }
0x41: {  	[tilespmem:s26], [sflag:$0x5] =	stream.linear.gather [hbm4b:s15+s2], $0x80, $0x38;
	[tilespmem:$0xE00] =	vst v63  }
0x42: {  	s25 =	spop (v2sf);
	(v2sf) =	vpush v0, $0x7;
	s15 =	sand.u32 $0x1FFFFFF0, s24  }
0x43: {  	s15 =	sadd.s32 s4, s15  }
0x44: {  	[tilespmem:s28], [sflag:$0xD] =	stream.linear.gather [hbm4b:s15+s2], $0x80, $0x38;
	[tilespmem:$0xE00] =	vst v63  }
0x45: {  	s26 =	spop (v2sf);
	(v2sf) =	vpush v1, $0x7  }
0x46: {  	s15 =	sand.u32 $0x1FFFFFF0, s25  }
0x47: {  	s15 =	sadd.s32 s3, s15  }
0x48: {  	[tilespmem:s29], [sflag:$0x6] =	stream.linear.gather [hbm4b:s15+s2], $0x80, $0x38;
	[tilespmem:$0xE00] =	vst v63  }
0x49: {  	s15 =	sand.u32 $0x1FFFFFF0, s26  }
0x4a: {  	s15 =	sadd.s32 s4, s15  }
0x4b: {  	[tilespmem:s30], [sflag:$0xE] =	stream.linear.gather [hbm4b:s15+s2], $0x80, $0x38;
	[tilespmem:$0xE00] =	vst v63  }
0x4c: {  	s28 =	spop (v2sf)  }
0x4d: {  	s15 =	sand.u32 $0x1FFFFFF0, s28  }
0x4e: {  	s29 =	spop (v2sf);
	s15 =	sadd.s32 s3, s15  }
0x4f: {  	[tilespmem:s31], [sflag:$0x7] =	stream.linear.gather [hbm4b:s15+s2], $0x80, $0x38;
	[tilespmem:$0xE00] =	vst v63  }
0x50: {  	s15 =	sand.u32 $0x1FFFFFF0, s29  }
0x51: {  	s30 =	spop (v2sf);
	s15 =	sadd.s32 s4, s15  }
0x52: {  	[tilespmem:s0], [sflag:$0xF] =	stream.linear.gather [hbm4b:s15+s2], $0x80, $0x38;
	[tilespmem:$0xE00] =	vst v63  }
0x53: {  	s15 =	sand.u32 $0x1FFFFFF0, s30  }
0x54: {  	s31 =	spop (v2sf);
	s15 =	sadd.s32 s3, s15  }
0x55: {  	[tilespmem:s1], [sflag:$0x8] =	stream.linear.gather [hbm4b:s15+s2], $0x80, $0x38;
	[tilespmem:$0xE00] =	vst v63  }
0x56: {  	s15 =	sand.u32 $0x1FFFFFF0, s31  }
0x57: {  	s15 =	sadd.s32 s4, s15  }
0x58: {  	[tilespmem:s10], [sflag:$0x10] =	stream.linear.gather [hbm4b:s15+s2], $0x80, $0x38;
	[tilespmem:$0xE00] =	vst v63  }
0x59: {  	s15 =	simm.s32 $0x0  }
.LBB2_2:
0x5a: {  	s21 =	sshra.s32 s15, $0x2  }
0x5b: {  	v0 =	vld [tilespmem:s21+$0x0]  }
0x5c: {  	v1 =	vld [tilespmem:s21+$0x200]  }
0x5d: {  	v8 =	vld [tilespmem:s21+$0x10]  }
0x5e: {  	v7 =	vld [tilespmem:s21+$0x210];
	_ =	swait.ge [sflag:s5], $0x80  }
0x5f: {  	[sflag:s5] =	ssyncset.done $0x0  }
0x60: {  	s20 =	simm.s32 $0x9;
	[sflag:s5] =	ssyncadd.s32 $0xFFFFFF80  }
0x61: {  	_ =	swait.ge [sflag:s20], $0x80  }
0x62: {  	[sflag:s20] =	ssyncset.done $0x0  }
0x63: {  	[sflag:s20] =	ssyncadd.s32 $0xFFFFFF80  }
0x64: {  	v2 =	vld [tilespmem:$0x400]  }
0x65: {  	v3 =	vld [tilespmem:$0x800]  }
0x66: {  	v4 =	vld [tilespmem:$0x410]  }
0x67: {  	v5 =	vld [tilespmem:$0x810]  }
0x68: {  	v9 =	vshll.u32 v0, $0x4;
	v54 =	vld [tilespmem:$0x420]  }
0x69: {  	(v2sf) =	vpush v9, $0x8;
	v6 =	vld [tilespmem:$0x820]  }
0x6a: {  	v10 =	vshll.u32 v1, $0x4;
	v55 =	vld [tilespmem:$0x430];
	v2 =	vmul.f32 v3, v2  }
0x6b: {  	v11 =	vld [tilespmem:$0x830];
	(v2sf) =	vpush v10, $0x8  }
0x6c: {  	v57 =	vmul.f32 v5, v4;
	v56 =	vadd.f32 $0.0e+00, v2;
	_ =	sdelay $0x1  }
0x6d: {  	v0 =	vmul.f32 v6, v54;
	v1 =	vadd.f32 v57, v56;
	_ =	sdelay $0x1  }
0x6e: {  	v58 =	vmul.f32 v11, v55;
	v0 =	vadd.f32 v0, v1;
	_ =	sdelay $0x1  }
0x6f: {  	v0 =	vadd.f32 v58, v0;
	_ =	sdelay $0x1  }
0x70: {  	(xrf2) =	vadd.scan.msk.f32 $0xffff, v0;
	_ =	sdelay $0x3  }
0x71: {  	s17 =	spop (v2sf)  }
0x72: {  	s17 =	sand.u32 $0x1FFFFFF0, s17  }
0x73: {  	s0 =	simm.s32 $0x400;
	s19 =	spop (v2sf);
	s17 =	sadd.s32 s3, s17  }
0x74: {  	[tilespmem:s0], [sflag:$0x1] =	stream.linear.gather [hbm4b:s17+s2], $0x80, $0x38;
	[tilespmem:$0xE00] =	vst v63  }
0x75: {  	s17 =	sand.u32 $0x1FFFFFF0, s19  }
0x76: {  	s22 =	simm.s32 $0x800;
	s19 =	simm.s32 $0x2;
	s17 =	sadd.s32 s4, s17  }
0x77: {  	[tilespmem:s22], [sflag:$0x9] =	stream.linear.gather [hbm4b:s17+s2], $0x80, $0x38;
	v0, _, _ =	vpop (xrf2);
	[tilespmem:$0xE00] =	vst v63  }
0x78: {  	_ =	swait.ge [sflag:s19], $0x80  }
0x79: {  	[sflag:s19] =	ssyncset.done $0x0  }
0x7a: {  	s16 =	simm.s32 $0xA;
	[sflag:s19] =	ssyncadd.s32 $0xFFFFFF80  }
0x7b: {  	_ =	swait.ge [sflag:s16], $0x80  }
0x7c: {  	[sflag:s16] =	ssyncset.done $0x0  }
0x7d: {  	[sflag:s16] =	ssyncadd.s32 $0xFFFFFF80  }
0x7e: {  	v59 =	vld [tilespmem:$0x480]  }
0x7f: {  	v60 =	vld [tilespmem:$0x880]  }
0x80: {  	v61 =	vld [tilespmem:$0x490]  }
0x81: {  	v62 =	vld [tilespmem:$0x890]  }
0x82: {  	v63 =	vld [tilespmem:$0x4A0]  }
0x83: {  	(v2sf) =	vpush v9, $0x9;
	v12 =	vld [tilespmem:$0x8A0]  }
0x84: {  	v13 =	vld [tilespmem:$0x4B0];
	v1 =	vmul.f32 v60, v59  }
0x85: {  	(v2sf) =	vpush v10, $0x9;
	v14 =	vld [tilespmem:$0x8B0]  }
0x86: {  	v3 =	vmul.f32 v62, v61;
	v1 =	vadd.f32 $0.0e+00, v1;
	_ =	sdelay $0x1  }
0x87: {  	v15 =	vmul.f32 v12, v63;
	v1 =	vadd.f32 v3, v1;
	_ =	sdelay $0x1  }
0x88: {  	v2 =	vmul.f32 v14, v13;
	v1 =	vadd.f32 v15, v1;
	_ =	sdelay $0x1  }
0x89: {  	v1 =	vadd.f32 v2, v1;
	_ =	sdelay $0x1  }
0x8a: {  	(xrf2) =	vadd.scan.msk.f32 $0xffff, v1;
	_ =	sdelay $0x3  }
0x8b: {  	s23 =	spop (v2sf)  }
0x8c: {  	s17 =	sand.u32 $0x1FFFFFF0, s23  }
0x8d: {  	s24 =	simm.s32 $0x480;
	s25 =	spop (v2sf);
	s17 =	sadd.s32 s3, s17  }
0x8e: {  	[tilespmem:s24], [sflag:$0x2] =	stream.linear.gather [hbm4b:s17+s2], $0x80, $0x38;
	[tilespmem:$0xE00] =	vst v63  }
0x8f: {  	s17 =	sand.u32 $0x1FFFFFF0, s25  }
0x90: {  	s26 =	simm.s32 $0x880;
	s10 =	simm.s32 $0x3;
	s17 =	sadd.s32 s4, s17  }
0x91: {  	[tilespmem:s26], [sflag:$0xA] =	stream.linear.gather [hbm4b:s17+s2], $0x80, $0x38;
	v1, _, _ =	vpop (xrf2);
	[tilespmem:$0xE00] =	vst v63  }
0x92: {  	_ =	swait.ge [sflag:s10], $0x80  }
0x93: {  	[sflag:s10] =	ssyncset.done $0x0  }
0x94: {  	s5 =	simm.s32 $0xB;
	[sflag:s10] =	ssyncadd.s32 $0xFFFFFF80  }
0x95: {  	_ =	swait.ge [sflag:s5], $0x80  }
0x96: {  	[sflag:s5] =	ssyncset.done $0x0  }
0x97: {  	[sflag:s5] =	ssyncadd.s32 $0xFFFFFF80  }
0x98: {  	v16 =	vld [tilespmem:$0x500]  }
0x99: {  	v17 =	vld [tilespmem:$0x900]  }
0x9a: {  	v18 =	vld [tilespmem:$0x510]  }
0x9b: {  	v19 =	vld [tilespmem:$0x910]  }
0x9c: {  	v20 =	vld [tilespmem:$0x520]  }
0x9d: {  	(v2sf) =	vpush v9, $0xA;
	v21 =	vld [tilespmem:$0x920]  }
0x9e: {  	v22 =	vld [tilespmem:$0x530];
	v2 =	vmul.f32 v17, v16  }
0x9f: {  	(v2sf) =	vpush v10, $0xA;
	v12 =	vld [tilespmem:$0x930]  }
0xa0: {  	v4 =	vmul.f32 v19, v18;
	v2 =	vadd.f32 $0.0e+00, v2;
	_ =	sdelay $0x1  }
0xa1: {  	v23 =	vmul.f32 v21, v20;
	v2 =	vadd.f32 v4, v2;
	_ =	sdelay $0x1  }
0xa2: {  	v3 =	vmul.f32 v12, v22;
	v2 =	vadd.f32 v23, v2;
	_ =	sdelay $0x1  }
0xa3: {  	v2 =	vadd.f32 v3, v2;
	_ =	sdelay $0x1  }
0xa4: {  	(xrf2) =	vadd.scan.msk.f32 $0xffff, v2;
	_ =	sdelay $0x3  }
0xa5: {  	s0 =	spop (v2sf)  }
0xa6: {  	s17 =	sand.u32 $0x1FFFFFF0, s0  }
0xa7: {  	s23 =	simm.s32 $0x500;
	s1 =	spop (v2sf);
	s17 =	sadd.s32 s3, s17  }
0xa8: {  	[tilespmem:s23], [sflag:$0x3] =	stream.linear.gather [hbm4b:s17+s2], $0x80, $0x38;
	[tilespmem:$0xE00] =	vst v63  }
0xa9: {  	s17 =	sand.u32 $0x1FFFFFF0, s1  }
0xaa: {  	s24 =	simm.s32 $0x900;
	s1 =	simm.s32 $0x4;
	s17 =	sadd.s32 s4, s17  }
0xab: {  	[tilespmem:s24], [sflag:$0xB] =	stream.linear.gather [hbm4b:s17+s2], $0x80, $0x38;
	v2, _, _ =	vpop (xrf2);
	[tilespmem:$0xE00] =	vst v63  }
0xac: {  	_ =	swait.ge [sflag:s1], $0x80  }
0xad: {  	[sflag:s1] =	ssyncset.done $0x0  }
0xae: {  	s0 =	simm.s32 $0xC;
	[sflag:s1] =	ssyncadd.s32 $0xFFFFFF80  }
0xaf: {  	_ =	swait.ge [sflag:s0], $0x80  }
0xb0: {  	[sflag:s0] =	ssyncset.done $0x0  }
0xb1: {  	[sflag:s0] =	ssyncadd.s32 $0xFFFFFF80  }
0xb2: {  	v24 =	vld [tilespmem:$0x580]  }
0xb3: {  	v25 =	vld [tilespmem:$0x980]  }
0xb4: {  	v26 =	vld [tilespmem:$0x590]  }
0xb5: {  	v27 =	vld [tilespmem:$0x990]  }
0xb6: {  	v28 =	vld [tilespmem:$0x5A0]  }
0xb7: {  	(v2sf) =	vpush v9, $0xB;
	v29 =	vld [tilespmem:$0x9A0]  }
0xb8: {  	v30 =	vld [tilespmem:$0x5B0];
	v3 =	vmul.f32 v25, v24  }
0xb9: {  	(v2sf) =	vpush v10, $0xB;
	v13 =	vld [tilespmem:$0x9B0]  }
0xba: {  	v5 =	vmul.f32 v27, v26;
	v3 =	vadd.f32 $0.0e+00, v3;
	_ =	sdelay $0x1  }
0xbb: {  	v31 =	vmul.f32 v29, v28;
	v3 =	vadd.f32 v5, v3;
	_ =	sdelay $0x1  }
0xbc: {  	v4 =	vmul.f32 v13, v30;
	v3 =	vadd.f32 v31, v3;
	_ =	sdelay $0x1  }
0xbd: {  	v3 =	vadd.f32 v4, v3;
	_ =	sdelay $0x1  }
0xbe: {  	(xrf2) =	vadd.scan.msk.f32 $0xffff, v3;
	_ =	sdelay $0x3  }
0xbf: {  	s6 =	spop (v2sf)  }
0xc0: {  	s17 =	sand.u32 $0x1FFFFFF0, s6  }
0xc1: {  	s25 =	simm.s32 $0x580;
	s7 =	spop (v2sf);
	s17 =	sadd.s32 s3, s17  }
0xc2: {  	[tilespmem:s25], [sflag:$0x4] =	stream.linear.gather [hbm4b:s17+s2], $0x80, $0x38;
	[tilespmem:$0xE00] =	vst v63  }
0xc3: {  	s17 =	sand.u32 $0x1FFFFFF0, s7  }
0xc4: {  	s26 =	simm.s32 $0x980;
	s6 =	simm.s32 $0x5;
	s17 =	sadd.s32 s4, s17  }
0xc5: {  	[tilespmem:s26], [sflag:$0xC] =	stream.linear.gather [hbm4b:s17+s2], $0x80, $0x38;
	v3, _, _ =	vpop (xrf2);
	[tilespmem:$0xE00] =	vst v63  }
0xc6: {  	_ =	swait.ge [sflag:s6], $0x80  }
0xc7: {  	[sflag:s6] =	ssyncset.done $0x0  }
0xc8: {  	s7 =	simm.s32 $0xD;
	[sflag:s6] =	ssyncadd.s32 $0xFFFFFF80  }
0xc9: {  	_ =	swait.ge [sflag:s7], $0x80  }
0xca: {  	[sflag:s7] =	ssyncset.done $0x0  }
0xcb: {  	[sflag:s7] =	ssyncadd.s32 $0xFFFFFF80  }
0xcc: {  	v32 =	vld [tilespmem:$0x600]  }
0xcd: {  	v33 =	vld [tilespmem:$0xA00]  }
0xce: {  	v34 =	vld [tilespmem:$0x610]  }
0xcf: {  	v35 =	vld [tilespmem:$0xA10]  }
0xd0: {  	v36 =	vld [tilespmem:$0x620]  }
0xd1: {  	(v2sf) =	vpush v9, $0xC;
	v37 =	vld [tilespmem:$0xA20]  }
0xd2: {  	v38 =	vld [tilespmem:$0x630];
	v4 =	vmul.f32 v33, v32  }
0xd3: {  	(v2sf) =	vpush v10, $0xC;
	v14 =	vld [tilespmem:$0xA30]  }
0xd4: {  	v6 =	vmul.f32 v35, v34;
	v4 =	vadd.f32 $0.0e+00, v4;
	_ =	sdelay $0x1  }
0xd5: {  	v39 =	vmul.f32 v37, v36;
	v4 =	vadd.f32 v6, v4;
	_ =	sdelay $0x1  }
0xd6: {  	v5 =	vmul.f32 v14, v38;
	v4 =	vadd.f32 v39, v4;
	_ =	sdelay $0x1  }
0xd7: {  	v4 =	vadd.f32 v5, v4;
	_ =	sdelay $0x1  }
0xd8: {  	(xrf2) =	vadd.scan.msk.f32 $0xffff, v4;
	_ =	sdelay $0x3  }
0xd9: {  	s8 =	spop (v2sf)  }
0xda: {  	s17 =	sand.u32 $0x1FFFFFF0, s8  }
0xdb: {  	s28 =	simm.s32 $0x600;
	s9 =	spop (v2sf);
	s17 =	sadd.s32 s3, s17  }
0xdc: {  	[tilespmem:s28], [sflag:$0x5] =	stream.linear.gather [hbm4b:s17+s2], $0x80, $0x38;
	[tilespmem:$0xE00] =	vst v63  }
0xdd: {  	s17 =	sand.u32 $0x1FFFFFF0, s9  }
0xde: {  	s29 =	simm.s32 $0xA00;
	s8 =	simm.s32 $0x6;
	s17 =	sadd.s32 s4, s17  }
0xdf: {  	[tilespmem:s29], [sflag:$0xD] =	stream.linear.gather [hbm4b:s17+s2], $0x80, $0x38;
	v4, _, _ =	vpop (xrf2);
	[tilespmem:$0xE00] =	vst v63  }
0xe0: {  	_ =	swait.ge [sflag:s8], $0x80  }
0xe1: {  	[sflag:s8] =	ssyncset.done $0x0  }
0xe2: {  	s9 =	simm.s32 $0xE;
	[sflag:s8] =	ssyncadd.s32 $0xFFFFFF80  }
0xe3: {  	_ =	swait.ge [sflag:s9], $0x80  }
0xe4: {  	[sflag:s9] =	ssyncset.done $0x0  }
0xe5: {  	[sflag:s9] =	ssyncadd.s32 $0xFFFFFF80  }
0xe6: {  	v40 =	vld [tilespmem:$0x680]  }
0xe7: {  	v41 =	vld [tilespmem:$0xA80]  }
0xe8: {  	v42 =	vld [tilespmem:$0x690]  }
0xe9: {  	v43 =	vld [tilespmem:$0xA90]  }
0xea: {  	v44 =	vld [tilespmem:$0x6A0]  }
0xeb: {  	(v2sf) =	vpush v9, $0xD;
	v45 =	vld [tilespmem:$0xAA0]  }
0xec: {  	v46 =	vld [tilespmem:$0x6B0];
	v5 =	vmul.f32 v41, v40  }
0xed: {  	(v2sf) =	vpush v10, $0xD;
	v15 =	vld [tilespmem:$0xAB0]  }
0xee: {  	v11 =	vmul.f32 v43, v42;
	v5 =	vadd.f32 $0.0e+00, v5;
	_ =	sdelay $0x1  }
0xef: {  	v47 =	vmul.f32 v45, v44;
	v5 =	vadd.f32 v11, v5;
	_ =	sdelay $0x1  }
0xf0: {  	v6 =	vmul.f32 v15, v46;
	v5 =	vadd.f32 v47, v5;
	_ =	sdelay $0x1  }
0xf1: {  	v5 =	vadd.f32 v6, v5;
	_ =	sdelay $0x1  }
0xf2: {  	(xrf2) =	vadd.scan.msk.f32 $0xffff, v5;
	_ =	sdelay $0x3  }
0xf3: {  	s11 =	spop (v2sf)  }
0xf4: {  	s17 =	sand.u32 $0x1FFFFFF0, s11  }
0xf5: {  	s30 =	simm.s32 $0x680;
	s12 =	spop (v2sf);
	s17 =	sadd.s32 s3, s17  }
0xf6: {  	[tilespmem:s30], [sflag:$0x6] =	stream.linear.gather [hbm4b:s17+s2], $0x80, $0x38;
	[tilespmem:$0xE00] =	vst v63  }
0xf7: {  	s17 =	sand.u32 $0x1FFFFFF0, s12  }
0xf8: {  	s31 =	simm.s32 $0xA80;
	s11 =	simm.s32 $0x7;
	s17 =	sadd.s32 s4, s17  }
0xf9: {  	[tilespmem:s31], [sflag:$0xE] =	stream.linear.gather [hbm4b:s17+s2], $0x80, $0x38;
	v5, _, _ =	vpop (xrf2);
	[tilespmem:$0xE00] =	vst v63  }
0xfa: {  	_ =	swait.ge [sflag:s11], $0x80  }
0xfb: {  	[sflag:s11] =	ssyncset.done $0x0  }
0xfc: {  	s12 =	simm.s32 $0xF;
	[sflag:s11] =	ssyncadd.s32 $0xFFFFFF80  }
0xfd: {  	_ =	swait.ge [sflag:s12], $0x80  }
0xfe: {  	[sflag:s12] =	ssyncset.done $0x0  }
0xff: {  	[sflag:s12] =	ssyncadd.s32 $0xFFFFFF80  }
0x100: {  	v48 =	vld [tilespmem:$0x700]  }
0x101: {  	v49 =	vld [tilespmem:$0xB00]  }
0x102: {  	v50 =	vld [tilespmem:$0x710]  }
0x103: {  	v51 =	vld [tilespmem:$0xB10]  }
0x104: {  	v52 =	vld [tilespmem:$0x720]  }
0x105: {  	(v2sf) =	vpush v9, $0xE;
	v53 =	vld [tilespmem:$0xB20]  }
0x106: {  	v54 =	vld [tilespmem:$0x730];
	v6 =	vmul.f32 v49, v48  }
0x107: {  	(v2sf) =	vpush v10, $0xE;
	v16 =	vld [tilespmem:$0xB30]  }
0x108: {  	v12 =	vmul.f32 v51, v50;
	v6 =	vadd.f32 $0.0e+00, v6;
	_ =	sdelay $0x1  }
0x109: {  	v55 =	vmul.f32 v53, v52;
	v6 =	vadd.f32 v12, v6;
	_ =	sdelay $0x1  }
0x10a: {  	v11 =	vmul.f32 v16, v54;
	v6 =	vadd.f32 v55, v6;
	_ =	sdelay $0x1  }
0x10b: {  	v6 =	vadd.f32 v11, v6;
	_ =	sdelay $0x1  }
0x10c: {  	(xrf2) =	vadd.scan.msk.f32 $0xffff, v6;
	_ =	sdelay $0x3  }
0x10d: {  	s13 =	spop (v2sf)  }
0x10e: {  	s17 =	sand.u32 $0x1FFFFFF0, s13  }
0x10f: {  	s13 =	simm.s32 $0x700;
	s14 =	spop (v2sf);
	s17 =	sadd.s32 s3, s17  }
0x110: {  	[tilespmem:s13], [sflag:$0x7] =	stream.linear.gather [hbm4b:s17+s2], $0x80, $0x38;
	[tilespmem:$0xE00] =	vst v63  }
0x111: {  	s17 =	sand.u32 $0x1FFFFFF0, s14  }
0x112: {  	s18 =	simm.s32 $0xB00;
	s13 =	simm.s32 $0x8;
	s17 =	sadd.s32 s4, s17  }
0x113: {  	[tilespmem:s18], [sflag:$0xF] =	stream.linear.gather [hbm4b:s17+s2], $0x80, $0x38;
	v6, _, _ =	vpop (xrf2);
	[tilespmem:$0xE00] =	vst v63  }
0x114: {  	_ =	swait.ge [sflag:s13], $0x80  }
0x115: {  	[sflag:s13] =	ssyncset.done $0x0  }
0x116: {  	s14 =	simm.s32 $0x10;
	[sflag:s13] =	ssyncadd.s32 $0xFFFFFF80  }
0x117: {  	_ =	swait.ge [sflag:s14], $0x80  }
0x118: {  	[sflag:s14] =	ssyncset.done $0x0  }
0x119: {  	[sflag:s14] =	ssyncadd.s32 $0xFFFFFF80  }
0x11a: {  	v56 =	vld [tilespmem:$0x780]  }
0x11b: {  	v57 =	vld [tilespmem:$0xB80]  }
0x11c: {  	v58 =	vld [tilespmem:$0x790]  }
0x11d: {  	v59 =	vld [tilespmem:$0xB90]  }
0x11e: {  	(v2sf) =	vpush v9, $0xF;
	v60 =	vld [tilespmem:$0x7A0]  }
0x11f: {  	v61 =	vld [tilespmem:$0xBA0]  }
0x120: {  	v62 =	vld [tilespmem:$0x7B0];
	v11 =	vmul.f32 v57, v56  }
0x121: {  	v63 =	vld [tilespmem:$0xBB0]  }
0x122: {  	(v2sf) =	vpush v10, $0xF;
	v13 =	vmul.f32 v59, v58;
	v11 =	vadd.f32 $0.0e+00, v11;
	_ =	sdelay $0x1  }
0x123: {  	v9 =	vmul.f32 v61, v60;
	v19 =	vadd.f32 v13, v11;
	_ =	sdelay $0x1  }
0x124: {  	v20 =	vmul.f32 v63, v62;
	v9 =	vadd.f32 v9, v19;
	_ =	sdelay $0x1  }
0x125: {  	v9 =	vadd.f32 v20, v9;
	_ =	sdelay $0x1  }
0x126: {  	(xrf2) =	vadd.scan.msk.f32 $0xffff, v9;
	_ =	sdelay $0x2  }
0x127: {  	s22 =	spop (v2sf)  }
0x128: {  	s17 =	sand.u32 $0x1FFFFFF0, s22  }
0x129: {  	s18 =	simm.s32 $0x780;
	s17 =	sadd.s32 s3, s17  }
0x12a: {  	[tilespmem:s18], [sflag:$0x8] =	stream.linear.gather [hbm4b:s17+s2], $0x80, $0x38;
	[tilespmem:$0xE00] =	vst v63  }
0x12b: {  	s18 =	spop (v2sf)  }
0x12c: {  	s17 =	sand.u32 $0x1FFFFFF0, s18  }
0x12d: {  	s22 =	simm.s32 $0xB80;
	s18 =	simm.s32 $0x1;
	s17 =	sadd.s32 s4, s17  }
0x12e: {  	[tilespmem:s22], [sflag:$0x10] =	stream.linear.gather [hbm4b:s17+s2], $0x80, $0x38;
	v9, _, _ =	vpop (xrf2);
	[tilespmem:$0xE00] =	vst v63  }
0x12f: {  	_ =	swait.ge [sflag:s18], $0x80  }
0x130: {  	[sflag:s18] =	ssyncset.done $0x0  }
0x131: {  	[sflag:s18] =	ssyncadd.s32 $0xFFFFFF80  }
0x132: {  	_ =	swait.ge [sflag:s20], $0x80  }
0x133: {  	[sflag:s20] =	ssyncset.done $0x0  }
0x134: {  	[sflag:s20] =	ssyncadd.s32 $0xFFFFFF80  }
0x135: {  	v21 =	vld [tilespmem:$0x400]  }
0x136: {  	v22 =	vld [tilespmem:$0x800]  }
0x137: {  	v23 =	vld [tilespmem:$0x410]  }
0x138: {  	v24 =	vld [tilespmem:$0x810]  }
0x139: {  	v8 =	vshll.u32 v8, $0x4;
	v25 =	vld [tilespmem:$0x420]  }
0x13a: {  	(v2sf) =	vpush v8, $0x0;
	v26 =	vld [tilespmem:$0x820]  }
0x13b: {  	v10 =	vshll.u32 v7, $0x4;
	v27 =	vld [tilespmem:$0x430];
	v11 =	vmul.f32 v22, v21  }
0x13c: {  	(v2sf) =	vpush v10, $0x0;
	v17 =	vld [tilespmem:$0x830]  }
0x13d: {  	v29 =	vmul.f32 v24, v23;
	v28 =	vadd.f32 $0.0e+00, v11;
	_ =	sdelay $0x1  }
0x13e: {  	v30 =	vmul.f32 v26, v25;
	v7 =	vadd.f32 v29, v28;
	_ =	sdelay $0x1  }
0x13f: {  	v31 =	vmul.f32 v17, v27;
	v7 =	vadd.f32 v30, v7;
	_ =	sdelay $0x1  }
0x140: {  	v7 =	vadd.f32 v31, v7;
	_ =	sdelay $0x1  }
0x141: {  	(xrf2) =	vadd.scan.msk.f32 $0xffff, v7;
	_ =	sdelay $0x3  }
0x142: {  	s20 =	spop (v2sf)  }
0x143: {  	s17 =	sand.u32 $0x1FFFFFF0, s20  }
0x144: {  	s22 =	simm.s32 $0x400;
	s20 =	spop (v2sf);
	s17 =	sadd.s32 s3, s17  }
0x145: {  	[tilespmem:s22], [sflag:$0x1] =	stream.linear.gather [hbm4b:s17+s2], $0x80, $0x38;
	[tilespmem:$0xE00] =	vst v63  }
0x146: {  	s17 =	sand.u32 $0x1FFFFFF0, s20  }
0x147: {  	s22 =	simm.s32 $0x800;
	s17 =	sadd.s32 s4, s17  }
0x148: {  	[tilespmem:s22], [sflag:$0x9] =	stream.linear.gather [hbm4b:s17+s2], $0x80, $0x38;
	v7, _, _ =	vpop (xrf2);
	[tilespmem:$0xE00] =	vst v63  }
0x149: {  	_ =	swait.ge [sflag:s19], $0x80  }
0x14a: {  	[sflag:s19] =	ssyncset.done $0x0  }
0x14b: {  	[sflag:s19] =	ssyncadd.s32 $0xFFFFFF80  }
0x14c: {  	_ =	swait.ge [sflag:s16], $0x80  }
0x14d: {  	[sflag:s16] =	ssyncset.done $0x0  }
0x14e: {  	[sflag:s16] =	ssyncadd.s32 $0xFFFFFF80  }
0x14f: {  	v32 =	vld [tilespmem:$0x480]  }
0x150: {  	v33 =	vld [tilespmem:$0x880]  }
0x151: {  	v34 =	vld [tilespmem:$0x490]  }
0x152: {  	v35 =	vld [tilespmem:$0x890]  }
0x153: {  	v36 =	vld [tilespmem:$0x4A0]  }
0x154: {  	(v2sf) =	vpush v8, $0x1;
	v37 =	vld [tilespmem:$0x8A0]  }
0x155: {  	v38 =	vld [tilespmem:$0x4B0];
	v11 =	vmul.f32 v33, v32  }
0x156: {  	(v2sf) =	vpush v10, $0x1;
	v39 =	vld [tilespmem:$0x8B0]  }
0x157: {  	v13 =	vmul.f32 v35, v34;
	v11 =	vadd.f32 $0.0e+00, v11;
	_ =	sdelay $0x1  }
0x158: {  	v40 =	vmul.f32 v37, v36;
	v11 =	vadd.f32 v13, v11;
	_ =	sdelay $0x1  }
0x159: {  	v12 =	vmul.f32 v39, v38;
	v11 =	vadd.f32 v40, v11;
	_ =	sdelay $0x1  }
0x15a: {  	v11 =	vadd.f32 v12, v11;
	_ =	sdelay $0x1  }
0x15b: {  	(xrf2) =	vadd.scan.msk.f32 $0xffff, v11;
	_ =	sdelay $0x3  }
0x15c: {  	s20 =	spop (v2sf)  }
0x15d: {  	s17 =	sand.u32 $0x1FFFFFF0, s20  }
0x15e: {  	s22 =	simm.s32 $0x480;
	s20 =	spop (v2sf);
	s17 =	sadd.s32 s3, s17  }
0x15f: {  	[tilespmem:s22], [sflag:$0x2] =	stream.linear.gather [hbm4b:s17+s2], $0x80, $0x38;
	[tilespmem:$0xE00] =	vst v63  }
0x160: {  	s17 =	sand.u32 $0x1FFFFFF0, s20  }
0x161: {  	s22 =	simm.s32 $0x880;
	s17 =	sadd.s32 s4, s17  }
0x162: {  	[tilespmem:s22], [sflag:$0xA] =	stream.linear.gather [hbm4b:s17+s2], $0x80, $0x38;
	v11, _, _ =	vpop (xrf2);
	[tilespmem:$0xE00] =	vst v63  }
0x163: {  	_ =	swait.ge [sflag:s10], $0x80  }
0x164: {  	[sflag:s10] =	ssyncset.done $0x0  }
0x165: {  	[sflag:s10] =	ssyncadd.s32 $0xFFFFFF80  }
0x166: {  	_ =	swait.ge [sflag:s5], $0x80  }
0x167: {  	[sflag:s5] =	ssyncset.done $0x0  }
0x168: {  	[sflag:s5] =	ssyncadd.s32 $0xFFFFFF80  }
0x169: {  	v41 =	vld [tilespmem:$0x500]  }
0x16a: {  	v42 =	vld [tilespmem:$0x900]  }
0x16b: {  	v43 =	vld [tilespmem:$0x510]  }
0x16c: {  	v44 =	vld [tilespmem:$0x910]  }
0x16d: {  	(v2sf) =	vpush v8, $0x2;
	v45 =	vld [tilespmem:$0x520]  }
0x16e: {  	v46 =	vld [tilespmem:$0x920]  }
0x16f: {  	v47 =	vld [tilespmem:$0x530];
	v12 =	vmul.f32 v42, v41  }
0x170: {  	v18 =	vld [tilespmem:$0x930]  }
0x171: {  	(v2sf) =	vpush v10, $0x2;
	v14 =	vmul.f32 v44, v43;
	v12 =	vadd.f32 $0.0e+00, v12;
	_ =	sdelay $0x1  }
0x172: {  	v48 =	vmul.f32 v46, v45;
	v12 =	vadd.f32 v14, v12;
	_ =	sdelay $0x1  }
0x173: {  	v13 =	vmul.f32 v18, v47;
	v12 =	vadd.f32 v48, v12;
	_ =	sdelay $0x1  }
0x174: {  	v12 =	vadd.f32 v13, v12;
	_ =	sdelay $0x1  }
0x175: {  	(xrf2) =	vadd.scan.msk.f32 $0xffff, v12;
	_ =	sdelay $0x2  }
0x176: {  	s22 =	spop (v2sf)  }
0x177: {  	s17 =	sand.u32 $0x1FFFFFF0, s22  }
0x178: {  	s17 =	sadd.s32 s3, s17  }
0x179: {  	[tilespmem:s23], [sflag:$0x3] =	stream.linear.gather [hbm4b:s17+s2], $0x80, $0x38;
	[tilespmem:$0xE00] =	vst v63  }
0x17a: {  	s23 =	spop (v2sf)  }
0x17b: {  	s17 =	sand.u32 $0x1FFFFFF0, s23  }
0x17c: {  	s17 =	sadd.s32 s4, s17  }
0x17d: {  	[tilespmem:s24], [sflag:$0xB] =	stream.linear.gather [hbm4b:s17+s2], $0x80, $0x38;
	v12, _, _ =	vpop (xrf2);
	[tilespmem:$0xE00] =	vst v63  }
0x17e: {  	_ =	swait.ge [sflag:s1], $0x80  }
0x17f: {  	[sflag:s1] =	ssyncset.done $0x0  }
0x180: {  	[sflag:s1] =	ssyncadd.s32 $0xFFFFFF80  }
0x181: {  	_ =	swait.ge [sflag:s0], $0x80  }
0x182: {  	[sflag:s0] =	ssyncset.done $0x0  }
0x183: {  	[sflag:s0] =	ssyncadd.s32 $0xFFFFFF80  }
0x184: {  	v49 =	vld [tilespmem:$0x580]  }
0x185: {  	v50 =	vld [tilespmem:$0x980]  }
0x186: {  	v51 =	vld [tilespmem:$0x590]  }
0x187: {  	v52 =	vld [tilespmem:$0x990]  }
0x188: {  	v53 =	vld [tilespmem:$0x5A0]  }
0x189: {  	(v2sf) =	vpush v8, $0x3;
	v54 =	vld [tilespmem:$0x9A0]  }
0x18a: {  	v55 =	vld [tilespmem:$0x5B0];
	v13 =	vmul.f32 v50, v49  }
0x18b: {  	(v2sf) =	vpush v10, $0x3;
	v19 =	vld [tilespmem:$0x9B0]  }
0x18c: {  	v15 =	vmul.f32 v52, v51;
	v13 =	vadd.f32 $0.0e+00, v13;
	_ =	sdelay $0x1  }
0x18d: {  	v56 =	vmul.f32 v54, v53;
	v13 =	vadd.f32 v15, v13;
	_ =	sdelay $0x1  }
0x18e: {  	v14 =	vmul.f32 v19, v55;
	v13 =	vadd.f32 v56, v13;
	_ =	sdelay $0x1  }
0x18f: {  	v13 =	vadd.f32 v14, v13;
	_ =	sdelay $0x1  }
0x190: {  	(xrf2) =	vadd.scan.msk.f32 $0xffff, v13;
	_ =	sdelay $0x3  }
0x191: {  	s24 =	spop (v2sf)  }
0x192: {  	s17 =	sand.u32 $0x1FFFFFF0, s24  }
0x193: {  	s0 =	spop (v2sf);
	s17 =	sadd.s32 s3, s17  }
0x194: {  	[tilespmem:s25], [sflag:$0x4] =	stream.linear.gather [hbm4b:s17+s2], $0x80, $0x38;
	[tilespmem:$0xE00] =	vst v63  }
0x195: {  	s17 =	sand.u32 $0x1FFFFFF0, s0  }
0x196: {  	s17 =	sadd.s32 s4, s17  }
0x197: {  	[tilespmem:s26], [sflag:$0xC] =	stream.linear.gather [hbm4b:s17+s2], $0x80, $0x38;
	v13, _, _ =	vpop (xrf2);
	[tilespmem:$0xE00] =	vst v63  }
0x198: {  	_ =	swait.ge [sflag:s6], $0x80  }
0x199: {  	[sflag:s6] =	ssyncset.done $0x0  }
0x19a: {  	[sflag:s6] =	ssyncadd.s32 $0xFFFFFF80  }
0x19b: {  	_ =	swait.ge [sflag:s7], $0x80  }
0x19c: {  	[sflag:s7] =	ssyncset.done $0x0  }
0x19d: {  	[sflag:s7] =	ssyncadd.s32 $0xFFFFFF80  }
0x19e: {  	v57 =	vld [tilespmem:$0x600]  }
0x19f: {  	v58 =	vld [tilespmem:$0xA00]  }
0x1a0: {  	v59 =	vld [tilespmem:$0x610]  }
0x1a1: {  	v60 =	vld [tilespmem:$0xA10]  }
0x1a2: {  	v61 =	vld [tilespmem:$0x620]  }
0x1a3: {  	(v2sf) =	vpush v8, $0x4;
	v62 =	vld [tilespmem:$0xA20]  }
0x1a4: {  	v63 =	vld [tilespmem:$0x630];
	v14 =	vmul.f32 v58, v57  }
0x1a5: {  	(v2sf) =	vpush v10, $0x4;
	v20 =	vld [tilespmem:$0xA30]  }
0x1a6: {  	v16 =	vmul.f32 v60, v59;
	v14 =	vadd.f32 $0.0e+00, v14;
	_ =	sdelay $0x1  }
0x1a7: {  	v23 =	vmul.f32 v62, v61;
	v14 =	vadd.f32 v16, v14;
	_ =	sdelay $0x1  }
0x1a8: {  	v15 =	vmul.f32 v20, v63;
	v14 =	vadd.f32 v23, v14;
	_ =	sdelay $0x1  }
0x1a9: {  	v14 =	vadd.f32 v15, v14;
	_ =	sdelay $0x1  }
0x1aa: {  	(xrf2) =	vadd.scan.msk.f32 $0xffff, v14;
	_ =	sdelay $0x3  }
0x1ab: {  	s1 =	spop (v2sf)  }
0x1ac: {  	s17 =	sand.u32 $0x1FFFFFF0, s1  }
0x1ad: {  	s5 =	spop (v2sf);
	s17 =	sadd.s32 s3, s17  }
0x1ae: {  	[tilespmem:s28], [sflag:$0x5] =	stream.linear.gather [hbm4b:s17+s2], $0x80, $0x38;
	[tilespmem:$0xE00] =	vst v63  }
0x1af: {  	s17 =	sand.u32 $0x1FFFFFF0, s5  }
0x1b0: {  	s17 =	sadd.s32 s4, s17  }
0x1b1: {  	[tilespmem:s29], [sflag:$0xD] =	stream.linear.gather [hbm4b:s17+s2], $0x80, $0x38;
	v14, _, _ =	vpop (xrf2);
	[tilespmem:$0xE00] =	vst v63  }
0x1b2: {  	_ =	swait.ge [sflag:s8], $0x80  }
0x1b3: {  	[sflag:s8] =	ssyncset.done $0x0  }
0x1b4: {  	[sflag:s8] =	ssyncadd.s32 $0xFFFFFF80  }
0x1b5: {  	_ =	swait.ge [sflag:s9], $0x80  }
0x1b6: {  	[sflag:s9] =	ssyncset.done $0x0  }
0x1b7: {  	[sflag:s9] =	ssyncadd.s32 $0xFFFFFF80  }
0x1b8: {  	v24 =	vld [tilespmem:$0x680]  }
0x1b9: {  	v25 =	vld [tilespmem:$0xA80]  }
0x1ba: {  	v26 =	vld [tilespmem:$0x690]  }
0x1bb: {  	v27 =	vld [tilespmem:$0xA90]  }
0x1bc: {  	v28 =	vld [tilespmem:$0x6A0]  }
0x1bd: {  	(v2sf) =	vpush v8, $0x5;
	v29 =	vld [tilespmem:$0xAA0]  }
0x1be: {  	v30 =	vld [tilespmem:$0x6B0];
	v15 =	vmul.f32 v25, v24  }
0x1bf: {  	(v2sf) =	vpush v10, $0x5;
	v21 =	vld [tilespmem:$0xAB0]  }
0x1c0: {  	v17 =	vmul.f32 v27, v26;
	v15 =	vadd.f32 $0.0e+00, v15;
	_ =	sdelay $0x1  }
0x1c1: {  	v31 =	vmul.f32 v29, v28;
	v15 =	vadd.f32 v17, v15;
	_ =	sdelay $0x1  }
0x1c2: {  	v16 =	vmul.f32 v21, v30;
	v15 =	vadd.f32 v31, v15;
	_ =	sdelay $0x1  }
0x1c3: {  	v15 =	vadd.f32 v16, v15;
	_ =	sdelay $0x1  }
0x1c4: {  	(xrf2) =	vadd.scan.msk.f32 $0xffff, v15;
	_ =	sdelay $0x3  }
0x1c5: {  	s6 =	spop (v2sf)  }
0x1c6: {  	s17 =	sand.u32 $0x1FFFFFF0, s6  }
0x1c7: {  	s7 =	spop (v2sf);
	s17 =	sadd.s32 s3, s17  }
0x1c8: {  	[tilespmem:s30], [sflag:$0x6] =	stream.linear.gather [hbm4b:s17+s2], $0x80, $0x38;
	[tilespmem:$0xE00] =	vst v63  }
0x1c9: {  	s17 =	sand.u32 $0x1FFFFFF0, s7  }
0x1ca: {  	s17 =	sadd.s32 s4, s17  }
0x1cb: {  	[tilespmem:s31], [sflag:$0xE] =	stream.linear.gather [hbm4b:s17+s2], $0x80, $0x38;
	v15, _, _ =	vpop (xrf2);
	[tilespmem:$0xE00] =	vst v63  }
0x1cc: {  	_ =	swait.ge [sflag:s11], $0x80  }
0x1cd: {  	[sflag:s11] =	ssyncset.done $0x0  }
0x1ce: {  	[sflag:s11] =	ssyncadd.s32 $0xFFFFFF80  }
0x1cf: {  	_ =	swait.ge [sflag:s12], $0x80  }
0x1d0: {  	[sflag:s12] =	ssyncset.done $0x0  }
0x1d1: {  	[sflag:s12] =	ssyncadd.s32 $0xFFFFFF80  }
0x1d2: {  	v32 =	vld [tilespmem:$0x700]  }
0x1d3: {  	v33 =	vld [tilespmem:$0xB00]  }
0x1d4: {  	v34 =	vld [tilespmem:$0x710]  }
0x1d5: {  	v35 =	vld [tilespmem:$0xB10]  }
0x1d6: {  	v36 =	vld [tilespmem:$0x720]  }
0x1d7: {  	(v2sf) =	vpush v8, $0x6;
	v37 =	vld [tilespmem:$0xB20]  }
0x1d8: {  	v38 =	vld [tilespmem:$0x730];
	v16 =	vmul.f32 v33, v32  }
0x1d9: {  	(v2sf) =	vpush v10, $0x6;
	v22 =	vld [tilespmem:$0xB30]  }
0x1da: {  	v18 =	vmul.f32 v35, v34;
	v16 =	vadd.f32 $0.0e+00, v16;
	_ =	sdelay $0x1  }
0x1db: {  	v39 =	vmul.f32 v37, v36;
	v16 =	vadd.f32 v18, v16;
	_ =	sdelay $0x1  }
0x1dc: {  	v17 =	vmul.f32 v22, v38;
	v16 =	vadd.f32 v39, v16;
	_ =	sdelay $0x1  }
0x1dd: {  	v16 =	vadd.f32 v17, v16;
	_ =	sdelay $0x1  }
0x1de: {  	(xrf2) =	vadd.scan.msk.f32 $0xffff, v16;
	_ =	sdelay $0x3  }
0x1df: {  	s8 =	spop (v2sf)  }
0x1e0: {  	s17 =	sand.u32 $0x1FFFFFF0, s8  }
0x1e1: {  	s9 =	simm.s32 $0x700;
	s10 =	spop (v2sf);
	s17 =	sadd.s32 s3, s17  }
0x1e2: {  	[tilespmem:s9], [sflag:$0x7] =	stream.linear.gather [hbm4b:s17+s2], $0x80, $0x38;
	[tilespmem:$0xE00] =	vst v63  }
0x1e3: {  	s17 =	sand.u32 $0x1FFFFFF0, s10  }
0x1e4: {  	s11 =	simm.s32 $0xB00;
	s17 =	sadd.s32 s4, s17  }
0x1e5: {  	[tilespmem:s11], [sflag:$0xF] =	stream.linear.gather [hbm4b:s17+s2], $0x80, $0x38;
	v16, _, _ =	vpop (xrf2);
	[tilespmem:$0xE00] =	vst v63  }
0x1e6: {  	_ =	swait.ge [sflag:s13], $0x80  }
0x1e7: {  	[sflag:s13] =	ssyncset.done $0x0  }
0x1e8: {  	[sflag:s13] =	ssyncadd.s32 $0xFFFFFF80  }
0x1e9: {  	_ =	swait.ge [sflag:s14], $0x80  }
0x1ea: {  	[sflag:s14] =	ssyncset.done $0x0  }
0x1eb: {  	[sflag:s14] =	ssyncadd.s32 $0xFFFFFF80  }
0x1ec: {  	v40 =	vld [tilespmem:$0x780]  }
0x1ed: {  	v41 =	vld [tilespmem:$0xB80]  }
0x1ee: {  	v42 =	vld [tilespmem:$0x790]  }
0x1ef: {  	v43 =	vld [tilespmem:$0xB90]  }
0x1f0: {  	v44 =	vld [tilespmem:$0x7A0]  }
0x1f1: {  	(v2sf) =	vpush v8, $0x7;
	v45 =	vld [tilespmem:$0xBA0]  }
0x1f2: {  	v46 =	vld [tilespmem:$0x7B0];
	v17 =	vmul.f32 v41, v40  }
0x1f3: {  	v47 =	vld [tilespmem:$0xBB0]  }
0x1f4: {  	v19 =	vmul.f32 v43, v42;
	v48 =	vadd.f32 $0.0e+00, v17  }
0x1f5: {  	(v2sf) =	vpush v10, $0x7  }
0x1f6: {  	v8 =	vmul.f32 v45, v44;
	v10 =	vadd.f32 v19, v48  }
0x1f7: {  	v0 =	vbroadcast v0, $0xF;
	v1 =	vbroadcast v1, $0xF  }
0x1f8: {  	v2 =	vbroadcast v2, $0xF;
	v49 =	vmul.f32 v47, v46;
	v8 =	vadd.f32 v8, v10  }
0x1f9: {  	v0 =	vsel vm0, v0, v1;
	v50 =	vbroadcast v3, $0xF  }
0x1fa: {  	v0 =	vsel vm1, v0, v2;
	v52 =	vbroadcast v4, $0xF;
	v51 =	vadd.f32 v49, v8  }
0x1fb: {  	v53 =	vbroadcast v5, $0xF;
	v0 =	vsel vm2, v0, v50  }
0x1fc: {  	v54 =	vbroadcast v6, $0xF;
	v0 =	vsel vm3, v0, v52;
	(xrf2) =	vadd.scan.msk.f32 $0xffff, v51  }
0x1fd: {  	v55 =	vbroadcast v9, $0xF;
	v0 =	vsel vm4, v0, v53  }
0x1fe: {  	p0 =	sne.s32 s15, $0x780;
	s15 =	sadd.s32 $0x40, s15;
	s18 =	simm.s32 $0x800;
	v0 =	vsel vm5, v0, v54;
	v56 =	vbroadcast v7, $0xF  }
0x1ff: {  	s19 =	simm.s32 $0x480;
	s16 =	simm.s32 $0xB80;
	s20 =	simm.s32 $0x880;
	v0 =	vsel vm6, v0, v55;
	v57 =	vbroadcast v11, $0xF  }
0x200: {  	s22 =	simm.s32 $0x500;
	s23 =	simm.s32 $0x900;
	v0 =	vsel vm7, v0, v56;
	v58 =	vbroadcast v12, $0xF;
	s12 =	spop (v2sf)  }
0x201: {  	s24 =	simm.s32 $0x580;
	s25 =	simm.s32 $0x980;
	v59 =	vbroadcast v13, $0xF;
	v0 =	vsel vm8, v0, v57;
	s17 =	sand.u32 $0x1FFFFFF0, s12  }
0x202: {  	s0 =	simm.s32 $0xB00;
	v0 =	vsel vm9, v0, v58;
	v60 =	vbroadcast v14, $0xF;
	s13 =	simm.s32 $0x780;
	s17 =	sadd.s32 s3, s17  }
0x203: {  	v0 =	vsel vm10, v0, v59;
	v61 =	vbroadcast v15, $0xF;
	[tilespmem:s13], [sflag:$0x8] =	stream.linear.gather [hbm4b:s17+s2], $0x80, $0x38;
	[tilespmem:$0xE00] =	vst v63  }
.Ltmp0:
0x204: {  	s26 =	simm.s32 $0x600;
	v0 =	vsel vm11, v0, v60;
	v62 =	vbroadcast v16, $0xF;
	s14 =	spop (v2sf);
	(pc) =	sbr.rel @p0 .LBB2_2-.Ltmp0, $4  }
0x205: {  	s1 =	simm.s32 $0x780;
	s28 =	simm.s32 $0xA00;
	v0 =	vsel vm12, v0, v61;
	s17 =	sand.u32 $0x1FFFFFF0, s14  }
0x206: {  	s5 =	simm.s32 $0x1;
	s29 =	simm.s32 $0x680;
	v0 =	vsel vm13, v0, v62;
	s17 =	sadd.s32 s4, s17;
	v63, _, _ =	vpop (xrf2)  }
0x207: {  	[tilespmem:s16], [sflag:$0x10] =	stream.linear.gather [hbm4b:s17+s2], $0x80, $0x38;
	v0 =	vsel vm14, v0, v63;
	[tilespmem:$0xE00] =	vst v63  }
0x208: {  	s30 =	simm.s32 $0xA80;
	s31 =	simm.s32 $0x700;
	s10 =	simm.s32 $0xB80;
	[tilespmem:s21+$0xC00] =	vst v0  }
0x209: {  	v0 =	vld [tilespmem:$0x1F0]  }
0x20a: {  	v1 =	vld [tilespmem:$0x3F0];
	_ =	swait.ge [sflag:s5], $0x80  }
0x20b: {  	[sflag:s5] =	ssyncset.done $0x0  }
0x20c: {  	s6 =	simm.s32 $0x9;
	[sflag:s5] =	ssyncadd.s32 $0xFFFFFF80  }
0x20d: {  	_ =	swait.ge [sflag:s6], $0x80  }
0x20e: {  	[sflag:s6] =	ssyncset.done $0x0  }
0x20f: {  	[sflag:s6] =	ssyncadd.s32 $0xFFFFFF80  }
0x210: {  	v2 =	vld [tilespmem:$0x400]  }
0x211: {  	v3 =	vld [tilespmem:$0x800]  }
0x212: {  	v4 =	vld [tilespmem:$0x410]  }
0x213: {  	v5 =	vld [tilespmem:$0x810]  }
0x214: {  	v6 =	vshll.u32 v0, $0x4;
	v12 =	vld [tilespmem:$0x420]  }
0x215: {  	(v2sf) =	vpush v6, $0x8;
	v8 =	vld [tilespmem:$0x820]  }
0x216: {  	v7 =	vshll.u32 v1, $0x4;
	v13 =	vld [tilespmem:$0x430];
	v2 =	vmul.f32 v3, v2  }
0x217: {  	v9 =	vld [tilespmem:$0x830];
	(v2sf) =	vpush v7, $0x8  }
0x218: {  	v15 =	vmul.f32 v5, v4;
	v14 =	vadd.f32 $0.0e+00, v2;
	_ =	sdelay $0x1  }
0x219: {  	v0 =	vmul.f32 v8, v12;
	v1 =	vadd.f32 v15, v14;
	_ =	sdelay $0x1  }
0x21a: {  	v16 =	vmul.f32 v9, v13;
	v0 =	vadd.f32 v0, v1;
	_ =	sdelay $0x1  }
0x21b: {  	v0 =	vadd.f32 v16, v0;
	_ =	sdelay $0x1  }
0x21c: {  	(xrf2) =	vadd.scan.msk.f32 $0xffff, v0;
	_ =	sdelay $0x3  }
0x21d: {  	s15 =	spop (v2sf)  }
0x21e: {  	s15 =	sand.u32 $0x1FFFFFF0, s15  }
0x21f: {  	s8 =	simm.s32 $0x400;
	s9 =	spop (v2sf);
	s15 =	sadd.s32 s3, s15  }
0x220: {  	[tilespmem:s8], [sflag:$0x1] =	stream.linear.gather [hbm4b:s15+s2], $0x80, $0x38;
	[tilespmem:$0xE00] =	vst v63  }
0x221: {  	s15 =	sand.u32 $0x1FFFFFF0, s9  }
0x222: {  	s11 =	simm.s32 $0x2;
	s15 =	sadd.s32 s4, s15  }
0x223: {  	[tilespmem:s18], [sflag:$0x9] =	stream.linear.gather [hbm4b:s15+s2], $0x80, $0x38;
	v0, _, _ =	vpop (xrf2);
	[tilespmem:$0xE00] =	vst v63  }
0x224: {  	_ =	swait.ge [sflag:s11], $0x80  }
0x225: {  	[sflag:s11] =	ssyncset.done $0x0  }
0x226: {  	s21 =	simm.s32 $0xA;
	[sflag:s11] =	ssyncadd.s32 $0xFFFFFF80  }
0x227: {  	_ =	swait.ge [sflag:s21], $0x80  }
0x228: {  	[sflag:s21] =	ssyncset.done $0x0  }
0x229: {  	[sflag:s21] =	ssyncadd.s32 $0xFFFFFF80  }
0x22a: {  	v17 =	vld [tilespmem:$0x480]  }
0x22b: {  	v18 =	vld [tilespmem:$0x880]  }
0x22c: {  	v19 =	vld [tilespmem:$0x490]  }
0x22d: {  	v20 =	vld [tilespmem:$0x890]  }
0x22e: {  	v21 =	vld [tilespmem:$0x4A0]  }
0x22f: {  	(v2sf) =	vpush v6, $0x9;
	v22 =	vld [tilespmem:$0x8A0]  }
0x230: {  	v23 =	vld [tilespmem:$0x4B0];
	v1 =	vmul.f32 v18, v17  }
0x231: {  	(v2sf) =	vpush v7, $0x9;
	v24 =	vld [tilespmem:$0x8B0]  }
0x232: {  	v3 =	vmul.f32 v20, v19;
	v1 =	vadd.f32 $0.0e+00, v1;
	_ =	sdelay $0x1  }
0x233: {  	v25 =	vmul.f32 v22, v21;
	v1 =	vadd.f32 v3, v1;
	_ =	sdelay $0x1  }
0x234: {  	v2 =	vmul.f32 v24, v23;
	v1 =	vadd.f32 v25, v1;
	_ =	sdelay $0x1  }
0x235: {  	v1 =	vadd.f32 v2, v1;
	_ =	sdelay $0x1  }
0x236: {  	(xrf2) =	vadd.scan.msk.f32 $0xffff, v1;
	_ =	sdelay $0x3  }
0x237: {  	s12 =	spop (v2sf)  }
0x238: {  	s15 =	sand.u32 $0x1FFFFFF0, s12  }
0x239: {  	s13 =	spop (v2sf);
	s15 =	sadd.s32 s3, s15  }
0x23a: {  	[tilespmem:s19], [sflag:$0x2] =	stream.linear.gather [hbm4b:s15+s2], $0x80, $0x38;
	[tilespmem:$0xE00] =	vst v63  }
0x23b: {  	s15 =	sand.u32 $0x1FFFFFF0, s13  }
0x23c: {  	s14 =	simm.s32 $0x3;
	s15 =	sadd.s32 s4, s15  }
0x23d: {  	[tilespmem:s20], [sflag:$0xA] =	stream.linear.gather [hbm4b:s15+s2], $0x80, $0x38;
	v1, _, _ =	vpop (xrf2);
	[tilespmem:$0xE00] =	vst v63  }
0x23e: {  	_ =	swait.ge [sflag:s14], $0x80  }
0x23f: {  	[sflag:s14] =	ssyncset.done $0x0  }
0x240: {  	s15 =	simm.s32 $0xB;
	[sflag:s14] =	ssyncadd.s32 $0xFFFFFF80  }
0x241: {  	_ =	swait.ge [sflag:s15], $0x80  }
0x242: {  	[sflag:s15] =	ssyncset.done $0x0  }
0x243: {  	[sflag:s15] =	ssyncadd.s32 $0xFFFFFF80  }
0x244: {  	v26 =	vld [tilespmem:$0x500]  }
0x245: {  	v27 =	vld [tilespmem:$0x900]  }
0x246: {  	v28 =	vld [tilespmem:$0x510]  }
0x247: {  	v29 =	vld [tilespmem:$0x910]  }
0x248: {  	v30 =	vld [tilespmem:$0x520]  }
0x249: {  	(v2sf) =	vpush v6, $0xA;
	v31 =	vld [tilespmem:$0x920]  }
0x24a: {  	v32 =	vld [tilespmem:$0x530];
	v2 =	vmul.f32 v27, v26  }
0x24b: {  	(v2sf) =	vpush v7, $0xA;
	v10 =	vld [tilespmem:$0x930]  }
0x24c: {  	v4 =	vmul.f32 v29, v28;
	v2 =	vadd.f32 $0.0e+00, v2;
	_ =	sdelay $0x1  }
0x24d: {  	v33 =	vmul.f32 v31, v30;
	v2 =	vadd.f32 v4, v2;
	_ =	sdelay $0x1  }
0x24e: {  	v3 =	vmul.f32 v10, v32;
	v2 =	vadd.f32 v33, v2;
	_ =	sdelay $0x1  }
0x24f: {  	v2 =	vadd.f32 v3, v2;
	_ =	sdelay $0x1  }
0x250: {  	(xrf2) =	vadd.scan.msk.f32 $0xffff, v2;
	_ =	sdelay $0x3  }
0x251: {  	s16 =	spop (v2sf)  }
0x252: {  	s15 =	sand.u32 $0x1FFFFFF0, s16  }
0x253: {  	s17 =	spop (v2sf);
	s15 =	sadd.s32 s3, s15  }
0x254: {  	[tilespmem:s22], [sflag:$0x3] =	stream.linear.gather [hbm4b:s15+s2], $0x80, $0x38;
	[tilespmem:$0xE00] =	vst v63  }
0x255: {  	s15 =	sand.u32 $0x1FFFFFF0, s17  }
0x256: {  	s17 =	simm.s32 $0x4;
	s15 =	sadd.s32 s4, s15  }
0x257: {  	[tilespmem:s23], [sflag:$0xB] =	stream.linear.gather [hbm4b:s15+s2], $0x80, $0x38;
	v2, _, _ =	vpop (xrf2);
	[tilespmem:$0xE00] =	vst v63  }
0x258: {  	_ =	swait.ge [sflag:s17], $0x80  }
0x259: {  	[sflag:s17] =	ssyncset.done $0x0  }
0x25a: {  	s16 =	simm.s32 $0xC;
	[sflag:s17] =	ssyncadd.s32 $0xFFFFFF80  }
0x25b: {  	_ =	swait.ge [sflag:s16], $0x80  }
0x25c: {  	[sflag:s16] =	ssyncset.done $0x0  }
0x25d: {  	[sflag:s16] =	ssyncadd.s32 $0xFFFFFF80  }
0x25e: {  	v34 =	vld [tilespmem:$0x580]  }
0x25f: {  	v35 =	vld [tilespmem:$0x980]  }
0x260: {  	v36 =	vld [tilespmem:$0x590]  }
0x261: {  	v37 =	vld [tilespmem:$0x990]  }
0x262: {  	v38 =	vld [tilespmem:$0x5A0]  }
0x263: {  	(v2sf) =	vpush v6, $0xB;
	v39 =	vld [tilespmem:$0x9A0]  }
0x264: {  	v40 =	vld [tilespmem:$0x5B0];
	v3 =	vmul.f32 v35, v34  }
0x265: {  	(v2sf) =	vpush v7, $0xB;
	v11 =	vld [tilespmem:$0x9B0]  }
0x266: {  	v5 =	vmul.f32 v37, v36;
	v3 =	vadd.f32 $0.0e+00, v3;
	_ =	sdelay $0x1  }
0x267: {  	v41 =	vmul.f32 v39, v38;
	v3 =	vadd.f32 v5, v3;
	_ =	sdelay $0x1  }
0x268: {  	v4 =	vmul.f32 v11, v40;
	v3 =	vadd.f32 v41, v3;
	_ =	sdelay $0x1  }
0x269: {  	v3 =	vadd.f32 v4, v3;
	_ =	sdelay $0x1  }
0x26a: {  	(xrf2) =	vadd.scan.msk.f32 $0xffff, v3;
	_ =	sdelay $0x3  }
0x26b: {  	s6 =	spop (v2sf)  }
0x26c: {  	s15 =	sand.u32 $0x1FFFFFF0, s6  }
0x26d: {  	s7 =	spop (v2sf);
	s15 =	sadd.s32 s3, s15  }
0x26e: {  	[tilespmem:s24], [sflag:$0x4] =	stream.linear.gather [hbm4b:s15+s2], $0x80, $0x38;
	[tilespmem:$0xE00] =	vst v63  }
0x26f: {  	s15 =	sand.u32 $0x1FFFFFF0, s7  }
0x270: {  	s6 =	simm.s32 $0x5;
	s15 =	sadd.s32 s4, s15  }
0x271: {  	[tilespmem:s25], [sflag:$0xC] =	stream.linear.gather [hbm4b:s15+s2], $0x80, $0x38;
	v3, _, _ =	vpop (xrf2);
	[tilespmem:$0xE00] =	vst v63  }
0x272: {  	_ =	swait.ge [sflag:s6], $0x80  }
0x273: {  	[sflag:s6] =	ssyncset.done $0x0  }
0x274: {  	s7 =	simm.s32 $0xD;
	[sflag:s6] =	ssyncadd.s32 $0xFFFFFF80  }
0x275: {  	_ =	swait.ge [sflag:s7], $0x80  }
0x276: {  	[sflag:s7] =	ssyncset.done $0x0  }
0x277: {  	[sflag:s7] =	ssyncadd.s32 $0xFFFFFF80  }
0x278: {  	v42 =	vld [tilespmem:$0x600]  }
0x279: {  	v43 =	vld [tilespmem:$0xA00]  }
0x27a: {  	v44 =	vld [tilespmem:$0x610]  }
0x27b: {  	v45 =	vld [tilespmem:$0xA10]  }
0x27c: {  	v46 =	vld [tilespmem:$0x620]  }
0x27d: {  	(v2sf) =	vpush v6, $0xC;
	v47 =	vld [tilespmem:$0xA20]  }
0x27e: {  	v48 =	vld [tilespmem:$0x630];
	v4 =	vmul.f32 v43, v42  }
0x27f: {  	(v2sf) =	vpush v7, $0xC;
	v12 =	vld [tilespmem:$0xA30]  }
0x280: {  	v8 =	vmul.f32 v45, v44;
	v4 =	vadd.f32 $0.0e+00, v4;
	_ =	sdelay $0x1  }
0x281: {  	v49 =	vmul.f32 v47, v46;
	v4 =	vadd.f32 v8, v4;
	_ =	sdelay $0x1  }
0x282: {  	v5 =	vmul.f32 v12, v48;
	v4 =	vadd.f32 v49, v4;
	_ =	sdelay $0x1  }
0x283: {  	v4 =	vadd.f32 v5, v4;
	_ =	sdelay $0x1  }
0x284: {  	(xrf2) =	vadd.scan.msk.f32 $0xffff, v4;
	_ =	sdelay $0x3  }
0x285: {  	s8 =	spop (v2sf)  }
0x286: {  	s15 =	sand.u32 $0x1FFFFFF0, s8  }
0x287: {  	s9 =	spop (v2sf);
	s15 =	sadd.s32 s3, s15  }
0x288: {  	[tilespmem:s26], [sflag:$0x5] =	stream.linear.gather [hbm4b:s15+s2], $0x80, $0x38;
	[tilespmem:$0xE00] =	vst v63  }
0x289: {  	s15 =	sand.u32 $0x1FFFFFF0, s9  }
0x28a: {  	s8 =	simm.s32 $0x6;
	s15 =	sadd.s32 s4, s15  }
0x28b: {  	[tilespmem:s28], [sflag:$0xD] =	stream.linear.gather [hbm4b:s15+s2], $0x80, $0x38;
	v4, _, _ =	vpop (xrf2);
	[tilespmem:$0xE00] =	vst v63  }
0x28c: {  	_ =	swait.ge [sflag:s8], $0x80  }
0x28d: {  	[sflag:s8] =	ssyncset.done $0x0  }
0x28e: {  	s9 =	simm.s32 $0xE;
	[sflag:s8] =	ssyncadd.s32 $0xFFFFFF80  }
0x28f: {  	_ =	swait.ge [sflag:s9], $0x80  }
0x290: {  	[sflag:s9] =	ssyncset.done $0x0  }
0x291: {  	[sflag:s9] =	ssyncadd.s32 $0xFFFFFF80  }
0x292: {  	v50 =	vld [tilespmem:$0x680]  }
0x293: {  	v51 =	vld [tilespmem:$0xA80]  }
0x294: {  	v52 =	vld [tilespmem:$0x690]  }
0x295: {  	v53 =	vld [tilespmem:$0xA90]  }
0x296: {  	v54 =	vld [tilespmem:$0x6A0]  }
0x297: {  	(v2sf) =	vpush v6, $0xD;
	v55 =	vld [tilespmem:$0xAA0]  }
0x298: {  	v56 =	vld [tilespmem:$0x6B0];
	v5 =	vmul.f32 v51, v50  }
0x299: {  	(v2sf) =	vpush v7, $0xD;
	v13 =	vld [tilespmem:$0xAB0]  }
0x29a: {  	v9 =	vmul.f32 v53, v52;
	v5 =	vadd.f32 $0.0e+00, v5;
	_ =	sdelay $0x1  }
0x29b: {  	v57 =	vmul.f32 v55, v54;
	v5 =	vadd.f32 v9, v5;
	_ =	sdelay $0x1  }
0x29c: {  	v8 =	vmul.f32 v13, v56;
	v5 =	vadd.f32 v57, v5;
	_ =	sdelay $0x1  }
0x29d: {  	v5 =	vadd.f32 v8, v5;
	_ =	sdelay $0x1  }
0x29e: {  	(xrf2) =	vadd.scan.msk.f32 $0xffff, v5;
	_ =	sdelay $0x3  }
0x29f: {  	s11 =	spop (v2sf)  }
0x2a0: {  	s15 =	sand.u32 $0x1FFFFFF0, s11  }
0x2a1: {  	s12 =	spop (v2sf);
	s15 =	sadd.s32 s3, s15  }
0x2a2: {  	[tilespmem:s29], [sflag:$0x6] =	stream.linear.gather [hbm4b:s15+s2], $0x80, $0x38;
	[tilespmem:$0xE00] =	vst v63  }
0x2a3: {  	s15 =	sand.u32 $0x1FFFFFF0, s12  }
0x2a4: {  	s11 =	simm.s32 $0x7;
	s15 =	sadd.s32 s4, s15  }
0x2a5: {  	[tilespmem:s30], [sflag:$0xE] =	stream.linear.gather [hbm4b:s15+s2], $0x80, $0x38;
	v5, _, _ =	vpop (xrf2);
	[tilespmem:$0xE00] =	vst v63  }
0x2a6: {  	_ =	swait.ge [sflag:s11], $0x80  }
0x2a7: {  	[sflag:s11] =	ssyncset.done $0x0  }
0x2a8: {  	s12 =	simm.s32 $0xF;
	[sflag:s11] =	ssyncadd.s32 $0xFFFFFF80  }
0x2a9: {  	_ =	swait.ge [sflag:s12], $0x80  }
0x2aa: {  	[sflag:s12] =	ssyncset.done $0x0  }
0x2ab: {  	[sflag:s12] =	ssyncadd.s32 $0xFFFFFF80  }
0x2ac: {  	v58 =	vld [tilespmem:$0x700]  }
0x2ad: {  	v59 =	vld [tilespmem:$0xB00]  }
0x2ae: {  	v60 =	vld [tilespmem:$0x710]  }
0x2af: {  	v61 =	vld [tilespmem:$0xB10]  }
0x2b0: {  	v62 =	vld [tilespmem:$0x720]  }
0x2b1: {  	(v2sf) =	vpush v6, $0xE;
	v63 =	vld [tilespmem:$0xB20]  }
0x2b2: {  	v16 =	vld [tilespmem:$0x730];
	v8 =	vmul.f32 v59, v58  }
0x2b3: {  	(v2sf) =	vpush v7, $0xE;
	v14 =	vld [tilespmem:$0xB30]  }
0x2b4: {  	v10 =	vmul.f32 v61, v60;
	v8 =	vadd.f32 $0.0e+00, v8;
	_ =	sdelay $0x1  }
0x2b5: {  	v17 =	vmul.f32 v63, v62;
	v8 =	vadd.f32 v10, v8;
	_ =	sdelay $0x1  }
0x2b6: {  	v9 =	vmul.f32 v14, v16;
	v8 =	vadd.f32 v17, v8;
	_ =	sdelay $0x1  }
0x2b7: {  	v8 =	vadd.f32 v9, v8;
	_ =	sdelay $0x1  }
0x2b8: {  	(xrf2) =	vadd.scan.msk.f32 $0xffff, v8;
	_ =	sdelay $0x3  }
0x2b9: {  	s13 =	spop (v2sf)  }
0x2ba: {  	s15 =	sand.u32 $0x1FFFFFF0, s13  }
0x2bb: {  	s14 =	spop (v2sf);
	s15 =	sadd.s32 s3, s15  }
0x2bc: {  	[tilespmem:s31], [sflag:$0x7] =	stream.linear.gather [hbm4b:s15+s2], $0x80, $0x38;
	[tilespmem:$0xE00] =	vst v63  }
0x2bd: {  	s15 =	sand.u32 $0x1FFFFFF0, s14  }
0x2be: {  	s13 =	simm.s32 $0x8;
	s15 =	sadd.s32 s4, s15  }
0x2bf: {  	[tilespmem:s0], [sflag:$0xF] =	stream.linear.gather [hbm4b:s15+s2], $0x80, $0x38;
	v8, _, _ =	vpop (xrf2);
	[tilespmem:$0xE00] =	vst v63  }
0x2c0: {  	_ =	swait.ge [sflag:s13], $0x80  }
0x2c1: {  	[sflag:s13] =	ssyncset.done $0x0  }
0x2c2: {  	s14 =	simm.s32 $0x10;
	[sflag:s13] =	ssyncadd.s32 $0xFFFFFF80  }
0x2c3: {  	_ =	swait.ge [sflag:s14], $0x80  }
0x2c4: {  	[sflag:s14] =	ssyncset.done $0x0  }
0x2c5: {  	[sflag:s14] =	ssyncadd.s32 $0xFFFFFF80  }
0x2c6: {  	v18 =	vld [tilespmem:$0x780]  }
0x2c7: {  	v19 =	vld [tilespmem:$0xB80]  }
0x2c8: {  	v20 =	vld [tilespmem:$0x790]  }
0x2c9: {  	v21 =	vld [tilespmem:$0xB90]  }
0x2ca: {  	(v2sf) =	vpush v6, $0xF;
	v22 =	vld [tilespmem:$0x7A0]  }
0x2cb: {  	v23 =	vld [tilespmem:$0xBA0]  }
0x2cc: {  	v24 =	vld [tilespmem:$0x7B0];
	v9 =	vmul.f32 v19, v18  }
0x2cd: {  	v25 =	vld [tilespmem:$0xBB0]  }
0x2ce: {  	(v2sf) =	vpush v7, $0xF;
	v11 =	vmul.f32 v21, v20;
	v9 =	vadd.f32 $0.0e+00, v9;
	_ =	sdelay $0x1  }
0x2cf: {  	v6 =	vmul.f32 v23, v22;
	v26 =	vadd.f32 v11, v9;
	_ =	sdelay $0x1  }
0x2d0: {  	v27 =	vmul.f32 v25, v24;
	v6 =	vadd.f32 v6, v26;
	_ =	sdelay $0x1  }
0x2d1: {  	v6 =	vadd.f32 v27, v6;
	_ =	sdelay $0x1  }
0x2d2: {  	(xrf2) =	vadd.scan.msk.f32 $0xffff, v6;
	_ =	sdelay $0x2  }
0x2d3: {  	s15 =	spop (v2sf)  }
0x2d4: {  	s15 =	sand.u32 $0x1FFFFFF0, s15  }
0x2d5: {  	s15 =	sadd.s32 s3, s15  }
0x2d6: {  	[tilespmem:s1], [sflag:$0x8] =	stream.linear.gather [hbm4b:s15+s2], $0x80, $0x38;
	[tilespmem:$0xE00] =	vst v63  }
0x2d7: {  	s15 =	spop (v2sf)  }
0x2d8: {  	s15 =	sand.u32 $0x1FFFFFF0, s15  }
0x2d9: {  	s15 =	sadd.s32 s4, s15  }
0x2da: {  	[tilespmem:s10], [sflag:$0x10] =	stream.linear.gather [hbm4b:s15+s2], $0x80, $0x38;
	v6, _, _ =	vpop (xrf2);
	[tilespmem:$0xE00] =	vst v63  }
0x2db: {  	_ =	swait.ge [sflag:s5], $0x80  }
0x2dc: {  	[sflag:s5] =	ssyncset.done $0x0  }
0x2dd: {  	s15 =	simm.s32 $0x9;
	[sflag:s5] =	ssyncadd.s32 $0xFFFFFF80  }
0x2de: {  	_ =	swait.ge [sflag:s15], $0x80  }
0x2df: {  	[sflag:s15] =	ssyncset.done $0x0  }
0x2e0: {  	[sflag:s15] =	ssyncadd.s32 $0xFFFFFF80  }
0x2e1: {  	v28 =	vld [tilespmem:$0x400]  }
0x2e2: {  	v29 =	vld [tilespmem:$0x800]  }
0x2e3: {  	v30 =	vld [tilespmem:$0x410]  }
0x2e4: {  	v31 =	vld [tilespmem:$0x810]  }
0x2e5: {  	v32 =	vld [tilespmem:$0x420]  }
0x2e6: {  	v33 =	vld [tilespmem:$0x820]  }
0x2e7: {  	v34 =	vld [tilespmem:$0x430];
	v7 =	vmul.f32 v29, v28  }
0x2e8: {  	v35 =	vld [tilespmem:$0x830]  }
0x2e9: {  	v10 =	vmul.f32 v31, v30;
	v7 =	vadd.f32 $0.0e+00, v7;
	_ =	sdelay $0x1  }
0x2ea: {  	v36 =	vmul.f32 v33, v32;
	v7 =	vadd.f32 v10, v7;
	_ =	sdelay $0x1  }
0x2eb: {  	v9 =	vmul.f32 v35, v34;
	v7 =	vadd.f32 v36, v7;
	_ =	sdelay $0x1  }
0x2ec: {  	v7 =	vadd.f32 v9, v7;
	_ =	sdelay $0x1  }
0x2ed: {  	(xrf2) =	vadd.scan.msk.f32 $0xffff, v7;
	_ =	sdelay $0x9  }
0x2ee: {  	s15 =	simm.s32 $0x2;
	v7, _, _ =	vpop (xrf2)  }
0x2ef: {  	_ =	swait.ge [sflag:s15], $0x80  }
0x2f0: {  	[sflag:s15] =	ssyncset.done $0x0  }
0x2f1: {  	[sflag:s15] =	ssyncadd.s32 $0xFFFFFF80  }
0x2f2: {  	_ =	swait.ge [sflag:s21], $0x80  }
0x2f3: {  	[sflag:s21] =	ssyncset.done $0x0  }
0x2f4: {  	[sflag:s21] =	ssyncadd.s32 $0xFFFFFF80  }
0x2f5: {  	v37 =	vld [tilespmem:$0x480]  }
0x2f6: {  	v38 =	vld [tilespmem:$0x880]  }
0x2f7: {  	v39 =	vld [tilespmem:$0x490]  }
0x2f8: {  	v40 =	vld [tilespmem:$0x890]  }
0x2f9: {  	v41 =	vld [tilespmem:$0x4A0]  }
0x2fa: {  	v42 =	vld [tilespmem:$0x8A0]  }
0x2fb: {  	v43 =	vld [tilespmem:$0x4B0];
	v9 =	vmul.f32 v38, v37  }
0x2fc: {  	v15 =	vld [tilespmem:$0x8B0]  }
0x2fd: {  	v11 =	vmul.f32 v40, v39;
	v9 =	vadd.f32 $0.0e+00, v9;
	_ =	sdelay $0x1  }
0x2fe: {  	v44 =	vmul.f32 v42, v41;
	v9 =	vadd.f32 v11, v9;
	_ =	sdelay $0x1  }
0x2ff: {  	v10 =	vmul.f32 v15, v43;
	v9 =	vadd.f32 v44, v9;
	_ =	sdelay $0x1  }
0x300: {  	v9 =	vadd.f32 v10, v9;
	_ =	sdelay $0x1  }
0x301: {  	(xrf2) =	vadd.scan.msk.f32 $0xffff, v9;
	_ =	sdelay $0x9  }
0x302: {  	s21 =	simm.s32 $0x3;
	v9, _, _ =	vpop (xrf2)  }
0x303: {  	_ =	swait.ge [sflag:s21], $0x80  }
0x304: {  	[sflag:s21] =	ssyncset.done $0x0  }
0x305: {  	[sflag:s21] =	ssyncadd.s32 $0xFFFFFF80;
	s21 =	simm.s32 $0xB  }
0x306: {  	_ =	swait.ge [sflag:s21], $0x80  }
0x307: {  	[sflag:s21] =	ssyncset.done $0x0  }
0x308: {  	[sflag:s21] =	ssyncadd.s32 $0xFFFFFF80  }
0x309: {  	v45 =	vld [tilespmem:$0x500]  }
0x30a: {  	v46 =	vld [tilespmem:$0x900]  }
0x30b: {  	v47 =	vld [tilespmem:$0x510]  }
0x30c: {  	v48 =	vld [tilespmem:$0x910]  }
0x30d: {  	v49 =	vld [tilespmem:$0x520]  }
0x30e: {  	v50 =	vld [tilespmem:$0x920]  }
0x30f: {  	v51 =	vld [tilespmem:$0x530];
	v10 =	vmul.f32 v46, v45  }
0x310: {  	v16 =	vld [tilespmem:$0x930]  }
0x311: {  	v12 =	vmul.f32 v48, v47;
	v10 =	vadd.f32 $0.0e+00, v10;
	_ =	sdelay $0x1  }
0x312: {  	v52 =	vmul.f32 v50, v49;
	v10 =	vadd.f32 v12, v10;
	_ =	sdelay $0x1  }
0x313: {  	v11 =	vmul.f32 v16, v51;
	v10 =	vadd.f32 v52, v10;
	_ =	sdelay $0x1  }
0x314: {  	v10 =	vadd.f32 v11, v10;
	_ =	sdelay $0x1  }
0x315: {  	(xrf2) =	vadd.scan.msk.f32 $0xffff, v10;
	_ =	sdelay $0x9  }
0x316: {  	v10, _, _ =	vpop (xrf2)  }
0x317: {  	_ =	swait.ge [sflag:s17], $0x80  }
0x318: {  	[sflag:s17] =	ssyncset.done $0x0  }
0x319: {  	[sflag:s17] =	ssyncadd.s32 $0xFFFFFF80  }
0x31a: {  	_ =	swait.ge [sflag:s16], $0x80  }
0x31b: {  	[sflag:s16] =	ssyncset.done $0x0  }
0x31c: {  	[sflag:s16] =	ssyncadd.s32 $0xFFFFFF80  }
0x31d: {  	v53 =	vld [tilespmem:$0x580]  }
0x31e: {  	v54 =	vld [tilespmem:$0x980]  }
0x31f: {  	v55 =	vld [tilespmem:$0x590]  }
0x320: {  	v56 =	vld [tilespmem:$0x990]  }
0x321: {  	v57 =	vld [tilespmem:$0x5A0]  }
0x322: {  	v58 =	vld [tilespmem:$0x9A0]  }
0x323: {  	v59 =	vld [tilespmem:$0x5B0];
	v11 =	vmul.f32 v54, v53  }
0x324: {  	v17 =	vld [tilespmem:$0x9B0]  }
0x325: {  	v13 =	vmul.f32 v56, v55;
	v11 =	vadd.f32 $0.0e+00, v11;
	_ =	sdelay $0x1  }
0x326: {  	v60 =	vmul.f32 v58, v57;
	v11 =	vadd.f32 v13, v11;
	_ =	sdelay $0x1  }
0x327: {  	v12 =	vmul.f32 v17, v59;
	v11 =	vadd.f32 v60, v11;
	_ =	sdelay $0x1  }
0x328: {  	v11 =	vadd.f32 v12, v11;
	_ =	sdelay $0x1  }
0x329: {  	(xrf2) =	vadd.scan.msk.f32 $0xffff, v11;
	_ =	sdelay $0x9  }
0x32a: {  	v11, _, _ =	vpop (xrf2)  }
0x32b: {  	_ =	swait.ge [sflag:s6], $0x80  }
0x32c: {  	[sflag:s6] =	ssyncset.done $0x0  }
0x32d: {  	[sflag:s6] =	ssyncadd.s32 $0xFFFFFF80  }
0x32e: {  	_ =	swait.ge [sflag:s7], $0x80  }
0x32f: {  	[sflag:s7] =	ssyncset.done $0x0  }
0x330: {  	[sflag:s7] =	ssyncadd.s32 $0xFFFFFF80  }
0x331: {  	v61 =	vld [tilespmem:$0x600]  }
0x332: {  	v62 =	vld [tilespmem:$0xA00]  }
0x333: {  	v63 =	vld [tilespmem:$0x610]  }
0x334: {  	v21 =	vld [tilespmem:$0xA10]  }
0x335: {  	v22 =	vld [tilespmem:$0x620]  }
0x336: {  	v23 =	vld [tilespmem:$0xA20]  }
0x337: {  	v24 =	vld [tilespmem:$0x630];
	v12 =	vmul.f32 v62, v61  }
0x338: {  	v18 =	vld [tilespmem:$0xA30]  }
0x339: {  	v14 =	vmul.f32 v21, v63;
	v12 =	vadd.f32 $0.0e+00, v12;
	_ =	sdelay $0x1  }
0x33a: {  	v25 =	vmul.f32 v23, v22;
	v12 =	vadd.f32 v14, v12;
	_ =	sdelay $0x1  }
0x33b: {  	v13 =	vmul.f32 v18, v24;
	v12 =	vadd.f32 v25, v12;
	_ =	sdelay $0x1  }
0x33c: {  	v12 =	vadd.f32 v13, v12;
	_ =	sdelay $0x1  }
0x33d: {  	(xrf2) =	vadd.scan.msk.f32 $0xffff, v12;
	_ =	sdelay $0x9  }
0x33e: {  	v12, _, _ =	vpop (xrf2)  }
0x33f: {  	_ =	swait.ge [sflag:s8], $0x80  }
0x340: {  	[sflag:s8] =	ssyncset.done $0x0  }
0x341: {  	[sflag:s8] =	ssyncadd.s32 $0xFFFFFF80  }
0x342: {  	_ =	swait.ge [sflag:s9], $0x80  }
0x343: {  	[sflag:s9] =	ssyncset.done $0x0  }
0x344: {  	[sflag:s9] =	ssyncadd.s32 $0xFFFFFF80  }
0x345: {  	v26 =	vld [tilespmem:$0x680]  }
0x346: {  	v27 =	vld [tilespmem:$0xA80]  }
0x347: {  	v28 =	vld [tilespmem:$0x690]  }
0x348: {  	v29 =	vld [tilespmem:$0xA90]  }
0x349: {  	v30 =	vld [tilespmem:$0x6A0]  }
0x34a: {  	v31 =	vld [tilespmem:$0xAA0]  }
0x34b: {  	v32 =	vld [tilespmem:$0x6B0];
	v13 =	vmul.f32 v27, v26  }
0x34c: {  	v19 =	vld [tilespmem:$0xAB0]  }
0x34d: {  	v15 =	vmul.f32 v29, v28;
	v13 =	vadd.f32 $0.0e+00, v13;
	_ =	sdelay $0x1  }
0x34e: {  	v33 =	vmul.f32 v31, v30;
	v13 =	vadd.f32 v15, v13;
	_ =	sdelay $0x1  }
0x34f: {  	v14 =	vmul.f32 v19, v32;
	v13 =	vadd.f32 v33, v13;
	_ =	sdelay $0x1  }
0x350: {  	v13 =	vadd.f32 v14, v13;
	_ =	sdelay $0x1  }
0x351: {  	(xrf2) =	vadd.scan.msk.f32 $0xffff, v13;
	_ =	sdelay $0x9  }
0x352: {  	v13, _, _ =	vpop (xrf2)  }
0x353: {  	_ =	swait.ge [sflag:s11], $0x80  }
0x354: {  	[sflag:s11] =	ssyncset.done $0x0  }
0x355: {  	[sflag:s11] =	ssyncadd.s32 $0xFFFFFF80  }
0x356: {  	_ =	swait.ge [sflag:s12], $0x80  }
0x357: {  	[sflag:s12] =	ssyncset.done $0x0  }
0x358: {  	[sflag:s12] =	ssyncadd.s32 $0xFFFFFF80  }
0x359: {  	v34 =	vld [tilespmem:$0x700]  }
0x35a: {  	v35 =	vld [tilespmem:$0xB00]  }
0x35b: {  	v36 =	vld [tilespmem:$0x710]  }
0x35c: {  	v37 =	vld [tilespmem:$0xB10]  }
0x35d: {  	v38 =	vld [tilespmem:$0x720]  }
0x35e: {  	v39 =	vld [tilespmem:$0xB20]  }
0x35f: {  	v40 =	vld [tilespmem:$0x730];
	v14 =	vmul.f32 v35, v34  }
0x360: {  	v20 =	vld [tilespmem:$0xB30]  }
0x361: {  	v16 =	vmul.f32 v37, v36;
	v14 =	vadd.f32 $0.0e+00, v14;
	_ =	sdelay $0x1  }
0x362: {  	v41 =	vmul.f32 v39, v38;
	v14 =	vadd.f32 v16, v14;
	_ =	sdelay $0x1  }
0x363: {  	v15 =	vmul.f32 v20, v40;
	v14 =	vadd.f32 v41, v14;
	_ =	sdelay $0x1  }
0x364: {  	v14 =	vadd.f32 v15, v14;
	_ =	sdelay $0x1  }
0x365: {  	(xrf2) =	vadd.scan.msk.f32 $0xffff, v14;
	_ =	sdelay $0x9  }
0x366: {  	v14, _, _ =	vpop (xrf2)  }
0x367: {  	_ =	swait.ge [sflag:s13], $0x80  }
0x368: {  	[sflag:s13] =	ssyncset.done $0x0  }
0x369: {  	[sflag:s13] =	ssyncadd.s32 $0xFFFFFF80  }
0x36a: {  	_ =	swait.ge [sflag:s14], $0x80  }
0x36b: {  	[sflag:s14] =	ssyncset.done $0x0  }
0x36c: {  	[sflag:s14] =	ssyncadd.s32 $0xFFFFFF80  }
0x36d: {  	v42 =	vld [tilespmem:$0x780]  }
0x36e: {  	v43 =	vld [tilespmem:$0xB80]  }
0x36f: {  	v44 =	vld [tilespmem:$0x790]  }
0x370: {  	v45 =	vld [tilespmem:$0xB90]  }
0x371: {  	v46 =	vld [tilespmem:$0x7A0]  }
0x372: {  	v47 =	vld [tilespmem:$0xBA0]  }
0x373: {  	v48 =	vld [tilespmem:$0x7B0];
	v15 =	vmul.f32 v43, v42  }
0x374: {  	v21 =	vld [tilespmem:$0xBB0]  }
0x375: {  	v17 =	vmul.f32 v45, v44;
	v15 =	vadd.f32 $0.0e+00, v15;
	_ =	sdelay $0x1  }
0x376: {  	v49 =	vmul.f32 v47, v46;
	v15 =	vadd.f32 v17, v15  }
0x377: {  	v0 =	vbroadcast v0, $0xF;
	v1 =	vbroadcast v1, $0xF  }
0x378: {  	v2 =	vbroadcast v2, $0xF;
	v16 =	vmul.f32 v21, v48;
	v15 =	vadd.f32 v49, v15  }
0x379: {  	v0 =	vsel vm0, v0, v1;
	v50 =	vbroadcast v3, $0xF  }
0x37a: {  	v0 =	vsel vm1, v0, v2;
	v52 =	vbroadcast v4, $0xF;
	v51 =	vadd.f32 v16, v15  }
0x37b: {  	v0 =	vsel vm2, v0, v50;
	v53 =	vbroadcast v5, $0xF  }
0x37c: {  	v0 =	vsel vm3, v0, v52;
	v54 =	vbroadcast v8, $0xF;
	(xrf2) =	vadd.scan.msk.f32 $0xffff, v51  }
0x37d: {  	v55 =	vbroadcast v6, $0xF;
	v0 =	vsel vm4, v0, v53  }
0x37e: {  	v56 =	vbroadcast v7, $0xF;
	v0 =	vsel vm5, v0, v54  }
0x37f: {  	v57 =	vbroadcast v9, $0xF;
	v0 =	vsel vm6, v0, v55  }
0x380: {  	v58 =	vbroadcast v10, $0xF;
	v0 =	vsel vm7, v0, v56  }
0x381: {  	v0 =	vsel vm8, v0, v57;
	v59 =	vbroadcast v11, $0xF  }
0x382: {  	v0 =	vsel vm9, v0, v58;
	v60 =	vbroadcast v12, $0xF  }
0x383: {  	v0 =	vsel vm10, v0, v59;
	v61 =	vbroadcast v13, $0xF  }
0x384: {  	v0 =	vsel vm11, v0, v60;
	v62 =	vbroadcast v14, $0xF  }
0x385: {  	v0 =	vsel vm12, v0, v61  }
0x386: {  	v0 =	vsel vm13, v0, v62;
	v63, _, _ =	vpop (xrf2)  }
0x387: {  	v0 =	vsel vm14, v0, v63  }
0x388: {  	s16 =	simm.s32 $0xC00;
	s14 =	rddreg [dreg:$0x7];
	[tilespmem:$0xDF0] =	vst v0  }
0x389: {  	[hbm4b:s14+s2] =	stream.linear.scatter [tilespmem:s16], [sflag:$0x11], $0x200, $0x38;
	[tilespmem:$0xE00] =	vst v63  }
0x38a: {  	s16 =	simm.s32 $0x11  }
0x38b: {  	_ =	swait.ge [sflag:s16], $0x200  }
0x38c: {  	s17 =	rddreg [dreg:$0x9]  }
0x38d: {  	s21 =	rddreg [dreg:$0x8];
	s6 =	sadd.s32 $0x1, s17  }
0x38e: {  	p0 =	sne.s32 s6, s21  }
.Ltmp1:
0x38f: {  	_ = 	snop;
	(pc) =	sbr.rel @p0 .LBB2_1-.Ltmp1, $3  }
0x390: {  	_ =	sdelay $0x1  }
0x391: {  	[sflag:s16] =	ssyncset.done $0x0  }
0x392: {  	[sflag:s16] =	ssyncadd.s32 $0xFFFFFE00  }
0x393: {  	_ =	sfence.sel $0x180000  }
0x394: {  	[bflag:$0x0] =	sbarrier.arrive $0xFFFF  }
0x395: {  	_ =	strace $0x90000047  }
0x396: {  	s0 =	stileid.u32;
	[bflag:$0x2] =	sbarrier.arrive $0xFFFF  }
0x397: {  	p0 =	sne.s32 s0, $0x0;
	s0 =	rddreg [dreg:$0x4]  }
0x398: {  	s0 =	sadd.s32 @!p0 $0x100000, s0  }
0x399: {  	[sflag:s0] =	ssyncadd.tile.s32 @!p0 $0x1;
	_ =	shalt  }
.Lfunc_end2:
_tile_overlayer_lowered:
.L_overlay_start_2:
0x39a: {  	(tag) =	ssettag $0x2  }
0x39b: {  	s0 =	rddreg [dreg:$0x0];
	s2 =	stileid.u32  }
0x39c: {  	s1 =	rddreg [dreg:$0x1];
	p0 =	sne.s32 s2, $0x0  }
0x39d: {  	s3 =	rddreg [dreg:$0x2];
	[bflag:$0x3] =	sbarrier.arrive $0xFFFF;
	s2 =	simm.s32 @!p0 $0x1C11  }
0x39e: {  	[timem:s3], [sflag:s2] =	dma.local @!p0 [hbm:s0], s1  }
0x39f: {  	s0 =	simm.s32 @!p0 $0x11  }
0x3a0: {  	_ =	swait.ge @!p0 [sflag:s0], s1  }
0x3a1: {  	s1 =	ssub.s32 @!p0 $0x0, s1;
	[sflag:s0] =	ssyncset.done @!p0 $0x0  }
0x3a2: {  	[sflag:s0] =	ssyncadd.s32 @!p0 s1  }
0x3a3: {  	[bflag:$0x3] =	sbarrier.arrive $0xFFFF  }
0x3a4: {  	_ =	shalt  }

</sc_bundles>
